<compile_context>
chip_gen: v7x
topology: tpu7x:2x2x1
jax: 0.10.2.dev20260603
libtpu: 0.0.44.dev20260713+nightly
codegen_flags: <defaults>
</compile_context>

<pallas_src>
import functools

import jax
import jax.numpy as jnp
from jax import lax
from jax.experimental import pallas as pl
from jax.experimental.pallas import tpu as pltpu
from jax.experimental.pallas import tpu_sc as plsc

_D = 5
_HID = 64
_OUT = _D * (_D - 1) // 2

_B = 2560
_R = _B // 128



def _pool_body(x_ref, e_ref, xm_ref, em_ref):
    xv = x_ref[...]
    ev = e_ref[...]
    xs = xv[:, 0:_HID]
    es = ev[:, 0:_HID]
    for d in range(1, _D):
        xs = xs + xv[:, d * _HID:(d + 1) * _HID]
        es = es + ev[:, d * _HID:(d + 1) * _HID]
    xm_ref[...] = xs * (1.0 / _D)
    em_ref[...] = es * (1.0 / _D)


def _pool(x2, e2):
    n = x2.shape[0]
    blk = 2000
    return pl.pallas_call(
        _pool_body,
        grid=(n // blk,),
        in_specs=[
            pl.BlockSpec((blk, _D * _HID), lambda i: (i, jnp.int32(0))),
            pl.BlockSpec((blk, _D * _HID), lambda i: (i, jnp.int32(0))),
        ],
        out_specs=[
            pl.BlockSpec((blk, _HID), lambda i: (i, jnp.int32(0))),
            pl.BlockSpec((blk, _HID), lambda i: (i, jnp.int32(0))),
        ],
        out_shape=[
            jax.ShapeDtypeStruct((n, _HID), jnp.float32),
            jax.ShapeDtypeStruct((n, _HID), jnp.float32),
        ],
    )(x2, e2)



def _make_gather(nnz):
    info = plsc.get_sparse_core_info()
    nc, ns = info.num_cores, info.num_subcores
    nw = nc * ns
    b_per_w = nnz // nw
    chunk = 400
    nchunks = b_per_w // chunk
    mesh = plsc.VectorSubcoreMesh(core_axis_name="c", subcore_axis_name="s")

    @functools.partial(
        pl.kernel,
        out_type=[jax.ShapeDtypeStruct((nnz, 2 * _HID), jnp.float32)] * 2,
        mesh=mesh,
        scratch_types=[
            pltpu.VMEM((chunk + 16,), jnp.int32),
            pltpu.VMEM((chunk + 16,), jnp.int32),
            pltpu.VMEM((chunk, 2 * _HID), jnp.float32),
            pltpu.SemaphoreType.DMA,
        ],
        compiler_params=pltpu.CompilerParams(use_tc_tiling_on_sc=True, needs_layout_passes=False),
    )
    def gat(t_hbm, row_hbm, col_hbm, xr_hbm, ec_hbm,
            idxr_v, idxc_v, rows_v, sem):
        wid = lax.axis_index("s") * nc + lax.axis_index("c")
        base = wid * b_per_w

        for j in range(nchunks):
            off = base + j * chunk
            pltpu.sync_copy(row_hbm.at[pl.ds(off, chunk)],
                            idxr_v.at[pl.ds(0, chunk)])
            pltpu.sync_copy(col_hbm.at[pl.ds(off, chunk)],
                            idxc_v.at[pl.ds(0, chunk)])
            pltpu.async_copy(t_hbm.at[idxr_v.at[pl.ds(0, chunk)]],
                             rows_v, sem).wait()
            pltpu.sync_copy(rows_v, xr_hbm.at[pl.ds(off, chunk)])
            pltpu.async_copy(t_hbm.at[idxc_v.at[pl.ds(0, chunk)]],
                             rows_v, sem).wait()
            pltpu.sync_copy(rows_v, ec_hbm.at[pl.ds(off, chunk)])

    return gat


def _make_expand(nnz):
    info = plsc.get_sparse_core_info()
    nc, ns = info.num_cores, info.num_subcores
    nw = nc * ns
    mesh = plsc.VectorSubcoreMesh(core_axis_name="c", subcore_axis_name="s")
    ef = _D * _D
    npb = 512
    gpb = npb * ef
    nbat = nnz // npb
    bat_per_w = (nbat + nw - 1) // nw

    @functools.partial(
        pl.kernel,
        out_type=jax.ShapeDtypeStruct((2 * nnz * ef,), jnp.int32),
        mesh=mesh,
        scratch_types=[
            pltpu.VMEM((npb + 16,), jnp.int32),
            pltpu.VMEM((npb + 16,), jnp.int32),
            pltpu.VMEM((2 * gpb,), jnp.int32),
        ],
        compiler_params=pltpu.CompilerParams(use_tc_tiling_on_sc=False, needs_layout_passes=False),
    )
    def expand(row_hbm, col_hbm, hx_hbm, eidr_v, eidc_v, out_v):
        wid = lax.axis_index("s") * nc + lax.axis_index("c")
        lane = lax.iota(jnp.int32, 16)

        def bat(t, carry):
            b = wid + nw * t

            @pl.when(b < nbat)
            def _():
                n0 = b * npb
                pltpu.sync_copy(row_hbm.at[pl.ds(n0, npb)],
                                eidr_v.at[pl.ds(0, npb)])
                pltpu.sync_copy(col_hbm.at[pl.ds(n0, npb)],
                                eidc_v.at[pl.ds(0, npb)])

                def estep(s, c2):
                    l = s * 16 + lane
                    n = lax.shift_right_logical(l * 5243, jnp.int32(17))
                    k = l - 25 * n
                    ii = lax.shift_right_logical(k * 52, jnp.int32(8))
                    jj = k - 5 * ii
                    gr = plsc.load_gather(eidr_v, [n])
                    gc = plsc.load_gather(eidc_v, [n])
                    doff = 256 * lax.shift_right_logical(s, jnp.int32(3)) \
                        + 16 * (s & 7)
                    out_v[pl.ds(doff, 16)] = 5 * gr + ii
                    out_v[pl.ds(doff + 128, 16)] = 5 * gc + jj
                    return c2

                lax.fori_loop(jnp.int32(0), jnp.int32(gpb // 16), estep,
                              jnp.int32(0))
                pltpu.sync_copy(out_v, hx_hbm.at[pl.ds(b * 2 * gpb, 2 * gpb)])

            return carry

        lax.fori_loop(jnp.int32(0), jnp.int32(bat_per_w), bat, jnp.int32(0))

    return expand



def _to_rl(row_1b):
    return row_1b.reshape(_R, 128)


def _main_body(xr_ref, ec_ref, wt_ref, cv_ref, at_ref):
    f32 = jnp.float32
    xr = xr_ref[:, 0:_HID]
    ec = ec_ref[:, _HID:2 * _HID]
    hh = jnp.concatenate([xr, ec, xr * xr, ec * ec], axis=1)
    s = lax.dot_general(wt_ref[...], hh, (((1,), (1,)), ((), ())),
                        preferred_element_type=f32)
    mu = s[10:11, :]
    m2 = s[11:12, :]
    inv = lax.rsqrt(m2 - mu * mu + 1e-5)
    z = s[0:_OUT, :] * inv + cv_ref[...]
    sg = 1.0 / (1.0 + jnp.exp(-z))
    p = [_to_rl(sg[k:k + 1, :]) for k in range(_OUT)]

    v0 = [None, p[0], p[1], p[3], p[6]]
    d0 = 1.0 + p[0] * p[0] + p[1] * p[1] + p[3] * p[3] + p[6] * p[6]
    s0 = 2.0 / d0
    u = [s0] + [s0 * v0[a] for a in range(1, _D)]
    q = [[None] * _D for _ in range(_D)]
    for a in range(_D):
        q[a][0] = (1.0 - u[0]) if a == 0 else (-u[a])
        for b in range(1, _D):
            if a == b:
                q[a][b] = 1.0 - u[a] * v0[b]
            else:
                q[a][b] = -(u[a] * v0[b])

    for t, pars in ((1, (p[2], p[4], p[7])), (2, (p[5], p[8])), (3, (p[9],))):
        d = 1.0
        for a_p in pars:
            d = d + a_p * a_p
        st = 2.0 / d
        for a in range(_D):
            w = q[a][t]
            for m, a_p in enumerate(pars):
                w = w + q[a][t + 1 + m] * a_p
            sw = st * w
            q[a][t] = q[a][t] - sw
            for m, a_p in enumerate(pars):
                q[a][t + 1 + m] = q[a][t + 1 + m] - sw * a_p
    for a in range(_D):
        q[a][_D - 1] = -q[a][_D - 1]

    rows = [q[a][b].reshape(1, _B) for a in range(_D) for b in range(_D)]
    at_ref[...] = jnp.concatenate(rows, axis=0)


def _main(xr, ec, wt, cv):
    nnz = xr.shape[0]
    nb = nnz // _B
    return pl.pallas_call(
        _main_body,
        grid=(nb,),
        in_specs=[
            pl.BlockSpec((_B, 2 * _HID), lambda i: (i, jnp.int32(0))),
            pl.BlockSpec((_B, 2 * _HID), lambda i: (i, jnp.int32(0))),
            pl.BlockSpec((16, 4 * _HID), lambda i: (jnp.int32(0), jnp.int32(0))),
            pl.BlockSpec((_OUT, 1), lambda i: (jnp.int32(0), jnp.int32(0))),
        ],
        out_specs=pl.BlockSpec((_D * _D, _B), lambda i: (jnp.int32(0), i)),
        out_shape=jax.ShapeDtypeStruct((_D * _D, nnz), jnp.float32),
    )(xr, ec, wt, cv)



def kernel(x, e, hyperedge_index, node_types, hyperedge_types,
           ln_gamma, ln_beta, W, b):
    n_nodes = x.shape[0] // _D
    n_edges = e.shape[0] // _D
    nnz = hyperedge_index.shape[1]

    x2 = x.reshape(n_nodes, _D * _HID)
    e2 = e.reshape(n_edges, _D * _HID)
    xm, em = _pool(x2, e2)

    row32 = hyperedge_index[0].astype(jnp.int32)
    col32 = hyperedge_index[1].astype(jnp.int32)
    hx = _make_expand(nnz)(row32, col32)
    tbl = jnp.concatenate([xm, em], axis=1)
    xr, ec = _make_gather(nnz)(tbl, row32, col32)

    gw = W.astype(jnp.float32) * ln_gamma.astype(jnp.float32)[:, None]
    wc = gw - jnp.sum(gw, axis=0)[None, :] * (1.0 / (2 * _HID))
    wt = jnp.zeros((16, 4 * _HID), jnp.float32)
    wt = wt.at[0:_OUT, 0:2 * _HID].set(wc.T)
    wt = wt.at[10, 0:2 * _HID].set(1.0 / (2 * _HID))
    wt = wt.at[11, 2 * _HID:4 * _HID].set(1.0 / (2 * _HID))
    cv = (ln_beta.astype(jnp.float32) @ W.astype(jnp.float32)
          + b.astype(jnp.float32)).reshape(_OUT, 1)

    atT = _main(xr, ec, wt, cv)

    attrs = atT.T.reshape(-1).astype(jnp.float64)
    nlin = nnz * _D * _D
    h_index = (hx.reshape(nlin // 128, 2, 128).transpose(1, 0, 2)
               .reshape(2, nlin).astype(jnp.int64))
    return h_index, attrs

# --- scband reference (transcript-rebuilt; emitter-appended) ---
"""Pipeline reference for scband-sheaf-builder-ortho-74509092651431 (READ-ONLY COPY).

The authoritative reference and input builder live on the scoring server;
editing this copy changes nothing except your own understanding.
"""

import jax, jax.numpy as jnp
import numpy as np
jax.config.update("jax_enable_x64", True)

D = 5
HID = 64
OUT = D * (D - 1) // 2


def setup_inputs(seed: int = 0):
    key = jax.random.key(seed)
    ks = jax.random.split(key, 9)
    n_nodes = 10000
    n_edges = 10000
    nnz = 320000
    x = jax.random.normal(ks[0], (n_nodes * D, HID), dtype=jnp.float32)
    e = jax.random.normal(ks[1], (n_edges * D, HID), dtype=jnp.float32)
    row = jax.random.randint(ks[2], (nnz,), 0, n_nodes, dtype=jnp.int64)
    col = jax.random.randint(ks[3], (nnz,), 0, n_edges, dtype=jnp.int64)
    col = col.at[-1].set(n_edges - 1)  # ensure max+1 == n_edges as torch code assumes
    hyperedge_index = jnp.stack([row, col], axis=0)
    node_types = jax.random.randint(ks[4], (n_nodes,), 0, 3, dtype=jnp.int64)
    hyperedge_types = jax.random.randint(ks[5], (n_edges,), 0, 6, dtype=jnp.int64)
    ln_gamma = jnp.ones((2 * HID,), dtype=jnp.float32)
    ln_beta = jnp.zeros((2 * HID,), dtype=jnp.float32)
    W = jax.random.normal(ks[6], (2 * HID, OUT), dtype=jnp.float32) * (1.0 / np.sqrt(2 * HID))
    b = jnp.zeros((OUT,), dtype=jnp.float32)
    return {"x": x, "e": e, "hyperedge_index": hyperedge_index, "node_types": node_types,
            "hyperedge_types": hyperedge_types, "ln_gamma": ln_gamma, "ln_beta": ln_beta,
            "W": W, "b": b}


def _householder(params):
    # torch_householder_orgqr-style: unit lower-triangular reflector matrix A,
    # Q = H_1 @ H_2 @ ... @ H_D with H_i = I - 2 v_i v_i^T / (v_i^T v_i), v_i = A[:, :, i]
    B = params.shape[0]
    tr, tc = np.tril_indices(D, k=-1)
    A = jnp.zeros((B, D, D), dtype=params.dtype)
    A = A.at[:, tr, tc].set(params)
    A = A + jnp.eye(D, dtype=params.dtype)
    Q = jnp.broadcast_to(jnp.eye(D, dtype=params.dtype), (B, D, D))
    for i in range(D):
        v = A[:, :, i]
        denom = jnp.sum(v * v, axis=-1)[:, None, None]
        H = jnp.eye(D, dtype=params.dtype)[None] - 2.0 * (v[:, :, None] * v[:, None, :]) / denom
        Q = jnp.einsum("bij,bjk->bik", Q, H)
    return Q


def _forward_attrs(x, e, ln_gamma, ln_beta, W, b, row, col):
    num_nodes = x.shape[0] // D
    num_edges = e.shape[0] // D
    xm = x.reshape(num_nodes, D, x.shape[-1]).mean(axis=1)
    em = e.reshape(num_edges, D, e.shape[-1]).mean(axis=1)
    # InputFeatsHeFeatBuilder (var1): xs, es are the pooled input feats;
    # LocalConcatSheafLearner: gather per incidence, LayerNorm, Linear, sigmoid
    x_row = jnp.take(xm, row, axis=0)
    e_col = jnp.take(em, col, axis=0)
    h = jnp.concatenate([x_row, e_col], axis=-1)
    mu = h.mean(axis=-1, keepdims=True)
    var = h.var(axis=-1, keepdims=True)
    h = (h - mu) / jnp.sqrt(var + 1e-5) * ln_gamma + ln_beta
    h_sheaf = jax.nn.sigmoid(h @ W + b)  # [nnz, D*(D-1)/2]
    Q = _householder(h_sheaf)  # [nnz, D, D]
    return Q.reshape(-1)


def reference(x, e, hyperedge_index, node_types, hyperedge_types, ln_gamma, ln_beta, W, b):
    row = hyperedge_index[0]
    col = hyperedge_index[1]
    attrs = _forward_attrs(x, e, ln_gamma, ln_beta, W, b, row, col)
    d_range = jnp.arange(D, dtype=hyperedge_index.dtype)
    d_range_edges = jnp.tile(d_range, D).reshape(-1, 1)          # j fast
    d_range_nodes = jnp.repeat(d_range, D).reshape(-1, 1)        # i slow
    idx0 = (D * row[None, :] + d_range_nodes).T.reshape(1, -1)
    idx1 = (D * col[None, :] + d_range_edges).T.reshape(1, -1)
    h_index = jnp.concatenate([idx0, idx1], axis=0)
    return h_index, attrs

if __name__ == "__main__":
    import jax
    _d = setup_inputs()
    print(jax.jit(kernel)(*tuple(_d.values())))

</pallas_src>

<mosaic_0001>
#map = affine_map<(d0, d1) -> (0, 0)>
#map1 = affine_map<(d0, d1) -> (0)>
module attributes {stable_mosaic.version = 14 : i64} {
  func.func @gat(%arg0: i32, %arg1: i32, %arg2: memref<10000x128xf32, #tpu.memory_space<hbm>>, %arg3: memref<320000xi32, #tpu.memory_space<hbm>>, %arg4: memref<320000xi32, #tpu.memory_space<hbm>>, %arg5: memref<320000x128xf32, #tpu.memory_space<hbm>>, %arg6: memref<320000x128xf32, #tpu.memory_space<hbm>>, %arg7: memref<416xi32, #tpu.memory_space<vmem>>, %arg8: memref<416xi32, #tpu.memory_space<vmem>>, %arg9: memref<400x128xf32, #tpu.memory_space<vmem>>, %arg10: memref<!tpu.dma_semaphore, #tpu.memory_space<semaphore_mem>>) attributes {dimension_semantics = [#tpu.dimension_semantics<core_parallel>, #tpu.dimension_semantics<subcore_parallel>], iteration_bounds = array<i64: 2, 16>, scalar_prefetch = 0 : i64, scratch_operands = 4 : i64, tpu.core_type = #tpu.core_type<sc_vector_subcore>, window_params = [{transform_indices = #map}, {transform_indices = #map1}, {transform_indices = #map1}, {transform_indices = #map}, {transform_indices = #map}]} {
    %mul3A = arith.constant 2 : i32
    %mul3A_0 = arith.muli %arg1, %mul3A : i32
    %add3A = arith.addi %mul3A_0, %arg0 : i32
    %mul3A_1 = arith.constant 10000 : i32
    %mul3A_2 = arith.muli %add3A, %mul3A_1 : i32
    %add3A_3 = arith.constant 0 : i32
    %add3A_4 = arith.addi %mul3A_2, %add3A_3 : i32
    "tpu.region"() ({
      %run_scoped3A = tpu.sem_alloc : memref<!tpu.dma_semaphore, #tpu.memory_space<semaphore_mem>>
      %dma_start3A_551 = arith.constant 0 : i32
      %dma_start3A_552 = tpu.memref_slice %arg7[%dma_start3A_551] : memref<416xi32, #tpu.memory_space<vmem>> -> memref<400xi32, #tpu.memory_space<vmem>>
      %dma_start3A_553 = tpu.memref_slice %arg3[%add3A_4] : memref<320000xi32, #tpu.memory_space<hbm>> -> memref<400xi32, #tpu.memory_space<hbm>>
      %dma_start3A_554 = arith.constant 0 : i32
      %dma_start3A_555 = tpu.memref_slice %arg7[%dma_start3A_554] : memref<416xi32, #tpu.memory_space<vmem>> -> memref<400xi32, #tpu.memory_space<vmem>>
      %dma_start3A_556 = tpu.memref_slice %arg3[%add3A_4] : memref<320000xi32, #tpu.memory_space<hbm>> -> memref<400xi32, #tpu.memory_space<hbm>>
      tpu.enqueue_dma source(%dma_start3A_556 : memref<400xi32, #tpu.memory_space<hbm>>) target(%dma_start3A_555 : memref<400xi32, #tpu.memory_space<vmem>>) target_semaphore(%run_scoped3A : memref<!tpu.dma_semaphore, #tpu.memory_space<semaphore_mem>>)
      %dma_wait3A_557 = arith.constant 0 : i32
      %dma_wait3A_558 = tpu.memref_slice %arg7[%dma_wait3A_557] : memref<416xi32, #tpu.memory_space<vmem>> -> memref<400xi32, #tpu.memory_space<vmem>>
      %dma_wait3A_559 = tpu.memref_slice %arg3[%add3A_4] : memref<320000xi32, #tpu.memory_space<hbm>> -> memref<400xi32, #tpu.memory_space<hbm>>
      %dma_wait3A_560 = arith.constant 0 : i32
      %dma_wait3A_561 = tpu.memref_slice %arg7[%dma_wait3A_560] : memref<416xi32, #tpu.memory_space<vmem>> -> memref<400xi32, #tpu.memory_space<vmem>>
      %dma_wait3A_562 = tpu.memref_slice %arg3[%add3A_4] : memref<320000xi32, #tpu.memory_space<hbm>> -> memref<400xi32, #tpu.memory_space<hbm>>
      tpu.wait_dma2 semaphore(%run_scoped3A : memref<!tpu.dma_semaphore, #tpu.memory_space<semaphore_mem>>) src(%dma_wait3A_562 : memref<400xi32, #tpu.memory_space<hbm>>) dst(%dma_wait3A_561 : memref<400xi32, #tpu.memory_space<vmem>>)
      tpu.yield
    }) : () -> ()
    "tpu.region"() ({
      %run_scoped3A = tpu.sem_alloc : memref<!tpu.dma_semaphore, #tpu.memory_space<semaphore_mem>>
      %dma_start3A_551 = arith.constant 0 : i32
      %dma_start3A_552 = tpu.memref_slice %arg8[%dma_start3A_551] : memref<416xi32, #tpu.memory_space<vmem>> -> memref<400xi32, #tpu.memory_space<vmem>>
      %dma_start3A_553 = tpu.memref_slice %arg4[%add3A_4] : memref<320000xi32, #tpu.memory_space<hbm>> -> memref<400xi32, #tpu.memory_space<hbm>>
      %dma_start3A_554 = arith.constant 0 : i32
      %dma_start3A_555 = tpu.memref_slice %arg8[%dma_start3A_554] : memref<416xi32, #tpu.memory_space<vmem>> -> memref<400xi32, #tpu.memory_space<vmem>>
      %dma_start3A_556 = tpu.memref_slice %arg4[%add3A_4] : memref<320000xi32, #tpu.memory_space<hbm>> -> memref<400xi32, #tpu.memory_space<hbm>>
      tpu.enqueue_dma source(%dma_start3A_556 : memref<400xi32, #tpu.memory_space<hbm>>) target(%dma_start3A_555 : memref<400xi32, #tpu.memory_space<vmem>>) target_semaphore(%run_scoped3A : memref<!tpu.dma_semaphore, #tpu.memory_space<semaphore_mem>>)
      %dma_wait3A_557 = arith.constant 0 : i32
      %dma_wait3A_558 = tpu.memref_slice %arg8[%dma_wait3A_557] : memref<416xi32, #tpu.memory_space<vmem>> -> memref<400xi32, #tpu.memory_space<vmem>>
      %dma_wait3A_559 = tpu.memref_slice %arg4[%add3A_4] : memref<320000xi32, #tpu.memory_space<hbm>> -> memref<400xi32, #tpu.memory_space<hbm>>
      %dma_wait3A_560 = arith.constant 0 : i32
      %dma_wait3A_561 = tpu.memref_slice %arg8[%dma_wait3A_560] : memref<416xi32, #tpu.memory_space<vmem>> -> memref<400xi32, #tpu.memory_space<vmem>>
      %dma_wait3A_562 = tpu.memref_slice %arg4[%add3A_4] : memref<320000xi32, #tpu.memory_space<hbm>> -> memref<400xi32, #tpu.memory_space<hbm>>
      tpu.wait_dma2 semaphore(%run_scoped3A : memref<!tpu.dma_semaphore, #tpu.memory_space<semaphore_mem>>) src(%dma_wait3A_562 : memref<400xi32, #tpu.memory_space<hbm>>) dst(%dma_wait3A_561 : memref<400xi32, #tpu.memory_space<vmem>>)
      tpu.yield
    }) : () -> ()
    %dma_start3A = arith.constant 0 : i32
    %dma_start3A_5 = tpu.memref_slice %arg7[%dma_start3A] : memref<416xi32, #tpu.memory_space<vmem>> -> memref<400xi32, #tpu.memory_space<vmem>>
    %dma_start3A_6 = arith.constant 0 : i32
    %dma_start3A_7 = arith.constant 0 : i32
    %dma_start3A_8 = tpu.memref_slice %arg2[%dma_start3A_6, %dma_start3A_7] : memref<10000x128xf32, #tpu.memory_space<hbm>> -> memref<10000x128xf32, #tpu.memory_space<hbm>>
    tpu.enqueue_indirect_dma source(%dma_start3A_8 : memref<10000x128xf32, #tpu.memory_space<hbm>>) target(%arg9 : memref<400x128xf32, #tpu.memory_space<vmem>>) offsets(%dma_start3A_5 : memref<400xi32, #tpu.memory_space<vmem>>) semaphore(%arg10 : memref<!tpu.dma_semaphore, #tpu.memory_space<semaphore_mem>>)
    %dma_wait3A = arith.constant 0 : i32
    %dma_wait3A_9 = tpu.memref_slice %arg7[%dma_wait3A] : memref<416xi32, #tpu.memory_space<vmem>> -> memref<400xi32, #tpu.memory_space<vmem>>
    %dma_wait3A_10 = arith.constant 0 : i32
    %dma_wait3A_11 = arith.constant 0 : i32
    %dma_wait3A_12 = tpu.memref_slice %arg2[%dma_wait3A_10, %dma_wait3A_11] : memref<10000x128xf32, #tpu.memory_space<hbm>> -> memref<10000x128xf32, #tpu.memory_space<hbm>>
    tpu.wait_indirect_dma semaphore(%arg10 : memref<!tpu.dma_semaphore, #tpu.memory_space<semaphore_mem>>) src(%dma_wait3A_12 : memref<10000x128xf32, #tpu.memory_space<hbm>>) dst(%arg9 : memref<400x128xf32, #tpu.memory_space<vmem>>)
    "tpu.region"() ({
      %run_scoped3A = tpu.sem_alloc : memref<!tpu.dma_semaphore, #tpu.memory_space<semaphore_mem>>
      %dma_start3A_551 = arith.constant 0 : i32
      %dma_start3A_552 = tpu.memref_slice %arg5[%add3A_4, %dma_start3A_551] : memref<320000x128xf32, #tpu.memory_space<hbm>> -> memref<400x128xf32, #tpu.memory_space<hbm>>
      %dma_start3A_553 = arith.constant 0 : i32
      %dma_start3A_554 = tpu.memref_slice %arg5[%add3A_4, %dma_start3A_553] : memref<320000x128xf32, #tpu.memory_space<hbm>> -> memref<400x128xf32, #tpu.memory_space<hbm>>
      tpu.enqueue_dma source(%arg9 : memref<400x128xf32, #tpu.memory_space<vmem>>) target(%dma_start3A_554 : memref<400x128xf32, #tpu.memory_space<hbm>>) target_semaphore(%run_scoped3A : memref<!tpu.dma_semaphore, #tpu.memory_space<semaphore_mem>>)
      %dma_wait3A_555 = arith.constant 0 : i32
      %dma_wait3A_556 = tpu.memref_slice %arg5[%add3A_4, %dma_wait3A_555] : memref<320000x128xf32, #tpu.memory_space<hbm>> -> memref<400x128xf32, #tpu.memory_space<hbm>>
      %dma_wait3A_557 = arith.constant 0 : i32
      %dma_wait3A_558 = tpu.memref_slice %arg5[%add3A_4, %dma_wait3A_557] : memref<320000x128xf32, #tpu.memory_space<hbm>> -> memref<400x128xf32, #tpu.memory_space<hbm>>
      tpu.wait_dma2 semaphore(%run_scoped3A : memref<!tpu.dma_semaphore, #tpu.memory_space<semaphore_mem>>) src(%arg9 : memref<400x128xf32, #tpu.memory_space<vmem>>) dst(%dma_wait3A_558 : memref<400x128xf32, #tpu.memory_space<hbm>>)
      tpu.yield
    }) : () -> ()
    %dma_start3A_13 = arith.constant 0 : i32
    %dma_start3A_14 = tpu.memref_slice %arg8[%dma_start3A_13] : memref<416xi32, #tpu.memory_space<vmem>> -> memref<400xi32, #tpu.memory_space<vmem>>
    %dma_start3A_15 = arith.constant 0 : i32
    %dma_start3A_16 = arith.constant 0 : i32
    %dma_start3A_17 = tpu.memref_slice %arg2[%dma_start3A_15, %dma_start3A_16] : memref<10000x128xf32, #tpu.memory_space<hbm>> -> memref<10000x128xf32, #tpu.memory_space<hbm>>
    tpu.enqueue_indirect_dma source(%dma_start3A_17 : memref<10000x128xf32, #tpu.memory_space<hbm>>) target(%arg9 : memref<400x128xf32, #tpu.memory_space<vmem>>) offsets(%dma_start3A_14 : memref<400xi32, #tpu.memory_space<vmem>>) semaphore(%arg10 : memref<!tpu.dma_semaphore, #tpu.memory_space<semaphore_mem>>)
    %dma_wait3A_18 = arith.constant 0 : i32
    %dma_wait3A_19 = tpu.memref_slice %arg8[%dma_wait3A_18] : memref<416xi32, #tpu.memory_space<vmem>> -> memref<400xi32, #tpu.memory_space<vmem>>
    %dma_wait3A_20 = arith.constant 0 : i32
    %dma_wait3A_21 = arith.constant 0 : i32
    %dma_wait3A_22 = tpu.memref_slice %arg2[%dma_wait3A_20, %dma_wait3A_21] : memref<10000x128xf32, #tpu.memory_space<hbm>> -> memref<10000x128xf32, #tpu.memory_space<hbm>>
    tpu.wait_indirect_dma semaphore(%arg10 : memref<!tpu.dma_semaphore, #tpu.memory_space<semaphore_mem>>) src(%dma_wait3A_22 : memref<10000x128xf32, #tpu.memory_space<hbm>>) dst(%arg9 : memref<400x128xf32, #tpu.memory_space<vmem>>)
    "tpu.region"() ({
      %run_scoped3A = tpu.sem_alloc : memref<!tpu.dma_semaphore, #tpu.memory_space<semaphore_mem>>
      %dma_start3A_551 = arith.constant 0 : i32
      %dma_start3A_552 = tpu.memref_slice %arg6[%add3A_4, %dma_start3A_551] : memref<320000x128xf32, #tpu.memory_space<hbm>> -> memref<400x128xf32, #tpu.memory_space<hbm>>
      %dma_start3A_553 = arith.constant 0 : i32
      %dma_start3A_554 = tpu.memref_slice %arg6[%add3A_4, %dma_start3A_553] : memref<320000x128xf32, #tpu.memory_space<hbm>> -> memref<400x128xf32, #tpu.memory_space<hbm>>
      tpu.enqueue_dma source(%arg9 : memref<400x128xf32, #tpu.memory_space<vmem>>) target(%dma_start3A_554 : memref<400x128xf32, #tpu.memory_space<hbm>>) target_semaphore(%run_scoped3A : memref<!tpu.dma_semaphore, #tpu.memory_space<semaphore_mem>>)
      %dma_wait3A_555 = arith.constant 0 : i32
      %dma_wait3A_556 = tpu.memref_slice %arg6[%add3A_4, %dma_wait3A_555] : memref<320000x128xf32, #tpu.memory_space<hbm>> -> memref<400x128xf32, #tpu.memory_space<hbm>>
      %dma_wait3A_557 = arith.constant 0 : i32
      %dma_wait3A_558 = tpu.memref_slice %arg6[%add3A_4, %dma_wait3A_557] : memref<320000x128xf32, #tpu.memory_space<hbm>> -> memref<400x128xf32, #tpu.memory_space<hbm>>
      tpu.wait_dma2 semaphore(%run_scoped3A : memref<!tpu.dma_semaphore, #tpu.memory_space<semaphore_mem>>) src(%arg9 : memref<400x128xf32, #tpu.memory_space<vmem>>) dst(%dma_wait3A_558 : memref<400x128xf32, #tpu.memory_space<hbm>>)
      tpu.yield
    }) : () -> ()
    %add3A_23 = arith.constant 400 : i32
    %add3A_24 = arith.addi %mul3A_2, %add3A_23 : i32
    "tpu.region"() ({
      %run_scoped3A = tpu.sem_alloc : memref<!tpu.dma_semaphore, #tpu.memory_space<semaphore_mem>>
      %dma_start3A_551 = arith.constant 0 : i32
      %dma_start3A_552 = tpu.memref_slice %arg7[%dma_start3A_551] : memref<416xi32, #tpu.memory_space<vmem>> -> memref<400xi32, #tpu.memory_space<vmem>>
      %dma_start3A_553 = tpu.memref_slice %arg3[%add3A_24] : memref<320000xi32, #tpu.memory_space<hbm>> -> memref<400xi32, #tpu.memory_space<hbm>>
      %dma_start3A_554 = arith.constant 0 : i32
      %dma_start3A_555 = tpu.memref_slice %arg7[%dma_start3A_554] : memref<416xi32, #tpu.memory_space<vmem>> -> memref<400xi32, #tpu.memory_space<vmem>>
      %dma_start3A_556 = tpu.memref_slice %arg3[%add3A_24] : memref<320000xi32, #tpu.memory_space<hbm>> -> memref<400xi32, #tpu.memory_space<hbm>>
      tpu.enqueue_dma source(%dma_start3A_556 : memref<400xi32, #tpu.memory_space<hbm>>) target(%dma_start3A_555 : memref<400xi32, #tpu.memory_space<vmem>>) target_semaphore(%run_scoped3A : memref<!tpu.dma_semaphore, #tpu.memory_space<semaphore_mem>>)
      %dma_wait3A_557 = arith.constant 0 : i32
      %dma_wait3A_558 = tpu.memref_slice %arg7[%dma_wait3A_557] : memref<416xi32, #tpu.memory_space<vmem>> -> memref<400xi32, #tpu.memory_space<vmem>>
      %dma_wait3A_559 = tpu.memref_slice %arg3[%add3A_24] : memref<320000xi32, #tpu.memory_space<hbm>> -> memref<400xi32, #tpu.memory_space<hbm>>
      %dma_wait3A_560 = arith.constant 0 : i32
      %dma_wait3A_561 = tpu.memref_slice %arg7[%dma_wait3A_560] : memref<416xi32, #tpu.memory_space<vmem>> -> memref<400xi32, #tpu.memory_space<vmem>>
      %dma_wait3A_562 = tpu.memref_slice %arg3[%add3A_24] : memref<320000xi32, #tpu.memory_space<hbm>> -> memref<400xi32, #tpu.memory_space<hbm>>
      tpu.wait_dma2 semaphore(%run_scoped3A : memref<!tpu.dma_semaphore, #tpu.memory_space<semaphore_mem>>) src(%dma_wait3A_562 : memref<400xi32, #tpu.memory_space<hbm>>) dst(%dma_wait3A_561 : memref<400xi32, #tpu.memory_space<vmem>>)
      tpu.yield
    }) : () -> ()
    "tpu.region"() ({
      %run_scoped3A = tpu.sem_alloc : memref<!tpu.dma_semaphore, #tpu.memory_space<semaphore_mem>>
      %dma_start3A_551 = arith.constant 0 : i32
      %dma_start3A_552 = tpu.memref_slice %arg8[%dma_start3A_551] : memref<416xi32, #tpu.memory_space<vmem>> -> memref<400xi32, #tpu.memory_space<vmem>>
      %dma_start3A_553 = tpu.memref_slice %arg4[%add3A_24] : memref<320000xi32, #tpu.memory_space<hbm>> -> memref<400xi32, #tpu.memory_space<hbm>>
      %dma_start3A_554 = arith.constant 0 : i32
      %dma_start3A_555 = tpu.memref_slice %arg8[%dma_start3A_554] : memref<416xi32, #tpu.memory_space<vmem>> -> memref<400xi32, #tpu.memory_space<vmem>>
      %dma_start3A_556 = tpu.memref_slice %arg4[%add3A_24] : memref<320000xi32, #tpu.memory_space<hbm>> -> memref<400xi32, #tpu.memory_space<hbm>>
      tpu.enqueue_dma source(%dma_start3A_556 : memref<400xi32, #tpu.memory_space<hbm>>) target(%dma_start3A_555 : memref<400xi32, #tpu.memory_space<vmem>>) target_semaphore(%run_scoped3A : memref<!tpu.dma_semaphore, #tpu.memory_space<semaphore_mem>>)
      %dma_wait3A_557 = arith.constant 0 : i32
      %dma_wait3A_558 = tpu.memref_slice %arg8[%dma_wait3A_557] : memref<416xi32, #tpu.memory_space<vmem>> -> memref<400xi32, #tpu.memory_space<vmem>>
      %dma_wait3A_559 = tpu.memref_slice %arg4[%add3A_24] : memref<320000xi32, #tpu.memory_space<hbm>> -> memref<400xi32, #tpu.memory_space<hbm>>
      %dma_wait3A_560 = arith.constant 0 : i32
      %dma_wait3A_561 = tpu.memref_slice %arg8[%dma_wait3A_560] : memref<416xi32, #tpu.memory_space<vmem>> -> memref<400xi32, #tpu.memory_space<vmem>>
      %dma_wait3A_562 = tpu.memref_slice %arg4[%add3A_24] : memref<320000xi32, #tpu.memory_space<hbm>> -> memref<400xi32, #tpu.memory_space<hbm>>
      tpu.wait_dma2 semaphore(%run_scoped3A : memref<!tpu.dma_semaphore, #tpu.memory_space<semaphore_mem>>) src(%dma_wait3A_562 : memref<400xi32, #tpu.memory_space<hbm>>) dst(%dma_wait3A_561 : memref<400xi32, #tpu.memory_space<vmem>>)
      tpu.yield
    }) : () -> ()
    %dma_start3A_25 = arith.constant 0 : i32
    %dma_start3A_26 = tpu.memref_slice %arg7[%dma_start3A_25] : memref<416xi32, #tpu.memory_space<vmem>> -> memref<400xi32, #tpu.memory_space<vmem>>
    %dma_start3A_27 = arith.constant 0 : i32
    %dma_start3A_28 = arith.constant 0 : i32
    %dma_start3A_29 = tpu.memref_slice %arg2[%dma_start3A_27, %dma_start3A_28] : memref<10000x128xf32, #tpu.memory_space<hbm>> -> memref<10000x128xf32, #tpu.memory_space<hbm>>
    tpu.enqueue_indirect_dma source(%dma_start3A_29 : memref<10000x128xf32, #tpu.memory_space<hbm>>) target(%arg9 : memref<400x128xf32, #tpu.memory_space<vmem>>) offsets(%dma_start3A_26 : memref<400xi32, #tpu.memory_space<vmem>>) semaphore(%arg10 : memref<!tpu.dma_semaphore, #tpu.memory_space<semaphore_mem>>)
    %dma_wait3A_30 = arith.constant 0 : i32
    %dma_wait3A_31 = tpu.memref_slice %arg7[%dma_wait3A_30] : memref<416xi32, #tpu.memory_space<vmem>> -> memref<400xi32, #tpu.memory_space<vmem>>
    %dma_wait3A_32 = arith.constant 0 : i32
    %dma_wait3A_33 = arith.constant 0 : i32
    %dma_wait3A_34 = tpu.memref_slice %arg2[%dma_wait3A_32, %dma_wait3A_33] : memref<10000x128xf32, #tpu.memory_space<hbm>> -> memref<10000x128xf32, #tpu.memory_space<hbm>>
    tpu.wait_indirect_dma semaphore(%arg10 : memref<!tpu.dma_semaphore, #tpu.memory_space<semaphore_mem>>) src(%dma_wait3A_34 : memref<10000x128xf32, #tpu.memory_space<hbm>>) dst(%arg9 : memref<400x128xf32, #tpu.memory_space<vmem>>)
    "tpu.region"() ({
      %run_scoped3A = tpu.sem_alloc : memref<!tpu.dma_semaphore, #tpu.memory_space<semaphore_mem>>
      %dma_start3A_551 = arith.constant 0 : i32
      %dma_start3A_552 = tpu.memref_slice %arg5[%add3A_24, %dma_start3A_551] : memref<320000x128xf32, #tpu.memory_space<hbm>> -> memref<400x128xf32, #tpu.memory_space<hbm>>
      %dma_start3A_553 = arith.constant 0 : i32
      %dma_start3A_554 = tpu.memref_slice %arg5[%add3A_24, %dma_start3A_553] : memref<320000x128xf32, #tpu.memory_space<hbm>> -> memref<400x128xf32, #tpu.memory_space<hbm>>
      tpu.enqueue_dma source(%arg9 : memref<400x128xf32, #tpu.memory_space<vmem>>) target(%dma_start3A_554 : memref<400x128xf32, #tpu.memory_space<hbm>>) target_semaphore(%run_scoped3A : memref<!tpu.dma_semaphore, #tpu.memory_space<semaphore_mem>>)
      %dma_wait3A_555 = arith.constant 0 : i32
      %dma_wait3A_556 = tpu.memref_slice %arg5[%add3A_24, %dma_wait3A_555] : memref<320000x128xf32, #tpu.memory_space<hbm>> -> memref<400x128xf32, #tpu.memory_space<hbm>>
      %dma_wait3A_557 = arith.constant 0 : i32
      %dma_wait3A_558 = tpu.memref_slice %arg5[%add3A_24, %dma_wait3A_557] : memref<320000x128xf32, #tpu.memory_space<hbm>> -> memref<400x128xf32, #tpu.memory_space<hbm>>
      tpu.wait_dma2 semaphore(%run_scoped3A : memref<!tpu.dma_semaphore, #tpu.memory_space<semaphore_mem>>) src(%arg9 : memref<400x128xf32, #tpu.memory_space<vmem>>) dst(%dma_wait3A_558 : memref<400x128xf32, #tpu.memory_space<hbm>>)
      tpu.yield
    }) : () -> ()
    %dma_start3A_35 = arith.constant 0 : i32
    %dma_start3A_36 = tpu.memref_slice %arg8[%dma_start3A_35] : memref<416xi32, #tpu.memory_space<vmem>> -> memref<400xi32, #tpu.memory_space<vmem>>
    %dma_start3A_37 = arith.constant 0 : i32
    %dma_start3A_38 = arith.constant 0 : i32
    %dma_start3A_39 = tpu.memref_slice %arg2[%dma_start3A_37, %dma_start3A_38] : memref<10000x128xf32, #tpu.memory_space<hbm>> -> memref<10000x128xf32, #tpu.memory_space<hbm>>
    tpu.enqueue_indirect_dma source(%dma_start3A_39 : memref<10000x128xf32, #tpu.memory_space<hbm>>) target(%arg9 : memref<400x128xf32, #tpu.memory_space<vmem>>) offsets(%dma_start3A_36 : memref<400xi32, #tpu.memory_space<vmem>>) semaphore(%arg10 : memref<!tpu.dma_semaphore, #tpu.memory_space<semaphore_mem>>)
    %dma_wait3A_40 = arith.constant 0 : i32
    %dma_wait3A_41 = tpu.memref_slice %arg8[%dma_wait3A_40] : memref<416xi32, #tpu.memory_space<vmem>> -> memref<400xi32, #tpu.memory_space<vmem>>
    %dma_wait3A_42 = arith.constant 0 : i32
    %dma_wait3A_43 = arith.constant 0 : i32
    %dma_wait3A_44 = tpu.memref_slice %arg2[%dma_wait3A_42, %dma_wait3A_43] : memref<10000x128xf32, #tpu.memory_space<hbm>> -> memref<10000x128xf32, #tpu.memory_space<hbm>>
    tpu.wait_indirect_dma semaphore(%arg10 : memref<!tpu.dma_semaphore, #tpu.memory_space<semaphore_mem>>) src(%dma_wait3A_44 : memref<10000x128xf32, #tpu.memory_space<hbm>>) dst(%arg9 : memref<400x128xf32, #tpu.memory_space<vmem>>)
    "tpu.region"() ({
      %run_scoped3A = tpu.sem_alloc : memref<!tpu.dma_semaphore, #tpu.memory_space<semaphore_mem>>
      %dma_start3A_551 = arith.constant 0 : i32
      %dma_start3A_552 = tpu.memref_slice %arg6[%add3A_24, %dma_start3A_551] : memref<320000x128xf32, #tpu.memory_space<hbm>> -> memref<400x128xf32, #tpu.memory_space<hbm>>
      %dma_start3A_553 = arith.constant 0 : i32
      %dma_start3A_554 = tpu.memref_slice %arg6[%add3A_24, %dma_start3A_553] : memref<320000x128xf32, #tpu.memory_space<hbm>> -> memref<400x128xf32, #tpu.memory_space<hbm>>
      tpu.enqueue_dma source(%arg9 : memref<400x128xf32, #tpu.memory_space<vmem>>) target(%dma_start3A_554 : memref<400x128xf32, #tpu.memory_space<hbm>>) target_semaphore(%run_scoped3A : memref<!tpu.dma_semaphore, #tpu.memory_space<semaphore_mem>>)
      %dma_wait3A_555 = arith.constant 0 : i32
      %dma_wait3A_556 = tpu.memref_slice %arg6[%add3A_24, %dma_wait3A_555] : memref<320000x128xf32, #tpu.memory_space<hbm>> -> memref<400x128xf32, #tpu.memory_space<hbm>>
      %dma_wait3A_557 = arith.constant 0 : i32
      %dma_wait3A_558 = tpu.memref_slice %arg6[%add3A_24, %dma_wait3A_557] : memref<320000x128xf32, #tpu.memory_space<hbm>> -> memref<400x128xf32, #tpu.memory_space<hbm>>
      tpu.wait_dma2 semaphore(%run_scoped3A : memref<!tpu.dma_semaphore, #tpu.memory_space<semaphore_mem>>) src(%arg9 : memref<400x128xf32, #tpu.memory_space<vmem>>) dst(%dma_wait3A_558 : memref<400x128xf32, #tpu.memory_space<hbm>>)
      tpu.yield
    }) : () -> ()
    %add3A_45 = arith.constant 800 : i32
    %add3A_46 = arith.addi %mul3A_2, %add3A_45 : i32
    "tpu.region"() ({
      %run_scoped3A = tpu.sem_alloc : memref<!tpu.dma_semaphore, #tpu.memory_space<semaphore_mem>>
      %dma_start3A_551 = arith.constant 0 : i32
      %dma_start3A_552 = tpu.memref_slice %arg7[%dma_start3A_551] : memref<416xi32, #tpu.memory_space<vmem>> -> memref<400xi32, #tpu.memory_space<vmem>>
      %dma_start3A_553 = tpu.memref_slice %arg3[%add3A_46] : memref<320000xi32, #tpu.memory_space<hbm>> -> memref<400xi32, #tpu.memory_space<hbm>>
      %dma_start3A_554 = arith.constant 0 : i32
      %dma_start3A_555 = tpu.memref_slice %arg7[%dma_start3A_554] : memref<416xi32, #tpu.memory_space<vmem>> -> memref<400xi32, #tpu.memory_space<vmem>>
      %dma_start3A_556 = tpu.memref_slice %arg3[%add3A_46] : memref<320000xi32, #tpu.memory_space<hbm>> -> memref<400xi32, #tpu.memory_space<hbm>>
      tpu.enqueue_dma source(%dma_start3A_556 : memref<400xi32, #tpu.memory_space<hbm>>) target(%dma_start3A_555 : memref<400xi32, #tpu.memory_space<vmem>>) target_semaphore(%run_scoped3A : memref<!tpu.dma_semaphore, #tpu.memory_space<semaphore_mem>>)
      %dma_wait3A_557 = arith.constant 0 : i32
      %dma_wait3A_558 = tpu.memref_slice %arg7[%dma_wait3A_557] : memref<416xi32, #tpu.memory_space<vmem>> -> memref<400xi32, #tpu.memory_space<vmem>>
      %dma_wait3A_559 = tpu.memref_slice %arg3[%add3A_46] : memref<320000xi32, #tpu.memory_space<hbm>> -> memref<400xi32, #tpu.memory_space<hbm>>
      %dma_wait3A_560 = arith.constant 0 : i32
      %dma_wait3A_561 = tpu.memref_slice %arg7[%dma_wait3A_560] : memref<416xi32, #tpu.memory_space<vmem>> -> memref<400xi32, #tpu.memory_space<vmem>>
      %dma_wait3A_562 = tpu.memref_slice %arg3[%add3A_46] : memref<320000xi32, #tpu.memory_space<hbm>> -> memref<400xi32, #tpu.memory_space<hbm>>
      tpu.wait_dma2 semaphore(%run_scoped3A : memref<!tpu.dma_semaphore, #tpu.memory_space<semaphore_mem>>) src(%dma_wait3A_562 : memref<400xi32, #tpu.memory_space<hbm>>) dst(%dma_wait3A_561 : memref<400xi32, #tpu.memory_space<vmem>>)
      tpu.yield
    }) : () -> ()
    "tpu.region"() ({
      %run_scoped3A = tpu.sem_alloc : memref<!tpu.dma_semaphore, #tpu.memory_space<semaphore_mem>>
      %dma_start3A_551 = arith.constant 0 : i32
      %dma_start3A_552 = tpu.memref_slice %arg8[%dma_start3A_551] : memref<416xi32, #tpu.memory_space<vmem>> -> memref<400xi32, #tpu.memory_space<vmem>>
      %dma_start3A_553 = tpu.memref_slice %arg4[%add3A_46] : memref<320000xi32, #tpu.memory_space<hbm>> -> memref<400xi32, #tpu.memory_space<hbm>>
      %dma_start3A_554 = arith.constant 0 : i32
      %dma_start3A_555 = tpu.memref_slice %arg8[%dma_start3A_554] : memref<416xi32, #tpu.memory_space<vmem>> -> memref<400xi32, #tpu.memory_space<vmem>>
      %dma_start3A_556 = tpu.memref_slice %arg4[%add3A_46] : memref<320000xi32, #tpu.memory_space<hbm>> -> memref<400xi32, #tpu.memory_space<hbm>>
      tpu.enqueue_dma source(%dma_start3A_556 : memref<400xi32, #tpu.memory_space<hbm>>) target(%dma_start3A_555 : memref<400xi32, #tpu.memory_space<vmem>>) target_semaphore(%run_scoped3A : memref<!tpu.dma_semaphore, #tpu.memory_space<semaphore_mem>>)
      %dma_wait3A_557 = arith.constant 0 : i32
      %dma_wait3A_558 = tpu.memref_slice %arg8[%dma_wait3A_557] : memref<416xi32, #tpu.memory_space<vmem>> -> memref<400xi32, #tpu.memory_space<vmem>>
      %dma_wait3A_559 = tpu.memref_slice %arg4[%add3A_46] : memref<320000xi32, #tpu.memory_space<hbm>> -> memref<400xi32, #tpu.memory_space<hbm>>
      %dma_wait3A_560 = arith.constant 0 : i32
      %dma_wait3A_561 = tpu.memref_slice %arg8[%dma_wait3A_560] : memref<416xi32, #tpu.memory_space<vmem>> -> memref<400xi32, #tpu.memory_space<vmem>>
      %dma_wait3A_562 = tpu.memref_slice %arg4[%add3A_46] : memref<320000xi32, #tpu.memory_space<hbm>> -> memref<400xi32, #tpu.memory_space<hbm>>
      tpu.wait_dma2 semaphore(%run_scoped3A : memref<!tpu.dma_semaphore, #tpu.memory_space<semaphore_mem>>) src(%dma_wait3A_562 : memref<400xi32, #tpu.memory_space<hbm>>) dst(%dma_wait3A_561 : memref<400xi32, #tpu.memory_space<vmem>>)
      tpu.yield
    }) : () -> ()
    %dma_start3A_47 = arith.constant 0 : i32
    %dma_start3A_48 = tpu.memref_slice %arg7[%dma_start3A_47] : memref<416xi32, #tpu.memory_space<vmem>> -> memref<400xi32, #tpu.memory_space<vmem>>
    %dma_start3A_49 = arith.constant 0 : i32
    %dma_start3A_50 = arith.constant 0 : i32
    %dma_start3A_51 = tpu.memref_slice %arg2[%dma_start3A_49, %dma_start3A_50] : memref<10000x128xf32, #tpu.memory_space<hbm>> -> memref<10000x128xf32, #tpu.memory_space<hbm>>
    tpu.enqueue_indirect_dma source(%dma_start3A_51 : memref<10000x128xf32, #tpu.memory_space<hbm>>) target(%arg9 : memref<400x128xf32, #tpu.memory_space<vmem>>) offsets(%dma_start3A_48 : memref<400xi32, #tpu.memory_space<vmem>>) semaphore(%arg10 : memref<!tpu.dma_semaphore, #tpu.memory_space<semaphore_mem>>)
    %dma_wait3A_52 = arith.constant 0 : i32
    %dma_wait3A_53 = tpu.memref_slice %arg7[%dma_wait3A_52] : memref<416xi32, #tpu.memory_space<vmem>> -> memref<400xi32, #tpu.memory_space<vmem>>
    %dma_wait3A_54 = arith.constant 0 : i32
    %dma_wait3A_55 = arith.constant 0 : i32
    %dma_wait3A_56 = tpu.memref_slice %arg2[%dma_wait3A_54, %dma_wait3A_55] : memref<10000x128xf32, #tpu.memory_space<hbm>> -> memref<10000x128xf32, #tpu.memory_space<hbm>>
    tpu.wait_indirect_dma semaphore(%arg10 : memref<!tpu.dma_semaphore, #tpu.memory_space<semaphore_mem>>) src(%dma_wait3A_56 : memref<10000x128xf32, #tpu.memory_space<hbm>>) dst(%arg9 : memref<400x128xf32, #tpu.memory_space<vmem>>)
    "tpu.region"() ({
      %run_scoped3A = tpu.sem_alloc : memref<!tpu.dma_semaphore, #tpu.memory_space<semaphore_mem>>
      %dma_start3A_551 = arith.constant 0 : i32
      %dma_start3A_552 = tpu.memref_slice %arg5[%add3A_46, %dma_start3A_551] : memref<320000x128xf32, #tpu.memory_space<hbm>> -> memref<400x128xf32, #tpu.memory_space<hbm>>
      %dma_start3A_553 = arith.constant 0 : i32
      %dma_start3A_554 = tpu.memref_slice %arg5[%add3A_46, %dma_start3A_553] : memref<320000x128xf32, #tpu.memory_space<hbm>> -> memref<400x128xf32, #tpu.memory_space<hbm>>
      tpu.enqueue_dma source(%arg9 : memref<400x128xf32, #tpu.memory_space<vmem>>) target(%dma_start3A_554 : memref<400x128xf32, #tpu.memory_space<hbm>>) target_semaphore(%run_scoped3A : memref<!tpu.dma_semaphore, #tpu.memory_space<semaphore_mem>>)
      %dma_wait3A_555 = arith.constant 0 : i32
      %dma_wait3A_556 = tpu.memref_slice %arg5[%add3A_46, %dma_wait3A_555] : memref<320000x128xf32, #tpu.memory_space<hbm>> -> memref<400x128xf32, #tpu.memory_space<hbm>>
      %dma_wait3A_557 = arith.constant 0 : i32
      %dma_wait3A_558 = tpu.memref_slice %arg5[%add3A_46, %dma_wait3A_557] : memref<320000x128xf32, #tpu.memory_space<hbm>> -> memref<400x128xf32, #tpu.memory_space<hbm>>
      tpu.wait_dma2 semaphore(%run_scoped3A : memref<!tpu.dma_semaphore, #tpu.memory_space<semaphore_mem>>) src(%arg9 : memref<400x128xf32, #tpu.memory_space<vmem>>) dst(%dma_wait3A_558 : memref<400x128xf32, #tpu.memory_space<hbm>>)
      tpu.yield
    }) : () -> ()
    %dma_start3A_57 = arith.constant 0 : i32
    %dma_start3A_58 = tpu.memref_slice %arg8[%dma_start3A_57] : memref<416xi32, #tpu.memory_space<vmem>> -> memref<400xi32, #tpu.memory_space<vmem>>
    %dma_start3A_59 = arith.constant 0 : i32
    %dma_start3A_60 = arith.constant 0 : i32
    %dma_start3A_61 = tpu.memref_slice %arg2[%dma_start3A_59, %dma_start3A_60] : memref<10000x128xf32, #tpu.memory_space<hbm>> -> memref<10000x128xf32, #tpu.memory_space<hbm>>
    tpu.enqueue_indirect_dma source(%dma_start3A_61 : memref<10000x128xf32, #tpu.memory_space<hbm>>) target(%arg9 : memref<400x128xf32, #tpu.memory_space<vmem>>) offsets(%dma_start3A_58 : memref<400xi32, #tpu.memory_space<vmem>>) semaphore(%arg10 : memref<!tpu.dma_semaphore, #tpu.memory_space<semaphore_mem>>)
    %dma_wait3A_62 = arith.constant 0 : i32
    %dma_wait3A_63 = tpu.memref_slice %arg8[%dma_wait3A_62] : memref<416xi32, #tpu.memory_space<vmem>> -> memref<400xi32, #tpu.memory_space<vmem>>
    %dma_wait3A_64 = arith.constant 0 : i32
    %dma_wait3A_65 = arith.constant 0 : i32
    %dma_wait3A_66 = tpu.memref_slice %arg2[%dma_wait3A_64, %dma_wait3A_65] : memref<10000x128xf32, #tpu.memory_space<hbm>> -> memref<10000x128xf32, #tpu.memory_space<hbm>>
    tpu.wait_indirect_dma semaphore(%arg10 : memref<!tpu.dma_semaphore, #tpu.memory_space<semaphore_mem>>) src(%dma_wait3A_66 : memref<10000x128xf32, #tpu.memory_space<hbm>>) dst(%arg9 : memref<400x128xf32, #tpu.memory_space<vmem>>)
    "tpu.region"() ({
      %run_scoped3A = tpu.sem_alloc : memref<!tpu.dma_semaphore, #tpu.memory_space<semaphore_mem>>
      %dma_start3A_551 = arith.constant 0 : i32
      %dma_start3A_552 = tpu.memref_slice %arg6[%add3A_46, %dma_start3A_551] : memref<320000x128xf32, #tpu.memory_space<hbm>> -> memref<400x128xf32, #tpu.memory_space<hbm>>
      %dma_start3A_553 = arith.constant 0 : i32
      %dma_start3A_554 = tpu.memref_slice %arg6[%add3A_46, %dma_start3A_553] : memref<320000x128xf32, #tpu.memory_space<hbm>> -> memref<400x128xf32, #tpu.memory_space<hbm>>
      tpu.enqueue_dma source(%arg9 : memref<400x128xf32, #tpu.memory_space<vmem>>) target(%dma_start3A_554 : memref<400x128xf32, #tpu.memory_space<hbm>>) target_semaphore(%run_scoped3A : memref<!tpu.dma_semaphore, #tpu.memory_space<semaphore_mem>>)
      %dma_wait3A_555 = arith.constant 0 : i32
      %dma_wait3A_556 = tpu.memref_slice %arg6[%add3A_46, %dma_wait3A_555] : memref<320000x128xf32, #tpu.memory_space<hbm>> -> memref<400x128xf32, #tpu.memory_space<hbm>>
      %dma_wait3A_557 = arith.constant 0 : i32
      %dma_wait3A_558 = tpu.memref_slice %arg6[%add3A_46, %dma_wait3A_557] : memref<320000x128xf32, #tpu.memory_space<hbm>> -> memref<400x128xf32, #tpu.memory_space<hbm>>
      tpu.wait_dma2 semaphore(%run_scoped3A : memref<!tpu.dma_semaphore, #tpu.memory_space<semaphore_mem>>) src(%arg9 : memref<400x128xf32, #tpu.memory_space<vmem>>) dst(%dma_wait3A_558 : memref<400x128xf32, #tpu.memory_space<hbm>>)
      tpu.yield
    }) : () -> ()
    %add3A_67 = arith.constant 1200 : i32
    %add3A_68 = arith.addi %mul3A_2, %add3A_67 : i32
    "tpu.region"() ({
      %run_scoped3A = tpu.sem_alloc : memref<!tpu.dma_semaphore, #tpu.memory_space<semaphore_mem>>
      %dma_start3A_551 = arith.constant 0 : i32
      %dma_start3A_552 = tpu.memref_slice %arg7[%dma_start3A_551] : memref<416xi32, #tpu.memory_space<vmem>> -> memref<400xi32, #tpu.memory_space<vmem>>
      %dma_start3A_553 = tpu.memref_slice %arg3[%add3A_68] : memref<320000xi32, #tpu.memory_space<hbm>> -> memref<400xi32, #tpu.memory_space<hbm>>
      %dma_start3A_554 = arith.constant 0 : i32
      %dma_start3A_555 = tpu.memref_slice %arg7[%dma_start3A_554] : memref<416xi32, #tpu.memory_space<vmem>> -> memref<400xi32, #tpu.memory_space<vmem>>
      %dma_start3A_556 = tpu.memref_slice %arg3[%add3A_68] : memref<320000xi32, #tpu.memory_space<hbm>> -> memref<400xi32, #tpu.memory_space<hbm>>
      tpu.enqueue_dma source(%dma_start3A_556 : memref<400xi32, #tpu.memory_space<hbm>>) target(%dma_start3A_555 : memref<400xi32, #tpu.memory_space<vmem>>) target_semaphore(%run_scoped3A : memref<!tpu.dma_semaphore, #tpu.memory_space<semaphore_mem>>)
      %dma_wait3A_557 = arith.constant 0 : i32
      %dma_wait3A_558 = tpu.memref_slice %arg7[%dma_wait3A_557] : memref<416xi32, #tpu.memory_space<vmem>> -> memref<400xi32, #tpu.memory_space<vmem>>
      %dma_wait3A_559 = tpu.memref_slice %arg3[%add3A_68] : memref<320000xi32, #tpu.memory_space<hbm>> -> memref<400xi32, #tpu.memory_space<hbm>>
      %dma_wait3A_560 = arith.constant 0 : i32
      %dma_wait3A_561 = tpu.memref_slice %arg7[%dma_wait3A_560] : memref<416xi32, #tpu.memory_space<vmem>> -> memref<400xi32, #tpu.memory_space<vmem>>
      %dma_wait3A_562 = tpu.memref_slice %arg3[%add3A_68] : memref<320000xi32, #tpu.memory_space<hbm>> -> memref<400xi32, #tpu.memory_space<hbm>>
      tpu.wait_dma2 semaphore(%run_scoped3A : memref<!tpu.dma_semaphore, #tpu.memory_space<semaphore_mem>>) src(%dma_wait3A_562 : memref<400xi32, #tpu.memory_space<hbm>>) dst(%dma_wait3A_561 : memref<400xi32, #tpu.memory_space<vmem>>)
      tpu.yield
    }) : () -> ()
    "tpu.region"() ({
      %run_scoped3A = tpu.sem_alloc : memref<!tpu.dma_semaphore, #tpu.memory_space<semaphore_mem>>
      %dma_start3A_551 = arith.constant 0 : i32
      %dma_start3A_552 = tpu.memref_slice %arg8[%dma_start3A_551] : memref<416xi32, #tpu.memory_space<vmem>> -> memref<400xi32, #tpu.memory_space<vmem>>
      %dma_start3A_553 = tpu.memref_slice %arg4[%add3A_68] : memref<320000xi32, #tpu.memory_space<hbm>> -> memref<400xi32, #tpu.memory_space<hbm>>
      %dma_start3A_554 = arith.constant 0 : i32
      %dma_start3A_555 = tpu.memref_slice %arg8[%dma_start3A_554] : memref<416xi32, #tpu.memory_space<vmem>> -> memref<400xi32, #tpu.memory_space<vmem>>
      %dma_start3A_556 = tpu.memref_slice %arg4[%add3A_68] : memref<320000xi32, #tpu.memory_space<hbm>> -> memref<400xi32, #tpu.memory_space<hbm>>
      tpu.enqueue_dma source(%dma_start3A_556 : memref<400xi32, #tpu.memory_space<hbm>>) target(%dma_start3A_555 : memref<400xi32, #tpu.memory_space<vmem>>) target_semaphore(%run_scoped3A : memref<!tpu.dma_semaphore, #tpu.memory_space<semaphore_mem>>)
      %dma_wait3A_557 = arith.constant 0 : i32
      %dma_wait3A_558 = tpu.memref_slice %arg8[%dma_wait3A_557] : memref<416xi32, #tpu.memory_space<vmem>> -> memref<400xi32, #tpu.memory_space<vmem>>
      %dma_wait3A_559 = tpu.memref_slice %arg4[%add3A_68] : memref<320000xi32, #tpu.memory_space<hbm>> -> memref<400xi32, #tpu.memory_space<hbm>>
      %dma_wait3A_560 = arith.constant 0 : i32
      %dma_wait3A_561 = tpu.memref_slice %arg8[%dma_wait3A_560] : memref<416xi32, #tpu.memory_space<vmem>> -> memref<400xi32, #tpu.memory_space<vmem>>
      %dma_wait3A_562 = tpu.memref_slice %arg4[%add3A_68] : memref<320000xi32, #tpu.memory_space<hbm>> -> memref<400xi32, #tpu.memory_space<hbm>>
      tpu.wait_dma2 semaphore(%run_scoped3A : memref<!tpu.dma_semaphore, #tpu.memory_space<semaphore_mem>>) src(%dma_wait3A_562 : memref<400xi32, #tpu.memory_space<hbm>>) dst(%dma_wait3A_561 : memref<400xi32, #tpu.memory_space<vmem>>)
      tpu.yield
    }) : () -> ()
    %dma_start3A_69 = arith.constant 0 : i32
    %dma_start3A_70 = tpu.memref_slice %arg7[%dma_start3A_69] : memref<416xi32, #tpu.memory_space<vmem>> -> memref<400xi32, #tpu.memory_space<vmem>>
    %dma_start3A_71 = arith.constant 0 : i32
    %dma_start3A_72 = arith.constant 0 : i32
    %dma_start3A_73 = tpu.memref_slice %arg2[%dma_start3A_71, %dma_start3A_72] : memref<10000x128xf32, #tpu.memory_space<hbm>> -> memref<10000x128xf32, #tpu.memory_space<hbm>>
    tpu.enqueue_indirect_dma source(%dma_start3A_73 : memref<10000x128xf32, #tpu.memory_space<hbm>>) target(%arg9 : memref<400x128xf32, #tpu.memory_space<vmem>>) offsets(%dma_start3A_70 : memref<400xi32, #tpu.memory_space<vmem>>) semaphore(%arg10 : memref<!tpu.dma_semaphore, #tpu.memory_space<semaphore_mem>>)
    %dma_wait3A_74 = arith.constant 0 : i32
    %dma_wait3A_75 = tpu.memref_slice %arg7[%dma_wait3A_74] : memref<416xi32, #tpu.memory_space<vmem>> -> memref<400xi32, #tpu.memory_space<vmem>>
    %dma_wait3A_76 = arith.constant 0 : i32
    %dma_wait3A_77 = arith.constant 0 : i32
    %dma_wait3A_78 = tpu.memref_slice %arg2[%dma_wait3A_76, %dma_wait3A_77] : memref<10000x128xf32, #tpu.memory_space<hbm>> -> memref<10000x128xf32, #tpu.memory_space<hbm>>
    tpu.wait_indirect_dma semaphore(%arg10 : memref<!tpu.dma_semaphore, #tpu.memory_space<semaphore_mem>>) src(%dma_wait3A_78 : memref<10000x128xf32, #tpu.memory_space<hbm>>) dst(%arg9 : memref<400x128xf32, #tpu.memory_space<vmem>>)
    "tpu.region"() ({
      %run_scoped3A = tpu.sem_alloc : memref<!tpu.dma_semaphore, #tpu.memory_space<semaphore_mem>>
      %dma_start3A_551 = arith.constant 0 : i32
      %dma_start3A_552 = tpu.memref_slice %arg5[%add3A_68, %dma_start3A_551] : memref<320000x128xf32, #tpu.memory_space<hbm>> -> memref<400x128xf32, #tpu.memory_space<hbm>>
      %dma_start3A_553 = arith.constant 0 : i32
      %dma_start3A_554 = tpu.memref_slice %arg5[%add3A_68, %dma_start3A_553] : memref<320000x128xf32, #tpu.memory_space<hbm>> -> memref<400x128xf32, #tpu.memory_space<hbm>>
      tpu.enqueue_dma source(%arg9 : memref<400x128xf32, #tpu.memory_space<vmem>>) target(%dma_start3A_554 : memref<400x128xf32, #tpu.memory_space<hbm>>) target_semaphore(%run_scoped3A : memref<!tpu.dma_semaphore, #tpu.memory_space<semaphore_mem>>)
      %dma_wait3A_555 = arith.constant 0 : i32
      %dma_wait3A_556 = tpu.memref_slice %arg5[%add3A_68, %dma_wait3A_555] : memref<320000x128xf32, #tpu.memory_space<hbm>> -> memref<400x128xf32, #tpu.memory_space<hbm>>
      %dma_wait3A_557 = arith.constant 0 : i32
      %dma_wait3A_558 = tpu.memref_slice %arg5[%add3A_68, %dma_wait3A_557] : memref<320000x128xf32, #tpu.memory_space<hbm>> -> memref<400x128xf32, #tpu.memory_space<hbm>>
      tpu.wait_dma2 semaphore(%run_scoped3A : memref<!tpu.dma_semaphore, #tpu.memory_space<semaphore_mem>>) src(%arg9 : memref<400x128xf32, #tpu.memory_space<vmem>>) dst(%dma_wait3A_558 : memref<400x128xf32, #tpu.memory_space<hbm>>)
      tpu.yield
    }) : () -> ()
    %dma_start3A_79 = arith.constant 0 : i32
    %dma_start3A_80 = tpu.memref_slice %arg8[%dma_start3A_79] : memref<416xi32, #tpu.memory_space<vmem>> -> memref<400xi32, #tpu.memory_space<vmem>>
    %dma_start3A_81 = arith.constant 0 : i32
    %dma_start3A_82 = arith.constant 0 : i32
    %dma_start3A_83 = tpu.memref_slice %arg2[%dma_start3A_81, %dma_start3A_82] : memref<10000x128xf32, #tpu.memory_space<hbm>> -> memref<10000x128xf32, #tpu.memory_space<hbm>>
    tpu.enqueue_indirect_dma source(%dma_start3A_83 : memref<10000x128xf32, #tpu.memory_space<hbm>>) target(%arg9 : memref<400x128xf32, #tpu.memory_space<vmem>>) offsets(%dma_start3A_80 : memref<400xi32, #tpu.memory_space<vmem>>) semaphore(%arg10 : memref<!tpu.dma_semaphore, #tpu.memory_space<semaphore_mem>>)
    %dma_wait3A_84 = arith.constant 0 : i32
    %dma_wait3A_85 = tpu.memref_slice %arg8[%dma_wait3A_84] : memref<416xi32, #tpu.memory_space<vmem>> -> memref<400xi32, #tpu.memory_space<vmem>>
    %dma_wait3A_86 = arith.constant 0 : i32
    %dma_wait3A_87 = arith.constant 0 : i32
    %dma_wait3A_88 = tpu.memref_slice %arg2[%dma_wait3A_86, %dma_wait3A_87] : memref<10000x128xf32, #tpu.memory_space<hbm>> -> memref<10000x128xf32, #tpu.memory_space<hbm>>
    tpu.wait_indirect_dma semaphore(%arg10 : memref<!tpu.dma_semaphore, #tpu.memory_space<semaphore_mem>>) src(%dma_wait3A_88 : memref<10000x128xf32, #tpu.memory_space<hbm>>) dst(%arg9 : memref<400x128xf32, #tpu.memory_space<vmem>>)
    "tpu.region"() ({
      %run_scoped3A = tpu.sem_alloc : memref<!tpu.dma_semaphore, #tpu.memory_space<semaphore_mem>>
      %dma_start3A_551 = arith.constant 0 : i32
      %dma_start3A_552 = tpu.memref_slice %arg6[%add3A_68, %dma_start3A_551] : memref<320000x128xf32, #tpu.memory_space<hbm>> -> memref<400x128xf32, #tpu.memory_space<hbm>>
      %dma_start3A_553 = arith.constant 0 : i32
      %dma_start3A_554 = tpu.memref_slice %arg6[%add3A_68, %dma_start3A_553] : memref<320000x128xf32, #tpu.memory_space<hbm>> -> memref<400x128xf32, #tpu.memory_space<hbm>>
      tpu.enqueue_dma source(%arg9 : memref<400x128xf32, #tpu.memory_space<vmem>>) target(%dma_start3A_554 : memref<400x128xf32, #tpu.memory_space<hbm>>) target_semaphore(%run_scoped3A : memref<!tpu.dma_semaphore, #tpu.memory_space<semaphore_mem>>)
      %dma_wait3A_555 = arith.constant 0 : i32
      %dma_wait3A_556 = tpu.memref_slice %arg6[%add3A_68, %dma_wait3A_555] : memref<320000x128xf32, #tpu.memory_space<hbm>> -> memref<400x128xf32, #tpu.memory_space<hbm>>
      %dma_wait3A_557 = arith.constant 0 : i32
      %dma_wait3A_558 = tpu.memref_slice %arg6[%add3A_68, %dma_wait3A_557] : memref<320000x128xf32, #tpu.memory_space<hbm>> -> memref<400x128xf32, #tpu.memory_space<hbm>>
      tpu.wait_dma2 semaphore(%run_scoped3A : memref<!tpu.dma_semaphore, #tpu.memory_space<semaphore_mem>>) src(%arg9 : memref<400x128xf32, #tpu.memory_space<vmem>>) dst(%dma_wait3A_558 : memref<400x128xf32, #tpu.memory_space<hbm>>)
      tpu.yield
    }) : () -> ()
    %add3A_89 = arith.constant 1600 : i32
    %add3A_90 = arith.addi %mul3A_2, %add3A_89 : i32
    "tpu.region"() ({
      %run_scoped3A = tpu.sem_alloc : memref<!tpu.dma_semaphore, #tpu.memory_space<semaphore_mem>>
      %dma_start3A_551 = arith.constant 0 : i32
      %dma_start3A_552 = tpu.memref_slice %arg7[%dma_start3A_551] : memref<416xi32, #tpu.memory_space<vmem>> -> memref<400xi32, #tpu.memory_space<vmem>>
      %dma_start3A_553 = tpu.memref_slice %arg3[%add3A_90] : memref<320000xi32, #tpu.memory_space<hbm>> -> memref<400xi32, #tpu.memory_space<hbm>>
      %dma_start3A_554 = arith.constant 0 : i32
      %dma_start3A_555 = tpu.memref_slice %arg7[%dma_start3A_554] : memref<416xi32, #tpu.memory_space<vmem>> -> memref<400xi32, #tpu.memory_space<vmem>>
      %dma_start3A_556 = tpu.memref_slice %arg3[%add3A_90] : memref<320000xi32, #tpu.memory_space<hbm>> -> memref<400xi32, #tpu.memory_space<hbm>>
      tpu.enqueue_dma source(%dma_start3A_556 : memref<400xi32, #tpu.memory_space<hbm>>) target(%dma_start3A_555 : memref<400xi32, #tpu.memory_space<vmem>>) target_semaphore(%run_scoped3A : memref<!tpu.dma_semaphore, #tpu.memory_space<semaphore_mem>>)
      %dma_wait3A_557 = arith.constant 0 : i32
      %dma_wait3A_558 = tpu.memref_slice %arg7[%dma_wait3A_557] : memref<416xi32, #tpu.memory_space<vmem>> -> memref<400xi32, #tpu.memory_space<vmem>>
      %dma_wait3A_559 = tpu.memref_slice %arg3[%add3A_90] : memref<320000xi32, #tpu.memory_space<hbm>> -> memref<400xi32, #tpu.memory_space<hbm>>
      %dma_wait3A_560 = arith.constant 0 : i32
      %dma_wait3A_561 = tpu.memref_slice %arg7[%dma_wait3A_560] : memref<416xi32, #tpu.memory_space<vmem>> -> memref<400xi32, #tpu.memory_space<vmem>>
      %dma_wait3A_562 = tpu.memref_slice %arg3[%add3A_90] : memref<320000xi32, #tpu.memory_space<hbm>> -> memref<400xi32, #tpu.memory_space<hbm>>
      tpu.wait_dma2 semaphore(%run_scoped3A : memref<!tpu.dma_semaphore, #tpu.memory_space<semaphore_mem>>) src(%dma_wait3A_562 : memref<400xi32, #tpu.memory_space<hbm>>) dst(%dma_wait3A_561 : memref<400xi32, #tpu.memory_space<vmem>>)
      tpu.yield
    }) : () -> ()
    "tpu.region"() ({
      %run_scoped3A = tpu.sem_alloc : memref<!tpu.dma_semaphore, #tpu.memory_space<semaphore_mem>>
      %dma_start3A_551 = arith.constant 0 : i32
      %dma_start3A_552 = tpu.memref_slice %arg8[%dma_start3A_551] : memref<416xi32, #tpu.memory_space<vmem>> -> memref<400xi32, #tpu.memory_space<vmem>>
      %dma_start3A_553 = tpu.memref_slice %arg4[%add3A_90] : memref<320000xi32, #tpu.memory_space<hbm>> -> memref<400xi32, #tpu.memory_space<hbm>>
      %dma_start3A_554 = arith.constant 0 : i32
      %dma_start3A_555 = tpu.memref_slice %arg8[%dma_start3A_554] : memref<416xi32, #tpu.memory_space<vmem>> -> memref<400xi32, #tpu.memory_space<vmem>>
      %dma_start3A_556 = tpu.memref_slice %arg4[%add3A_90] : memref<320000xi32, #tpu.memory_space<hbm>> -> memref<400xi32, #tpu.memory_space<hbm>>
      tpu.enqueue_dma source(%dma_start3A_556 : memref<400xi32, #tpu.memory_space<hbm>>) target(%dma_start3A_555 : memref<400xi32, #tpu.memory_space<vmem>>) target_semaphore(%run_scoped3A : memref<!tpu.dma_semaphore, #tpu.memory_space<semaphore_mem>>)
      %dma_wait3A_557 = arith.constant 0 : i32
      %dma_wait3A_558 = tpu.memref_slice %arg8[%dma_wait3A_557] : memref<416xi32, #tpu.memory_space<vmem>> -> memref<400xi32, #tpu.memory_space<vmem>>
      %dma_wait3A_559 = tpu.memref_slice %arg4[%add3A_90] : memref<320000xi32, #tpu.memory_space<hbm>> -> memref<400xi32, #tpu.memory_space<hbm>>
      %dma_wait3A_560 = arith.constant 0 : i32
      %dma_wait3A_561 = tpu.memref_slice %arg8[%dma_wait3A_560] : memref<416xi32, #tpu.memory_space<vmem>> -> memref<400xi32, #tpu.memory_space<vmem>>
      %dma_wait3A_562 = tpu.memref_slice %arg4[%add3A_90] : memref<320000xi32, #tpu.memory_space<hbm>> -> memref<400xi32, #tpu.memory_space<hbm>>
      tpu.wait_dma2 semaphore(%run_scoped3A : memref<!tpu.dma_semaphore, #tpu.memory_space<semaphore_mem>>) src(%dma_wait3A_562 : memref<400xi32, #tpu.memory_space<hbm>>) dst(%dma_wait3A_561 : memref<400xi32, #tpu.memory_space<vmem>>)
      tpu.yield
    }) : () -> ()
    %dma_start3A_91 = arith.constant 0 : i32
    %dma_start3A_92 = tpu.memref_slice %arg7[%dma_start3A_91] : memref<416xi32, #tpu.memory_space<vmem>> -> memref<400xi32, #tpu.memory_space<vmem>>
    %dma_start3A_93 = arith.constant 0 : i32
    %dma_start3A_94 = arith.constant 0 : i32
    %dma_start3A_95 = tpu.memref_slice %arg2[%dma_start3A_93, %dma_start3A_94] : memref<10000x128xf32, #tpu.memory_space<hbm>> -> memref<10000x128xf32, #tpu.memory_space<hbm>>
    tpu.enqueue_indirect_dma source(%dma_start3A_95 : memref<10000x128xf32, #tpu.memory_space<hbm>>) target(%arg9 : memref<400x128xf32, #tpu.memory_space<vmem>>) offsets(%dma_start3A_92 : memref<400xi32, #tpu.memory_space<vmem>>) semaphore(%arg10 : memref<!tpu.dma_semaphore, #tpu.memory_space<semaphore_mem>>)
    %dma_wait3A_96 = arith.constant 0 : i32
    %dma_wait3A_97 = tpu.memref_slice %arg7[%dma_wait3A_96] : memref<416xi32, #tpu.memory_space<vmem>> -> memref<400xi32, #tpu.memory_space<vmem>>
    %dma_wait3A_98 = arith.constant 0 : i32
    %dma_wait3A_99 = arith.constant 0 : i32
    %dma_wait3A_100 = tpu.memref_slice %arg2[%dma_wait3A_98, %dma_wait3A_99] : memref<10000x128xf32, #tpu.memory_space<hbm>> -> memref<10000x128xf32, #tpu.memory_space<hbm>>
    tpu.wait_indirect_dma semaphore(%arg10 : memref<!tpu.dma_semaphore, #tpu.memory_space<semaphore_mem>>) src(%dma_wait3A_100 : memref<10000x128xf32, #tpu.memory_space<hbm>>) dst(%arg9 : memref<400x128xf32, #tpu.memory_space<vmem>>)
    "tpu.region"() ({
      %run_scoped3A = tpu.sem_alloc : memref<!tpu.dma_semaphore, #tpu.memory_space<semaphore_mem>>
      %dma_start3A_551 = arith.constant 0 : i32
      %dma_start3A_552 = tpu.memref_slice %arg5[%add3A_90, %dma_start3A_551] : memref<320000x128xf32, #tpu.memory_space<hbm>> -> memref<400x128xf32, #tpu.memory_space<hbm>>
      %dma_start3A_553 = arith.constant 0 : i32
      %dma_start3A_554 = tpu.memref_slice %arg5[%add3A_90, %dma_start3A_553] : memref<320000x128xf32, #tpu.memory_space<hbm>> -> memref<400x128xf32, #tpu.memory_space<hbm>>
      tpu.enqueue_dma source(%arg9 : memref<400x128xf32, #tpu.memory_space<vmem>>) target(%dma_start3A_554 : memref<400x128xf32, #tpu.memory_space<hbm>>) target_semaphore(%run_scoped3A : memref<!tpu.dma_semaphore, #tpu.memory_space<semaphore_mem>>)
      %dma_wait3A_555 = arith.constant 0 : i32
      %dma_wait3A_556 = tpu.memref_slice %arg5[%add3A_90, %dma_wait3A_555] : memref<320000x128xf32, #tpu.memory_space<hbm>> -> memref<400x128xf32, #tpu.memory_space<hbm>>
      %dma_wait3A_557 = arith.constant 0 : i32
      %dma_wait3A_558 = tpu.memref_slice %arg5[%add3A_90, %dma_wait3A_557] : memref<320000x128xf32, #tpu.memory_space<hbm>> -> memref<400x128xf32, #tpu.memory_space<hbm>>
      tpu.wait_dma2 semaphore(%run_scoped3A : memref<!tpu.dma_semaphore, #tpu.memory_space<semaphore_mem>>) src(%arg9 : memref<400x128xf32, #tpu.memory_space<vmem>>) dst(%dma_wait3A_558 : memref<400x128xf32, #tpu.memory_space<hbm>>)
      tpu.yield
    }) : () -> ()
    %dma_start3A_101 = arith.constant 0 : i32
    %dma_start3A_102 = tpu.memref_slice %arg8[%dma_start3A_101] : memref<416xi32, #tpu.memory_space<vmem>> -> memref<400xi32, #tpu.memory_space<vmem>>
    %dma_start3A_103 = arith.constant 0 : i32
    %dma_start3A_104 = arith.constant 0 : i32
    %dma_start3A_105 = tpu.memref_slice %arg2[%dma_start3A_103, %dma_start3A_104] : memref<10000x128xf32, #tpu.memory_space<hbm>> -> memref<10000x128xf32, #tpu.memory_space<hbm>>
    tpu.enqueue_indirect_dma source(%dma_start3A_105 : memref<10000x128xf32, #tpu.memory_space<hbm>>) target(%arg9 : memref<400x128xf32, #tpu.memory_space<vmem>>) offsets(%dma_start3A_102 : memref<400xi32, #tpu.memory_space<vmem>>) semaphore(%arg10 : memref<!tpu.dma_semaphore, #tpu.memory_space<semaphore_mem>>)
    %dma_wait3A_106 = arith.constant 0 : i32
    %dma_wait3A_107 = tpu.memref_slice %arg8[%dma_wait3A_106] : memref<416xi32, #tpu.memory_space<vmem>> -> memref<400xi32, #tpu.memory_space<vmem>>
    %dma_wait3A_108 = arith.constant 0 : i32
    %dma_wait3A_109 = arith.constant 0 : i32
    %dma_wait3A_110 = tpu.memref_slice %arg2[%dma_wait3A_108, %dma_wait3A_109] : memref<10000x128xf32, #tpu.memory_space<hbm>> -> memref<10000x128xf32, #tpu.memory_space<hbm>>
    tpu.wait_indirect_dma semaphore(%arg10 : memref<!tpu.dma_semaphore, #tpu.memory_space<semaphore_mem>>) src(%dma_wait3A_110 : memref<10000x128xf32, #tpu.memory_space<hbm>>) dst(%arg9 : memref<400x128xf32, #tpu.memory_space<vmem>>)
    "tpu.region"() ({
      %run_scoped3A = tpu.sem_alloc : memref<!tpu.dma_semaphore, #tpu.memory_space<semaphore_mem>>
      %dma_start3A_551 = arith.constant 0 : i32
      %dma_start3A_552 = tpu.memref_slice %arg6[%add3A_90, %dma_start3A_551] : memref<320000x128xf32, #tpu.memory_space<hbm>> -> memref<400x128xf32, #tpu.memory_space<hbm>>
      %dma_start3A_553 = arith.constant 0 : i32
      %dma_start3A_554 = tpu.memref_slice %arg6[%add3A_90, %dma_start3A_553] : memref<320000x128xf32, #tpu.memory_space<hbm>> -> memref<400x128xf32, #tpu.memory_space<hbm>>
      tpu.enqueue_dma source(%arg9 : memref<400x128xf32, #tpu.memory_space<vmem>>) target(%dma_start3A_554 : memref<400x128xf32, #tpu.memory_space<hbm>>) target_semaphore(%run_scoped3A : memref<!tpu.dma_semaphore, #tpu.memory_space<semaphore_mem>>)
      %dma_wait3A_555 = arith.constant 0 : i32
      %dma_wait3A_556 = tpu.memref_slice %arg6[%add3A_90, %dma_wait3A_555] : memref<320000x128xf32, #tpu.memory_space<hbm>> -> memref<400x128xf32, #tpu.memory_space<hbm>>
      %dma_wait3A_557 = arith.constant 0 : i32
      %dma_wait3A_558 = tpu.memref_slice %arg6[%add3A_90, %dma_wait3A_557] : memref<320000x128xf32, #tpu.memory_space<hbm>> -> memref<400x128xf32, #tpu.memory_space<hbm>>
      tpu.wait_dma2 semaphore(%run_scoped3A : memref<!tpu.dma_semaphore, #tpu.memory_space<semaphore_mem>>) src(%arg9 : memref<400x128xf32, #tpu.memory_space<vmem>>) dst(%dma_wait3A_558 : memref<400x128xf32, #tpu.memory_space<hbm>>)
      tpu.yield
    }) : () -> ()
    %add3A_111 = arith.constant 2000 : i32
    %add3A_112 = arith.addi %mul3A_2, %add3A_111 : i32
    "tpu.region"() ({
      %run_scoped3A = tpu.sem_alloc : memref<!tpu.dma_semaphore, #tpu.memory_space<semaphore_mem>>
      %dma_start3A_551 = arith.constant 0 : i32
      %dma_start3A_552 = tpu.memref_slice %arg7[%dma_start3A_551] : memref<416xi32, #tpu.memory_space<vmem>> -> memref<400xi32, #tpu.memory_space<vmem>>
      %dma_start3A_553 = tpu.memref_slice %arg3[%add3A_112] : memref<320000xi32, #tpu.memory_space<hbm>> -> memref<400xi32, #tpu.memory_space<hbm>>
      %dma_start3A_554 = arith.constant 0 : i32
      %dma_start3A_555 = tpu.memref_slice %arg7[%dma_start3A_554] : memref<416xi32, #tpu.memory_space<vmem>> -> memref<400xi32, #tpu.memory_space<vmem>>
      %dma_start3A_556 = tpu.memref_slice %arg3[%add3A_112] : memref<320000xi32, #tpu.memory_space<hbm>> -> memref<400xi32, #tpu.memory_space<hbm>>
      tpu.enqueue_dma source(%dma_start3A_556 : memref<400xi32, #tpu.memory_space<hbm>>) target(%dma_start3A_555 : memref<400xi32, #tpu.memory_space<vmem>>) target_semaphore(%run_scoped3A : memref<!tpu.dma_semaphore, #tpu.memory_space<semaphore_mem>>)
      %dma_wait3A_557 = arith.constant 0 : i32
      %dma_wait3A_558 = tpu.memref_slice %arg7[%dma_wait3A_557] : memref<416xi32, #tpu.memory_space<vmem>> -> memref<400xi32, #tpu.memory_space<vmem>>
      %dma_wait3A_559 = tpu.memref_slice %arg3[%add3A_112] : memref<320000xi32, #tpu.memory_space<hbm>> -> memref<400xi32, #tpu.memory_space<hbm>>
      %dma_wait3A_560 = arith.constant 0 : i32
      %dma_wait3A_561 = tpu.memref_slice %arg7[%dma_wait3A_560] : memref<416xi32, #tpu.memory_space<vmem>> -> memref<400xi32, #tpu.memory_space<vmem>>
      %dma_wait3A_562 = tpu.memref_slice %arg3[%add3A_112] : memref<320000xi32, #tpu.memory_space<hbm>> -> memref<400xi32, #tpu.memory_space<hbm>>
      tpu.wait_dma2 semaphore(%run_scoped3A : memref<!tpu.dma_semaphore, #tpu.memory_space<semaphore_mem>>) src(%dma_wait3A_562 : memref<400xi32, #tpu.memory_space<hbm>>) dst(%dma_wait3A_561 : memref<400xi32, #tpu.memory_space<vmem>>)
      tpu.yield
    }) : () -> ()
    "tpu.region"() ({
      %run_scoped3A = tpu.sem_alloc : memref<!tpu.dma_semaphore, #tpu.memory_space<semaphore_mem>>
      %dma_start3A_551 = arith.constant 0 : i32
      %dma_start3A_552 = tpu.memref_slice %arg8[%dma_start3A_551] : memref<416xi32, #tpu.memory_space<vmem>> -> memref<400xi32, #tpu.memory_space<vmem>>
      %dma_start3A_553 = tpu.memref_slice %arg4[%add3A_112] : memref<320000xi32, #tpu.memory_space<hbm>> -> memref<400xi32, #tpu.memory_space<hbm>>
      %dma_start3A_554 = arith.constant 0 : i32
      %dma_start3A_555 = tpu.memref_slice %arg8[%dma_start3A_554] : memref<416xi32, #tpu.memory_space<vmem>> -> memref<400xi32, #tpu.memory_space<vmem>>
      %dma_start3A_556 = tpu.memref_slice %arg4[%add3A_112] : memref<320000xi32, #tpu.memory_space<hbm>> -> memref<400xi32, #tpu.memory_space<hbm>>
      tpu.enqueue_dma source(%dma_start3A_556 : memref<400xi32, #tpu.memory_space<hbm>>) target(%dma_start3A_555 : memref<400xi32, #tpu.memory_space<vmem>>) target_semaphore(%run_scoped3A : memref<!tpu.dma_semaphore, #tpu.memory_space<semaphore_mem>>)
      %dma_wait3A_557 = arith.constant 0 : i32
      %dma_wait3A_558 = tpu.memref_slice %arg8[%dma_wait3A_557] : memref<416xi32, #tpu.memory_space<vmem>> -> memref<400xi32, #tpu.memory_space<vmem>>
      %dma_wait3A_559 = tpu.memref_slice %arg4[%add3A_112] : memref<320000xi32, #tpu.memory_space<hbm>> -> memref<400xi32, #tpu.memory_space<hbm>>
      %dma_wait3A_560 = arith.constant 0 : i32
      %dma_wait3A_561 = tpu.memref_slice %arg8[%dma_wait3A_560] : memref<416xi32, #tpu.memory_space<vmem>> -> memref<400xi32, #tpu.memory_space<vmem>>
      %dma_wait3A_562 = tpu.memref_slice %arg4[%add3A_112] : memref<320000xi32, #tpu.memory_space<hbm>> -> memref<400xi32, #tpu.memory_space<hbm>>
      tpu.wait_dma2 semaphore(%run_scoped3A : memref<!tpu.dma_semaphore, #tpu.memory_space<semaphore_mem>>) src(%dma_wait3A_562 : memref<400xi32, #tpu.memory_space<hbm>>) dst(%dma_wait3A_561 : memref<400xi32, #tpu.memory_space<vmem>>)
      tpu.yield
    }) : () -> ()
    %dma_start3A_113 = arith.constant 0 : i32
    %dma_start3A_114 = tpu.memref_slice %arg7[%dma_start3A_113] : memref<416xi32, #tpu.memory_space<vmem>> -> memref<400xi32, #tpu.memory_space<vmem>>
    %dma_start3A_115 = arith.constant 0 : i32
    %dma_start3A_116 = arith.constant 0 : i32
    %dma_start3A_117 = tpu.memref_slice %arg2[%dma_start3A_115, %dma_start3A_116] : memref<10000x128xf32, #tpu.memory_space<hbm>> -> memref<10000x128xf32, #tpu.memory_space<hbm>>
    tpu.enqueue_indirect_dma source(%dma_start3A_117 : memref<10000x128xf32, #tpu.memory_space<hbm>>) target(%arg9 : memref<400x128xf32, #tpu.memory_space<vmem>>) offsets(%dma_start3A_114 : memref<400xi32, #tpu.memory_space<vmem>>) semaphore(%arg10 : memref<!tpu.dma_semaphore, #tpu.memory_space<semaphore_mem>>)
    %dma_wait3A_118 = arith.constant 0 : i32
    %dma_wait3A_119 = tpu.memref_slice %arg7[%dma_wait3A_118] : memref<416xi32, #tpu.memory_space<vmem>> -> memref<400xi32, #tpu.memory_space<vmem>>
    %dma_wait3A_120 = arith.constant 0 : i32
    %dma_wait3A_121 = arith.constant 0 : i32
    %dma_wait3A_122 = tpu.memref_slice %arg2[%dma_wait3A_120, %dma_wait3A_121] : memref<10000x128xf32, #tpu.memory_space<hbm>> -> memref<10000x128xf32, #tpu.memory_space<hbm>>
    tpu.wait_indirect_dma semaphore(%arg10 : memref<!tpu.dma_semaphore, #tpu.memory_space<semaphore_mem>>) src(%dma_wait3A_122 : memref<10000x128xf32, #tpu.memory_space<hbm>>) dst(%arg9 : memref<400x128xf32, #tpu.memory_space<vmem>>)
    "tpu.region"() ({
      %run_scoped3A = tpu.sem_alloc : memref<!tpu.dma_semaphore, #tpu.memory_space<semaphore_mem>>
      %dma_start3A_551 = arith.constant 0 : i32
      %dma_start3A_552 = tpu.memref_slice %arg5[%add3A_112, %dma_start3A_551] : memref<320000x128xf32, #tpu.memory_space<hbm>> -> memref<400x128xf32, #tpu.memory_space<hbm>>
      %dma_start3A_553 = arith.constant 0 : i32
      %dma_start3A_554 = tpu.memref_slice %arg5[%add3A_112, %dma_start3A_553] : memref<320000x128xf32, #tpu.memory_space<hbm>> -> memref<400x128xf32, #tpu.memory_space<hbm>>
      tpu.enqueue_dma source(%arg9 : memref<400x128xf32, #tpu.memory_space<vmem>>) target(%dma_start3A_554 : memref<400x128xf32, #tpu.memory_space<hbm>>) target_semaphore(%run_scoped3A : memref<!tpu.dma_semaphore, #tpu.memory_space<semaphore_mem>>)
      %dma_wait3A_555 = arith.constant 0 : i32
      %dma_wait3A_556 = tpu.memref_slice %arg5[%add3A_112, %dma_wait3A_555] : memref<320000x128xf32, #tpu.memory_space<hbm>> -> memref<400x128xf32, #tpu.memory_space<hbm>>
      %dma_wait3A_557 = arith.constant 0 : i32
      %dma_wait3A_558 = tpu.memref_slice %arg5[%add3A_112, %dma_wait3A_557] : memref<320000x128xf32, #tpu.memory_space<hbm>> -> memref<400x128xf32, #tpu.memory_space<hbm>>
      tpu.wait_dma2 semaphore(%run_scoped3A : memref<!tpu.dma_semaphore, #tpu.memory_space<semaphore_mem>>) src(%arg9 : memref<400x128xf32, #tpu.memory_space<vmem>>) dst(%dma_wait3A_558 : memref<400x128xf32, #tpu.memory_space<hbm>>)
      tpu.yield
    }) : () -> ()
    %dma_start3A_123 = arith.constant 0 : i32
    %dma_start3A_124 = tpu.memref_slice %arg8[%dma_start3A_123] : memref<416xi32, #tpu.memory_space<vmem>> -> memref<400xi32, #tpu.memory_space<vmem>>
    %dma_start3A_125 = arith.constant 0 : i32
    %dma_start3A_126 = arith.constant 0 : i32
    %dma_start3A_127 = tpu.memref_slice %arg2[%dma_start3A_125, %dma_start3A_126] : memref<10000x128xf32, #tpu.memory_space<hbm>> -> memref<10000x128xf32, #tpu.memory_space<hbm>>
    tpu.enqueue_indirect_dma source(%dma_start3A_127 : memref<10000x128xf32, #tpu.memory_space<hbm>>) target(%arg9 : memref<400x128xf32, #tpu.memory_space<vmem>>) offsets(%dma_start3A_124 : memref<400xi32, #tpu.memory_space<vmem>>) semaphore(%arg10 : memref<!tpu.dma_semaphore, #tpu.memory_space<semaphore_mem>>)
    %dma_wait3A_128 = arith.constant 0 : i32
    %dma_wait3A_129 = tpu.memref_slice %arg8[%dma_wait3A_128] : memref<416xi32, #tpu.memory_space<vmem>> -> memref<400xi32, #tpu.memory_space<vmem>>
    %dma_wait3A_130 = arith.constant 0 : i32
    %dma_wait3A_131 = arith.constant 0 : i32
    %dma_wait3A_132 = tpu.memref_slice %arg2[%dma_wait3A_130, %dma_wait3A_131] : memref<10000x128xf32, #tpu.memory_space<hbm>> -> memref<10000x128xf32, #tpu.memory_space<hbm>>
    tpu.wait_indirect_dma semaphore(%arg10 : memref<!tpu.dma_semaphore, #tpu.memory_space<semaphore_mem>>) src(%dma_wait3A_132 : memref<10000x128xf32, #tpu.memory_space<hbm>>) dst(%arg9 : memref<400x128xf32, #tpu.memory_space<vmem>>)
    "tpu.region"() ({
      %run_scoped3A = tpu.sem_alloc : memref<!tpu.dma_semaphore, #tpu.memory_space<semaphore_mem>>
      %dma_start3A_551 = arith.constant 0 : i32
      %dma_start3A_552 = tpu.memref_slice %arg6[%add3A_112, %dma_start3A_551] : memref<320000x128xf32, #tpu.memory_space<hbm>> -> memref<400x128xf32, #tpu.memory_space<hbm>>
      %dma_start3A_553 = arith.constant 0 : i32
      %dma_start3A_554 = tpu.memref_slice %arg6[%add3A_112, %dma_start3A_553] : memref<320000x128xf32, #tpu.memory_space<hbm>> -> memref<400x128xf32, #tpu.memory_space<hbm>>
      tpu.enqueue_dma source(%arg9 : memref<400x128xf32, #tpu.memory_space<vmem>>) target(%dma_start3A_554 : memref<400x128xf32, #tpu.memory_space<hbm>>) target_semaphore(%run_scoped3A : memref<!tpu.dma_semaphore, #tpu.memory_space<semaphore_mem>>)
      %dma_wait3A_555 = arith.constant 0 : i32
      %dma_wait3A_556 = tpu.memref_slice %arg6[%add3A_112, %dma_wait3A_555] : memref<320000x128xf32, #tpu.memory_space<hbm>> -> memref<400x128xf32, #tpu.memory_space<hbm>>
      %dma_wait3A_557 = arith.constant 0 : i32
      %dma_wait3A_558 = tpu.memref_slice %arg6[%add3A_112, %dma_wait3A_557] : memref<320000x128xf32, #tpu.memory_space<hbm>> -> memref<400x128xf32, #tpu.memory_space<hbm>>
      tpu.wait_dma2 semaphore(%run_scoped3A : memref<!tpu.dma_semaphore, #tpu.memory_space<semaphore_mem>>) src(%arg9 : memref<400x128xf32, #tpu.memory_space<vmem>>) dst(%dma_wait3A_558 : memref<400x128xf32, #tpu.memory_space<hbm>>)
      tpu.yield
    }) : () -> ()
    %add3A_133 = arith.constant 2400 : i32
    %add3A_134 = arith.addi %mul3A_2, %add3A_133 : i32
    "tpu.region"() ({
      %run_scoped3A = tpu.sem_alloc : memref<!tpu.dma_semaphore, #tpu.memory_space<semaphore_mem>>
      %dma_start3A_551 = arith.constant 0 : i32
      %dma_start3A_552 = tpu.memref_slice %arg7[%dma_start3A_551] : memref<416xi32, #tpu.memory_space<vmem>> -> memref<400xi32, #tpu.memory_space<vmem>>
      %dma_start3A_553 = tpu.memref_slice %arg3[%add3A_134] : memref<320000xi32, #tpu.memory_space<hbm>> -> memref<400xi32, #tpu.memory_space<hbm>>
      %dma_start3A_554 = arith.constant 0 : i32
      %dma_start3A_555 = tpu.memref_slice %arg7[%dma_start3A_554] : memref<416xi32, #tpu.memory_space<vmem>> -> memref<400xi32, #tpu.memory_space<vmem>>
      %dma_start3A_556 = tpu.memref_slice %arg3[%add3A_134] : memref<320000xi32, #tpu.memory_space<hbm>> -> memref<400xi32, #tpu.memory_space<hbm>>
      tpu.enqueue_dma source(%dma_start3A_556 : memref<400xi32, #tpu.memory_space<hbm>>) target(%dma_start3A_555 : memref<400xi32, #tpu.memory_space<vmem>>) target_semaphore(%run_scoped3A : memref<!tpu.dma_semaphore, #tpu.memory_space<semaphore_mem>>)
      %dma_wait3A_557 = arith.constant 0 : i32
      %dma_wait3A_558 = tpu.memref_slice %arg7[%dma_wait3A_557] : memref<416xi32, #tpu.memory_space<vmem>> -> memref<400xi32, #tpu.memory_space<vmem>>
      %dma_wait3A_559 = tpu.memref_slice %arg3[%add3A_134] : memref<320000xi32, #tpu.memory_space<hbm>> -> memref<400xi32, #tpu.memory_space<hbm>>
      %dma_wait3A_560 = arith.constant 0 : i32
      %dma_wait3A_561 = tpu.memref_slice %arg7[%dma_wait3A_560] : memref<416xi32, #tpu.memory_space<vmem>> -> memref<400xi32, #tpu.memory_space<vmem>>
      %dma_wait3A_562 = tpu.memref_slice %arg3[%add3A_134] : memref<320000xi32, #tpu.memory_space<hbm>> -> memref<400xi32, #tpu.memory_space<hbm>>
      tpu.wait_dma2 semaphore(%run_scoped3A : memref<!tpu.dma_semaphore, #tpu.memory_space<semaphore_mem>>) src(%dma_wait3A_562 : memref<400xi32, #tpu.memory_space<hbm>>) dst(%dma_wait3A_561 : memref<400xi32, #tpu.memory_space<vmem>>)
      tpu.yield
    }) : () -> ()
    "tpu.region"() ({
      %run_scoped3A = tpu.sem_alloc : memref<!tpu.dma_semaphore, #tpu.memory_space<semaphore_mem>>
      %dma_start3A_551 = arith.constant 0 : i32
      %dma_start3A_552 = tpu.memref_slice %arg8[%dma_start3A_551] : memref<416xi32, #tpu.memory_space<vmem>> -> memref<400xi32, #tpu.memory_space<vmem>>
      %dma_start3A_553 = tpu.memref_slice %arg4[%add3A_134] : memref<320000xi32, #tpu.memory_space<hbm>> -> memref<400xi32, #tpu.memory_space<hbm>>
      %dma_start3A_554 = arith.constant 0 : i32
      %dma_start3A_555 = tpu.memref_slice %arg8[%dma_start3A_554] : memref<416xi32, #tpu.memory_space<vmem>> -> memref<400xi32, #tpu.memory_space<vmem>>
      %dma_start3A_556 = tpu.memref_slice %arg4[%add3A_134] : memref<320000xi32, #tpu.memory_space<hbm>> -> memref<400xi32, #tpu.memory_space<hbm>>
      tpu.enqueue_dma source(%dma_start3A_556 : memref<400xi32, #tpu.memory_space<hbm>>) target(%dma_start3A_555 : memref<400xi32, #tpu.memory_space<vmem>>) target_semaphore(%run_scoped3A : memref<!tpu.dma_semaphore, #tpu.memory_space<semaphore_mem>>)
      %dma_wait3A_557 = arith.constant 0 : i32
      %dma_wait3A_558 = tpu.memref_slice %arg8[%dma_wait3A_557] : memref<416xi32, #tpu.memory_space<vmem>> -> memref<400xi32, #tpu.memory_space<vmem>>
      %dma_wait3A_559 = tpu.memref_slice %arg4[%add3A_134] : memref<320000xi32, #tpu.memory_space<hbm>> -> memref<400xi32, #tpu.memory_space<hbm>>
      %dma_wait3A_560 = arith.constant 0 : i32
      %dma_wait3A_561 = tpu.memref_slice %arg8[%dma_wait3A_560] : memref<416xi32, #tpu.memory_space<vmem>> -> memref<400xi32, #tpu.memory_space<vmem>>
      %dma_wait3A_562 = tpu.memref_slice %arg4[%add3A_134] : memref<320000xi32, #tpu.memory_space<hbm>> -> memref<400xi32, #tpu.memory_space<hbm>>
      tpu.wait_dma2 semaphore(%run_scoped3A : memref<!tpu.dma_semaphore, #tpu.memory_space<semaphore_mem>>) src(%dma_wait3A_562 : memref<400xi32, #tpu.memory_space<hbm>>) dst(%dma_wait3A_561 : memref<400xi32, #tpu.memory_space<vmem>>)
      tpu.yield
    }) : () -> ()
    %dma_start3A_135 = arith.constant 0 : i32
    %dma_start3A_136 = tpu.memref_slice %arg7[%dma_start3A_135] : memref<416xi32, #tpu.memory_space<vmem>> -> memref<400xi32, #tpu.memory_space<vmem>>
    %dma_start3A_137 = arith.constant 0 : i32
    %dma_start3A_138 = arith.constant 0 : i32
    %dma_start3A_139 = tpu.memref_slice %arg2[%dma_start3A_137, %dma_start3A_138] : memref<10000x128xf32, #tpu.memory_space<hbm>> -> memref<10000x128xf32, #tpu.memory_space<hbm>>
    tpu.enqueue_indirect_dma source(%dma_start3A_139 : memref<10000x128xf32, #tpu.memory_space<hbm>>) target(%arg9 : memref<400x128xf32, #tpu.memory_space<vmem>>) offsets(%dma_start3A_136 : memref<400xi32, #tpu.memory_space<vmem>>) semaphore(%arg10 : memref<!tpu.dma_semaphore, #tpu.memory_space<semaphore_mem>>)
    %dma_wait3A_140 = arith.constant 0 : i32
    %dma_wait3A_141 = tpu.memref_slice %arg7[%dma_wait3A_140] : memref<416xi32, #tpu.memory_space<vmem>> -> memref<400xi32, #tpu.memory_space<vmem>>
    %dma_wait3A_142 = arith.constant 0 : i32
    %dma_wait3A_143 = arith.constant 0 : i32
    %dma_wait3A_144 = tpu.memref_slice %arg2[%dma_wait3A_142, %dma_wait3A_143] : memref<10000x128xf32, #tpu.memory_space<hbm>> -> memref<10000x128xf32, #tpu.memory_space<hbm>>
    tpu.wait_indirect_dma semaphore(%arg10 : memref<!tpu.dma_semaphore, #tpu.memory_space<semaphore_mem>>) src(%dma_wait3A_144 : memref<10000x128xf32, #tpu.memory_space<hbm>>) dst(%arg9 : memref<400x128xf32, #tpu.memory_space<vmem>>)
    "tpu.region"() ({
      %run_scoped3A = tpu.sem_alloc : memref<!tpu.dma_semaphore, #tpu.memory_space<semaphore_mem>>
      %dma_start3A_551 = arith.constant 0 : i32
      %dma_start3A_552 = tpu.memref_slice %arg5[%add3A_134, %dma_start3A_551] : memref<320000x128xf32, #tpu.memory_space<hbm>> -> memref<400x128xf32, #tpu.memory_space<hbm>>
      %dma_start3A_553 = arith.constant 0 : i32
      %dma_start3A_554 = tpu.memref_slice %arg5[%add3A_134, %dma_start3A_553] : memref<320000x128xf32, #tpu.memory_space<hbm>> -> memref<400x128xf32, #tpu.memory_space<hbm>>
      tpu.enqueue_dma source(%arg9 : memref<400x128xf32, #tpu.memory_space<vmem>>) target(%dma_start3A_554 : memref<400x128xf32, #tpu.memory_space<hbm>>) target_semaphore(%run_scoped3A : memref<!tpu.dma_semaphore, #tpu.memory_space<semaphore_mem>>)
      %dma_wait3A_555 = arith.constant 0 : i32
      %dma_wait3A_556 = tpu.memref_slice %arg5[%add3A_134, %dma_wait3A_555] : memref<320000x128xf32, #tpu.memory_space<hbm>> -> memref<400x128xf32, #tpu.memory_space<hbm>>
      %dma_wait3A_557 = arith.constant 0 : i32
      %dma_wait3A_558 = tpu.memref_slice %arg5[%add3A_134, %dma_wait3A_557] : memref<320000x128xf32, #tpu.memory_space<hbm>> -> memref<400x128xf32, #tpu.memory_space<hbm>>
      tpu.wait_dma2 semaphore(%run_scoped3A : memref<!tpu.dma_semaphore, #tpu.memory_space<semaphore_mem>>) src(%arg9 : memref<400x128xf32, #tpu.memory_space<vmem>>) dst(%dma_wait3A_558 : memref<400x128xf32, #tpu.memory_space<hbm>>)
      tpu.yield
    }) : () -> ()
    %dma_start3A_145 = arith.constant 0 : i32
    %dma_start3A_146 = tpu.memref_slice %arg8[%dma_start3A_145] : memref<416xi32, #tpu.memory_space<vmem>> -> memref<400xi32, #tpu.memory_space<vmem>>
    %dma_start3A_147 = arith.constant 0 : i32
    %dma_start3A_148 = arith.constant 0 : i32
    %dma_start3A_149 = tpu.memref_slice %arg2[%dma_start3A_147, %dma_start3A_148] : memref<10000x128xf32, #tpu.memory_space<hbm>> -> memref<10000x128xf32, #tpu.memory_space<hbm>>
    tpu.enqueue_indirect_dma source(%dma_start3A_149 : memref<10000x128xf32, #tpu.memory_space<hbm>>) target(%arg9 : memref<400x128xf32, #tpu.memory_space<vmem>>) offsets(%dma_start3A_146 : memref<400xi32, #tpu.memory_space<vmem>>) semaphore(%arg10 : memref<!tpu.dma_semaphore, #tpu.memory_space<semaphore_mem>>)
    %dma_wait3A_150 = arith.constant 0 : i32
    %dma_wait3A_151 = tpu.memref_slice %arg8[%dma_wait3A_150] : memref<416xi32, #tpu.memory_space<vmem>> -> memref<400xi32, #tpu.memory_space<vmem>>
    %dma_wait3A_152 = arith.constant 0 : i32
    %dma_wait3A_153 = arith.constant 0 : i32
    %dma_wait3A_154 = tpu.memref_slice %arg2[%dma_wait3A_152, %dma_wait3A_153] : memref<10000x128xf32, #tpu.memory_space<hbm>> -> memref<10000x128xf32, #tpu.memory_space<hbm>>
    tpu.wait_indirect_dma semaphore(%arg10 : memref<!tpu.dma_semaphore, #tpu.memory_space<semaphore_mem>>) src(%dma_wait3A_154 : memref<10000x128xf32, #tpu.memory_space<hbm>>) dst(%arg9 : memref<400x128xf32, #tpu.memory_space<vmem>>)
    "tpu.region"() ({
      %run_scoped3A = tpu.sem_alloc : memref<!tpu.dma_semaphore, #tpu.memory_space<semaphore_mem>>
      %dma_start3A_551 = arith.constant 0 : i32
      %dma_start3A_552 = tpu.memref_slice %arg6[%add3A_134, %dma_start3A_551] : memref<320000x128xf32, #tpu.memory_space<hbm>> -> memref<400x128xf32, #tpu.memory_space<hbm>>
      %dma_start3A_553 = arith.constant 0 : i32
      %dma_start3A_554 = tpu.memref_slice %arg6[%add3A_134, %dma_start3A_553] : memref<320000x128xf32, #tpu.memory_space<hbm>> -> memref<400x128xf32, #tpu.memory_space<hbm>>
      tpu.enqueue_dma source(%arg9 : memref<400x128xf32, #tpu.memory_space<vmem>>) target(%dma_start3A_554 : memref<400x128xf32, #tpu.memory_space<hbm>>) target_semaphore(%run_scoped3A : memref<!tpu.dma_semaphore, #tpu.memory_space<semaphore_mem>>)
      %dma_wait3A_555 = arith.constant 0 : i32
      %dma_wait3A_556 = tpu.memref_slice %arg6[%add3A_134, %dma_wait3A_555] : memref<320000x128xf32, #tpu.memory_space<hbm>> -> memref<400x128xf32, #tpu.memory_space<hbm>>
      %dma_wait3A_557 = arith.constant 0 : i32
      %dma_wait3A_558 = tpu.memref_slice %arg6[%add3A_134, %dma_wait3A_557] : memref<320000x128xf32, #tpu.memory_space<hbm>> -> memref<400x128xf32, #tpu.memory_space<hbm>>
      tpu.wait_dma2 semaphore(%run_scoped3A : memref<!tpu.dma_semaphore, #tpu.memory_space<semaphore_mem>>) src(%arg9 : memref<400x128xf32, #tpu.memory_space<vmem>>) dst(%dma_wait3A_558 : memref<400x128xf32, #tpu.memory_space<hbm>>)
      tpu.yield
    }) : () -> ()
    %add3A_155 = arith.constant 2800 : i32
    %add3A_156 = arith.addi %mul3A_2, %add3A_155 : i32
    "tpu.region"() ({
      %run_scoped3A = tpu.sem_alloc : memref<!tpu.dma_semaphore, #tpu.memory_space<semaphore_mem>>
      %dma_start3A_551 = arith.constant 0 : i32
      %dma_start3A_552 = tpu.memref_slice %arg7[%dma_start3A_551] : memref<416xi32, #tpu.memory_space<vmem>> -> memref<400xi32, #tpu.memory_space<vmem>>
      %dma_start3A_553 = tpu.memref_slice %arg3[%add3A_156] : memref<320000xi32, #tpu.memory_space<hbm>> -> memref<400xi32, #tpu.memory_space<hbm>>
      %dma_start3A_554 = arith.constant 0 : i32
      %dma_start3A_555 = tpu.memref_slice %arg7[%dma_start3A_554] : memref<416xi32, #tpu.memory_space<vmem>> -> memref<400xi32, #tpu.memory_space<vmem>>
      %dma_start3A_556 = tpu.memref_slice %arg3[%add3A_156] : memref<320000xi32, #tpu.memory_space<hbm>> -> memref<400xi32, #tpu.memory_space<hbm>>
      tpu.enqueue_dma source(%dma_start3A_556 : memref<400xi32, #tpu.memory_space<hbm>>) target(%dma_start3A_555 : memref<400xi32, #tpu.memory_space<vmem>>) target_semaphore(%run_scoped3A : memref<!tpu.dma_semaphore, #tpu.memory_space<semaphore_mem>>)
      %dma_wait3A_557 = arith.constant 0 : i32
      %dma_wait3A_558 = tpu.memref_slice %arg7[%dma_wait3A_557] : memref<416xi32, #tpu.memory_space<vmem>> -> memref<400xi32, #tpu.memory_space<vmem>>
      %dma_wait3A_559 = tpu.memref_slice %arg3[%add3A_156] : memref<320000xi32, #tpu.memory_space<hbm>> -> memref<400xi32, #tpu.memory_space<hbm>>
      %dma_wait3A_560 = arith.constant 0 : i32
      %dma_wait3A_561 = tpu.memref_slice %arg7[%dma_wait3A_560] : memref<416xi32, #tpu.memory_space<vmem>> -> memref<400xi32, #tpu.memory_space<vmem>>
      %dma_wait3A_562 = tpu.memref_slice %arg3[%add3A_156] : memref<320000xi32, #tpu.memory_space<hbm>> -> memref<400xi32, #tpu.memory_space<hbm>>
      tpu.wait_dma2 semaphore(%run_scoped3A : memref<!tpu.dma_semaphore, #tpu.memory_space<semaphore_mem>>) src(%dma_wait3A_562 : memref<400xi32, #tpu.memory_space<hbm>>) dst(%dma_wait3A_561 : memref<400xi32, #tpu.memory_space<vmem>>)
      tpu.yield
    }) : () -> ()
    "tpu.region"() ({
      %run_scoped3A = tpu.sem_alloc : memref<!tpu.dma_semaphore, #tpu.memory_space<semaphore_mem>>
      %dma_start3A_551 = arith.constant 0 : i32
      %dma_start3A_552 = tpu.memref_slice %arg8[%dma_start3A_551] : memref<416xi32, #tpu.memory_space<vmem>> -> memref<400xi32, #tpu.memory_space<vmem>>
      %dma_start3A_553 = tpu.memref_slice %arg4[%add3A_156] : memref<320000xi32, #tpu.memory_space<hbm>> -> memref<400xi32, #tpu.memory_space<hbm>>
      %dma_start3A_554 = arith.constant 0 : i32
      %dma_start3A_555 = tpu.memref_slice %arg8[%dma_start3A_554] : memref<416xi32, #tpu.memory_space<vmem>> -> memref<400xi32, #tpu.memory_space<vmem>>
      %dma_start3A_556 = tpu.memref_slice %arg4[%add3A_156] : memref<320000xi32, #tpu.memory_space<hbm>> -> memref<400xi32, #tpu.memory_space<hbm>>
      tpu.enqueue_dma source(%dma_start3A_556 : memref<400xi32, #tpu.memory_space<hbm>>) target(%dma_start3A_555 : memref<400xi32, #tpu.memory_space<vmem>>) target_semaphore(%run_scoped3A : memref<!tpu.dma_semaphore, #tpu.memory_space<semaphore_mem>>)
      %dma_wait3A_557 = arith.constant 0 : i32
      %dma_wait3A_558 = tpu.memref_slice %arg8[%dma_wait3A_557] : memref<416xi32, #tpu.memory_space<vmem>> -> memref<400xi32, #tpu.memory_space<vmem>>
      %dma_wait3A_559 = tpu.memref_slice %arg4[%add3A_156] : memref<320000xi32, #tpu.memory_space<hbm>> -> memref<400xi32, #tpu.memory_space<hbm>>
      %dma_wait3A_560 = arith.constant 0 : i32
      %dma_wait3A_561 = tpu.memref_slice %arg8[%dma_wait3A_560] : memref<416xi32, #tpu.memory_space<vmem>> -> memref<400xi32, #tpu.memory_space<vmem>>
      %dma_wait3A_562 = tpu.memref_slice %arg4[%add3A_156] : memref<320000xi32, #tpu.memory_space<hbm>> -> memref<400xi32, #tpu.memory_space<hbm>>
      tpu.wait_dma2 semaphore(%run_scoped3A : memref<!tpu.dma_semaphore, #tpu.memory_space<semaphore_mem>>) src(%dma_wait3A_562 : memref<400xi32, #tpu.memory_space<hbm>>) dst(%dma_wait3A_561 : memref<400xi32, #tpu.memory_space<vmem>>)
      tpu.yield
    }) : () -> ()
    %dma_start3A_157 = arith.constant 0 : i32
    %dma_start3A_158 = tpu.memref_slice %arg7[%dma_start3A_157] : memref<416xi32, #tpu.memory_space<vmem>> -> memref<400xi32, #tpu.memory_space<vmem>>
    %dma_start3A_159 = arith.constant 0 : i32
    %dma_start3A_160 = arith.constant 0 : i32
    %dma_start3A_161 = tpu.memref_slice %arg2[%dma_start3A_159, %dma_start3A_160] : memref<10000x128xf32, #tpu.memory_space<hbm>> -> memref<10000x128xf32, #tpu.memory_space<hbm>>
    tpu.enqueue_indirect_dma source(%dma_start3A_161 : memref<10000x128xf32, #tpu.memory_space<hbm>>) target(%arg9 : memref<400x128xf32, #tpu.memory_space<vmem>>) offsets(%dma_start3A_158 : memref<400xi32, #tpu.memory_space<vmem>>) semaphore(%arg10 : memref<!tpu.dma_semaphore, #tpu.memory_space<semaphore_mem>>)
    %dma_wait3A_162 = arith.constant 0 : i32
    %dma_wait3A_163 = tpu.memref_slice %arg7[%dma_wait3A_162] : memref<416xi32, #tpu.memory_space<vmem>> -> memref<400xi32, #tpu.memory_space<vmem>>
    %dma_wait3A_164 = arith.constant 0 : i32
    %dma_wait3A_165 = arith.constant 0 : i32
    %dma_wait3A_166 = tpu.memref_slice %arg2[%dma_wait3A_164, %dma_wait3A_165] : memref<10000x128xf32, #tpu.memory_space<hbm>> -> memref<10000x128xf32, #tpu.memory_space<hbm>>
    tpu.wait_indirect_dma semaphore(%arg10 : memref<!tpu.dma_semaphore, #tpu.memory_space<semaphore_mem>>) src(%dma_wait3A_166 : memref<10000x128xf32, #tpu.memory_space<hbm>>) dst(%arg9 : memref<400x128xf32, #tpu.memory_space<vmem>>)
    "tpu.region"() ({
      %run_scoped3A = tpu.sem_alloc : memref<!tpu.dma_semaphore, #tpu.memory_space<semaphore_mem>>
      %dma_start3A_551 = arith.constant 0 : i32
      %dma_start3A_552 = tpu.memref_slice %arg5[%add3A_156, %dma_start3A_551] : memref<320000x128xf32, #tpu.memory_space<hbm>> -> memref<400x128xf32, #tpu.memory_space<hbm>>
      %dma_start3A_553 = arith.constant 0 : i32
      %dma_start3A_554 = tpu.memref_slice %arg5[%add3A_156, %dma_start3A_553] : memref<320000x128xf32, #tpu.memory_space<hbm>> -> memref<400x128xf32, #tpu.memory_space<hbm>>
      tpu.enqueue_dma source(%arg9 : memref<400x128xf32, #tpu.memory_space<vmem>>) target(%dma_start3A_554 : memref<400x128xf32, #tpu.memory_space<hbm>>) target_semaphore(%run_scoped3A : memref<!tpu.dma_semaphore, #tpu.memory_space<semaphore_mem>>)
      %dma_wait3A_555 = arith.constant 0 : i32
      %dma_wait3A_556 = tpu.memref_slice %arg5[%add3A_156, %dma_wait3A_555] : memref<320000x128xf32, #tpu.memory_space<hbm>> -> memref<400x128xf32, #tpu.memory_space<hbm>>
      %dma_wait3A_557 = arith.constant 0 : i32
      %dma_wait3A_558 = tpu.memref_slice %arg5[%add3A_156, %dma_wait3A_557] : memref<320000x128xf32, #tpu.memory_space<hbm>> -> memref<400x128xf32, #tpu.memory_space<hbm>>
      tpu.wait_dma2 semaphore(%run_scoped3A : memref<!tpu.dma_semaphore, #tpu.memory_space<semaphore_mem>>) src(%arg9 : memref<400x128xf32, #tpu.memory_space<vmem>>) dst(%dma_wait3A_558 : memref<400x128xf32, #tpu.memory_space<hbm>>)
      tpu.yield
    }) : () -> ()
    %dma_start3A_167 = arith.constant 0 : i32
    %dma_start3A_168 = tpu.memref_slice %arg8[%dma_start3A_167] : memref<416xi32, #tpu.memory_space<vmem>> -> memref<400xi32, #tpu.memory_space<vmem>>
    %dma_start3A_169 = arith.constant 0 : i32
    %dma_start3A_170 = arith.constant 0 : i32
    %dma_start3A_171 = tpu.memref_slice %arg2[%dma_start3A_169, %dma_start3A_170] : memref<10000x128xf32, #tpu.memory_space<hbm>> -> memref<10000x128xf32, #tpu.memory_space<hbm>>
    tpu.enqueue_indirect_dma source(%dma_start3A_171 : memref<10000x128xf32, #tpu.memory_space<hbm>>) target(%arg9 : memref<400x128xf32, #tpu.memory_space<vmem>>) offsets(%dma_start3A_168 : memref<400xi32, #tpu.memory_space<vmem>>) semaphore(%arg10 : memref<!tpu.dma_semaphore, #tpu.memory_space<semaphore_mem>>)
    %dma_wait3A_172 = arith.constant 0 : i32
    %dma_wait3A_173 = tpu.memref_slice %arg8[%dma_wait3A_172] : memref<416xi32, #tpu.memory_space<vmem>> -> memref<400xi32, #tpu.memory_space<vmem>>
    %dma_wait3A_174 = arith.constant 0 : i32
    %dma_wait3A_175 = arith.constant 0 : i32
    %dma_wait3A_176 = tpu.memref_slice %arg2[%dma_wait3A_174, %dma_wait3A_175] : memref<10000x128xf32, #tpu.memory_space<hbm>> -> memref<10000x128xf32, #tpu.memory_space<hbm>>
    tpu.wait_indirect_dma semaphore(%arg10 : memref<!tpu.dma_semaphore, #tpu.memory_space<semaphore_mem>>) src(%dma_wait3A_176 : memref<10000x128xf32, #tpu.memory_space<hbm>>) dst(%arg9 : memref<400x128xf32, #tpu.memory_space<vmem>>)
    "tpu.region"() ({
      %run_scoped3A = tpu.sem_alloc : memref<!tpu.dma_semaphore, #tpu.memory_space<semaphore_mem>>
      %dma_start3A_551 = arith.constant 0 : i32
      %dma_start3A_552 = tpu.memref_slice %arg6[%add3A_156, %dma_start3A_551] : memref<320000x128xf32, #tpu.memory_space<hbm>> -> memref<400x128xf32, #tpu.memory_space<hbm>>
      %dma_start3A_553 = arith.constant 0 : i32
      %dma_start3A_554 = tpu.memref_slice %arg6[%add3A_156, %dma_start3A_553] : memref<320000x128xf32, #tpu.memory_space<hbm>> -> memref<400x128xf32, #tpu.memory_space<hbm>>
      tpu.enqueue_dma source(%arg9 : memref<400x128xf32, #tpu.memory_space<vmem>>) target(%dma_start3A_554 : memref<400x128xf32, #tpu.memory_space<hbm>>) target_semaphore(%run_scoped3A : memref<!tpu.dma_semaphore, #tpu.memory_space<semaphore_mem>>)
      %dma_wait3A_555 = arith.constant 0 : i32
      %dma_wait3A_556 = tpu.memref_slice %arg6[%add3A_156, %dma_wait3A_555] : memref<320000x128xf32, #tpu.memory_space<hbm>> -> memref<400x128xf32, #tpu.memory_space<hbm>>
      %dma_wait3A_557 = arith.constant 0 : i32
      %dma_wait3A_558 = tpu.memref_slice %arg6[%add3A_156, %dma_wait3A_557] : memref<320000x128xf32, #tpu.memory_space<hbm>> -> memref<400x128xf32, #tpu.memory_space<hbm>>
      tpu.wait_dma2 semaphore(%run_scoped3A : memref<!tpu.dma_semaphore, #tpu.memory_space<semaphore_mem>>) src(%arg9 : memref<400x128xf32, #tpu.memory_space<vmem>>) dst(%dma_wait3A_558 : memref<400x128xf32, #tpu.memory_space<hbm>>)
      tpu.yield
    }) : () -> ()
    %add3A_177 = arith.constant 3200 : i32
    %add3A_178 = arith.addi %mul3A_2, %add3A_177 : i32
    "tpu.region"() ({
      %run_scoped3A = tpu.sem_alloc : memref<!tpu.dma_semaphore, #tpu.memory_space<semaphore_mem>>
      %dma_start3A_551 = arith.constant 0 : i32
      %dma_start3A_552 = tpu.memref_slice %arg7[%dma_start3A_551] : memref<416xi32, #tpu.memory_space<vmem>> -> memref<400xi32, #tpu.memory_space<vmem>>
      %dma_start3A_553 = tpu.memref_slice %arg3[%add3A_178] : memref<320000xi32, #tpu.memory_space<hbm>> -> memref<400xi32, #tpu.memory_space<hbm>>
      %dma_start3A_554 = arith.constant 0 : i32
      %dma_start3A_555 = tpu.memref_slice %arg7[%dma_start3A_554] : memref<416xi32, #tpu.memory_space<vmem>> -> memref<400xi32, #tpu.memory_space<vmem>>
      %dma_start3A_556 = tpu.memref_slice %arg3[%add3A_178] : memref<320000xi32, #tpu.memory_space<hbm>> -> memref<400xi32, #tpu.memory_space<hbm>>
      tpu.enqueue_dma source(%dma_start3A_556 : memref<400xi32, #tpu.memory_space<hbm>>) target(%dma_start3A_555 : memref<400xi32, #tpu.memory_space<vmem>>) target_semaphore(%run_scoped3A : memref<!tpu.dma_semaphore, #tpu.memory_space<semaphore_mem>>)
      %dma_wait3A_557 = arith.constant 0 : i32
      %dma_wait3A_558 = tpu.memref_slice %arg7[%dma_wait3A_557] : memref<416xi32, #tpu.memory_space<vmem>> -> memref<400xi32, #tpu.memory_space<vmem>>
      %dma_wait3A_559 = tpu.memref_slice %arg3[%add3A_178] : memref<320000xi32, #tpu.memory_space<hbm>> -> memref<400xi32, #tpu.memory_space<hbm>>
      %dma_wait3A_560 = arith.constant 0 : i32
      %dma_wait3A_561 = tpu.memref_slice %arg7[%dma_wait3A_560] : memref<416xi32, #tpu.memory_space<vmem>> -> memref<400xi32, #tpu.memory_space<vmem>>
      %dma_wait3A_562 = tpu.memref_slice %arg3[%add3A_178] : memref<320000xi32, #tpu.memory_space<hbm>> -> memref<400xi32, #tpu.memory_space<hbm>>
      tpu.wait_dma2 semaphore(%run_scoped3A : memref<!tpu.dma_semaphore, #tpu.memory_space<semaphore_mem>>) src(%dma_wait3A_562 : memref<400xi32, #tpu.memory_space<hbm>>) dst(%dma_wait3A_561 : memref<400xi32, #tpu.memory_space<vmem>>)
      tpu.yield
    }) : () -> ()
    "tpu.region"() ({
      %run_scoped3A = tpu.sem_alloc : memref<!tpu.dma_semaphore, #tpu.memory_space<semaphore_mem>>
      %dma_start3A_551 = arith.constant 0 : i32
      %dma_start3A_552 = tpu.memref_slice %arg8[%dma_start3A_551] : memref<416xi32, #tpu.memory_space<vmem>> -> memref<400xi32, #tpu.memory_space<vmem>>
      %dma_start3A_553 = tpu.memref_slice %arg4[%add3A_178] : memref<320000xi32, #tpu.memory_space<hbm>> -> memref<400xi32, #tpu.memory_space<hbm>>
      %dma_start3A_554 = arith.constant 0 : i32
      %dma_start3A_555 = tpu.memref_slice %arg8[%dma_start3A_554] : memref<416xi32, #tpu.memory_space<vmem>> -> memref<400xi32, #tpu.memory_space<vmem>>
      %dma_start3A_556 = tpu.memref_slice %arg4[%add3A_178] : memref<320000xi32, #tpu.memory_space<hbm>> -> memref<400xi32, #tpu.memory_space<hbm>>
      tpu.enqueue_dma source(%dma_start3A_556 : memref<400xi32, #tpu.memory_space<hbm>>) target(%dma_start3A_555 : memref<400xi32, #tpu.memory_space<vmem>>) target_semaphore(%run_scoped3A : memref<!tpu.dma_semaphore, #tpu.memory_space<semaphore_mem>>)
      %dma_wait3A_557 = arith.constant 0 : i32
      %dma_wait3A_558 = tpu.memref_slice %arg8[%dma_wait3A_557] : memref<416xi32, #tpu.memory_space<vmem>> -> memref<400xi32, #tpu.memory_space<vmem>>
      %dma_wait3A_559 = tpu.memref_slice %arg4[%add3A_178] : memref<320000xi32, #tpu.memory_space<hbm>> -> memref<400xi32, #tpu.memory_space<hbm>>
      %dma_wait3A_560 = arith.constant 0 : i32
      %dma_wait3A_561 = tpu.memref_slice %arg8[%dma_wait3A_560] : memref<416xi32, #tpu.memory_space<vmem>> -> memref<400xi32, #tpu.memory_space<vmem>>
      %dma_wait3A_562 = tpu.memref_slice %arg4[%add3A_178] : memref<320000xi32, #tpu.memory_space<hbm>> -> memref<400xi32, #tpu.memory_space<hbm>>
      tpu.wait_dma2 semaphore(%run_scoped3A : memref<!tpu.dma_semaphore, #tpu.memory_space<semaphore_mem>>) src(%dma_wait3A_562 : memref<400xi32, #tpu.memory_space<hbm>>) dst(%dma_wait3A_561 : memref<400xi32, #tpu.memory_space<vmem>>)
      tpu.yield
    }) : () -> ()
    %dma_start3A_179 = arith.constant 0 : i32
    %dma_start3A_180 = tpu.memref_slice %arg7[%dma_start3A_179] : memref<416xi32, #tpu.memory_space<vmem>> -> memref<400xi32, #tpu.memory_space<vmem>>
    %dma_start3A_181 = arith.constant 0 : i32
    %dma_start3A_182 = arith.constant 0 : i32
    %dma_start3A_183 = tpu.memref_slice %arg2[%dma_start3A_181, %dma_start3A_182] : memref<10000x128xf32, #tpu.memory_space<hbm>> -> memref<10000x128xf32, #tpu.memory_space<hbm>>
    tpu.enqueue_indirect_dma source(%dma_start3A_183 : memref<10000x128xf32, #tpu.memory_space<hbm>>) target(%arg9 : memref<400x128xf32, #tpu.memory_space<vmem>>) offsets(%dma_start3A_180 : memref<400xi32, #tpu.memory_space<vmem>>) semaphore(%arg10 : memref<!tpu.dma_semaphore, #tpu.memory_space<semaphore_mem>>)
    %dma_wait3A_184 = arith.constant 0 : i32
    %dma_wait3A_185 = tpu.memref_slice %arg7[%dma_wait3A_184] : memref<416xi32, #tpu.memory_space<vmem>> -> memref<400xi32, #tpu.memory_space<vmem>>
    %dma_wait3A_186 = arith.constant 0 : i32
    %dma_wait3A_187 = arith.constant 0 : i32
    %dma_wait3A_188 = tpu.memref_slice %arg2[%dma_wait3A_186, %dma_wait3A_187] : memref<10000x128xf32, #tpu.memory_space<hbm>> -> memref<10000x128xf32, #tpu.memory_space<hbm>>
    tpu.wait_indirect_dma semaphore(%arg10 : memref<!tpu.dma_semaphore, #tpu.memory_space<semaphore_mem>>) src(%dma_wait3A_188 : memref<10000x128xf32, #tpu.memory_space<hbm>>) dst(%arg9 : memref<400x128xf32, #tpu.memory_space<vmem>>)
    "tpu.region"() ({
      %run_scoped3A = tpu.sem_alloc : memref<!tpu.dma_semaphore, #tpu.memory_space<semaphore_mem>>
      %dma_start3A_551 = arith.constant 0 : i32
      %dma_start3A_552 = tpu.memref_slice %arg5[%add3A_178, %dma_start3A_551] : memref<320000x128xf32, #tpu.memory_space<hbm>> -> memref<400x128xf32, #tpu.memory_space<hbm>>
      %dma_start3A_553 = arith.constant 0 : i32
      %dma_start3A_554 = tpu.memref_slice %arg5[%add3A_178, %dma_start3A_553] : memref<320000x128xf32, #tpu.memory_space<hbm>> -> memref<400x128xf32, #tpu.memory_space<hbm>>
      tpu.enqueue_dma source(%arg9 : memref<400x128xf32, #tpu.memory_space<vmem>>) target(%dma_start3A_554 : memref<400x128xf32, #tpu.memory_space<hbm>>) target_semaphore(%run_scoped3A : memref<!tpu.dma_semaphore, #tpu.memory_space<semaphore_mem>>)
      %dma_wait3A_555 = arith.constant 0 : i32
      %dma_wait3A_556 = tpu.memref_slice %arg5[%add3A_178, %dma_wait3A_555] : memref<320000x128xf32, #tpu.memory_space<hbm>> -> memref<400x128xf32, #tpu.memory_space<hbm>>
      %dma_wait3A_557 = arith.constant 0 : i32
      %dma_wait3A_558 = tpu.memref_slice %arg5[%add3A_178, %dma_wait3A_557] : memref<320000x128xf32, #tpu.memory_space<hbm>> -> memref<400x128xf32, #tpu.memory_space<hbm>>
      tpu.wait_dma2 semaphore(%run_scoped3A : memref<!tpu.dma_semaphore, #tpu.memory_space<semaphore_mem>>) src(%arg9 : memref<400x128xf32, #tpu.memory_space<vmem>>) dst(%dma_wait3A_558 : memref<400x128xf32, #tpu.memory_space<hbm>>)
      tpu.yield
    }) : () -> ()
    %dma_start3A_189 = arith.constant 0 : i32
    %dma_start3A_190 = tpu.memref_slice %arg8[%dma_start3A_189] : memref<416xi32, #tpu.memory_space<vmem>> -> memref<400xi32, #tpu.memory_space<vmem>>
    %dma_start3A_191 = arith.constant 0 : i32
    %dma_start3A_192 = arith.constant 0 : i32
    %dma_start3A_193 = tpu.memref_slice %arg2[%dma_start3A_191, %dma_start3A_192] : memref<10000x128xf32, #tpu.memory_space<hbm>> -> memref<10000x128xf32, #tpu.memory_space<hbm>>
    tpu.enqueue_indirect_dma source(%dma_start3A_193 : memref<10000x128xf32, #tpu.memory_space<hbm>>) target(%arg9 : memref<400x128xf32, #tpu.memory_space<vmem>>) offsets(%dma_start3A_190 : memref<400xi32, #tpu.memory_space<vmem>>) semaphore(%arg10 : memref<!tpu.dma_semaphore, #tpu.memory_space<semaphore_mem>>)
    %dma_wait3A_194 = arith.constant 0 : i32
    %dma_wait3A_195 = tpu.memref_slice %arg8[%dma_wait3A_194] : memref<416xi32, #tpu.memory_space<vmem>> -> memref<400xi32, #tpu.memory_space<vmem>>
    %dma_wait3A_196 = arith.constant 0 : i32
    %dma_wait3A_197 = arith.constant 0 : i32
    %dma_wait3A_198 = tpu.memref_slice %arg2[%dma_wait3A_196, %dma_wait3A_197] : memref<10000x128xf32, #tpu.memory_space<hbm>> -> memref<10000x128xf32, #tpu.memory_space<hbm>>
    tpu.wait_indirect_dma semaphore(%arg10 : memref<!tpu.dma_semaphore, #tpu.memory_space<semaphore_mem>>) src(%dma_wait3A_198 : memref<10000x128xf32, #tpu.memory_space<hbm>>) dst(%arg9 : memref<400x128xf32, #tpu.memory_space<vmem>>)
    "tpu.region"() ({
      %run_scoped3A = tpu.sem_alloc : memref<!tpu.dma_semaphore, #tpu.memory_space<semaphore_mem>>
      %dma_start3A_551 = arith.constant 0 : i32
      %dma_start3A_552 = tpu.memref_slice %arg6[%add3A_178, %dma_start3A_551] : memref<320000x128xf32, #tpu.memory_space<hbm>> -> memref<400x128xf32, #tpu.memory_space<hbm>>
      %dma_start3A_553 = arith.constant 0 : i32
      %dma_start3A_554 = tpu.memref_slice %arg6[%add3A_178, %dma_start3A_553] : memref<320000x128xf32, #tpu.memory_space<hbm>> -> memref<400x128xf32, #tpu.memory_space<hbm>>
      tpu.enqueue_dma source(%arg9 : memref<400x128xf32, #tpu.memory_space<vmem>>) target(%dma_start3A_554 : memref<400x128xf32, #tpu.memory_space<hbm>>) target_semaphore(%run_scoped3A : memref<!tpu.dma_semaphore, #tpu.memory_space<semaphore_mem>>)
      %dma_wait3A_555 = arith.constant 0 : i32
      %dma_wait3A_556 = tpu.memref_slice %arg6[%add3A_178, %dma_wait3A_555] : memref<320000x128xf32, #tpu.memory_space<hbm>> -> memref<400x128xf32, #tpu.memory_space<hbm>>
      %dma_wait3A_557 = arith.constant 0 : i32
      %dma_wait3A_558 = tpu.memref_slice %arg6[%add3A_178, %dma_wait3A_557] : memref<320000x128xf32, #tpu.memory_space<hbm>> -> memref<400x128xf32, #tpu.memory_space<hbm>>
      tpu.wait_dma2 semaphore(%run_scoped3A : memref<!tpu.dma_semaphore, #tpu.memory_space<semaphore_mem>>) src(%arg9 : memref<400x128xf32, #tpu.memory_space<vmem>>) dst(%dma_wait3A_558 : memref<400x128xf32, #tpu.memory_space<hbm>>)
      tpu.yield
    }) : () -> ()
    %add3A_199 = arith.constant 3600 : i32
    %add3A_200 = arith.addi %mul3A_2, %add3A_199 : i32
    "tpu.region"() ({
      %run_scoped3A = tpu.sem_alloc : memref<!tpu.dma_semaphore, #tpu.memory_space<semaphore_mem>>
      %dma_start3A_551 = arith.constant 0 : i32
      %dma_start3A_552 = tpu.memref_slice %arg7[%dma_start3A_551] : memref<416xi32, #tpu.memory_space<vmem>> -> memref<400xi32, #tpu.memory_space<vmem>>
      %dma_start3A_553 = tpu.memref_slice %arg3[%add3A_200] : memref<320000xi32, #tpu.memory_space<hbm>> -> memref<400xi32, #tpu.memory_space<hbm>>
      %dma_start3A_554 = arith.constant 0 : i32
      %dma_start3A_555 = tpu.memref_slice %arg7[%dma_start3A_554] : memref<416xi32, #tpu.memory_space<vmem>> -> memref<400xi32, #tpu.memory_space<vmem>>
      %dma_start3A_556 = tpu.memref_slice %arg3[%add3A_200] : memref<320000xi32, #tpu.memory_space<hbm>> -> memref<400xi32, #tpu.memory_space<hbm>>
      tpu.enqueue_dma source(%dma_start3A_556 : memref<400xi32, #tpu.memory_space<hbm>>) target(%dma_start3A_555 : memref<400xi32, #tpu.memory_space<vmem>>) target_semaphore(%run_scoped3A : memref<!tpu.dma_semaphore, #tpu.memory_space<semaphore_mem>>)
      %dma_wait3A_557 = arith.constant 0 : i32
      %dma_wait3A_558 = tpu.memref_slice %arg7[%dma_wait3A_557] : memref<416xi32, #tpu.memory_space<vmem>> -> memref<400xi32, #tpu.memory_space<vmem>>
      %dma_wait3A_559 = tpu.memref_slice %arg3[%add3A_200] : memref<320000xi32, #tpu.memory_space<hbm>> -> memref<400xi32, #tpu.memory_space<hbm>>
      %dma_wait3A_560 = arith.constant 0 : i32
      %dma_wait3A_561 = tpu.memref_slice %arg7[%dma_wait3A_560] : memref<416xi32, #tpu.memory_space<vmem>> -> memref<400xi32, #tpu.memory_space<vmem>>
      %dma_wait3A_562 = tpu.memref_slice %arg3[%add3A_200] : memref<320000xi32, #tpu.memory_space<hbm>> -> memref<400xi32, #tpu.memory_space<hbm>>
      tpu.wait_dma2 semaphore(%run_scoped3A : memref<!tpu.dma_semaphore, #tpu.memory_space<semaphore_mem>>) src(%dma_wait3A_562 : memref<400xi32, #tpu.memory_space<hbm>>) dst(%dma_wait3A_561 : memref<400xi32, #tpu.memory_space<vmem>>)
      tpu.yield
    }) : () -> ()
    "tpu.region"() ({
      %run_scoped3A = tpu.sem_alloc : memref<!tpu.dma_semaphore, #tpu.memory_space<semaphore_mem>>
      %dma_start3A_551 = arith.constant 0 : i32
      %dma_start3A_552 = tpu.memref_slice %arg8[%dma_start3A_551] : memref<416xi32, #tpu.memory_space<vmem>> -> memref<400xi32, #tpu.memory_space<vmem>>
      %dma_start3A_553 = tpu.memref_slice %arg4[%add3A_200] : memref<320000xi32, #tpu.memory_space<hbm>> -> memref<400xi32, #tpu.memory_space<hbm>>
      %dma_start3A_554 = arith.constant 0 : i32
      %dma_start3A_555 = tpu.memref_slice %arg8[%dma_start3A_554] : memref<416xi32, #tpu.memory_space<vmem>> -> memref<400xi32, #tpu.memory_space<vmem>>
      %dma_start3A_556 = tpu.memref_slice %arg4[%add3A_200] : memref<320000xi32, #tpu.memory_space<hbm>> -> memref<400xi32, #tpu.memory_space<hbm>>
      tpu.enqueue_dma source(%dma_start3A_556 : memref<400xi32, #tpu.memory_space<hbm>>) target(%dma_start3A_555 : memref<400xi32, #tpu.memory_space<vmem>>) target_semaphore(%run_scoped3A : memref<!tpu.dma_semaphore, #tpu.memory_space<semaphore_mem>>)
      %dma_wait3A_557 = arith.constant 0 : i32
      %dma_wait3A_558 = tpu.memref_slice %arg8[%dma_wait3A_557] : memref<416xi32, #tpu.memory_space<vmem>> -> memref<400xi32, #tpu.memory_space<vmem>>
      %dma_wait3A_559 = tpu.memref_slice %arg4[%add3A_200] : memref<320000xi32, #tpu.memory_space<hbm>> -> memref<400xi32, #tpu.memory_space<hbm>>
      %dma_wait3A_560 = arith.constant 0 : i32
      %dma_wait3A_561 = tpu.memref_slice %arg8[%dma_wait3A_560] : memref<416xi32, #tpu.memory_space<vmem>> -> memref<400xi32, #tpu.memory_space<vmem>>
      %dma_wait3A_562 = tpu.memref_slice %arg4[%add3A_200] : memref<320000xi32, #tpu.memory_space<hbm>> -> memref<400xi32, #tpu.memory_space<hbm>>
      tpu.wait_dma2 semaphore(%run_scoped3A : memref<!tpu.dma_semaphore, #tpu.memory_space<semaphore_mem>>) src(%dma_wait3A_562 : memref<400xi32, #tpu.memory_space<hbm>>) dst(%dma_wait3A_561 : memref<400xi32, #tpu.memory_space<vmem>>)
      tpu.yield
    }) : () -> ()
    %dma_start3A_201 = arith.constant 0 : i32
    %dma_start3A_202 = tpu.memref_slice %arg7[%dma_start3A_201] : memref<416xi32, #tpu.memory_space<vmem>> -> memref<400xi32, #tpu.memory_space<vmem>>
    %dma_start3A_203 = arith.constant 0 : i32
    %dma_start3A_204 = arith.constant 0 : i32
    %dma_start3A_205 = tpu.memref_slice %arg2[%dma_start3A_203, %dma_start3A_204] : memref<10000x128xf32, #tpu.memory_space<hbm>> -> memref<10000x128xf32, #tpu.memory_space<hbm>>
    tpu.enqueue_indirect_dma source(%dma_start3A_205 : memref<10000x128xf32, #tpu.memory_space<hbm>>) target(%arg9 : memref<400x128xf32, #tpu.memory_space<vmem>>) offsets(%dma_start3A_202 : memref<400xi32, #tpu.memory_space<vmem>>) semaphore(%arg10 : memref<!tpu.dma_semaphore, #tpu.memory_space<semaphore_mem>>)
    %dma_wait3A_206 = arith.constant 0 : i32
    %dma_wait3A_207 = tpu.memref_slice %arg7[%dma_wait3A_206] : memref<416xi32, #tpu.memory_space<vmem>> -> memref<400xi32, #tpu.memory_space<vmem>>
    %dma_wait3A_208 = arith.constant 0 : i32
    %dma_wait3A_209 = arith.constant 0 : i32
    %dma_wait3A_210 = tpu.memref_slice %arg2[%dma_wait3A_208, %dma_wait3A_209] : memref<10000x128xf32, #tpu.memory_space<hbm>> -> memref<10000x128xf32, #tpu.memory_space<hbm>>
    tpu.wait_indirect_dma semaphore(%arg10 : memref<!tpu.dma_semaphore, #tpu.memory_space<semaphore_mem>>) src(%dma_wait3A_210 : memref<10000x128xf32, #tpu.memory_space<hbm>>) dst(%arg9 : memref<400x128xf32, #tpu.memory_space<vmem>>)
    "tpu.region"() ({
      %run_scoped3A = tpu.sem_alloc : memref<!tpu.dma_semaphore, #tpu.memory_space<semaphore_mem>>
      %dma_start3A_551 = arith.constant 0 : i32
      %dma_start3A_552 = tpu.memref_slice %arg5[%add3A_200, %dma_start3A_551] : memref<320000x128xf32, #tpu.memory_space<hbm>> -> memref<400x128xf32, #tpu.memory_space<hbm>>
      %dma_start3A_553 = arith.constant 0 : i32
      %dma_start3A_554 = tpu.memref_slice %arg5[%add3A_200, %dma_start3A_553] : memref<320000x128xf32, #tpu.memory_space<hbm>> -> memref<400x128xf32, #tpu.memory_space<hbm>>
      tpu.enqueue_dma source(%arg9 : memref<400x128xf32, #tpu.memory_space<vmem>>) target(%dma_start3A_554 : memref<400x128xf32, #tpu.memory_space<hbm>>) target_semaphore(%run_scoped3A : memref<!tpu.dma_semaphore, #tpu.memory_space<semaphore_mem>>)
      %dma_wait3A_555 = arith.constant 0 : i32
      %dma_wait3A_556 = tpu.memref_slice %arg5[%add3A_200, %dma_wait3A_555] : memref<320000x128xf32, #tpu.memory_space<hbm>> -> memref<400x128xf32, #tpu.memory_space<hbm>>
      %dma_wait3A_557 = arith.constant 0 : i32
      %dma_wait3A_558 = tpu.memref_slice %arg5[%add3A_200, %dma_wait3A_557] : memref<320000x128xf32, #tpu.memory_space<hbm>> -> memref<400x128xf32, #tpu.memory_space<hbm>>
      tpu.wait_dma2 semaphore(%run_scoped3A : memref<!tpu.dma_semaphore, #tpu.memory_space<semaphore_mem>>) src(%arg9 : memref<400x128xf32, #tpu.memory_space<vmem>>) dst(%dma_wait3A_558 : memref<400x128xf32, #tpu.memory_space<hbm>>)
      tpu.yield
    }) : () -> ()
    %dma_start3A_211 = arith.constant 0 : i32
    %dma_start3A_212 = tpu.memref_slice %arg8[%dma_start3A_211] : memref<416xi32, #tpu.memory_space<vmem>> -> memref<400xi32, #tpu.memory_space<vmem>>
    %dma_start3A_213 = arith.constant 0 : i32
    %dma_start3A_214 = arith.constant 0 : i32
    %dma_start3A_215 = tpu.memref_slice %arg2[%dma_start3A_213, %dma_start3A_214] : memref<10000x128xf32, #tpu.memory_space<hbm>> -> memref<10000x128xf32, #tpu.memory_space<hbm>>
    tpu.enqueue_indirect_dma source(%dma_start3A_215 : memref<10000x128xf32, #tpu.memory_space<hbm>>) target(%arg9 : memref<400x128xf32, #tpu.memory_space<vmem>>) offsets(%dma_start3A_212 : memref<400xi32, #tpu.memory_space<vmem>>) semaphore(%arg10 : memref<!tpu.dma_semaphore, #tpu.memory_space<semaphore_mem>>)
    %dma_wait3A_216 = arith.constant 0 : i32
    %dma_wait3A_217 = tpu.memref_slice %arg8[%dma_wait3A_216] : memref<416xi32, #tpu.memory_space<vmem>> -> memref<400xi32, #tpu.memory_space<vmem>>
    %dma_wait3A_218 = arith.constant 0 : i32
    %dma_wait3A_219 = arith.constant 0 : i32
    %dma_wait3A_220 = tpu.memref_slice %arg2[%dma_wait3A_218, %dma_wait3A_219] : memref<10000x128xf32, #tpu.memory_space<hbm>> -> memref<10000x128xf32, #tpu.memory_space<hbm>>
    tpu.wait_indirect_dma semaphore(%arg10 : memref<!tpu.dma_semaphore, #tpu.memory_space<semaphore_mem>>) src(%dma_wait3A_220 : memref<10000x128xf32, #tpu.memory_space<hbm>>) dst(%arg9 : memref<400x128xf32, #tpu.memory_space<vmem>>)
    "tpu.region"() ({
      %run_scoped3A = tpu.sem_alloc : memref<!tpu.dma_semaphore, #tpu.memory_space<semaphore_mem>>
      %dma_start3A_551 = arith.constant 0 : i32
      %dma_start3A_552 = tpu.memref_slice %arg6[%add3A_200, %dma_start3A_551] : memref<320000x128xf32, #tpu.memory_space<hbm>> -> memref<400x128xf32, #tpu.memory_space<hbm>>
      %dma_start3A_553 = arith.constant 0 : i32
      %dma_start3A_554 = tpu.memref_slice %arg6[%add3A_200, %dma_start3A_553] : memref<320000x128xf32, #tpu.memory_space<hbm>> -> memref<400x128xf32, #tpu.memory_space<hbm>>
      tpu.enqueue_dma source(%arg9 : memref<400x128xf32, #tpu.memory_space<vmem>>) target(%dma_start3A_554 : memref<400x128xf32, #tpu.memory_space<hbm>>) target_semaphore(%run_scoped3A : memref<!tpu.dma_semaphore, #tpu.memory_space<semaphore_mem>>)
      %dma_wait3A_555 = arith.constant 0 : i32
      %dma_wait3A_556 = tpu.memref_slice %arg6[%add3A_200, %dma_wait3A_555] : memref<320000x128xf32, #tpu.memory_space<hbm>> -> memref<400x128xf32, #tpu.memory_space<hbm>>
      %dma_wait3A_557 = arith.constant 0 : i32
      %dma_wait3A_558 = tpu.memref_slice %arg6[%add3A_200, %dma_wait3A_557] : memref<320000x128xf32, #tpu.memory_space<hbm>> -> memref<400x128xf32, #tpu.memory_space<hbm>>
      tpu.wait_dma2 semaphore(%run_scoped3A : memref<!tpu.dma_semaphore, #tpu.memory_space<semaphore_mem>>) src(%arg9 : memref<400x128xf32, #tpu.memory_space<vmem>>) dst(%dma_wait3A_558 : memref<400x128xf32, #tpu.memory_space<hbm>>)
      tpu.yield
    }) : () -> ()
    %add3A_221 = arith.constant 4000 : i32
    %add3A_222 = arith.addi %mul3A_2, %add3A_221 : i32
    "tpu.region"() ({
      %run_scoped3A = tpu.sem_alloc : memref<!tpu.dma_semaphore, #tpu.memory_space<semaphore_mem>>
      %dma_start3A_551 = arith.constant 0 : i32
      %dma_start3A_552 = tpu.memref_slice %arg7[%dma_start3A_551] : memref<416xi32, #tpu.memory_space<vmem>> -> memref<400xi32, #tpu.memory_space<vmem>>
      %dma_start3A_553 = tpu.memref_slice %arg3[%add3A_222] : memref<320000xi32, #tpu.memory_space<hbm>> -> memref<400xi32, #tpu.memory_space<hbm>>
      %dma_start3A_554 = arith.constant 0 : i32
      %dma_start3A_555 = tpu.memref_slice %arg7[%dma_start3A_554] : memref<416xi32, #tpu.memory_space<vmem>> -> memref<400xi32, #tpu.memory_space<vmem>>
      %dma_start3A_556 = tpu.memref_slice %arg3[%add3A_222] : memref<320000xi32, #tpu.memory_space<hbm>> -> memref<400xi32, #tpu.memory_space<hbm>>
      tpu.enqueue_dma source(%dma_start3A_556 : memref<400xi32, #tpu.memory_space<hbm>>) target(%dma_start3A_555 : memref<400xi32, #tpu.memory_space<vmem>>) target_semaphore(%run_scoped3A : memref<!tpu.dma_semaphore, #tpu.memory_space<semaphore_mem>>)
      %dma_wait3A_557 = arith.constant 0 : i32
      %dma_wait3A_558 = tpu.memref_slice %arg7[%dma_wait3A_557] : memref<416xi32, #tpu.memory_space<vmem>> -> memref<400xi32, #tpu.memory_space<vmem>>
      %dma_wait3A_559 = tpu.memref_slice %arg3[%add3A_222] : memref<320000xi32, #tpu.memory_space<hbm>> -> memref<400xi32, #tpu.memory_space<hbm>>
      %dma_wait3A_560 = arith.constant 0 : i32
      %dma_wait3A_561 = tpu.memref_slice %arg7[%dma_wait3A_560] : memref<416xi32, #tpu.memory_space<vmem>> -> memref<400xi32, #tpu.memory_space<vmem>>
      %dma_wait3A_562 = tpu.memref_slice %arg3[%add3A_222] : memref<320000xi32, #tpu.memory_space<hbm>> -> memref<400xi32, #tpu.memory_space<hbm>>
      tpu.wait_dma2 semaphore(%run_scoped3A : memref<!tpu.dma_semaphore, #tpu.memory_space<semaphore_mem>>) src(%dma_wait3A_562 : memref<400xi32, #tpu.memory_space<hbm>>) dst(%dma_wait3A_561 : memref<400xi32, #tpu.memory_space<vmem>>)
      tpu.yield
    }) : () -> ()
    "tpu.region"() ({
      %run_scoped3A = tpu.sem_alloc : memref<!tpu.dma_semaphore, #tpu.memory_space<semaphore_mem>>
      %dma_start3A_551 = arith.constant 0 : i32
      %dma_start3A_552 = tpu.memref_slice %arg8[%dma_start3A_551] : memref<416xi32, #tpu.memory_space<vmem>> -> memref<400xi32, #tpu.memory_space<vmem>>
      %dma_start3A_553 = tpu.memref_slice %arg4[%add3A_222] : memref<320000xi32, #tpu.memory_space<hbm>> -> memref<400xi32, #tpu.memory_space<hbm>>
      %dma_start3A_554 = arith.constant 0 : i32
      %dma_start3A_555 = tpu.memref_slice %arg8[%dma_start3A_554] : memref<416xi32, #tpu.memory_space<vmem>> -> memref<400xi32, #tpu.memory_space<vmem>>
      %dma_start3A_556 = tpu.memref_slice %arg4[%add3A_222] : memref<320000xi32, #tpu.memory_space<hbm>> -> memref<400xi32, #tpu.memory_space<hbm>>
      tpu.enqueue_dma source(%dma_start3A_556 : memref<400xi32, #tpu.memory_space<hbm>>) target(%dma_start3A_555 : memref<400xi32, #tpu.memory_space<vmem>>) target_semaphore(%run_scoped3A : memref<!tpu.dma_semaphore, #tpu.memory_space<semaphore_mem>>)
      %dma_wait3A_557 = arith.constant 0 : i32
      %dma_wait3A_558 = tpu.memref_slice %arg8[%dma_wait3A_557] : memref<416xi32, #tpu.memory_space<vmem>> -> memref<400xi32, #tpu.memory_space<vmem>>
      %dma_wait3A_559 = tpu.memref_slice %arg4[%add3A_222] : memref<320000xi32, #tpu.memory_space<hbm>> -> memref<400xi32, #tpu.memory_space<hbm>>
      %dma_wait3A_560 = arith.constant 0 : i32
      %dma_wait3A_561 = tpu.memref_slice %arg8[%dma_wait3A_560] : memref<416xi32, #tpu.memory_space<vmem>> -> memref<400xi32, #tpu.memory_space<vmem>>
      %dma_wait3A_562 = tpu.memref_slice %arg4[%add3A_222] : memref<320000xi32, #tpu.memory_space<hbm>> -> memref<400xi32, #tpu.memory_space<hbm>>
      tpu.wait_dma2 semaphore(%run_scoped3A : memref<!tpu.dma_semaphore, #tpu.memory_space<semaphore_mem>>) src(%dma_wait3A_562 : memref<400xi32, #tpu.memory_space<hbm>>) dst(%dma_wait3A_561 : memref<400xi32, #tpu.memory_space<vmem>>)
      tpu.yield
    }) : () -> ()
    %dma_start3A_223 = arith.constant 0 : i32
    %dma_start3A_224 = tpu.memref_slice %arg7[%dma_start3A_223] : memref<416xi32, #tpu.memory_space<vmem>> -> memref<400xi32, #tpu.memory_space<vmem>>
    %dma_start3A_225 = arith.constant 0 : i32
    %dma_start3A_226 = arith.constant 0 : i32
    %dma_start3A_227 = tpu.memref_slice %arg2[%dma_start3A_225, %dma_start3A_226] : memref<10000x128xf32, #tpu.memory_space<hbm>> -> memref<10000x128xf32, #tpu.memory_space<hbm>>
    tpu.enqueue_indirect_dma source(%dma_start3A_227 : memref<10000x128xf32, #tpu.memory_space<hbm>>) target(%arg9 : memref<400x128xf32, #tpu.memory_space<vmem>>) offsets(%dma_start3A_224 : memref<400xi32, #tpu.memory_space<vmem>>) semaphore(%arg10 : memref<!tpu.dma_semaphore, #tpu.memory_space<semaphore_mem>>)
    %dma_wait3A_228 = arith.constant 0 : i32
    %dma_wait3A_229 = tpu.memref_slice %arg7[%dma_wait3A_228] : memref<416xi32, #tpu.memory_space<vmem>> -> memref<400xi32, #tpu.memory_space<vmem>>
    %dma_wait3A_230 = arith.constant 0 : i32
    %dma_wait3A_231 = arith.constant 0 : i32
    %dma_wait3A_232 = tpu.memref_slice %arg2[%dma_wait3A_230, %dma_wait3A_231] : memref<10000x128xf32, #tpu.memory_space<hbm>> -> memref<10000x128xf32, #tpu.memory_space<hbm>>
    tpu.wait_indirect_dma semaphore(%arg10 : memref<!tpu.dma_semaphore, #tpu.memory_space<semaphore_mem>>) src(%dma_wait3A_232 : memref<10000x128xf32, #tpu.memory_space<hbm>>) dst(%arg9 : memref<400x128xf32, #tpu.memory_space<vmem>>)
    "tpu.region"() ({
      %run_scoped3A = tpu.sem_alloc : memref<!tpu.dma_semaphore, #tpu.memory_space<semaphore_mem>>
      %dma_start3A_551 = arith.constant 0 : i32
      %dma_start3A_552 = tpu.memref_slice %arg5[%add3A_222, %dma_start3A_551] : memref<320000x128xf32, #tpu.memory_space<hbm>> -> memref<400x128xf32, #tpu.memory_space<hbm>>
      %dma_start3A_553 = arith.constant 0 : i32
      %dma_start3A_554 = tpu.memref_slice %arg5[%add3A_222, %dma_start3A_553] : memref<320000x128xf32, #tpu.memory_space<hbm>> -> memref<400x128xf32, #tpu.memory_space<hbm>>
      tpu.enqueue_dma source(%arg9 : memref<400x128xf32, #tpu.memory_space<vmem>>) target(%dma_start3A_554 : memref<400x128xf32, #tpu.memory_space<hbm>>) target_semaphore(%run_scoped3A : memref<!tpu.dma_semaphore, #tpu.memory_space<semaphore_mem>>)
      %dma_wait3A_555 = arith.constant 0 : i32
      %dma_wait3A_556 = tpu.memref_slice %arg5[%add3A_222, %dma_wait3A_555] : memref<320000x128xf32, #tpu.memory_space<hbm>> -> memref<400x128xf32, #tpu.memory_space<hbm>>
      %dma_wait3A_557 = arith.constant 0 : i32
      %dma_wait3A_558 = tpu.memref_slice %arg5[%add3A_222, %dma_wait3A_557] : memref<320000x128xf32, #tpu.memory_space<hbm>> -> memref<400x128xf32, #tpu.memory_space<hbm>>
      tpu.wait_dma2 semaphore(%run_scoped3A : memref<!tpu.dma_semaphore, #tpu.memory_space<semaphore_mem>>) src(%arg9 : memref<400x128xf32, #tpu.memory_space<vmem>>) dst(%dma_wait3A_558 : memref<400x128xf32, #tpu.memory_space<hbm>>)
      tpu.yield
    }) : () -> ()
    %dma_start3A_233 = arith.constant 0 : i32
    %dma_start3A_234 = tpu.memref_slice %arg8[%dma_start3A_233] : memref<416xi32, #tpu.memory_space<vmem>> -> memref<400xi32, #tpu.memory_space<vmem>>
    %dma_start3A_235 = arith.constant 0 : i32
    %dma_start3A_236 = arith.constant 0 : i32
    %dma_start3A_237 = tpu.memref_slice %arg2[%dma_start3A_235, %dma_start3A_236] : memref<10000x128xf32, #tpu.memory_space<hbm>> -> memref<10000x128xf32, #tpu.memory_space<hbm>>
    tpu.enqueue_indirect_dma source(%dma_start3A_237 : memref<10000x128xf32, #tpu.memory_space<hbm>>) target(%arg9 : memref<400x128xf32, #tpu.memory_space<vmem>>) offsets(%dma_start3A_234 : memref<400xi32, #tpu.memory_space<vmem>>) semaphore(%arg10 : memref<!tpu.dma_semaphore, #tpu.memory_space<semaphore_mem>>)
    %dma_wait3A_238 = arith.constant 0 : i32
    %dma_wait3A_239 = tpu.memref_slice %arg8[%dma_wait3A_238] : memref<416xi32, #tpu.memory_space<vmem>> -> memref<400xi32, #tpu.memory_space<vmem>>
    %dma_wait3A_240 = arith.constant 0 : i32
    %dma_wait3A_241 = arith.constant 0 : i32
    %dma_wait3A_242 = tpu.memref_slice %arg2[%dma_wait3A_240, %dma_wait3A_241] : memref<10000x128xf32, #tpu.memory_space<hbm>> -> memref<10000x128xf32, #tpu.memory_space<hbm>>
    tpu.wait_indirect_dma semaphore(%arg10 : memref<!tpu.dma_semaphore, #tpu.memory_space<semaphore_mem>>) src(%dma_wait3A_242 : memref<10000x128xf32, #tpu.memory_space<hbm>>) dst(%arg9 : memref<400x128xf32, #tpu.memory_space<vmem>>)
    "tpu.region"() ({
      %run_scoped3A = tpu.sem_alloc : memref<!tpu.dma_semaphore, #tpu.memory_space<semaphore_mem>>
      %dma_start3A_551 = arith.constant 0 : i32
      %dma_start3A_552 = tpu.memref_slice %arg6[%add3A_222, %dma_start3A_551] : memref<320000x128xf32, #tpu.memory_space<hbm>> -> memref<400x128xf32, #tpu.memory_space<hbm>>
      %dma_start3A_553 = arith.constant 0 : i32
      %dma_start3A_554 = tpu.memref_slice %arg6[%add3A_222, %dma_start3A_553] : memref<320000x128xf32, #tpu.memory_space<hbm>> -> memref<400x128xf32, #tpu.memory_space<hbm>>
      tpu.enqueue_dma source(%arg9 : memref<400x128xf32, #tpu.memory_space<vmem>>) target(%dma_start3A_554 : memref<400x128xf32, #tpu.memory_space<hbm>>) target_semaphore(%run_scoped3A : memref<!tpu.dma_semaphore, #tpu.memory_space<semaphore_mem>>)
      %dma_wait3A_555 = arith.constant 0 : i32
      %dma_wait3A_556 = tpu.memref_slice %arg6[%add3A_222, %dma_wait3A_555] : memref<320000x128xf32, #tpu.memory_space<hbm>> -> memref<400x128xf32, #tpu.memory_space<hbm>>
      %dma_wait3A_557 = arith.constant 0 : i32
      %dma_wait3A_558 = tpu.memref_slice %arg6[%add3A_222, %dma_wait3A_557] : memref<320000x128xf32, #tpu.memory_space<hbm>> -> memref<400x128xf32, #tpu.memory_space<hbm>>
      tpu.wait_dma2 semaphore(%run_scoped3A : memref<!tpu.dma_semaphore, #tpu.memory_space<semaphore_mem>>) src(%arg9 : memref<400x128xf32, #tpu.memory_space<vmem>>) dst(%dma_wait3A_558 : memref<400x128xf32, #tpu.memory_space<hbm>>)
      tpu.yield
    }) : () -> ()
    %add3A_243 = arith.constant 4400 : i32
    %add3A_244 = arith.addi %mul3A_2, %add3A_243 : i32
    "tpu.region"() ({
      %run_scoped3A = tpu.sem_alloc : memref<!tpu.dma_semaphore, #tpu.memory_space<semaphore_mem>>
      %dma_start3A_551 = arith.constant 0 : i32
      %dma_start3A_552 = tpu.memref_slice %arg7[%dma_start3A_551] : memref<416xi32, #tpu.memory_space<vmem>> -> memref<400xi32, #tpu.memory_space<vmem>>
      %dma_start3A_553 = tpu.memref_slice %arg3[%add3A_244] : memref<320000xi32, #tpu.memory_space<hbm>> -> memref<400xi32, #tpu.memory_space<hbm>>
      %dma_start3A_554 = arith.constant 0 : i32
      %dma_start3A_555 = tpu.memref_slice %arg7[%dma_start3A_554] : memref<416xi32, #tpu.memory_space<vmem>> -> memref<400xi32, #tpu.memory_space<vmem>>
      %dma_start3A_556 = tpu.memref_slice %arg3[%add3A_244] : memref<320000xi32, #tpu.memory_space<hbm>> -> memref<400xi32, #tpu.memory_space<hbm>>
      tpu.enqueue_dma source(%dma_start3A_556 : memref<400xi32, #tpu.memory_space<hbm>>) target(%dma_start3A_555 : memref<400xi32, #tpu.memory_space<vmem>>) target_semaphore(%run_scoped3A : memref<!tpu.dma_semaphore, #tpu.memory_space<semaphore_mem>>)
      %dma_wait3A_557 = arith.constant 0 : i32
      %dma_wait3A_558 = tpu.memref_slice %arg7[%dma_wait3A_557] : memref<416xi32, #tpu.memory_space<vmem>> -> memref<400xi32, #tpu.memory_space<vmem>>
      %dma_wait3A_559 = tpu.memref_slice %arg3[%add3A_244] : memref<320000xi32, #tpu.memory_space<hbm>> -> memref<400xi32, #tpu.memory_space<hbm>>
      %dma_wait3A_560 = arith.constant 0 : i32
      %dma_wait3A_561 = tpu.memref_slice %arg7[%dma_wait3A_560] : memref<416xi32, #tpu.memory_space<vmem>> -> memref<400xi32, #tpu.memory_space<vmem>>
      %dma_wait3A_562 = tpu.memref_slice %arg3[%add3A_244] : memref<320000xi32, #tpu.memory_space<hbm>> -> memref<400xi32, #tpu.memory_space<hbm>>
      tpu.wait_dma2 semaphore(%run_scoped3A : memref<!tpu.dma_semaphore, #tpu.memory_space<semaphore_mem>>) src(%dma_wait3A_562 : memref<400xi32, #tpu.memory_space<hbm>>) dst(%dma_wait3A_561 : memref<400xi32, #tpu.memory_space<vmem>>)
      tpu.yield
    }) : () -> ()
    "tpu.region"() ({
      %run_scoped3A = tpu.sem_alloc : memref<!tpu.dma_semaphore, #tpu.memory_space<semaphore_mem>>
      %dma_start3A_551 = arith.constant 0 : i32
      %dma_start3A_552 = tpu.memref_slice %arg8[%dma_start3A_551] : memref<416xi32, #tpu.memory_space<vmem>> -> memref<400xi32, #tpu.memory_space<vmem>>
      %dma_start3A_553 = tpu.memref_slice %arg4[%add3A_244] : memref<320000xi32, #tpu.memory_space<hbm>> -> memref<400xi32, #tpu.memory_space<hbm>>
      %dma_start3A_554 = arith.constant 0 : i32
      %dma_start3A_555 = tpu.memref_slice %arg8[%dma_start3A_554] : memref<416xi32, #tpu.memory_space<vmem>> -> memref<400xi32, #tpu.memory_space<vmem>>
      %dma_start3A_556 = tpu.memref_slice %arg4[%add3A_244] : memref<320000xi32, #tpu.memory_space<hbm>> -> memref<400xi32, #tpu.memory_space<hbm>>
      tpu.enqueue_dma source(%dma_start3A_556 : memref<400xi32, #tpu.memory_space<hbm>>) target(%dma_start3A_555 : memref<400xi32, #tpu.memory_space<vmem>>) target_semaphore(%run_scoped3A : memref<!tpu.dma_semaphore, #tpu.memory_space<semaphore_mem>>)
      %dma_wait3A_557 = arith.constant 0 : i32
      %dma_wait3A_558 = tpu.memref_slice %arg8[%dma_wait3A_557] : memref<416xi32, #tpu.memory_space<vmem>> -> memref<400xi32, #tpu.memory_space<vmem>>
      %dma_wait3A_559 = tpu.memref_slice %arg4[%add3A_244] : memref<320000xi32, #tpu.memory_space<hbm>> -> memref<400xi32, #tpu.memory_space<hbm>>
      %dma_wait3A_560 = arith.constant 0 : i32
      %dma_wait3A_561 = tpu.memref_slice %arg8[%dma_wait3A_560] : memref<416xi32, #tpu.memory_space<vmem>> -> memref<400xi32, #tpu.memory_space<vmem>>
      %dma_wait3A_562 = tpu.memref_slice %arg4[%add3A_244] : memref<320000xi32, #tpu.memory_space<hbm>> -> memref<400xi32, #tpu.memory_space<hbm>>
      tpu.wait_dma2 semaphore(%run_scoped3A : memref<!tpu.dma_semaphore, #tpu.memory_space<semaphore_mem>>) src(%dma_wait3A_562 : memref<400xi32, #tpu.memory_space<hbm>>) dst(%dma_wait3A_561 : memref<400xi32, #tpu.memory_space<vmem>>)
      tpu.yield
    }) : () -> ()
    %dma_start3A_245 = arith.constant 0 : i32
    %dma_start3A_246 = tpu.memref_slice %arg7[%dma_start3A_245] : memref<416xi32, #tpu.memory_space<vmem>> -> memref<400xi32, #tpu.memory_space<vmem>>
    %dma_start3A_247 = arith.constant 0 : i32
    %dma_start3A_248 = arith.constant 0 : i32
    %dma_start3A_249 = tpu.memref_slice %arg2[%dma_start3A_247, %dma_start3A_248] : memref<10000x128xf32, #tpu.memory_space<hbm>> -> memref<10000x128xf32, #tpu.memory_space<hbm>>
    tpu.enqueue_indirect_dma source(%dma_start3A_249 : memref<10000x128xf32, #tpu.memory_space<hbm>>) target(%arg9 : memref<400x128xf32, #tpu.memory_space<vmem>>) offsets(%dma_start3A_246 : memref<400xi32, #tpu.memory_space<vmem>>) semaphore(%arg10 : memref<!tpu.dma_semaphore, #tpu.memory_space<semaphore_mem>>)
    %dma_wait3A_250 = arith.constant 0 : i32
    %dma_wait3A_251 = tpu.memref_slice %arg7[%dma_wait3A_250] : memref<416xi32, #tpu.memory_space<vmem>> -> memref<400xi32, #tpu.memory_space<vmem>>
    %dma_wait3A_252 = arith.constant 0 : i32
    %dma_wait3A_253 = arith.constant 0 : i32
    %dma_wait3A_254 = tpu.memref_slice %arg2[%dma_wait3A_252, %dma_wait3A_253] : memref<10000x128xf32, #tpu.memory_space<hbm>> -> memref<10000x128xf32, #tpu.memory_space<hbm>>
    tpu.wait_indirect_dma semaphore(%arg10 : memref<!tpu.dma_semaphore, #tpu.memory_space<semaphore_mem>>) src(%dma_wait3A_254 : memref<10000x128xf32, #tpu.memory_space<hbm>>) dst(%arg9 : memref<400x128xf32, #tpu.memory_space<vmem>>)
    "tpu.region"() ({
      %run_scoped3A = tpu.sem_alloc : memref<!tpu.dma_semaphore, #tpu.memory_space<semaphore_mem>>
      %dma_start3A_551 = arith.constant 0 : i32
      %dma_start3A_552 = tpu.memref_slice %arg5[%add3A_244, %dma_start3A_551] : memref<320000x128xf32, #tpu.memory_space<hbm>> -> memref<400x128xf32, #tpu.memory_space<hbm>>
      %dma_start3A_553 = arith.constant 0 : i32
      %dma_start3A_554 = tpu.memref_slice %arg5[%add3A_244, %dma_start3A_553] : memref<320000x128xf32, #tpu.memory_space<hbm>> -> memref<400x128xf32, #tpu.memory_space<hbm>>
      tpu.enqueue_dma source(%arg9 : memref<400x128xf32, #tpu.memory_space<vmem>>) target(%dma_start3A_554 : memref<400x128xf32, #tpu.memory_space<hbm>>) target_semaphore(%run_scoped3A : memref<!tpu.dma_semaphore, #tpu.memory_space<semaphore_mem>>)
      %dma_wait3A_555 = arith.constant 0 : i32
      %dma_wait3A_556 = tpu.memref_slice %arg5[%add3A_244, %dma_wait3A_555] : memref<320000x128xf32, #tpu.memory_space<hbm>> -> memref<400x128xf32, #tpu.memory_space<hbm>>
      %dma_wait3A_557 = arith.constant 0 : i32
      %dma_wait3A_558 = tpu.memref_slice %arg5[%add3A_244, %dma_wait3A_557] : memref<320000x128xf32, #tpu.memory_space<hbm>> -> memref<400x128xf32, #tpu.memory_space<hbm>>
      tpu.wait_dma2 semaphore(%run_scoped3A : memref<!tpu.dma_semaphore, #tpu.memory_space<semaphore_mem>>) src(%arg9 : memref<400x128xf32, #tpu.memory_space<vmem>>) dst(%dma_wait3A_558 : memref<400x128xf32, #tpu.memory_space<hbm>>)
      tpu.yield
    }) : () -> ()
    %dma_start3A_255 = arith.constant 0 : i32
    %dma_start3A_256 = tpu.memref_slice %arg8[%dma_start3A_255] : memref<416xi32, #tpu.memory_space<vmem>> -> memref<400xi32, #tpu.memory_space<vmem>>
    %dma_start3A_257 = arith.constant 0 : i32
    %dma_start3A_258 = arith.constant 0 : i32
    %dma_start3A_259 = tpu.memref_slice %arg2[%dma_start3A_257, %dma_start3A_258] : memref<10000x128xf32, #tpu.memory_space<hbm>> -> memref<10000x128xf32, #tpu.memory_space<hbm>>
    tpu.enqueue_indirect_dma source(%dma_start3A_259 : memref<10000x128xf32, #tpu.memory_space<hbm>>) target(%arg9 : memref<400x128xf32, #tpu.memory_space<vmem>>) offsets(%dma_start3A_256 : memref<400xi32, #tpu.memory_space<vmem>>) semaphore(%arg10 : memref<!tpu.dma_semaphore, #tpu.memory_space<semaphore_mem>>)
    %dma_wait3A_260 = arith.constant 0 : i32
    %dma_wait3A_261 = tpu.memref_slice %arg8[%dma_wait3A_260] : memref<416xi32, #tpu.memory_space<vmem>> -> memref<400xi32, #tpu.memory_space<vmem>>
    %dma_wait3A_262 = arith.constant 0 : i32
    %dma_wait3A_263 = arith.constant 0 : i32
    %dma_wait3A_264 = tpu.memref_slice %arg2[%dma_wait3A_262, %dma_wait3A_263] : memref<10000x128xf32, #tpu.memory_space<hbm>> -> memref<10000x128xf32, #tpu.memory_space<hbm>>
    tpu.wait_indirect_dma semaphore(%arg10 : memref<!tpu.dma_semaphore, #tpu.memory_space<semaphore_mem>>) src(%dma_wait3A_264 : memref<10000x128xf32, #tpu.memory_space<hbm>>) dst(%arg9 : memref<400x128xf32, #tpu.memory_space<vmem>>)
    "tpu.region"() ({
      %run_scoped3A = tpu.sem_alloc : memref<!tpu.dma_semaphore, #tpu.memory_space<semaphore_mem>>
      %dma_start3A_551 = arith.constant 0 : i32
      %dma_start3A_552 = tpu.memref_slice %arg6[%add3A_244, %dma_start3A_551] : memref<320000x128xf32, #tpu.memory_space<hbm>> -> memref<400x128xf32, #tpu.memory_space<hbm>>
      %dma_start3A_553 = arith.constant 0 : i32
      %dma_start3A_554 = tpu.memref_slice %arg6[%add3A_244, %dma_start3A_553] : memref<320000x128xf32, #tpu.memory_space<hbm>> -> memref<400x128xf32, #tpu.memory_space<hbm>>
      tpu.enqueue_dma source(%arg9 : memref<400x128xf32, #tpu.memory_space<vmem>>) target(%dma_start3A_554 : memref<400x128xf32, #tpu.memory_space<hbm>>) target_semaphore(%run_scoped3A : memref<!tpu.dma_semaphore, #tpu.memory_space<semaphore_mem>>)
      %dma_wait3A_555 = arith.constant 0 : i32
      %dma_wait3A_556 = tpu.memref_slice %arg6[%add3A_244, %dma_wait3A_555] : memref<320000x128xf32, #tpu.memory_space<hbm>> -> memref<400x128xf32, #tpu.memory_space<hbm>>
      %dma_wait3A_557 = arith.constant 0 : i32
      %dma_wait3A_558 = tpu.memref_slice %arg6[%add3A_244, %dma_wait3A_557] : memref<320000x128xf32, #tpu.memory_space<hbm>> -> memref<400x128xf32, #tpu.memory_space<hbm>>
      tpu.wait_dma2 semaphore(%run_scoped3A : memref<!tpu.dma_semaphore, #tpu.memory_space<semaphore_mem>>) src(%arg9 : memref<400x128xf32, #tpu.memory_space<vmem>>) dst(%dma_wait3A_558 : memref<400x128xf32, #tpu.memory_space<hbm>>)
      tpu.yield
    }) : () -> ()
    %add3A_265 = arith.constant 4800 : i32
    %add3A_266 = arith.addi %mul3A_2, %add3A_265 : i32
    "tpu.region"() ({
      %run_scoped3A = tpu.sem_alloc : memref<!tpu.dma_semaphore, #tpu.memory_space<semaphore_mem>>
      %dma_start3A_551 = arith.constant 0 : i32
      %dma_start3A_552 = tpu.memref_slice %arg7[%dma_start3A_551] : memref<416xi32, #tpu.memory_space<vmem>> -> memref<400xi32, #tpu.memory_space<vmem>>
      %dma_start3A_553 = tpu.memref_slice %arg3[%add3A_266] : memref<320000xi32, #tpu.memory_space<hbm>> -> memref<400xi32, #tpu.memory_space<hbm>>
      %dma_start3A_554 = arith.constant 0 : i32
      %dma_start3A_555 = tpu.memref_slice %arg7[%dma_start3A_554] : memref<416xi32, #tpu.memory_space<vmem>> -> memref<400xi32, #tpu.memory_space<vmem>>
      %dma_start3A_556 = tpu.memref_slice %arg3[%add3A_266] : memref<320000xi32, #tpu.memory_space<hbm>> -> memref<400xi32, #tpu.memory_space<hbm>>
      tpu.enqueue_dma source(%dma_start3A_556 : memref<400xi32, #tpu.memory_space<hbm>>) target(%dma_start3A_555 : memref<400xi32, #tpu.memory_space<vmem>>) target_semaphore(%run_scoped3A : memref<!tpu.dma_semaphore, #tpu.memory_space<semaphore_mem>>)
      %dma_wait3A_557 = arith.constant 0 : i32
      %dma_wait3A_558 = tpu.memref_slice %arg7[%dma_wait3A_557] : memref<416xi32, #tpu.memory_space<vmem>> -> memref<400xi32, #tpu.memory_space<vmem>>
      %dma_wait3A_559 = tpu.memref_slice %arg3[%add3A_266] : memref<320000xi32, #tpu.memory_space<hbm>> -> memref<400xi32, #tpu.memory_space<hbm>>
      %dma_wait3A_560 = arith.constant 0 : i32
      %dma_wait3A_561 = tpu.memref_slice %arg7[%dma_wait3A_560] : memref<416xi32, #tpu.memory_space<vmem>> -> memref<400xi32, #tpu.memory_space<vmem>>
      %dma_wait3A_562 = tpu.memref_slice %arg3[%add3A_266] : memref<320000xi32, #tpu.memory_space<hbm>> -> memref<400xi32, #tpu.memory_space<hbm>>
      tpu.wait_dma2 semaphore(%run_scoped3A : memref<!tpu.dma_semaphore, #tpu.memory_space<semaphore_mem>>) src(%dma_wait3A_562 : memref<400xi32, #tpu.memory_space<hbm>>) dst(%dma_wait3A_561 : memref<400xi32, #tpu.memory_space<vmem>>)
      tpu.yield
    }) : () -> ()
    "tpu.region"() ({
      %run_scoped3A = tpu.sem_alloc : memref<!tpu.dma_semaphore, #tpu.memory_space<semaphore_mem>>
      %dma_start3A_551 = arith.constant 0 : i32
      %dma_start3A_552 = tpu.memref_slice %arg8[%dma_start3A_551] : memref<416xi32, #tpu.memory_space<vmem>> -> memref<400xi32, #tpu.memory_space<vmem>>
      %dma_start3A_553 = tpu.memref_slice %arg4[%add3A_266] : memref<320000xi32, #tpu.memory_space<hbm>> -> memref<400xi32, #tpu.memory_space<hbm>>
      %dma_start3A_554 = arith.constant 0 : i32
      %dma_start3A_555 = tpu.memref_slice %arg8[%dma_start3A_554] : memref<416xi32, #tpu.memory_space<vmem>> -> memref<400xi32, #tpu.memory_space<vmem>>
      %dma_start3A_556 = tpu.memref_slice %arg4[%add3A_266] : memref<320000xi32, #tpu.memory_space<hbm>> -> memref<400xi32, #tpu.memory_space<hbm>>
      tpu.enqueue_dma source(%dma_start3A_556 : memref<400xi32, #tpu.memory_space<hbm>>) target(%dma_start3A_555 : memref<400xi32, #tpu.memory_space<vmem>>) target_semaphore(%run_scoped3A : memref<!tpu.dma_semaphore, #tpu.memory_space<semaphore_mem>>)
      %dma_wait3A_557 = arith.constant 0 : i32
      %dma_wait3A_558 = tpu.memref_slice %arg8[%dma_wait3A_557] : memref<416xi32, #tpu.memory_space<vmem>> -> memref<400xi32, #tpu.memory_space<vmem>>
      %dma_wait3A_559 = tpu.memref_slice %arg4[%add3A_266] : memref<320000xi32, #tpu.memory_space<hbm>> -> memref<400xi32, #tpu.memory_space<hbm>>
      %dma_wait3A_560 = arith.constant 0 : i32
      %dma_wait3A_561 = tpu.memref_slice %arg8[%dma_wait3A_560] : memref<416xi32, #tpu.memory_space<vmem>> -> memref<400xi32, #tpu.memory_space<vmem>>
      %dma_wait3A_562 = tpu.memref_slice %arg4[%add3A_266] : memref<320000xi32, #tpu.memory_space<hbm>> -> memref<400xi32, #tpu.memory_space<hbm>>
      tpu.wait_dma2 semaphore(%run_scoped3A : memref<!tpu.dma_semaphore, #tpu.memory_space<semaphore_mem>>) src(%dma_wait3A_562 : memref<400xi32, #tpu.memory_space<hbm>>) dst(%dma_wait3A_561 : memref<400xi32, #tpu.memory_space<vmem>>)
      tpu.yield
    }) : () -> ()
    %dma_start3A_267 = arith.constant 0 : i32
    %dma_start3A_268 = tpu.memref_slice %arg7[%dma_start3A_267] : memref<416xi32, #tpu.memory_space<vmem>> -> memref<400xi32, #tpu.memory_space<vmem>>
    %dma_start3A_269 = arith.constant 0 : i32
    %dma_start3A_270 = arith.constant 0 : i32
    %dma_start3A_271 = tpu.memref_slice %arg2[%dma_start3A_269, %dma_start3A_270] : memref<10000x128xf32, #tpu.memory_space<hbm>> -> memref<10000x128xf32, #tpu.memory_space<hbm>>
    tpu.enqueue_indirect_dma source(%dma_start3A_271 : memref<10000x128xf32, #tpu.memory_space<hbm>>) target(%arg9 : memref<400x128xf32, #tpu.memory_space<vmem>>) offsets(%dma_start3A_268 : memref<400xi32, #tpu.memory_space<vmem>>) semaphore(%arg10 : memref<!tpu.dma_semaphore, #tpu.memory_space<semaphore_mem>>)
    %dma_wait3A_272 = arith.constant 0 : i32
    %dma_wait3A_273 = tpu.memref_slice %arg7[%dma_wait3A_272] : memref<416xi32, #tpu.memory_space<vmem>> -> memref<400xi32, #tpu.memory_space<vmem>>
    %dma_wait3A_274 = arith.constant 0 : i32
    %dma_wait3A_275 = arith.constant 0 : i32
    %dma_wait3A_276 = tpu.memref_slice %arg2[%dma_wait3A_274, %dma_wait3A_275] : memref<10000x128xf32, #tpu.memory_space<hbm>> -> memref<10000x128xf32, #tpu.memory_space<hbm>>
    tpu.wait_indirect_dma semaphore(%arg10 : memref<!tpu.dma_semaphore, #tpu.memory_space<semaphore_mem>>) src(%dma_wait3A_276 : memref<10000x128xf32, #tpu.memory_space<hbm>>) dst(%arg9 : memref<400x128xf32, #tpu.memory_space<vmem>>)
    "tpu.region"() ({
      %run_scoped3A = tpu.sem_alloc : memref<!tpu.dma_semaphore, #tpu.memory_space<semaphore_mem>>
      %dma_start3A_551 = arith.constant 0 : i32
      %dma_start3A_552 = tpu.memref_slice %arg5[%add3A_266, %dma_start3A_551] : memref<320000x128xf32, #tpu.memory_space<hbm>> -> memref<400x128xf32, #tpu.memory_space<hbm>>
      %dma_start3A_553 = arith.constant 0 : i32
      %dma_start3A_554 = tpu.memref_slice %arg5[%add3A_266, %dma_start3A_553] : memref<320000x128xf32, #tpu.memory_space<hbm>> -> memref<400x128xf32, #tpu.memory_space<hbm>>
      tpu.enqueue_dma source(%arg9 : memref<400x128xf32, #tpu.memory_space<vmem>>) target(%dma_start3A_554 : memref<400x128xf32, #tpu.memory_space<hbm>>) target_semaphore(%run_scoped3A : memref<!tpu.dma_semaphore, #tpu.memory_space<semaphore_mem>>)
      %dma_wait3A_555 = arith.constant 0 : i32
      %dma_wait3A_556 = tpu.memref_slice %arg5[%add3A_266, %dma_wait3A_555] : memref<320000x128xf32, #tpu.memory_space<hbm>> -> memref<400x128xf32, #tpu.memory_space<hbm>>
      %dma_wait3A_557 = arith.constant 0 : i32
      %dma_wait3A_558 = tpu.memref_slice %arg5[%add3A_266, %dma_wait3A_557] : memref<320000x128xf32, #tpu.memory_space<hbm>> -> memref<400x128xf32, #tpu.memory_space<hbm>>
      tpu.wait_dma2 semaphore(%run_scoped3A : memref<!tpu.dma_semaphore, #tpu.memory_space<semaphore_mem>>) src(%arg9 : memref<400x128xf32, #tpu.memory_space<vmem>>) dst(%dma_wait3A_558 : memref<400x128xf32, #tpu.memory_space<hbm>>)
      tpu.yield
    }) : () -> ()
    %dma_start3A_277 = arith.constant 0 : i32
    %dma_start3A_278 = tpu.memref_slice %arg8[%dma_start3A_277] : memref<416xi32, #tpu.memory_space<vmem>> -> memref<400xi32, #tpu.memory_space<vmem>>
    %dma_start3A_279 = arith.constant 0 : i32
    %dma_start3A_280 = arith.constant 0 : i32
    %dma_start3A_281 = tpu.memref_slice %arg2[%dma_start3A_279, %dma_start3A_280] : memref<10000x128xf32, #tpu.memory_space<hbm>> -> memref<10000x128xf32, #tpu.memory_space<hbm>>
    tpu.enqueue_indirect_dma source(%dma_start3A_281 : memref<10000x128xf32, #tpu.memory_space<hbm>>) target(%arg9 : memref<400x128xf32, #tpu.memory_space<vmem>>) offsets(%dma_start3A_278 : memref<400xi32, #tpu.memory_space<vmem>>) semaphore(%arg10 : memref<!tpu.dma_semaphore, #tpu.memory_space<semaphore_mem>>)
    %dma_wait3A_282 = arith.constant 0 : i32
    %dma_wait3A_283 = tpu.memref_slice %arg8[%dma_wait3A_282] : memref<416xi32, #tpu.memory_space<vmem>> -> memref<400xi32, #tpu.memory_space<vmem>>
    %dma_wait3A_284 = arith.constant 0 : i32
    %dma_wait3A_285 = arith.constant 0 : i32
    %dma_wait3A_286 = tpu.memref_slice %arg2[%dma_wait3A_284, %dma_wait3A_285] : memref<10000x128xf32, #tpu.memory_space<hbm>> -> memref<10000x128xf32, #tpu.memory_space<hbm>>
    tpu.wait_indirect_dma semaphore(%arg10 : memref<!tpu.dma_semaphore, #tpu.memory_space<semaphore_mem>>) src(%dma_wait3A_286 : memref<10000x128xf32, #tpu.memory_space<hbm>>) dst(%arg9 : memref<400x128xf32, #tpu.memory_space<vmem>>)
    "tpu.region"() ({
      %run_scoped3A = tpu.sem_alloc : memref<!tpu.dma_semaphore, #tpu.memory_space<semaphore_mem>>
      %dma_start3A_551 = arith.constant 0 : i32
      %dma_start3A_552 = tpu.memref_slice %arg6[%add3A_266, %dma_start3A_551] : memref<320000x128xf32, #tpu.memory_space<hbm>> -> memref<400x128xf32, #tpu.memory_space<hbm>>
      %dma_start3A_553 = arith.constant 0 : i32
      %dma_start3A_554 = tpu.memref_slice %arg6[%add3A_266, %dma_start3A_553] : memref<320000x128xf32, #tpu.memory_space<hbm>> -> memref<400x128xf32, #tpu.memory_space<hbm>>
      tpu.enqueue_dma source(%arg9 : memref<400x128xf32, #tpu.memory_space<vmem>>) target(%dma_start3A_554 : memref<400x128xf32, #tpu.memory_space<hbm>>) target_semaphore(%run_scoped3A : memref<!tpu.dma_semaphore, #tpu.memory_space<semaphore_mem>>)
      %dma_wait3A_555 = arith.constant 0 : i32
      %dma_wait3A_556 = tpu.memref_slice %arg6[%add3A_266, %dma_wait3A_555] : memref<320000x128xf32, #tpu.memory_space<hbm>> -> memref<400x128xf32, #tpu.memory_space<hbm>>
      %dma_wait3A_557 = arith.constant 0 : i32
      %dma_wait3A_558 = tpu.memref_slice %arg6[%add3A_266, %dma_wait3A_557] : memref<320000x128xf32, #tpu.memory_space<hbm>> -> memref<400x128xf32, #tpu.memory_space<hbm>>
      tpu.wait_dma2 semaphore(%run_scoped3A : memref<!tpu.dma_semaphore, #tpu.memory_space<semaphore_mem>>) src(%arg9 : memref<400x128xf32, #tpu.memory_space<vmem>>) dst(%dma_wait3A_558 : memref<400x128xf32, #tpu.memory_space<hbm>>)
      tpu.yield
    }) : () -> ()
    %add3A_287 = arith.constant 5200 : i32
    %add3A_288 = arith.addi %mul3A_2, %add3A_287 : i32
    "tpu.region"() ({
      %run_scoped3A = tpu.sem_alloc : memref<!tpu.dma_semaphore, #tpu.memory_space<semaphore_mem>>
      %dma_start3A_551 = arith.constant 0 : i32
      %dma_start3A_552 = tpu.memref_slice %arg7[%dma_start3A_551] : memref<416xi32, #tpu.memory_space<vmem>> -> memref<400xi32, #tpu.memory_space<vmem>>
      %dma_start3A_553 = tpu.memref_slice %arg3[%add3A_288] : memref<320000xi32, #tpu.memory_space<hbm>> -> memref<400xi32, #tpu.memory_space<hbm>>
      %dma_start3A_554 = arith.constant 0 : i32
      %dma_start3A_555 = tpu.memref_slice %arg7[%dma_start3A_554] : memref<416xi32, #tpu.memory_space<vmem>> -> memref<400xi32, #tpu.memory_space<vmem>>
      %dma_start3A_556 = tpu.memref_slice %arg3[%add3A_288] : memref<320000xi32, #tpu.memory_space<hbm>> -> memref<400xi32, #tpu.memory_space<hbm>>
      tpu.enqueue_dma source(%dma_start3A_556 : memref<400xi32, #tpu.memory_space<hbm>>) target(%dma_start3A_555 : memref<400xi32, #tpu.memory_space<vmem>>) target_semaphore(%run_scoped3A : memref<!tpu.dma_semaphore, #tpu.memory_space<semaphore_mem>>)
      %dma_wait3A_557 = arith.constant 0 : i32
      %dma_wait3A_558 = tpu.memref_slice %arg7[%dma_wait3A_557] : memref<416xi32, #tpu.memory_space<vmem>> -> memref<400xi32, #tpu.memory_space<vmem>>
      %dma_wait3A_559 = tpu.memref_slice %arg3[%add3A_288] : memref<320000xi32, #tpu.memory_space<hbm>> -> memref<400xi32, #tpu.memory_space<hbm>>
      %dma_wait3A_560 = arith.constant 0 : i32
      %dma_wait3A_561 = tpu.memref_slice %arg7[%dma_wait3A_560] : memref<416xi32, #tpu.memory_space<vmem>> -> memref<400xi32, #tpu.memory_space<vmem>>
      %dma_wait3A_562 = tpu.memref_slice %arg3[%add3A_288] : memref<320000xi32, #tpu.memory_space<hbm>> -> memref<400xi32, #tpu.memory_space<hbm>>
      tpu.wait_dma2 semaphore(%run_scoped3A : memref<!tpu.dma_semaphore, #tpu.memory_space<semaphore_mem>>) src(%dma_wait3A_562 : memref<400xi32, #tpu.memory_space<hbm>>) dst(%dma_wait3A_561 : memref<400xi32, #tpu.memory_space<vmem>>)
      tpu.yield
    }) : () -> ()
    "tpu.region"() ({
      %run_scoped3A = tpu.sem_alloc : memref<!tpu.dma_semaphore, #tpu.memory_space<semaphore_mem>>
      %dma_start3A_551 = arith.constant 0 : i32
      %dma_start3A_552 = tpu.memref_slice %arg8[%dma_start3A_551] : memref<416xi32, #tpu.memory_space<vmem>> -> memref<400xi32, #tpu.memory_space<vmem>>
      %dma_start3A_553 = tpu.memref_slice %arg4[%add3A_288] : memref<320000xi32, #tpu.memory_space<hbm>> -> memref<400xi32, #tpu.memory_space<hbm>>
      %dma_start3A_554 = arith.constant 0 : i32
      %dma_start3A_555 = tpu.memref_slice %arg8[%dma_start3A_554] : memref<416xi32, #tpu.memory_space<vmem>> -> memref<400xi32, #tpu.memory_space<vmem>>
      %dma_start3A_556 = tpu.memref_slice %arg4[%add3A_288] : memref<320000xi32, #tpu.memory_space<hbm>> -> memref<400xi32, #tpu.memory_space<hbm>>
      tpu.enqueue_dma source(%dma_start3A_556 : memref<400xi32, #tpu.memory_space<hbm>>) target(%dma_start3A_555 : memref<400xi32, #tpu.memory_space<vmem>>) target_semaphore(%run_scoped3A : memref<!tpu.dma_semaphore, #tpu.memory_space<semaphore_mem>>)
      %dma_wait3A_557 = arith.constant 0 : i32
      %dma_wait3A_558 = tpu.memref_slice %arg8[%dma_wait3A_557] : memref<416xi32, #tpu.memory_space<vmem>> -> memref<400xi32, #tpu.memory_space<vmem>>
      %dma_wait3A_559 = tpu.memref_slice %arg4[%add3A_288] : memref<320000xi32, #tpu.memory_space<hbm>> -> memref<400xi32, #tpu.memory_space<hbm>>
      %dma_wait3A_560 = arith.constant 0 : i32
      %dma_wait3A_561 = tpu.memref_slice %arg8[%dma_wait3A_560] : memref<416xi32, #tpu.memory_space<vmem>> -> memref<400xi32, #tpu.memory_space<vmem>>
      %dma_wait3A_562 = tpu.memref_slice %arg4[%add3A_288] : memref<320000xi32, #tpu.memory_space<hbm>> -> memref<400xi32, #tpu.memory_space<hbm>>
      tpu.wait_dma2 semaphore(%run_scoped3A : memref<!tpu.dma_semaphore, #tpu.memory_space<semaphore_mem>>) src(%dma_wait3A_562 : memref<400xi32, #tpu.memory_space<hbm>>) dst(%dma_wait3A_561 : memref<400xi32, #tpu.memory_space<vmem>>)
      tpu.yield
    }) : () -> ()
    %dma_start3A_289 = arith.constant 0 : i32
    %dma_start3A_290 = tpu.memref_slice %arg7[%dma_start3A_289] : memref<416xi32, #tpu.memory_space<vmem>> -> memref<400xi32, #tpu.memory_space<vmem>>
    %dma_start3A_291 = arith.constant 0 : i32
    %dma_start3A_292 = arith.constant 0 : i32
    %dma_start3A_293 = tpu.memref_slice %arg2[%dma_start3A_291, %dma_start3A_292] : memref<10000x128xf32, #tpu.memory_space<hbm>> -> memref<10000x128xf32, #tpu.memory_space<hbm>>
    tpu.enqueue_indirect_dma source(%dma_start3A_293 : memref<10000x128xf32, #tpu.memory_space<hbm>>) target(%arg9 : memref<400x128xf32, #tpu.memory_space<vmem>>) offsets(%dma_start3A_290 : memref<400xi32, #tpu.memory_space<vmem>>) semaphore(%arg10 : memref<!tpu.dma_semaphore, #tpu.memory_space<semaphore_mem>>)
    %dma_wait3A_294 = arith.constant 0 : i32
    %dma_wait3A_295 = tpu.memref_slice %arg7[%dma_wait3A_294] : memref<416xi32, #tpu.memory_space<vmem>> -> memref<400xi32, #tpu.memory_space<vmem>>
    %dma_wait3A_296 = arith.constant 0 : i32
    %dma_wait3A_297 = arith.constant 0 : i32
    %dma_wait3A_298 = tpu.memref_slice %arg2[%dma_wait3A_296, %dma_wait3A_297] : memref<10000x128xf32, #tpu.memory_space<hbm>> -> memref<10000x128xf32, #tpu.memory_space<hbm>>
    tpu.wait_indirect_dma semaphore(%arg10 : memref<!tpu.dma_semaphore, #tpu.memory_space<semaphore_mem>>) src(%dma_wait3A_298 : memref<10000x128xf32, #tpu.memory_space<hbm>>) dst(%arg9 : memref<400x128xf32, #tpu.memory_space<vmem>>)
    "tpu.region"() ({
      %run_scoped3A = tpu.sem_alloc : memref<!tpu.dma_semaphore, #tpu.memory_space<semaphore_mem>>
      %dma_start3A_551 = arith.constant 0 : i32
      %dma_start3A_552 = tpu.memref_slice %arg5[%add3A_288, %dma_start3A_551] : memref<320000x128xf32, #tpu.memory_space<hbm>> -> memref<400x128xf32, #tpu.memory_space<hbm>>
      %dma_start3A_553 = arith.constant 0 : i32
      %dma_start3A_554 = tpu.memref_slice %arg5[%add3A_288, %dma_start3A_553] : memref<320000x128xf32, #tpu.memory_space<hbm>> -> memref<400x128xf32, #tpu.memory_space<hbm>>
      tpu.enqueue_dma source(%arg9 : memref<400x128xf32, #tpu.memory_space<vmem>>) target(%dma_start3A_554 : memref<400x128xf32, #tpu.memory_space<hbm>>) target_semaphore(%run_scoped3A : memref<!tpu.dma_semaphore, #tpu.memory_space<semaphore_mem>>)
      %dma_wait3A_555 = arith.constant 0 : i32
      %dma_wait3A_556 = tpu.memref_slice %arg5[%add3A_288, %dma_wait3A_555] : memref<320000x128xf32, #tpu.memory_space<hbm>> -> memref<400x128xf32, #tpu.memory_space<hbm>>
      %dma_wait3A_557 = arith.constant 0 : i32
      %dma_wait3A_558 = tpu.memref_slice %arg5[%add3A_288, %dma_wait3A_557] : memref<320000x128xf32, #tpu.memory_space<hbm>> -> memref<400x128xf32, #tpu.memory_space<hbm>>
      tpu.wait_dma2 semaphore(%run_scoped3A : memref<!tpu.dma_semaphore, #tpu.memory_space<semaphore_mem>>) src(%arg9 : memref<400x128xf32, #tpu.memory_space<vmem>>) dst(%dma_wait3A_558 : memref<400x128xf32, #tpu.memory_space<hbm>>)
      tpu.yield
    }) : () -> ()
    %dma_start3A_299 = arith.constant 0 : i32
    %dma_start3A_300 = tpu.memref_slice %arg8[%dma_start3A_299] : memref<416xi32, #tpu.memory_space<vmem>> -> memref<400xi32, #tpu.memory_space<vmem>>
    %dma_start3A_301 = arith.constant 0 : i32
    %dma_start3A_302 = arith.constant 0 : i32
    %dma_start3A_303 = tpu.memref_slice %arg2[%dma_start3A_301, %dma_start3A_302] : memref<10000x128xf32, #tpu.memory_space<hbm>> -> memref<10000x128xf32, #tpu.memory_space<hbm>>
    tpu.enqueue_indirect_dma source(%dma_start3A_303 : memref<10000x128xf32, #tpu.memory_space<hbm>>) target(%arg9 : memref<400x128xf32, #tpu.memory_space<vmem>>) offsets(%dma_start3A_300 : memref<400xi32, #tpu.memory_space<vmem>>) semaphore(%arg10 : memref<!tpu.dma_semaphore, #tpu.memory_space<semaphore_mem>>)
    %dma_wait3A_304 = arith.constant 0 : i32
    %dma_wait3A_305 = tpu.memref_slice %arg8[%dma_wait3A_304] : memref<416xi32, #tpu.memory_space<vmem>> -> memref<400xi32, #tpu.memory_space<vmem>>
    %dma_wait3A_306 = arith.constant 0 : i32
    %dma_wait3A_307 = arith.constant 0 : i32
    %dma_wait3A_308 = tpu.memref_slice %arg2[%dma_wait3A_306, %dma_wait3A_307] : memref<10000x128xf32, #tpu.memory_space<hbm>> -> memref<10000x128xf32, #tpu.memory_space<hbm>>
    tpu.wait_indirect_dma semaphore(%arg10 : memref<!tpu.dma_semaphore, #tpu.memory_space<semaphore_mem>>) src(%dma_wait3A_308 : memref<10000x128xf32, #tpu.memory_space<hbm>>) dst(%arg9 : memref<400x128xf32, #tpu.memory_space<vmem>>)
    "tpu.region"() ({
      %run_scoped3A = tpu.sem_alloc : memref<!tpu.dma_semaphore, #tpu.memory_space<semaphore_mem>>
      %dma_start3A_551 = arith.constant 0 : i32
      %dma_start3A_552 = tpu.memref_slice %arg6[%add3A_288, %dma_start3A_551] : memref<320000x128xf32, #tpu.memory_space<hbm>> -> memref<400x128xf32, #tpu.memory_space<hbm>>
      %dma_start3A_553 = arith.constant 0 : i32
      %dma_start3A_554 = tpu.memref_slice %arg6[%add3A_288, %dma_start3A_553] : memref<320000x128xf32, #tpu.memory_space<hbm>> -> memref<400x128xf32, #tpu.memory_space<hbm>>
      tpu.enqueue_dma source(%arg9 : memref<400x128xf32, #tpu.memory_space<vmem>>) target(%dma_start3A_554 : memref<400x128xf32, #tpu.memory_space<hbm>>) target_semaphore(%run_scoped3A : memref<!tpu.dma_semaphore, #tpu.memory_space<semaphore_mem>>)
      %dma_wait3A_555 = arith.constant 0 : i32
      %dma_wait3A_556 = tpu.memref_slice %arg6[%add3A_288, %dma_wait3A_555] : memref<320000x128xf32, #tpu.memory_space<hbm>> -> memref<400x128xf32, #tpu.memory_space<hbm>>
      %dma_wait3A_557 = arith.constant 0 : i32
      %dma_wait3A_558 = tpu.memref_slice %arg6[%add3A_288, %dma_wait3A_557] : memref<320000x128xf32, #tpu.memory_space<hbm>> -> memref<400x128xf32, #tpu.memory_space<hbm>>
      tpu.wait_dma2 semaphore(%run_scoped3A : memref<!tpu.dma_semaphore, #tpu.memory_space<semaphore_mem>>) src(%arg9 : memref<400x128xf32, #tpu.memory_space<vmem>>) dst(%dma_wait3A_558 : memref<400x128xf32, #tpu.memory_space<hbm>>)
      tpu.yield
    }) : () -> ()
    %add3A_309 = arith.constant 5600 : i32
    %add3A_310 = arith.addi %mul3A_2, %add3A_309 : i32
    "tpu.region"() ({
      %run_scoped3A = tpu.sem_alloc : memref<!tpu.dma_semaphore, #tpu.memory_space<semaphore_mem>>
      %dma_start3A_551 = arith.constant 0 : i32
      %dma_start3A_552 = tpu.memref_slice %arg7[%dma_start3A_551] : memref<416xi32, #tpu.memory_space<vmem>> -> memref<400xi32, #tpu.memory_space<vmem>>
      %dma_start3A_553 = tpu.memref_slice %arg3[%add3A_310] : memref<320000xi32, #tpu.memory_space<hbm>> -> memref<400xi32, #tpu.memory_space<hbm>>
      %dma_start3A_554 = arith.constant 0 : i32
      %dma_start3A_555 = tpu.memref_slice %arg7[%dma_start3A_554] : memref<416xi32, #tpu.memory_space<vmem>> -> memref<400xi32, #tpu.memory_space<vmem>>
      %dma_start3A_556 = tpu.memref_slice %arg3[%add3A_310] : memref<320000xi32, #tpu.memory_space<hbm>> -> memref<400xi32, #tpu.memory_space<hbm>>
      tpu.enqueue_dma source(%dma_start3A_556 : memref<400xi32, #tpu.memory_space<hbm>>) target(%dma_start3A_555 : memref<400xi32, #tpu.memory_space<vmem>>) target_semaphore(%run_scoped3A : memref<!tpu.dma_semaphore, #tpu.memory_space<semaphore_mem>>)
      %dma_wait3A_557 = arith.constant 0 : i32
      %dma_wait3A_558 = tpu.memref_slice %arg7[%dma_wait3A_557] : memref<416xi32, #tpu.memory_space<vmem>> -> memref<400xi32, #tpu.memory_space<vmem>>
      %dma_wait3A_559 = tpu.memref_slice %arg3[%add3A_310] : memref<320000xi32, #tpu.memory_space<hbm>> -> memref<400xi32, #tpu.memory_space<hbm>>
      %dma_wait3A_560 = arith.constant 0 : i32
      %dma_wait3A_561 = tpu.memref_slice %arg7[%dma_wait3A_560] : memref<416xi32, #tpu.memory_space<vmem>> -> memref<400xi32, #tpu.memory_space<vmem>>
      %dma_wait3A_562 = tpu.memref_slice %arg3[%add3A_310] : memref<320000xi32, #tpu.memory_space<hbm>> -> memref<400xi32, #tpu.memory_space<hbm>>
      tpu.wait_dma2 semaphore(%run_scoped3A : memref<!tpu.dma_semaphore, #tpu.memory_space<semaphore_mem>>) src(%dma_wait3A_562 : memref<400xi32, #tpu.memory_space<hbm>>) dst(%dma_wait3A_561 : memref<400xi32, #tpu.memory_space<vmem>>)
      tpu.yield
    }) : () -> ()
    "tpu.region"() ({
      %run_scoped3A = tpu.sem_alloc : memref<!tpu.dma_semaphore, #tpu.memory_space<semaphore_mem>>
      %dma_start3A_551 = arith.constant 0 : i32
      %dma_start3A_552 = tpu.memref_slice %arg8[%dma_start3A_551] : memref<416xi32, #tpu.memory_space<vmem>> -> memref<400xi32, #tpu.memory_space<vmem>>
      %dma_start3A_553 = tpu.memref_slice %arg4[%add3A_310] : memref<320000xi32, #tpu.memory_space<hbm>> -> memref<400xi32, #tpu.memory_space<hbm>>
      %dma_start3A_554 = arith.constant 0 : i32
      %dma_start3A_555 = tpu.memref_slice %arg8[%dma_start3A_554] : memref<416xi32, #tpu.memory_space<vmem>> -> memref<400xi32, #tpu.memory_space<vmem>>
      %dma_start3A_556 = tpu.memref_slice %arg4[%add3A_310] : memref<320000xi32, #tpu.memory_space<hbm>> -> memref<400xi32, #tpu.memory_space<hbm>>
      tpu.enqueue_dma source(%dma_start3A_556 : memref<400xi32, #tpu.memory_space<hbm>>) target(%dma_start3A_555 : memref<400xi32, #tpu.memory_space<vmem>>) target_semaphore(%run_scoped3A : memref<!tpu.dma_semaphore, #tpu.memory_space<semaphore_mem>>)
      %dma_wait3A_557 = arith.constant 0 : i32
      %dma_wait3A_558 = tpu.memref_slice %arg8[%dma_wait3A_557] : memref<416xi32, #tpu.memory_space<vmem>> -> memref<400xi32, #tpu.memory_space<vmem>>
      %dma_wait3A_559 = tpu.memref_slice %arg4[%add3A_310] : memref<320000xi32, #tpu.memory_space<hbm>> -> memref<400xi32, #tpu.memory_space<hbm>>
      %dma_wait3A_560 = arith.constant 0 : i32
      %dma_wait3A_561 = tpu.memref_slice %arg8[%dma_wait3A_560] : memref<416xi32, #tpu.memory_space<vmem>> -> memref<400xi32, #tpu.memory_space<vmem>>
      %dma_wait3A_562 = tpu.memref_slice %arg4[%add3A_310] : memref<320000xi32, #tpu.memory_space<hbm>> -> memref<400xi32, #tpu.memory_space<hbm>>
      tpu.wait_dma2 semaphore(%run_scoped3A : memref<!tpu.dma_semaphore, #tpu.memory_space<semaphore_mem>>) src(%dma_wait3A_562 : memref<400xi32, #tpu.memory_space<hbm>>) dst(%dma_wait3A_561 : memref<400xi32, #tpu.memory_space<vmem>>)
      tpu.yield
    }) : () -> ()
    %dma_start3A_311 = arith.constant 0 : i32
    %dma_start3A_312 = tpu.memref_slice %arg7[%dma_start3A_311] : memref<416xi32, #tpu.memory_space<vmem>> -> memref<400xi32, #tpu.memory_space<vmem>>
    %dma_start3A_313 = arith.constant 0 : i32
    %dma_start3A_314 = arith.constant 0 : i32
    %dma_start3A_315 = tpu.memref_slice %arg2[%dma_start3A_313, %dma_start3A_314] : memref<10000x128xf32, #tpu.memory_space<hbm>> -> memref<10000x128xf32, #tpu.memory_space<hbm>>
    tpu.enqueue_indirect_dma source(%dma_start3A_315 : memref<10000x128xf32, #tpu.memory_space<hbm>>) target(%arg9 : memref<400x128xf32, #tpu.memory_space<vmem>>) offsets(%dma_start3A_312 : memref<400xi32, #tpu.memory_space<vmem>>) semaphore(%arg10 : memref<!tpu.dma_semaphore, #tpu.memory_space<semaphore_mem>>)
    %dma_wait3A_316 = arith.constant 0 : i32
    %dma_wait3A_317 = tpu.memref_slice %arg7[%dma_wait3A_316] : memref<416xi32, #tpu.memory_space<vmem>> -> memref<400xi32, #tpu.memory_space<vmem>>
    %dma_wait3A_318 = arith.constant 0 : i32
    %dma_wait3A_319 = arith.constant 0 : i32
    %dma_wait3A_320 = tpu.memref_slice %arg2[%dma_wait3A_318, %dma_wait3A_319] : memref<10000x128xf32, #tpu.memory_space<hbm>> -> memref<10000x128xf32, #tpu.memory_space<hbm>>
    tpu.wait_indirect_dma semaphore(%arg10 : memref<!tpu.dma_semaphore, #tpu.memory_space<semaphore_mem>>) src(%dma_wait3A_320 : memref<10000x128xf32, #tpu.memory_space<hbm>>) dst(%arg9 : memref<400x128xf32, #tpu.memory_space<vmem>>)
    "tpu.region"() ({
      %run_scoped3A = tpu.sem_alloc : memref<!tpu.dma_semaphore, #tpu.memory_space<semaphore_mem>>
      %dma_start3A_551 = arith.constant 0 : i32
      %dma_start3A_552 = tpu.memref_slice %arg5[%add3A_310, %dma_start3A_551] : memref<320000x128xf32, #tpu.memory_space<hbm>> -> memref<400x128xf32, #tpu.memory_space<hbm>>
      %dma_start3A_553 = arith.constant 0 : i32
      %dma_start3A_554 = tpu.memref_slice %arg5[%add3A_310, %dma_start3A_553] : memref<320000x128xf32, #tpu.memory_space<hbm>> -> memref<400x128xf32, #tpu.memory_space<hbm>>
      tpu.enqueue_dma source(%arg9 : memref<400x128xf32, #tpu.memory_space<vmem>>) target(%dma_start3A_554 : memref<400x128xf32, #tpu.memory_space<hbm>>) target_semaphore(%run_scoped3A : memref<!tpu.dma_semaphore, #tpu.memory_space<semaphore_mem>>)
      %dma_wait3A_555 = arith.constant 0 : i32
      %dma_wait3A_556 = tpu.memref_slice %arg5[%add3A_310, %dma_wait3A_555] : memref<320000x128xf32, #tpu.memory_space<hbm>> -> memref<400x128xf32, #tpu.memory_space<hbm>>
      %dma_wait3A_557 = arith.constant 0 : i32
      %dma_wait3A_558 = tpu.memref_slice %arg5[%add3A_310, %dma_wait3A_557] : memref<320000x128xf32, #tpu.memory_space<hbm>> -> memref<400x128xf32, #tpu.memory_space<hbm>>
      tpu.wait_dma2 semaphore(%run_scoped3A : memref<!tpu.dma_semaphore, #tpu.memory_space<semaphore_mem>>) src(%arg9 : memref<400x128xf32, #tpu.memory_space<vmem>>) dst(%dma_wait3A_558 : memref<400x128xf32, #tpu.memory_space<hbm>>)
      tpu.yield
    }) : () -> ()
    %dma_start3A_321 = arith.constant 0 : i32
    %dma_start3A_322 = tpu.memref_slice %arg8[%dma_start3A_321] : memref<416xi32, #tpu.memory_space<vmem>> -> memref<400xi32, #tpu.memory_space<vmem>>
    %dma_start3A_323 = arith.constant 0 : i32
    %dma_start3A_324 = arith.constant 0 : i32
    %dma_start3A_325 = tpu.memref_slice %arg2[%dma_start3A_323, %dma_start3A_324] : memref<10000x128xf32, #tpu.memory_space<hbm>> -> memref<10000x128xf32, #tpu.memory_space<hbm>>
    tpu.enqueue_indirect_dma source(%dma_start3A_325 : memref<10000x128xf32, #tpu.memory_space<hbm>>) target(%arg9 : memref<400x128xf32, #tpu.memory_space<vmem>>) offsets(%dma_start3A_322 : memref<400xi32, #tpu.memory_space<vmem>>) semaphore(%arg10 : memref<!tpu.dma_semaphore, #tpu.memory_space<semaphore_mem>>)
    %dma_wait3A_326 = arith.constant 0 : i32
    %dma_wait3A_327 = tpu.memref_slice %arg8[%dma_wait3A_326] : memref<416xi32, #tpu.memory_space<vmem>> -> memref<400xi32, #tpu.memory_space<vmem>>
    %dma_wait3A_328 = arith.constant 0 : i32
    %dma_wait3A_329 = arith.constant 0 : i32
    %dma_wait3A_330 = tpu.memref_slice %arg2[%dma_wait3A_328, %dma_wait3A_329] : memref<10000x128xf32, #tpu.memory_space<hbm>> -> memref<10000x128xf32, #tpu.memory_space<hbm>>
    tpu.wait_indirect_dma semaphore(%arg10 : memref<!tpu.dma_semaphore, #tpu.memory_space<semaphore_mem>>) src(%dma_wait3A_330 : memref<10000x128xf32, #tpu.memory_space<hbm>>) dst(%arg9 : memref<400x128xf32, #tpu.memory_space<vmem>>)
    "tpu.region"() ({
      %run_scoped3A = tpu.sem_alloc : memref<!tpu.dma_semaphore, #tpu.memory_space<semaphore_mem>>
      %dma_start3A_551 = arith.constant 0 : i32
      %dma_start3A_552 = tpu.memref_slice %arg6[%add3A_310, %dma_start3A_551] : memref<320000x128xf32, #tpu.memory_space<hbm>> -> memref<400x128xf32, #tpu.memory_space<hbm>>
      %dma_start3A_553 = arith.constant 0 : i32
      %dma_start3A_554 = tpu.memref_slice %arg6[%add3A_310, %dma_start3A_553] : memref<320000x128xf32, #tpu.memory_space<hbm>> -> memref<400x128xf32, #tpu.memory_space<hbm>>
      tpu.enqueue_dma source(%arg9 : memref<400x128xf32, #tpu.memory_space<vmem>>) target(%dma_start3A_554 : memref<400x128xf32, #tpu.memory_space<hbm>>) target_semaphore(%run_scoped3A : memref<!tpu.dma_semaphore, #tpu.memory_space<semaphore_mem>>)
      %dma_wait3A_555 = arith.constant 0 : i32
      %dma_wait3A_556 = tpu.memref_slice %arg6[%add3A_310, %dma_wait3A_555] : memref<320000x128xf32, #tpu.memory_space<hbm>> -> memref<400x128xf32, #tpu.memory_space<hbm>>
      %dma_wait3A_557 = arith.constant 0 : i32
      %dma_wait3A_558 = tpu.memref_slice %arg6[%add3A_310, %dma_wait3A_557] : memref<320000x128xf32, #tpu.memory_space<hbm>> -> memref<400x128xf32, #tpu.memory_space<hbm>>
      tpu.wait_dma2 semaphore(%run_scoped3A : memref<!tpu.dma_semaphore, #tpu.memory_space<semaphore_mem>>) src(%arg9 : memref<400x128xf32, #tpu.memory_space<vmem>>) dst(%dma_wait3A_558 : memref<400x128xf32, #tpu.memory_space<hbm>>)
      tpu.yield
    }) : () -> ()
    %add3A_331 = arith.constant 6000 : i32
    %add3A_332 = arith.addi %mul3A_2, %add3A_331 : i32
    "tpu.region"() ({
      %run_scoped3A = tpu.sem_alloc : memref<!tpu.dma_semaphore, #tpu.memory_space<semaphore_mem>>
      %dma_start3A_551 = arith.constant 0 : i32
      %dma_start3A_552 = tpu.memref_slice %arg7[%dma_start3A_551] : memref<416xi32, #tpu.memory_space<vmem>> -> memref<400xi32, #tpu.memory_space<vmem>>
      %dma_start3A_553 = tpu.memref_slice %arg3[%add3A_332] : memref<320000xi32, #tpu.memory_space<hbm>> -> memref<400xi32, #tpu.memory_space<hbm>>
      %dma_start3A_554 = arith.constant 0 : i32
      %dma_start3A_555 = tpu.memref_slice %arg7[%dma_start3A_554] : memref<416xi32, #tpu.memory_space<vmem>> -> memref<400xi32, #tpu.memory_space<vmem>>
      %dma_start3A_556 = tpu.memref_slice %arg3[%add3A_332] : memref<320000xi32, #tpu.memory_space<hbm>> -> memref<400xi32, #tpu.memory_space<hbm>>
      tpu.enqueue_dma source(%dma_start3A_556 : memref<400xi32, #tpu.memory_space<hbm>>) target(%dma_start3A_555 : memref<400xi32, #tpu.memory_space<vmem>>) target_semaphore(%run_scoped3A : memref<!tpu.dma_semaphore, #tpu.memory_space<semaphore_mem>>)
      %dma_wait3A_557 = arith.constant 0 : i32
      %dma_wait3A_558 = tpu.memref_slice %arg7[%dma_wait3A_557] : memref<416xi32, #tpu.memory_space<vmem>> -> memref<400xi32, #tpu.memory_space<vmem>>
      %dma_wait3A_559 = tpu.memref_slice %arg3[%add3A_332] : memref<320000xi32, #tpu.memory_space<hbm>> -> memref<400xi32, #tpu.memory_space<hbm>>
      %dma_wait3A_560 = arith.constant 0 : i32
      %dma_wait3A_561 = tpu.memref_slice %arg7[%dma_wait3A_560] : memref<416xi32, #tpu.memory_space<vmem>> -> memref<400xi32, #tpu.memory_space<vmem>>
      %dma_wait3A_562 = tpu.memref_slice %arg3[%add3A_332] : memref<320000xi32, #tpu.memory_space<hbm>> -> memref<400xi32, #tpu.memory_space<hbm>>
      tpu.wait_dma2 semaphore(%run_scoped3A : memref<!tpu.dma_semaphore, #tpu.memory_space<semaphore_mem>>) src(%dma_wait3A_562 : memref<400xi32, #tpu.memory_space<hbm>>) dst(%dma_wait3A_561 : memref<400xi32, #tpu.memory_space<vmem>>)
      tpu.yield
    }) : () -> ()
    "tpu.region"() ({
      %run_scoped3A = tpu.sem_alloc : memref<!tpu.dma_semaphore, #tpu.memory_space<semaphore_mem>>
      %dma_start3A_551 = arith.constant 0 : i32
      %dma_start3A_552 = tpu.memref_slice %arg8[%dma_start3A_551] : memref<416xi32, #tpu.memory_space<vmem>> -> memref<400xi32, #tpu.memory_space<vmem>>
      %dma_start3A_553 = tpu.memref_slice %arg4[%add3A_332] : memref<320000xi32, #tpu.memory_space<hbm>> -> memref<400xi32, #tpu.memory_space<hbm>>
      %dma_start3A_554 = arith.constant 0 : i32
      %dma_start3A_555 = tpu.memref_slice %arg8[%dma_start3A_554] : memref<416xi32, #tpu.memory_space<vmem>> -> memref<400xi32, #tpu.memory_space<vmem>>
      %dma_start3A_556 = tpu.memref_slice %arg4[%add3A_332] : memref<320000xi32, #tpu.memory_space<hbm>> -> memref<400xi32, #tpu.memory_space<hbm>>
      tpu.enqueue_dma source(%dma_start3A_556 : memref<400xi32, #tpu.memory_space<hbm>>) target(%dma_start3A_555 : memref<400xi32, #tpu.memory_space<vmem>>) target_semaphore(%run_scoped3A : memref<!tpu.dma_semaphore, #tpu.memory_space<semaphore_mem>>)
      %dma_wait3A_557 = arith.constant 0 : i32
      %dma_wait3A_558 = tpu.memref_slice %arg8[%dma_wait3A_557] : memref<416xi32, #tpu.memory_space<vmem>> -> memref<400xi32, #tpu.memory_space<vmem>>
      %dma_wait3A_559 = tpu.memref_slice %arg4[%add3A_332] : memref<320000xi32, #tpu.memory_space<hbm>> -> memref<400xi32, #tpu.memory_space<hbm>>
      %dma_wait3A_560 = arith.constant 0 : i32
      %dma_wait3A_561 = tpu.memref_slice %arg8[%dma_wait3A_560] : memref<416xi32, #tpu.memory_space<vmem>> -> memref<400xi32, #tpu.memory_space<vmem>>
      %dma_wait3A_562 = tpu.memref_slice %arg4[%add3A_332] : memref<320000xi32, #tpu.memory_space<hbm>> -> memref<400xi32, #tpu.memory_space<hbm>>
      tpu.wait_dma2 semaphore(%run_scoped3A : memref<!tpu.dma_semaphore, #tpu.memory_space<semaphore_mem>>) src(%dma_wait3A_562 : memref<400xi32, #tpu.memory_space<hbm>>) dst(%dma_wait3A_561 : memref<400xi32, #tpu.memory_space<vmem>>)
      tpu.yield
    }) : () -> ()
    %dma_start3A_333 = arith.constant 0 : i32
    %dma_start3A_334 = tpu.memref_slice %arg7[%dma_start3A_333] : memref<416xi32, #tpu.memory_space<vmem>> -> memref<400xi32, #tpu.memory_space<vmem>>
    %dma_start3A_335 = arith.constant 0 : i32
    %dma_start3A_336 = arith.constant 0 : i32
    %dma_start3A_337 = tpu.memref_slice %arg2[%dma_start3A_335, %dma_start3A_336] : memref<10000x128xf32, #tpu.memory_space<hbm>> -> memref<10000x128xf32, #tpu.memory_space<hbm>>
    tpu.enqueue_indirect_dma source(%dma_start3A_337 : memref<10000x128xf32, #tpu.memory_space<hbm>>) target(%arg9 : memref<400x128xf32, #tpu.memory_space<vmem>>) offsets(%dma_start3A_334 : memref<400xi32, #tpu.memory_space<vmem>>) semaphore(%arg10 : memref<!tpu.dma_semaphore, #tpu.memory_space<semaphore_mem>>)
    %dma_wait3A_338 = arith.constant 0 : i32
    %dma_wait3A_339 = tpu.memref_slice %arg7[%dma_wait3A_338] : memref<416xi32, #tpu.memory_space<vmem>> -> memref<400xi32, #tpu.memory_space<vmem>>
    %dma_wait3A_340 = arith.constant 0 : i32
    %dma_wait3A_341 = arith.constant 0 : i32
    %dma_wait3A_342 = tpu.memref_slice %arg2[%dma_wait3A_340, %dma_wait3A_341] : memref<10000x128xf32, #tpu.memory_space<hbm>> -> memref<10000x128xf32, #tpu.memory_space<hbm>>
    tpu.wait_indirect_dma semaphore(%arg10 : memref<!tpu.dma_semaphore, #tpu.memory_space<semaphore_mem>>) src(%dma_wait3A_342 : memref<10000x128xf32, #tpu.memory_space<hbm>>) dst(%arg9 : memref<400x128xf32, #tpu.memory_space<vmem>>)
    "tpu.region"() ({
      %run_scoped3A = tpu.sem_alloc : memref<!tpu.dma_semaphore, #tpu.memory_space<semaphore_mem>>
      %dma_start3A_551 = arith.constant 0 : i32
      %dma_start3A_552 = tpu.memref_slice %arg5[%add3A_332, %dma_start3A_551] : memref<320000x128xf32, #tpu.memory_space<hbm>> -> memref<400x128xf32, #tpu.memory_space<hbm>>
      %dma_start3A_553 = arith.constant 0 : i32
      %dma_start3A_554 = tpu.memref_slice %arg5[%add3A_332, %dma_start3A_553] : memref<320000x128xf32, #tpu.memory_space<hbm>> -> memref<400x128xf32, #tpu.memory_space<hbm>>
      tpu.enqueue_dma source(%arg9 : memref<400x128xf32, #tpu.memory_space<vmem>>) target(%dma_start3A_554 : memref<400x128xf32, #tpu.memory_space<hbm>>) target_semaphore(%run_scoped3A : memref<!tpu.dma_semaphore, #tpu.memory_space<semaphore_mem>>)
      %dma_wait3A_555 = arith.constant 0 : i32
      %dma_wait3A_556 = tpu.memref_slice %arg5[%add3A_332, %dma_wait3A_555] : memref<320000x128xf32, #tpu.memory_space<hbm>> -> memref<400x128xf32, #tpu.memory_space<hbm>>
      %dma_wait3A_557 = arith.constant 0 : i32
      %dma_wait3A_558 = tpu.memref_slice %arg5[%add3A_332, %dma_wait3A_557] : memref<320000x128xf32, #tpu.memory_space<hbm>> -> memref<400x128xf32, #tpu.memory_space<hbm>>
      tpu.wait_dma2 semaphore(%run_scoped3A : memref<!tpu.dma_semaphore, #tpu.memory_space<semaphore_mem>>) src(%arg9 : memref<400x128xf32, #tpu.memory_space<vmem>>) dst(%dma_wait3A_558 : memref<400x128xf32, #tpu.memory_space<hbm>>)
      tpu.yield
    }) : () -> ()
    %dma_start3A_343 = arith.constant 0 : i32
    %dma_start3A_344 = tpu.memref_slice %arg8[%dma_start3A_343] : memref<416xi32, #tpu.memory_space<vmem>> -> memref<400xi32, #tpu.memory_space<vmem>>
    %dma_start3A_345 = arith.constant 0 : i32
    %dma_start3A_346 = arith.constant 0 : i32
    %dma_start3A_347 = tpu.memref_slice %arg2[%dma_start3A_345, %dma_start3A_346] : memref<10000x128xf32, #tpu.memory_space<hbm>> -> memref<10000x128xf32, #tpu.memory_space<hbm>>
    tpu.enqueue_indirect_dma source(%dma_start3A_347 : memref<10000x128xf32, #tpu.memory_space<hbm>>) target(%arg9 : memref<400x128xf32, #tpu.memory_space<vmem>>) offsets(%dma_start3A_344 : memref<400xi32, #tpu.memory_space<vmem>>) semaphore(%arg10 : memref<!tpu.dma_semaphore, #tpu.memory_space<semaphore_mem>>)
    %dma_wait3A_348 = arith.constant 0 : i32
    %dma_wait3A_349 = tpu.memref_slice %arg8[%dma_wait3A_348] : memref<416xi32, #tpu.memory_space<vmem>> -> memref<400xi32, #tpu.memory_space<vmem>>
    %dma_wait3A_350 = arith.constant 0 : i32
    %dma_wait3A_351 = arith.constant 0 : i32
    %dma_wait3A_352 = tpu.memref_slice %arg2[%dma_wait3A_350, %dma_wait3A_351] : memref<10000x128xf32, #tpu.memory_space<hbm>> -> memref<10000x128xf32, #tpu.memory_space<hbm>>
    tpu.wait_indirect_dma semaphore(%arg10 : memref<!tpu.dma_semaphore, #tpu.memory_space<semaphore_mem>>) src(%dma_wait3A_352 : memref<10000x128xf32, #tpu.memory_space<hbm>>) dst(%arg9 : memref<400x128xf32, #tpu.memory_space<vmem>>)
    "tpu.region"() ({
      %run_scoped3A = tpu.sem_alloc : memref<!tpu.dma_semaphore, #tpu.memory_space<semaphore_mem>>
      %dma_start3A_551 = arith.constant 0 : i32
      %dma_start3A_552 = tpu.memref_slice %arg6[%add3A_332, %dma_start3A_551] : memref<320000x128xf32, #tpu.memory_space<hbm>> -> memref<400x128xf32, #tpu.memory_space<hbm>>
      %dma_start3A_553 = arith.constant 0 : i32
      %dma_start3A_554 = tpu.memref_slice %arg6[%add3A_332, %dma_start3A_553] : memref<320000x128xf32, #tpu.memory_space<hbm>> -> memref<400x128xf32, #tpu.memory_space<hbm>>
      tpu.enqueue_dma source(%arg9 : memref<400x128xf32, #tpu.memory_space<vmem>>) target(%dma_start3A_554 : memref<400x128xf32, #tpu.memory_space<hbm>>) target_semaphore(%run_scoped3A : memref<!tpu.dma_semaphore, #tpu.memory_space<semaphore_mem>>)
      %dma_wait3A_555 = arith.constant 0 : i32
      %dma_wait3A_556 = tpu.memref_slice %arg6[%add3A_332, %dma_wait3A_555] : memref<320000x128xf32, #tpu.memory_space<hbm>> -> memref<400x128xf32, #tpu.memory_space<hbm>>
      %dma_wait3A_557 = arith.constant 0 : i32
      %dma_wait3A_558 = tpu.memref_slice %arg6[%add3A_332, %dma_wait3A_557] : memref<320000x128xf32, #tpu.memory_space<hbm>> -> memref<400x128xf32, #tpu.memory_space<hbm>>
      tpu.wait_dma2 semaphore(%run_scoped3A : memref<!tpu.dma_semaphore, #tpu.memory_space<semaphore_mem>>) src(%arg9 : memref<400x128xf32, #tpu.memory_space<vmem>>) dst(%dma_wait3A_558 : memref<400x128xf32, #tpu.memory_space<hbm>>)
      tpu.yield
    }) : () -> ()
    %add3A_353 = arith.constant 6400 : i32
    %add3A_354 = arith.addi %mul3A_2, %add3A_353 : i32
    "tpu.region"() ({
      %run_scoped3A = tpu.sem_alloc : memref<!tpu.dma_semaphore, #tpu.memory_space<semaphore_mem>>
      %dma_start3A_551 = arith.constant 0 : i32
      %dma_start3A_552 = tpu.memref_slice %arg7[%dma_start3A_551] : memref<416xi32, #tpu.memory_space<vmem>> -> memref<400xi32, #tpu.memory_space<vmem>>
      %dma_start3A_553 = tpu.memref_slice %arg3[%add3A_354] : memref<320000xi32, #tpu.memory_space<hbm>> -> memref<400xi32, #tpu.memory_space<hbm>>
      %dma_start3A_554 = arith.constant 0 : i32
      %dma_start3A_555 = tpu.memref_slice %arg7[%dma_start3A_554] : memref<416xi32, #tpu.memory_space<vmem>> -> memref<400xi32, #tpu.memory_space<vmem>>
      %dma_start3A_556 = tpu.memref_slice %arg3[%add3A_354] : memref<320000xi32, #tpu.memory_space<hbm>> -> memref<400xi32, #tpu.memory_space<hbm>>
      tpu.enqueue_dma source(%dma_start3A_556 : memref<400xi32, #tpu.memory_space<hbm>>) target(%dma_start3A_555 : memref<400xi32, #tpu.memory_space<vmem>>) target_semaphore(%run_scoped3A : memref<!tpu.dma_semaphore, #tpu.memory_space<semaphore_mem>>)
      %dma_wait3A_557 = arith.constant 0 : i32
      %dma_wait3A_558 = tpu.memref_slice %arg7[%dma_wait3A_557] : memref<416xi32, #tpu.memory_space<vmem>> -> memref<400xi32, #tpu.memory_space<vmem>>
      %dma_wait3A_559 = tpu.memref_slice %arg3[%add3A_354] : memref<320000xi32, #tpu.memory_space<hbm>> -> memref<400xi32, #tpu.memory_space<hbm>>
      %dma_wait3A_560 = arith.constant 0 : i32
      %dma_wait3A_561 = tpu.memref_slice %arg7[%dma_wait3A_560] : memref<416xi32, #tpu.memory_space<vmem>> -> memref<400xi32, #tpu.memory_space<vmem>>
      %dma_wait3A_562 = tpu.memref_slice %arg3[%add3A_354] : memref<320000xi32, #tpu.memory_space<hbm>> -> memref<400xi32, #tpu.memory_space<hbm>>
      tpu.wait_dma2 semaphore(%run_scoped3A : memref<!tpu.dma_semaphore, #tpu.memory_space<semaphore_mem>>) src(%dma_wait3A_562 : memref<400xi32, #tpu.memory_space<hbm>>) dst(%dma_wait3A_561 : memref<400xi32, #tpu.memory_space<vmem>>)
      tpu.yield
    }) : () -> ()
    "tpu.region"() ({
      %run_scoped3A = tpu.sem_alloc : memref<!tpu.dma_semaphore, #tpu.memory_space<semaphore_mem>>
      %dma_start3A_551 = arith.constant 0 : i32
      %dma_start3A_552 = tpu.memref_slice %arg8[%dma_start3A_551] : memref<416xi32, #tpu.memory_space<vmem>> -> memref<400xi32, #tpu.memory_space<vmem>>
      %dma_start3A_553 = tpu.memref_slice %arg4[%add3A_354] : memref<320000xi32, #tpu.memory_space<hbm>> -> memref<400xi32, #tpu.memory_space<hbm>>
      %dma_start3A_554 = arith.constant 0 : i32
      %dma_start3A_555 = tpu.memref_slice %arg8[%dma_start3A_554] : memref<416xi32, #tpu.memory_space<vmem>> -> memref<400xi32, #tpu.memory_space<vmem>>
      %dma_start3A_556 = tpu.memref_slice %arg4[%add3A_354] : memref<320000xi32, #tpu.memory_space<hbm>> -> memref<400xi32, #tpu.memory_space<hbm>>
      tpu.enqueue_dma source(%dma_start3A_556 : memref<400xi32, #tpu.memory_space<hbm>>) target(%dma_start3A_555 : memref<400xi32, #tpu.memory_space<vmem>>) target_semaphore(%run_scoped3A : memref<!tpu.dma_semaphore, #tpu.memory_space<semaphore_mem>>)
      %dma_wait3A_557 = arith.constant 0 : i32
      %dma_wait3A_558 = tpu.memref_slice %arg8[%dma_wait3A_557] : memref<416xi32, #tpu.memory_space<vmem>> -> memref<400xi32, #tpu.memory_space<vmem>>
      %dma_wait3A_559 = tpu.memref_slice %arg4[%add3A_354] : memref<320000xi32, #tpu.memory_space<hbm>> -> memref<400xi32, #tpu.memory_space<hbm>>
      %dma_wait3A_560 = arith.constant 0 : i32
      %dma_wait3A_561 = tpu.memref_slice %arg8[%dma_wait3A_560] : memref<416xi32, #tpu.memory_space<vmem>> -> memref<400xi32, #tpu.memory_space<vmem>>
      %dma_wait3A_562 = tpu.memref_slice %arg4[%add3A_354] : memref<320000xi32, #tpu.memory_space<hbm>> -> memref<400xi32, #tpu.memory_space<hbm>>
      tpu.wait_dma2 semaphore(%run_scoped3A : memref<!tpu.dma_semaphore, #tpu.memory_space<semaphore_mem>>) src(%dma_wait3A_562 : memref<400xi32, #tpu.memory_space<hbm>>) dst(%dma_wait3A_561 : memref<400xi32, #tpu.memory_space<vmem>>)
      tpu.yield
    }) : () -> ()
    %dma_start3A_355 = arith.constant 0 : i32
    %dma_start3A_356 = tpu.memref_slice %arg7[%dma_start3A_355] : memref<416xi32, #tpu.memory_space<vmem>> -> memref<400xi32, #tpu.memory_space<vmem>>
    %dma_start3A_357 = arith.constant 0 : i32
    %dma_start3A_358 = arith.constant 0 : i32
    %dma_start3A_359 = tpu.memref_slice %arg2[%dma_start3A_357, %dma_start3A_358] : memref<10000x128xf32, #tpu.memory_space<hbm>> -> memref<10000x128xf32, #tpu.memory_space<hbm>>
    tpu.enqueue_indirect_dma source(%dma_start3A_359 : memref<10000x128xf32, #tpu.memory_space<hbm>>) target(%arg9 : memref<400x128xf32, #tpu.memory_space<vmem>>) offsets(%dma_start3A_356 : memref<400xi32, #tpu.memory_space<vmem>>) semaphore(%arg10 : memref<!tpu.dma_semaphore, #tpu.memory_space<semaphore_mem>>)
    %dma_wait3A_360 = arith.constant 0 : i32
    %dma_wait3A_361 = tpu.memref_slice %arg7[%dma_wait3A_360] : memref<416xi32, #tpu.memory_space<vmem>> -> memref<400xi32, #tpu.memory_space<vmem>>
    %dma_wait3A_362 = arith.constant 0 : i32
    %dma_wait3A_363 = arith.constant 0 : i32
    %dma_wait3A_364 = tpu.memref_slice %arg2[%dma_wait3A_362, %dma_wait3A_363] : memref<10000x128xf32, #tpu.memory_space<hbm>> -> memref<10000x128xf32, #tpu.memory_space<hbm>>
    tpu.wait_indirect_dma semaphore(%arg10 : memref<!tpu.dma_semaphore, #tpu.memory_space<semaphore_mem>>) src(%dma_wait3A_364 : memref<10000x128xf32, #tpu.memory_space<hbm>>) dst(%arg9 : memref<400x128xf32, #tpu.memory_space<vmem>>)
    "tpu.region"() ({
      %run_scoped3A = tpu.sem_alloc : memref<!tpu.dma_semaphore, #tpu.memory_space<semaphore_mem>>
      %dma_start3A_551 = arith.constant 0 : i32
      %dma_start3A_552 = tpu.memref_slice %arg5[%add3A_354, %dma_start3A_551] : memref<320000x128xf32, #tpu.memory_space<hbm>> -> memref<400x128xf32, #tpu.memory_space<hbm>>
      %dma_start3A_553 = arith.constant 0 : i32
      %dma_start3A_554 = tpu.memref_slice %arg5[%add3A_354, %dma_start3A_553] : memref<320000x128xf32, #tpu.memory_space<hbm>> -> memref<400x128xf32, #tpu.memory_space<hbm>>
      tpu.enqueue_dma source(%arg9 : memref<400x128xf32, #tpu.memory_space<vmem>>) target(%dma_start3A_554 : memref<400x128xf32, #tpu.memory_space<hbm>>) target_semaphore(%run_scoped3A : memref<!tpu.dma_semaphore, #tpu.memory_space<semaphore_mem>>)
      %dma_wait3A_555 = arith.constant 0 : i32
      %dma_wait3A_556 = tpu.memref_slice %arg5[%add3A_354, %dma_wait3A_555] : memref<320000x128xf32, #tpu.memory_space<hbm>> -> memref<400x128xf32, #tpu.memory_space<hbm>>
      %dma_wait3A_557 = arith.constant 0 : i32
      %dma_wait3A_558 = tpu.memref_slice %arg5[%add3A_354, %dma_wait3A_557] : memref<320000x128xf32, #tpu.memory_space<hbm>> -> memref<400x128xf32, #tpu.memory_space<hbm>>
      tpu.wait_dma2 semaphore(%run_scoped3A : memref<!tpu.dma_semaphore, #tpu.memory_space<semaphore_mem>>) src(%arg9 : memref<400x128xf32, #tpu.memory_space<vmem>>) dst(%dma_wait3A_558 : memref<400x128xf32, #tpu.memory_space<hbm>>)
      tpu.yield
    }) : () -> ()
    %dma_start3A_365 = arith.constant 0 : i32
    %dma_start3A_366 = tpu.memref_slice %arg8[%dma_start3A_365] : memref<416xi32, #tpu.memory_space<vmem>> -> memref<400xi32, #tpu.memory_space<vmem>>
    %dma_start3A_367 = arith.constant 0 : i32
    %dma_start3A_368 = arith.constant 0 : i32
    %dma_start3A_369 = tpu.memref_slice %arg2[%dma_start3A_367, %dma_start3A_368] : memref<10000x128xf32, #tpu.memory_space<hbm>> -> memref<10000x128xf32, #tpu.memory_space<hbm>>
    tpu.enqueue_indirect_dma source(%dma_start3A_369 : memref<10000x128xf32, #tpu.memory_space<hbm>>) target(%arg9 : memref<400x128xf32, #tpu.memory_space<vmem>>) offsets(%dma_start3A_366 : memref<400xi32, #tpu.memory_space<vmem>>) semaphore(%arg10 : memref<!tpu.dma_semaphore, #tpu.memory_space<semaphore_mem>>)
    %dma_wait3A_370 = arith.constant 0 : i32
    %dma_wait3A_371 = tpu.memref_slice %arg8[%dma_wait3A_370] : memref<416xi32, #tpu.memory_space<vmem>> -> memref<400xi32, #tpu.memory_space<vmem>>
    %dma_wait3A_372 = arith.constant 0 : i32
    %dma_wait3A_373 = arith.constant 0 : i32
    %dma_wait3A_374 = tpu.memref_slice %arg2[%dma_wait3A_372, %dma_wait3A_373] : memref<10000x128xf32, #tpu.memory_space<hbm>> -> memref<10000x128xf32, #tpu.memory_space<hbm>>
    tpu.wait_indirect_dma semaphore(%arg10 : memref<!tpu.dma_semaphore, #tpu.memory_space<semaphore_mem>>) src(%dma_wait3A_374 : memref<10000x128xf32, #tpu.memory_space<hbm>>) dst(%arg9 : memref<400x128xf32, #tpu.memory_space<vmem>>)
    "tpu.region"() ({
      %run_scoped3A = tpu.sem_alloc : memref<!tpu.dma_semaphore, #tpu.memory_space<semaphore_mem>>
      %dma_start3A_551 = arith.constant 0 : i32
      %dma_start3A_552 = tpu.memref_slice %arg6[%add3A_354, %dma_start3A_551] : memref<320000x128xf32, #tpu.memory_space<hbm>> -> memref<400x128xf32, #tpu.memory_space<hbm>>
      %dma_start3A_553 = arith.constant 0 : i32
      %dma_start3A_554 = tpu.memref_slice %arg6[%add3A_354, %dma_start3A_553] : memref<320000x128xf32, #tpu.memory_space<hbm>> -> memref<400x128xf32, #tpu.memory_space<hbm>>
      tpu.enqueue_dma source(%arg9 : memref<400x128xf32, #tpu.memory_space<vmem>>) target(%dma_start3A_554 : memref<400x128xf32, #tpu.memory_space<hbm>>) target_semaphore(%run_scoped3A : memref<!tpu.dma_semaphore, #tpu.memory_space<semaphore_mem>>)
      %dma_wait3A_555 = arith.constant 0 : i32
      %dma_wait3A_556 = tpu.memref_slice %arg6[%add3A_354, %dma_wait3A_555] : memref<320000x128xf32, #tpu.memory_space<hbm>> -> memref<400x128xf32, #tpu.memory_space<hbm>>
      %dma_wait3A_557 = arith.constant 0 : i32
      %dma_wait3A_558 = tpu.memref_slice %arg6[%add3A_354, %dma_wait3A_557] : memref<320000x128xf32, #tpu.memory_space<hbm>> -> memref<400x128xf32, #tpu.memory_space<hbm>>
      tpu.wait_dma2 semaphore(%run_scoped3A : memref<!tpu.dma_semaphore, #tpu.memory_space<semaphore_mem>>) src(%arg9 : memref<400x128xf32, #tpu.memory_space<vmem>>) dst(%dma_wait3A_558 : memref<400x128xf32, #tpu.memory_space<hbm>>)
      tpu.yield
    }) : () -> ()
    %add3A_375 = arith.constant 6800 : i32
    %add3A_376 = arith.addi %mul3A_2, %add3A_375 : i32
    "tpu.region"() ({
      %run_scoped3A = tpu.sem_alloc : memref<!tpu.dma_semaphore, #tpu.memory_space<semaphore_mem>>
      %dma_start3A_551 = arith.constant 0 : i32
      %dma_start3A_552 = tpu.memref_slice %arg7[%dma_start3A_551] : memref<416xi32, #tpu.memory_space<vmem>> -> memref<400xi32, #tpu.memory_space<vmem>>
      %dma_start3A_553 = tpu.memref_slice %arg3[%add3A_376] : memref<320000xi32, #tpu.memory_space<hbm>> -> memref<400xi32, #tpu.memory_space<hbm>>
      %dma_start3A_554 = arith.constant 0 : i32
      %dma_start3A_555 = tpu.memref_slice %arg7[%dma_start3A_554] : memref<416xi32, #tpu.memory_space<vmem>> -> memref<400xi32, #tpu.memory_space<vmem>>
      %dma_start3A_556 = tpu.memref_slice %arg3[%add3A_376] : memref<320000xi32, #tpu.memory_space<hbm>> -> memref<400xi32, #tpu.memory_space<hbm>>
      tpu.enqueue_dma source(%dma_start3A_556 : memref<400xi32, #tpu.memory_space<hbm>>) target(%dma_start3A_555 : memref<400xi32, #tpu.memory_space<vmem>>) target_semaphore(%run_scoped3A : memref<!tpu.dma_semaphore, #tpu.memory_space<semaphore_mem>>)
      %dma_wait3A_557 = arith.constant 0 : i32
      %dma_wait3A_558 = tpu.memref_slice %arg7[%dma_wait3A_557] : memref<416xi32, #tpu.memory_space<vmem>> -> memref<400xi32, #tpu.memory_space<vmem>>
      %dma_wait3A_559 = tpu.memref_slice %arg3[%add3A_376] : memref<320000xi32, #tpu.memory_space<hbm>> -> memref<400xi32, #tpu.memory_space<hbm>>
      %dma_wait3A_560 = arith.constant 0 : i32
      %dma_wait3A_561 = tpu.memref_slice %arg7[%dma_wait3A_560] : memref<416xi32, #tpu.memory_space<vmem>> -> memref<400xi32, #tpu.memory_space<vmem>>
      %dma_wait3A_562 = tpu.memref_slice %arg3[%add3A_376] : memref<320000xi32, #tpu.memory_space<hbm>> -> memref<400xi32, #tpu.memory_space<hbm>>
      tpu.wait_dma2 semaphore(%run_scoped3A : memref<!tpu.dma_semaphore, #tpu.memory_space<semaphore_mem>>) src(%dma_wait3A_562 : memref<400xi32, #tpu.memory_space<hbm>>) dst(%dma_wait3A_561 : memref<400xi32, #tpu.memory_space<vmem>>)
      tpu.yield
    }) : () -> ()
    "tpu.region"() ({
      %run_scoped3A = tpu.sem_alloc : memref<!tpu.dma_semaphore, #tpu.memory_space<semaphore_mem>>
      %dma_start3A_551 = arith.constant 0 : i32
      %dma_start3A_552 = tpu.memref_slice %arg8[%dma_start3A_551] : memref<416xi32, #tpu.memory_space<vmem>> -> memref<400xi32, #tpu.memory_space<vmem>>
      %dma_start3A_553 = tpu.memref_slice %arg4[%add3A_376] : memref<320000xi32, #tpu.memory_space<hbm>> -> memref<400xi32, #tpu.memory_space<hbm>>
      %dma_start3A_554 = arith.constant 0 : i32
      %dma_start3A_555 = tpu.memref_slice %arg8[%dma_start3A_554] : memref<416xi32, #tpu.memory_space<vmem>> -> memref<400xi32, #tpu.memory_space<vmem>>
      %dma_start3A_556 = tpu.memref_slice %arg4[%add3A_376] : memref<320000xi32, #tpu.memory_space<hbm>> -> memref<400xi32, #tpu.memory_space<hbm>>
      tpu.enqueue_dma source(%dma_start3A_556 : memref<400xi32, #tpu.memory_space<hbm>>) target(%dma_start3A_555 : memref<400xi32, #tpu.memory_space<vmem>>) target_semaphore(%run_scoped3A : memref<!tpu.dma_semaphore, #tpu.memory_space<semaphore_mem>>)
      %dma_wait3A_557 = arith.constant 0 : i32
      %dma_wait3A_558 = tpu.memref_slice %arg8[%dma_wait3A_557] : memref<416xi32, #tpu.memory_space<vmem>> -> memref<400xi32, #tpu.memory_space<vmem>>
      %dma_wait3A_559 = tpu.memref_slice %arg4[%add3A_376] : memref<320000xi32, #tpu.memory_space<hbm>> -> memref<400xi32, #tpu.memory_space<hbm>>
      %dma_wait3A_560 = arith.constant 0 : i32
      %dma_wait3A_561 = tpu.memref_slice %arg8[%dma_wait3A_560] : memref<416xi32, #tpu.memory_space<vmem>> -> memref<400xi32, #tpu.memory_space<vmem>>
      %dma_wait3A_562 = tpu.memref_slice %arg4[%add3A_376] : memref<320000xi32, #tpu.memory_space<hbm>> -> memref<400xi32, #tpu.memory_space<hbm>>
      tpu.wait_dma2 semaphore(%run_scoped3A : memref<!tpu.dma_semaphore, #tpu.memory_space<semaphore_mem>>) src(%dma_wait3A_562 : memref<400xi32, #tpu.memory_space<hbm>>) dst(%dma_wait3A_561 : memref<400xi32, #tpu.memory_space<vmem>>)
      tpu.yield
    }) : () -> ()
    %dma_start3A_377 = arith.constant 0 : i32
    %dma_start3A_378 = tpu.memref_slice %arg7[%dma_start3A_377] : memref<416xi32, #tpu.memory_space<vmem>> -> memref<400xi32, #tpu.memory_space<vmem>>
    %dma_start3A_379 = arith.constant 0 : i32
    %dma_start3A_380 = arith.constant 0 : i32
    %dma_start3A_381 = tpu.memref_slice %arg2[%dma_start3A_379, %dma_start3A_380] : memref<10000x128xf32, #tpu.memory_space<hbm>> -> memref<10000x128xf32, #tpu.memory_space<hbm>>
    tpu.enqueue_indirect_dma source(%dma_start3A_381 : memref<10000x128xf32, #tpu.memory_space<hbm>>) target(%arg9 : memref<400x128xf32, #tpu.memory_space<vmem>>) offsets(%dma_start3A_378 : memref<400xi32, #tpu.memory_space<vmem>>) semaphore(%arg10 : memref<!tpu.dma_semaphore, #tpu.memory_space<semaphore_mem>>)
    %dma_wait3A_382 = arith.constant 0 : i32
    %dma_wait3A_383 = tpu.memref_slice %arg7[%dma_wait3A_382] : memref<416xi32, #tpu.memory_space<vmem>> -> memref<400xi32, #tpu.memory_space<vmem>>
    %dma_wait3A_384 = arith.constant 0 : i32
    %dma_wait3A_385 = arith.constant 0 : i32
    %dma_wait3A_386 = tpu.memref_slice %arg2[%dma_wait3A_384, %dma_wait3A_385] : memref<10000x128xf32, #tpu.memory_space<hbm>> -> memref<10000x128xf32, #tpu.memory_space<hbm>>
    tpu.wait_indirect_dma semaphore(%arg10 : memref<!tpu.dma_semaphore, #tpu.memory_space<semaphore_mem>>) src(%dma_wait3A_386 : memref<10000x128xf32, #tpu.memory_space<hbm>>) dst(%arg9 : memref<400x128xf32, #tpu.memory_space<vmem>>)
    "tpu.region"() ({
      %run_scoped3A = tpu.sem_alloc : memref<!tpu.dma_semaphore, #tpu.memory_space<semaphore_mem>>
      %dma_start3A_551 = arith.constant 0 : i32
      %dma_start3A_552 = tpu.memref_slice %arg5[%add3A_376, %dma_start3A_551] : memref<320000x128xf32, #tpu.memory_space<hbm>> -> memref<400x128xf32, #tpu.memory_space<hbm>>
      %dma_start3A_553 = arith.constant 0 : i32
      %dma_start3A_554 = tpu.memref_slice %arg5[%add3A_376, %dma_start3A_553] : memref<320000x128xf32, #tpu.memory_space<hbm>> -> memref<400x128xf32, #tpu.memory_space<hbm>>
      tpu.enqueue_dma source(%arg9 : memref<400x128xf32, #tpu.memory_space<vmem>>) target(%dma_start3A_554 : memref<400x128xf32, #tpu.memory_space<hbm>>) target_semaphore(%run_scoped3A : memref<!tpu.dma_semaphore, #tpu.memory_space<semaphore_mem>>)
      %dma_wait3A_555 = arith.constant 0 : i32
      %dma_wait3A_556 = tpu.memref_slice %arg5[%add3A_376, %dma_wait3A_555] : memref<320000x128xf32, #tpu.memory_space<hbm>> -> memref<400x128xf32, #tpu.memory_space<hbm>>
      %dma_wait3A_557 = arith.constant 0 : i32
      %dma_wait3A_558 = tpu.memref_slice %arg5[%add3A_376, %dma_wait3A_557] : memref<320000x128xf32, #tpu.memory_space<hbm>> -> memref<400x128xf32, #tpu.memory_space<hbm>>
      tpu.wait_dma2 semaphore(%run_scoped3A : memref<!tpu.dma_semaphore, #tpu.memory_space<semaphore_mem>>) src(%arg9 : memref<400x128xf32, #tpu.memory_space<vmem>>) dst(%dma_wait3A_558 : memref<400x128xf32, #tpu.memory_space<hbm>>)
      tpu.yield
    }) : () -> ()
    %dma_start3A_387 = arith.constant 0 : i32
    %dma_start3A_388 = tpu.memref_slice %arg8[%dma_start3A_387] : memref<416xi32, #tpu.memory_space<vmem>> -> memref<400xi32, #tpu.memory_space<vmem>>
    %dma_start3A_389 = arith.constant 0 : i32
    %dma_start3A_390 = arith.constant 0 : i32
    %dma_start3A_391 = tpu.memref_slice %arg2[%dma_start3A_389, %dma_start3A_390] : memref<10000x128xf32, #tpu.memory_space<hbm>> -> memref<10000x128xf32, #tpu.memory_space<hbm>>
    tpu.enqueue_indirect_dma source(%dma_start3A_391 : memref<10000x128xf32, #tpu.memory_space<hbm>>) target(%arg9 : memref<400x128xf32, #tpu.memory_space<vmem>>) offsets(%dma_start3A_388 : memref<400xi32, #tpu.memory_space<vmem>>) semaphore(%arg10 : memref<!tpu.dma_semaphore, #tpu.memory_space<semaphore_mem>>)
    %dma_wait3A_392 = arith.constant 0 : i32
    %dma_wait3A_393 = tpu.memref_slice %arg8[%dma_wait3A_392] : memref<416xi32, #tpu.memory_space<vmem>> -> memref<400xi32, #tpu.memory_space<vmem>>
    %dma_wait3A_394 = arith.constant 0 : i32
    %dma_wait3A_395 = arith.constant 0 : i32
    %dma_wait3A_396 = tpu.memref_slice %arg2[%dma_wait3A_394, %dma_wait3A_395] : memref<10000x128xf32, #tpu.memory_space<hbm>> -> memref<10000x128xf32, #tpu.memory_space<hbm>>
    tpu.wait_indirect_dma semaphore(%arg10 : memref<!tpu.dma_semaphore, #tpu.memory_space<semaphore_mem>>) src(%dma_wait3A_396 : memref<10000x128xf32, #tpu.memory_space<hbm>>) dst(%arg9 : memref<400x128xf32, #tpu.memory_space<vmem>>)
    "tpu.region"() ({
      %run_scoped3A = tpu.sem_alloc : memref<!tpu.dma_semaphore, #tpu.memory_space<semaphore_mem>>
      %dma_start3A_551 = arith.constant 0 : i32
      %dma_start3A_552 = tpu.memref_slice %arg6[%add3A_376, %dma_start3A_551] : memref<320000x128xf32, #tpu.memory_space<hbm>> -> memref<400x128xf32, #tpu.memory_space<hbm>>
      %dma_start3A_553 = arith.constant 0 : i32
      %dma_start3A_554 = tpu.memref_slice %arg6[%add3A_376, %dma_start3A_553] : memref<320000x128xf32, #tpu.memory_space<hbm>> -> memref<400x128xf32, #tpu.memory_space<hbm>>
      tpu.enqueue_dma source(%arg9 : memref<400x128xf32, #tpu.memory_space<vmem>>) target(%dma_start3A_554 : memref<400x128xf32, #tpu.memory_space<hbm>>) target_semaphore(%run_scoped3A : memref<!tpu.dma_semaphore, #tpu.memory_space<semaphore_mem>>)
      %dma_wait3A_555 = arith.constant 0 : i32
      %dma_wait3A_556 = tpu.memref_slice %arg6[%add3A_376, %dma_wait3A_555] : memref<320000x128xf32, #tpu.memory_space<hbm>> -> memref<400x128xf32, #tpu.memory_space<hbm>>
      %dma_wait3A_557 = arith.constant 0 : i32
      %dma_wait3A_558 = tpu.memref_slice %arg6[%add3A_376, %dma_wait3A_557] : memref<320000x128xf32, #tpu.memory_space<hbm>> -> memref<400x128xf32, #tpu.memory_space<hbm>>
      tpu.wait_dma2 semaphore(%run_scoped3A : memref<!tpu.dma_semaphore, #tpu.memory_space<semaphore_mem>>) src(%arg9 : memref<400x128xf32, #tpu.memory_space<vmem>>) dst(%dma_wait3A_558 : memref<400x128xf32, #tpu.memory_space<hbm>>)
      tpu.yield
    }) : () -> ()
    %add3A_397 = arith.constant 7200 : i32
    %add3A_398 = arith.addi %mul3A_2, %add3A_397 : i32
    "tpu.region"() ({
      %run_scoped3A = tpu.sem_alloc : memref<!tpu.dma_semaphore, #tpu.memory_space<semaphore_mem>>
      %dma_start3A_551 = arith.constant 0 : i32
      %dma_start3A_552 = tpu.memref_slice %arg7[%dma_start3A_551] : memref<416xi32, #tpu.memory_space<vmem>> -> memref<400xi32, #tpu.memory_space<vmem>>
      %dma_start3A_553 = tpu.memref_slice %arg3[%add3A_398] : memref<320000xi32, #tpu.memory_space<hbm>> -> memref<400xi32, #tpu.memory_space<hbm>>
      %dma_start3A_554 = arith.constant 0 : i32
      %dma_start3A_555 = tpu.memref_slice %arg7[%dma_start3A_554] : memref<416xi32, #tpu.memory_space<vmem>> -> memref<400xi32, #tpu.memory_space<vmem>>
      %dma_start3A_556 = tpu.memref_slice %arg3[%add3A_398] : memref<320000xi32, #tpu.memory_space<hbm>> -> memref<400xi32, #tpu.memory_space<hbm>>
      tpu.enqueue_dma source(%dma_start3A_556 : memref<400xi32, #tpu.memory_space<hbm>>) target(%dma_start3A_555 : memref<400xi32, #tpu.memory_space<vmem>>) target_semaphore(%run_scoped3A : memref<!tpu.dma_semaphore, #tpu.memory_space<semaphore_mem>>)
      %dma_wait3A_557 = arith.constant 0 : i32
      %dma_wait3A_558 = tpu.memref_slice %arg7[%dma_wait3A_557] : memref<416xi32, #tpu.memory_space<vmem>> -> memref<400xi32, #tpu.memory_space<vmem>>
      %dma_wait3A_559 = tpu.memref_slice %arg3[%add3A_398] : memref<320000xi32, #tpu.memory_space<hbm>> -> memref<400xi32, #tpu.memory_space<hbm>>
      %dma_wait3A_560 = arith.constant 0 : i32
      %dma_wait3A_561 = tpu.memref_slice %arg7[%dma_wait3A_560] : memref<416xi32, #tpu.memory_space<vmem>> -> memref<400xi32, #tpu.memory_space<vmem>>
      %dma_wait3A_562 = tpu.memref_slice %arg3[%add3A_398] : memref<320000xi32, #tpu.memory_space<hbm>> -> memref<400xi32, #tpu.memory_space<hbm>>
      tpu.wait_dma2 semaphore(%run_scoped3A : memref<!tpu.dma_semaphore, #tpu.memory_space<semaphore_mem>>) src(%dma_wait3A_562 : memref<400xi32, #tpu.memory_space<hbm>>) dst(%dma_wait3A_561 : memref<400xi32, #tpu.memory_space<vmem>>)
      tpu.yield
    }) : () -> ()
    "tpu.region"() ({
      %run_scoped3A = tpu.sem_alloc : memref<!tpu.dma_semaphore, #tpu.memory_space<semaphore_mem>>
      %dma_start3A_551 = arith.constant 0 : i32
      %dma_start3A_552 = tpu.memref_slice %arg8[%dma_start3A_551] : memref<416xi32, #tpu.memory_space<vmem>> -> memref<400xi32, #tpu.memory_space<vmem>>
      %dma_start3A_553 = tpu.memref_slice %arg4[%add3A_398] : memref<320000xi32, #tpu.memory_space<hbm>> -> memref<400xi32, #tpu.memory_space<hbm>>
      %dma_start3A_554 = arith.constant 0 : i32
      %dma_start3A_555 = tpu.memref_slice %arg8[%dma_start3A_554] : memref<416xi32, #tpu.memory_space<vmem>> -> memref<400xi32, #tpu.memory_space<vmem>>
      %dma_start3A_556 = tpu.memref_slice %arg4[%add3A_398] : memref<320000xi32, #tpu.memory_space<hbm>> -> memref<400xi32, #tpu.memory_space<hbm>>
      tpu.enqueue_dma source(%dma_start3A_556 : memref<400xi32, #tpu.memory_space<hbm>>) target(%dma_start3A_555 : memref<400xi32, #tpu.memory_space<vmem>>) target_semaphore(%run_scoped3A : memref<!tpu.dma_semaphore, #tpu.memory_space<semaphore_mem>>)
      %dma_wait3A_557 = arith.constant 0 : i32
      %dma_wait3A_558 = tpu.memref_slice %arg8[%dma_wait3A_557] : memref<416xi32, #tpu.memory_space<vmem>> -> memref<400xi32, #tpu.memory_space<vmem>>
      %dma_wait3A_559 = tpu.memref_slice %arg4[%add3A_398] : memref<320000xi32, #tpu.memory_space<hbm>> -> memref<400xi32, #tpu.memory_space<hbm>>
      %dma_wait3A_560 = arith.constant 0 : i32
      %dma_wait3A_561 = tpu.memref_slice %arg8[%dma_wait3A_560] : memref<416xi32, #tpu.memory_space<vmem>> -> memref<400xi32, #tpu.memory_space<vmem>>
      %dma_wait3A_562 = tpu.memref_slice %arg4[%add3A_398] : memref<320000xi32, #tpu.memory_space<hbm>> -> memref<400xi32, #tpu.memory_space<hbm>>
      tpu.wait_dma2 semaphore(%run_scoped3A : memref<!tpu.dma_semaphore, #tpu.memory_space<semaphore_mem>>) src(%dma_wait3A_562 : memref<400xi32, #tpu.memory_space<hbm>>) dst(%dma_wait3A_561 : memref<400xi32, #tpu.memory_space<vmem>>)
      tpu.yield
    }) : () -> ()
    %dma_start3A_399 = arith.constant 0 : i32
    %dma_start3A_400 = tpu.memref_slice %arg7[%dma_start3A_399] : memref<416xi32, #tpu.memory_space<vmem>> -> memref<400xi32, #tpu.memory_space<vmem>>
    %dma_start3A_401 = arith.constant 0 : i32
    %dma_start3A_402 = arith.constant 0 : i32
    %dma_start3A_403 = tpu.memref_slice %arg2[%dma_start3A_401, %dma_start3A_402] : memref<10000x128xf32, #tpu.memory_space<hbm>> -> memref<10000x128xf32, #tpu.memory_space<hbm>>
    tpu.enqueue_indirect_dma source(%dma_start3A_403 : memref<10000x128xf32, #tpu.memory_space<hbm>>) target(%arg9 : memref<400x128xf32, #tpu.memory_space<vmem>>) offsets(%dma_start3A_400 : memref<400xi32, #tpu.memory_space<vmem>>) semaphore(%arg10 : memref<!tpu.dma_semaphore, #tpu.memory_space<semaphore_mem>>)
    %dma_wait3A_404 = arith.constant 0 : i32
    %dma_wait3A_405 = tpu.memref_slice %arg7[%dma_wait3A_404] : memref<416xi32, #tpu.memory_space<vmem>> -> memref<400xi32, #tpu.memory_space<vmem>>
    %dma_wait3A_406 = arith.constant 0 : i32
    %dma_wait3A_407 = arith.constant 0 : i32
    %dma_wait3A_408 = tpu.memref_slice %arg2[%dma_wait3A_406, %dma_wait3A_407] : memref<10000x128xf32, #tpu.memory_space<hbm>> -> memref<10000x128xf32, #tpu.memory_space<hbm>>
    tpu.wait_indirect_dma semaphore(%arg10 : memref<!tpu.dma_semaphore, #tpu.memory_space<semaphore_mem>>) src(%dma_wait3A_408 : memref<10000x128xf32, #tpu.memory_space<hbm>>) dst(%arg9 : memref<400x128xf32, #tpu.memory_space<vmem>>)
    "tpu.region"() ({
      %run_scoped3A = tpu.sem_alloc : memref<!tpu.dma_semaphore, #tpu.memory_space<semaphore_mem>>
      %dma_start3A_551 = arith.constant 0 : i32
      %dma_start3A_552 = tpu.memref_slice %arg5[%add3A_398, %dma_start3A_551] : memref<320000x128xf32, #tpu.memory_space<hbm>> -> memref<400x128xf32, #tpu.memory_space<hbm>>
      %dma_start3A_553 = arith.constant 0 : i32
      %dma_start3A_554 = tpu.memref_slice %arg5[%add3A_398, %dma_start3A_553] : memref<320000x128xf32, #tpu.memory_space<hbm>> -> memref<400x128xf32, #tpu.memory_space<hbm>>
      tpu.enqueue_dma source(%arg9 : memref<400x128xf32, #tpu.memory_space<vmem>>) target(%dma_start3A_554 : memref<400x128xf32, #tpu.memory_space<hbm>>) target_semaphore(%run_scoped3A : memref<!tpu.dma_semaphore, #tpu.memory_space<semaphore_mem>>)
      %dma_wait3A_555 = arith.constant 0 : i32
      %dma_wait3A_556 = tpu.memref_slice %arg5[%add3A_398, %dma_wait3A_555] : memref<320000x128xf32, #tpu.memory_space<hbm>> -> memref<400x128xf32, #tpu.memory_space<hbm>>
      %dma_wait3A_557 = arith.constant 0 : i32
      %dma_wait3A_558 = tpu.memref_slice %arg5[%add3A_398, %dma_wait3A_557] : memref<320000x128xf32, #tpu.memory_space<hbm>> -> memref<400x128xf32, #tpu.memory_space<hbm>>
      tpu.wait_dma2 semaphore(%run_scoped3A : memref<!tpu.dma_semaphore, #tpu.memory_space<semaphore_mem>>) src(%arg9 : memref<400x128xf32, #tpu.memory_space<vmem>>) dst(%dma_wait3A_558 : memref<400x128xf32, #tpu.memory_space<hbm>>)
      tpu.yield
    }) : () -> ()
    %dma_start3A_409 = arith.constant 0 : i32
    %dma_start3A_410 = tpu.memref_slice %arg8[%dma_start3A_409] : memref<416xi32, #tpu.memory_space<vmem>> -> memref<400xi32, #tpu.memory_space<vmem>>
    %dma_start3A_411 = arith.constant 0 : i32
    %dma_start3A_412 = arith.constant 0 : i32
    %dma_start3A_413 = tpu.memref_slice %arg2[%dma_start3A_411, %dma_start3A_412] : memref<10000x128xf32, #tpu.memory_space<hbm>> -> memref<10000x128xf32, #tpu.memory_space<hbm>>
    tpu.enqueue_indirect_dma source(%dma_start3A_413 : memref<10000x128xf32, #tpu.memory_space<hbm>>) target(%arg9 : memref<400x128xf32, #tpu.memory_space<vmem>>) offsets(%dma_start3A_410 : memref<400xi32, #tpu.memory_space<vmem>>) semaphore(%arg10 : memref<!tpu.dma_semaphore, #tpu.memory_space<semaphore_mem>>)
    %dma_wait3A_414 = arith.constant 0 : i32
    %dma_wait3A_415 = tpu.memref_slice %arg8[%dma_wait3A_414] : memref<416xi32, #tpu.memory_space<vmem>> -> memref<400xi32, #tpu.memory_space<vmem>>
    %dma_wait3A_416 = arith.constant 0 : i32
    %dma_wait3A_417 = arith.constant 0 : i32
    %dma_wait3A_418 = tpu.memref_slice %arg2[%dma_wait3A_416, %dma_wait3A_417] : memref<10000x128xf32, #tpu.memory_space<hbm>> -> memref<10000x128xf32, #tpu.memory_space<hbm>>
    tpu.wait_indirect_dma semaphore(%arg10 : memref<!tpu.dma_semaphore, #tpu.memory_space<semaphore_mem>>) src(%dma_wait3A_418 : memref<10000x128xf32, #tpu.memory_space<hbm>>) dst(%arg9 : memref<400x128xf32, #tpu.memory_space<vmem>>)
    "tpu.region"() ({
      %run_scoped3A = tpu.sem_alloc : memref<!tpu.dma_semaphore, #tpu.memory_space<semaphore_mem>>
      %dma_start3A_551 = arith.constant 0 : i32
      %dma_start3A_552 = tpu.memref_slice %arg6[%add3A_398, %dma_start3A_551] : memref<320000x128xf32, #tpu.memory_space<hbm>> -> memref<400x128xf32, #tpu.memory_space<hbm>>
      %dma_start3A_553 = arith.constant 0 : i32
      %dma_start3A_554 = tpu.memref_slice %arg6[%add3A_398, %dma_start3A_553] : memref<320000x128xf32, #tpu.memory_space<hbm>> -> memref<400x128xf32, #tpu.memory_space<hbm>>
      tpu.enqueue_dma source(%arg9 : memref<400x128xf32, #tpu.memory_space<vmem>>) target(%dma_start3A_554 : memref<400x128xf32, #tpu.memory_space<hbm>>) target_semaphore(%run_scoped3A : memref<!tpu.dma_semaphore, #tpu.memory_space<semaphore_mem>>)
      %dma_wait3A_555 = arith.constant 0 : i32
      %dma_wait3A_556 = tpu.memref_slice %arg6[%add3A_398, %dma_wait3A_555] : memref<320000x128xf32, #tpu.memory_space<hbm>> -> memref<400x128xf32, #tpu.memory_space<hbm>>
      %dma_wait3A_557 = arith.constant 0 : i32
      %dma_wait3A_558 = tpu.memref_slice %arg6[%add3A_398, %dma_wait3A_557] : memref<320000x128xf32, #tpu.memory_space<hbm>> -> memref<400x128xf32, #tpu.memory_space<hbm>>
      tpu.wait_dma2 semaphore(%run_scoped3A : memref<!tpu.dma_semaphore, #tpu.memory_space<semaphore_mem>>) src(%arg9 : memref<400x128xf32, #tpu.memory_space<vmem>>) dst(%dma_wait3A_558 : memref<400x128xf32, #tpu.memory_space<hbm>>)
      tpu.yield
    }) : () -> ()
    %add3A_419 = arith.constant 7600 : i32
    %add3A_420 = arith.addi %mul3A_2, %add3A_419 : i32
    "tpu.region"() ({
      %run_scoped3A = tpu.sem_alloc : memref<!tpu.dma_semaphore, #tpu.memory_space<semaphore_mem>>
      %dma_start3A_551 = arith.constant 0 : i32
      %dma_start3A_552 = tpu.memref_slice %arg7[%dma_start3A_551] : memref<416xi32, #tpu.memory_space<vmem>> -> memref<400xi32, #tpu.memory_space<vmem>>
      %dma_start3A_553 = tpu.memref_slice %arg3[%add3A_420] : memref<320000xi32, #tpu.memory_space<hbm>> -> memref<400xi32, #tpu.memory_space<hbm>>
      %dma_start3A_554 = arith.constant 0 : i32
      %dma_start3A_555 = tpu.memref_slice %arg7[%dma_start3A_554] : memref<416xi32, #tpu.memory_space<vmem>> -> memref<400xi32, #tpu.memory_space<vmem>>
      %dma_start3A_556 = tpu.memref_slice %arg3[%add3A_420] : memref<320000xi32, #tpu.memory_space<hbm>> -> memref<400xi32, #tpu.memory_space<hbm>>
      tpu.enqueue_dma source(%dma_start3A_556 : memref<400xi32, #tpu.memory_space<hbm>>) target(%dma_start3A_555 : memref<400xi32, #tpu.memory_space<vmem>>) target_semaphore(%run_scoped3A : memref<!tpu.dma_semaphore, #tpu.memory_space<semaphore_mem>>)
      %dma_wait3A_557 = arith.constant 0 : i32
      %dma_wait3A_558 = tpu.memref_slice %arg7[%dma_wait3A_557] : memref<416xi32, #tpu.memory_space<vmem>> -> memref<400xi32, #tpu.memory_space<vmem>>
      %dma_wait3A_559 = tpu.memref_slice %arg3[%add3A_420] : memref<320000xi32, #tpu.memory_space<hbm>> -> memref<400xi32, #tpu.memory_space<hbm>>
      %dma_wait3A_560 = arith.constant 0 : i32
      %dma_wait3A_561 = tpu.memref_slice %arg7[%dma_wait3A_560] : memref<416xi32, #tpu.memory_space<vmem>> -> memref<400xi32, #tpu.memory_space<vmem>>
      %dma_wait3A_562 = tpu.memref_slice %arg3[%add3A_420] : memref<320000xi32, #tpu.memory_space<hbm>> -> memref<400xi32, #tpu.memory_space<hbm>>
      tpu.wait_dma2 semaphore(%run_scoped3A : memref<!tpu.dma_semaphore, #tpu.memory_space<semaphore_mem>>) src(%dma_wait3A_562 : memref<400xi32, #tpu.memory_space<hbm>>) dst(%dma_wait3A_561 : memref<400xi32, #tpu.memory_space<vmem>>)
      tpu.yield
    }) : () -> ()
    "tpu.region"() ({
      %run_scoped3A = tpu.sem_alloc : memref<!tpu.dma_semaphore, #tpu.memory_space<semaphore_mem>>
      %dma_start3A_551 = arith.constant 0 : i32
      %dma_start3A_552 = tpu.memref_slice %arg8[%dma_start3A_551] : memref<416xi32, #tpu.memory_space<vmem>> -> memref<400xi32, #tpu.memory_space<vmem>>
      %dma_start3A_553 = tpu.memref_slice %arg4[%add3A_420] : memref<320000xi32, #tpu.memory_space<hbm>> -> memref<400xi32, #tpu.memory_space<hbm>>
      %dma_start3A_554 = arith.constant 0 : i32
      %dma_start3A_555 = tpu.memref_slice %arg8[%dma_start3A_554] : memref<416xi32, #tpu.memory_space<vmem>> -> memref<400xi32, #tpu.memory_space<vmem>>
      %dma_start3A_556 = tpu.memref_slice %arg4[%add3A_420] : memref<320000xi32, #tpu.memory_space<hbm>> -> memref<400xi32, #tpu.memory_space<hbm>>
      tpu.enqueue_dma source(%dma_start3A_556 : memref<400xi32, #tpu.memory_space<hbm>>) target(%dma_start3A_555 : memref<400xi32, #tpu.memory_space<vmem>>) target_semaphore(%run_scoped3A : memref<!tpu.dma_semaphore, #tpu.memory_space<semaphore_mem>>)
      %dma_wait3A_557 = arith.constant 0 : i32
      %dma_wait3A_558 = tpu.memref_slice %arg8[%dma_wait3A_557] : memref<416xi32, #tpu.memory_space<vmem>> -> memref<400xi32, #tpu.memory_space<vmem>>
      %dma_wait3A_559 = tpu.memref_slice %arg4[%add3A_420] : memref<320000xi32, #tpu.memory_space<hbm>> -> memref<400xi32, #tpu.memory_space<hbm>>
      %dma_wait3A_560 = arith.constant 0 : i32
      %dma_wait3A_561 = tpu.memref_slice %arg8[%dma_wait3A_560] : memref<416xi32, #tpu.memory_space<vmem>> -> memref<400xi32, #tpu.memory_space<vmem>>
      %dma_wait3A_562 = tpu.memref_slice %arg4[%add3A_420] : memref<320000xi32, #tpu.memory_space<hbm>> -> memref<400xi32, #tpu.memory_space<hbm>>
      tpu.wait_dma2 semaphore(%run_scoped3A : memref<!tpu.dma_semaphore, #tpu.memory_space<semaphore_mem>>) src(%dma_wait3A_562 : memref<400xi32, #tpu.memory_space<hbm>>) dst(%dma_wait3A_561 : memref<400xi32, #tpu.memory_space<vmem>>)
      tpu.yield
    }) : () -> ()
    %dma_start3A_421 = arith.constant 0 : i32
    %dma_start3A_422 = tpu.memref_slice %arg7[%dma_start3A_421] : memref<416xi32, #tpu.memory_space<vmem>> -> memref<400xi32, #tpu.memory_space<vmem>>
    %dma_start3A_423 = arith.constant 0 : i32
    %dma_start3A_424 = arith.constant 0 : i32
    %dma_start3A_425 = tpu.memref_slice %arg2[%dma_start3A_423, %dma_start3A_424] : memref<10000x128xf32, #tpu.memory_space<hbm>> -> memref<10000x128xf32, #tpu.memory_space<hbm>>
    tpu.enqueue_indirect_dma source(%dma_start3A_425 : memref<10000x128xf32, #tpu.memory_space<hbm>>) target(%arg9 : memref<400x128xf32, #tpu.memory_space<vmem>>) offsets(%dma_start3A_422 : memref<400xi32, #tpu.memory_space<vmem>>) semaphore(%arg10 : memref<!tpu.dma_semaphore, #tpu.memory_space<semaphore_mem>>)
    %dma_wait3A_426 = arith.constant 0 : i32
    %dma_wait3A_427 = tpu.memref_slice %arg7[%dma_wait3A_426] : memref<416xi32, #tpu.memory_space<vmem>> -> memref<400xi32, #tpu.memory_space<vmem>>
    %dma_wait3A_428 = arith.constant 0 : i32
    %dma_wait3A_429 = arith.constant 0 : i32
    %dma_wait3A_430 = tpu.memref_slice %arg2[%dma_wait3A_428, %dma_wait3A_429] : memref<10000x128xf32, #tpu.memory_space<hbm>> -> memref<10000x128xf32, #tpu.memory_space<hbm>>
    tpu.wait_indirect_dma semaphore(%arg10 : memref<!tpu.dma_semaphore, #tpu.memory_space<semaphore_mem>>) src(%dma_wait3A_430 : memref<10000x128xf32, #tpu.memory_space<hbm>>) dst(%arg9 : memref<400x128xf32, #tpu.memory_space<vmem>>)
    "tpu.region"() ({
      %run_scoped3A = tpu.sem_alloc : memref<!tpu.dma_semaphore, #tpu.memory_space<semaphore_mem>>
      %dma_start3A_551 = arith.constant 0 : i32
      %dma_start3A_552 = tpu.memref_slice %arg5[%add3A_420, %dma_start3A_551] : memref<320000x128xf32, #tpu.memory_space<hbm>> -> memref<400x128xf32, #tpu.memory_space<hbm>>
      %dma_start3A_553 = arith.constant 0 : i32
      %dma_start3A_554 = tpu.memref_slice %arg5[%add3A_420, %dma_start3A_553] : memref<320000x128xf32, #tpu.memory_space<hbm>> -> memref<400x128xf32, #tpu.memory_space<hbm>>
      tpu.enqueue_dma source(%arg9 : memref<400x128xf32, #tpu.memory_space<vmem>>) target(%dma_start3A_554 : memref<400x128xf32, #tpu.memory_space<hbm>>) target_semaphore(%run_scoped3A : memref<!tpu.dma_semaphore, #tpu.memory_space<semaphore_mem>>)
      %dma_wait3A_555 = arith.constant 0 : i32
      %dma_wait3A_556 = tpu.memref_slice %arg5[%add3A_420, %dma_wait3A_555] : memref<320000x128xf32, #tpu.memory_space<hbm>> -> memref<400x128xf32, #tpu.memory_space<hbm>>
      %dma_wait3A_557 = arith.constant 0 : i32
      %dma_wait3A_558 = tpu.memref_slice %arg5[%add3A_420, %dma_wait3A_557] : memref<320000x128xf32, #tpu.memory_space<hbm>> -> memref<400x128xf32, #tpu.memory_space<hbm>>
      tpu.wait_dma2 semaphore(%run_scoped3A : memref<!tpu.dma_semaphore, #tpu.memory_space<semaphore_mem>>) src(%arg9 : memref<400x128xf32, #tpu.memory_space<vmem>>) dst(%dma_wait3A_558 : memref<400x128xf32, #tpu.memory_space<hbm>>)
      tpu.yield
    }) : () -> ()
    %dma_start3A_431 = arith.constant 0 : i32
    %dma_start3A_432 = tpu.memref_slice %arg8[%dma_start3A_431] : memref<416xi32, #tpu.memory_space<vmem>> -> memref<400xi32, #tpu.memory_space<vmem>>
    %dma_start3A_433 = arith.constant 0 : i32
    %dma_start3A_434 = arith.constant 0 : i32
    %dma_start3A_435 = tpu.memref_slice %arg2[%dma_start3A_433, %dma_start3A_434] : memref<10000x128xf32, #tpu.memory_space<hbm>> -> memref<10000x128xf32, #tpu.memory_space<hbm>>
    tpu.enqueue_indirect_dma source(%dma_start3A_435 : memref<10000x128xf32, #tpu.memory_space<hbm>>) target(%arg9 : memref<400x128xf32, #tpu.memory_space<vmem>>) offsets(%dma_start3A_432 : memref<400xi32, #tpu.memory_space<vmem>>) semaphore(%arg10 : memref<!tpu.dma_semaphore, #tpu.memory_space<semaphore_mem>>)
    %dma_wait3A_436 = arith.constant 0 : i32
    %dma_wait3A_437 = tpu.memref_slice %arg8[%dma_wait3A_436] : memref<416xi32, #tpu.memory_space<vmem>> -> memref<400xi32, #tpu.memory_space<vmem>>
    %dma_wait3A_438 = arith.constant 0 : i32
    %dma_wait3A_439 = arith.constant 0 : i32
    %dma_wait3A_440 = tpu.memref_slice %arg2[%dma_wait3A_438, %dma_wait3A_439] : memref<10000x128xf32, #tpu.memory_space<hbm>> -> memref<10000x128xf32, #tpu.memory_space<hbm>>
    tpu.wait_indirect_dma semaphore(%arg10 : memref<!tpu.dma_semaphore, #tpu.memory_space<semaphore_mem>>) src(%dma_wait3A_440 : memref<10000x128xf32, #tpu.memory_space<hbm>>) dst(%arg9 : memref<400x128xf32, #tpu.memory_space<vmem>>)
    "tpu.region"() ({
      %run_scoped3A = tpu.sem_alloc : memref<!tpu.dma_semaphore, #tpu.memory_space<semaphore_mem>>
      %dma_start3A_551 = arith.constant 0 : i32
      %dma_start3A_552 = tpu.memref_slice %arg6[%add3A_420, %dma_start3A_551] : memref<320000x128xf32, #tpu.memory_space<hbm>> -> memref<400x128xf32, #tpu.memory_space<hbm>>
      %dma_start3A_553 = arith.constant 0 : i32
      %dma_start3A_554 = tpu.memref_slice %arg6[%add3A_420, %dma_start3A_553] : memref<320000x128xf32, #tpu.memory_space<hbm>> -> memref<400x128xf32, #tpu.memory_space<hbm>>
      tpu.enqueue_dma source(%arg9 : memref<400x128xf32, #tpu.memory_space<vmem>>) target(%dma_start3A_554 : memref<400x128xf32, #tpu.memory_space<hbm>>) target_semaphore(%run_scoped3A : memref<!tpu.dma_semaphore, #tpu.memory_space<semaphore_mem>>)
      %dma_wait3A_555 = arith.constant 0 : i32
      %dma_wait3A_556 = tpu.memref_slice %arg6[%add3A_420, %dma_wait3A_555] : memref<320000x128xf32, #tpu.memory_space<hbm>> -> memref<400x128xf32, #tpu.memory_space<hbm>>
      %dma_wait3A_557 = arith.constant 0 : i32
      %dma_wait3A_558 = tpu.memref_slice %arg6[%add3A_420, %dma_wait3A_557] : memref<320000x128xf32, #tpu.memory_space<hbm>> -> memref<400x128xf32, #tpu.memory_space<hbm>>
      tpu.wait_dma2 semaphore(%run_scoped3A : memref<!tpu.dma_semaphore, #tpu.memory_space<semaphore_mem>>) src(%arg9 : memref<400x128xf32, #tpu.memory_space<vmem>>) dst(%dma_wait3A_558 : memref<400x128xf32, #tpu.memory_space<hbm>>)
      tpu.yield
    }) : () -> ()
    %add3A_441 = arith.constant 8000 : i32
    %add3A_442 = arith.addi %mul3A_2, %add3A_441 : i32
    "tpu.region"() ({
      %run_scoped3A = tpu.sem_alloc : memref<!tpu.dma_semaphore, #tpu.memory_space<semaphore_mem>>
      %dma_start3A_551 = arith.constant 0 : i32
      %dma_start3A_552 = tpu.memref_slice %arg7[%dma_start3A_551] : memref<416xi32, #tpu.memory_space<vmem>> -> memref<400xi32, #tpu.memory_space<vmem>>
      %dma_start3A_553 = tpu.memref_slice %arg3[%add3A_442] : memref<320000xi32, #tpu.memory_space<hbm>> -> memref<400xi32, #tpu.memory_space<hbm>>
      %dma_start3A_554 = arith.constant 0 : i32
      %dma_start3A_555 = tpu.memref_slice %arg7[%dma_start3A_554] : memref<416xi32, #tpu.memory_space<vmem>> -> memref<400xi32, #tpu.memory_space<vmem>>
      %dma_start3A_556 = tpu.memref_slice %arg3[%add3A_442] : memref<320000xi32, #tpu.memory_space<hbm>> -> memref<400xi32, #tpu.memory_space<hbm>>
      tpu.enqueue_dma source(%dma_start3A_556 : memref<400xi32, #tpu.memory_space<hbm>>) target(%dma_start3A_555 : memref<400xi32, #tpu.memory_space<vmem>>) target_semaphore(%run_scoped3A : memref<!tpu.dma_semaphore, #tpu.memory_space<semaphore_mem>>)
      %dma_wait3A_557 = arith.constant 0 : i32
      %dma_wait3A_558 = tpu.memref_slice %arg7[%dma_wait3A_557] : memref<416xi32, #tpu.memory_space<vmem>> -> memref<400xi32, #tpu.memory_space<vmem>>
      %dma_wait3A_559 = tpu.memref_slice %arg3[%add3A_442] : memref<320000xi32, #tpu.memory_space<hbm>> -> memref<400xi32, #tpu.memory_space<hbm>>
      %dma_wait3A_560 = arith.constant 0 : i32
      %dma_wait3A_561 = tpu.memref_slice %arg7[%dma_wait3A_560] : memref<416xi32, #tpu.memory_space<vmem>> -> memref<400xi32, #tpu.memory_space<vmem>>
      %dma_wait3A_562 = tpu.memref_slice %arg3[%add3A_442] : memref<320000xi32, #tpu.memory_space<hbm>> -> memref<400xi32, #tpu.memory_space<hbm>>
      tpu.wait_dma2 semaphore(%run_scoped3A : memref<!tpu.dma_semaphore, #tpu.memory_space<semaphore_mem>>) src(%dma_wait3A_562 : memref<400xi32, #tpu.memory_space<hbm>>) dst(%dma_wait3A_561 : memref<400xi32, #tpu.memory_space<vmem>>)
      tpu.yield
    }) : () -> ()
    "tpu.region"() ({
      %run_scoped3A = tpu.sem_alloc : memref<!tpu.dma_semaphore, #tpu.memory_space<semaphore_mem>>
      %dma_start3A_551 = arith.constant 0 : i32
      %dma_start3A_552 = tpu.memref_slice %arg8[%dma_start3A_551] : memref<416xi32, #tpu.memory_space<vmem>> -> memref<400xi32, #tpu.memory_space<vmem>>
      %dma_start3A_553 = tpu.memref_slice %arg4[%add3A_442] : memref<320000xi32, #tpu.memory_space<hbm>> -> memref<400xi32, #tpu.memory_space<hbm>>
      %dma_start3A_554 = arith.constant 0 : i32
      %dma_start3A_555 = tpu.memref_slice %arg8[%dma_start3A_554] : memref<416xi32, #tpu.memory_space<vmem>> -> memref<400xi32, #tpu.memory_space<vmem>>
      %dma_start3A_556 = tpu.memref_slice %arg4[%add3A_442] : memref<320000xi32, #tpu.memory_space<hbm>> -> memref<400xi32, #tpu.memory_space<hbm>>
      tpu.enqueue_dma source(%dma_start3A_556 : memref<400xi32, #tpu.memory_space<hbm>>) target(%dma_start3A_555 : memref<400xi32, #tpu.memory_space<vmem>>) target_semaphore(%run_scoped3A : memref<!tpu.dma_semaphore, #tpu.memory_space<semaphore_mem>>)
      %dma_wait3A_557 = arith.constant 0 : i32
      %dma_wait3A_558 = tpu.memref_slice %arg8[%dma_wait3A_557] : memref<416xi32, #tpu.memory_space<vmem>> -> memref<400xi32, #tpu.memory_space<vmem>>
      %dma_wait3A_559 = tpu.memref_slice %arg4[%add3A_442] : memref<320000xi32, #tpu.memory_space<hbm>> -> memref<400xi32, #tpu.memory_space<hbm>>
      %dma_wait3A_560 = arith.constant 0 : i32
      %dma_wait3A_561 = tpu.memref_slice %arg8[%dma_wait3A_560] : memref<416xi32, #tpu.memory_space<vmem>> -> memref<400xi32, #tpu.memory_space<vmem>>
      %dma_wait3A_562 = tpu.memref_slice %arg4[%add3A_442] : memref<320000xi32, #tpu.memory_space<hbm>> -> memref<400xi32, #tpu.memory_space<hbm>>
      tpu.wait_dma2 semaphore(%run_scoped3A : memref<!tpu.dma_semaphore, #tpu.memory_space<semaphore_mem>>) src(%dma_wait3A_562 : memref<400xi32, #tpu.memory_space<hbm>>) dst(%dma_wait3A_561 : memref<400xi32, #tpu.memory_space<vmem>>)
      tpu.yield
    }) : () -> ()
    %dma_start3A_443 = arith.constant 0 : i32
    %dma_start3A_444 = tpu.memref_slice %arg7[%dma_start3A_443] : memref<416xi32, #tpu.memory_space<vmem>> -> memref<400xi32, #tpu.memory_space<vmem>>
    %dma_start3A_445 = arith.constant 0 : i32
    %dma_start3A_446 = arith.constant 0 : i32
    %dma_start3A_447 = tpu.memref_slice %arg2[%dma_start3A_445, %dma_start3A_446] : memref<10000x128xf32, #tpu.memory_space<hbm>> -> memref<10000x128xf32, #tpu.memory_space<hbm>>
    tpu.enqueue_indirect_dma source(%dma_start3A_447 : memref<10000x128xf32, #tpu.memory_space<hbm>>) target(%arg9 : memref<400x128xf32, #tpu.memory_space<vmem>>) offsets(%dma_start3A_444 : memref<400xi32, #tpu.memory_space<vmem>>) semaphore(%arg10 : memref<!tpu.dma_semaphore, #tpu.memory_space<semaphore_mem>>)
    %dma_wait3A_448 = arith.constant 0 : i32
    %dma_wait3A_449 = tpu.memref_slice %arg7[%dma_wait3A_448] : memref<416xi32, #tpu.memory_space<vmem>> -> memref<400xi32, #tpu.memory_space<vmem>>
    %dma_wait3A_450 = arith.constant 0 : i32
    %dma_wait3A_451 = arith.constant 0 : i32
    %dma_wait3A_452 = tpu.memref_slice %arg2[%dma_wait3A_450, %dma_wait3A_451] : memref<10000x128xf32, #tpu.memory_space<hbm>> -> memref<10000x128xf32, #tpu.memory_space<hbm>>
    tpu.wait_indirect_dma semaphore(%arg10 : memref<!tpu.dma_semaphore, #tpu.memory_space<semaphore_mem>>) src(%dma_wait3A_452 : memref<10000x128xf32, #tpu.memory_space<hbm>>) dst(%arg9 : memref<400x128xf32, #tpu.memory_space<vmem>>)
    "tpu.region"() ({
      %run_scoped3A = tpu.sem_alloc : memref<!tpu.dma_semaphore, #tpu.memory_space<semaphore_mem>>
      %dma_start3A_551 = arith.constant 0 : i32
      %dma_start3A_552 = tpu.memref_slice %arg5[%add3A_442, %dma_start3A_551] : memref<320000x128xf32, #tpu.memory_space<hbm>> -> memref<400x128xf32, #tpu.memory_space<hbm>>
      %dma_start3A_553 = arith.constant 0 : i32
      %dma_start3A_554 = tpu.memref_slice %arg5[%add3A_442, %dma_start3A_553] : memref<320000x128xf32, #tpu.memory_space<hbm>> -> memref<400x128xf32, #tpu.memory_space<hbm>>
      tpu.enqueue_dma source(%arg9 : memref<400x128xf32, #tpu.memory_space<vmem>>) target(%dma_start3A_554 : memref<400x128xf32, #tpu.memory_space<hbm>>) target_semaphore(%run_scoped3A : memref<!tpu.dma_semaphore, #tpu.memory_space<semaphore_mem>>)
      %dma_wait3A_555 = arith.constant 0 : i32
      %dma_wait3A_556 = tpu.memref_slice %arg5[%add3A_442, %dma_wait3A_555] : memref<320000x128xf32, #tpu.memory_space<hbm>> -> memref<400x128xf32, #tpu.memory_space<hbm>>
      %dma_wait3A_557 = arith.constant 0 : i32
      %dma_wait3A_558 = tpu.memref_slice %arg5[%add3A_442, %dma_wait3A_557] : memref<320000x128xf32, #tpu.memory_space<hbm>> -> memref<400x128xf32, #tpu.memory_space<hbm>>
      tpu.wait_dma2 semaphore(%run_scoped3A : memref<!tpu.dma_semaphore, #tpu.memory_space<semaphore_mem>>) src(%arg9 : memref<400x128xf32, #tpu.memory_space<vmem>>) dst(%dma_wait3A_558 : memref<400x128xf32, #tpu.memory_space<hbm>>)
      tpu.yield
    }) : () -> ()
    %dma_start3A_453 = arith.constant 0 : i32
    %dma_start3A_454 = tpu.memref_slice %arg8[%dma_start3A_453] : memref<416xi32, #tpu.memory_space<vmem>> -> memref<400xi32, #tpu.memory_space<vmem>>
    %dma_start3A_455 = arith.constant 0 : i32
    %dma_start3A_456 = arith.constant 0 : i32
    %dma_start3A_457 = tpu.memref_slice %arg2[%dma_start3A_455, %dma_start3A_456] : memref<10000x128xf32, #tpu.memory_space<hbm>> -> memref<10000x128xf32, #tpu.memory_space<hbm>>
    tpu.enqueue_indirect_dma source(%dma_start3A_457 : memref<10000x128xf32, #tpu.memory_space<hbm>>) target(%arg9 : memref<400x128xf32, #tpu.memory_space<vmem>>) offsets(%dma_start3A_454 : memref<400xi32, #tpu.memory_space<vmem>>) semaphore(%arg10 : memref<!tpu.dma_semaphore, #tpu.memory_space<semaphore_mem>>)
    %dma_wait3A_458 = arith.constant 0 : i32
    %dma_wait3A_459 = tpu.memref_slice %arg8[%dma_wait3A_458] : memref<416xi32, #tpu.memory_space<vmem>> -> memref<400xi32, #tpu.memory_space<vmem>>
    %dma_wait3A_460 = arith.constant 0 : i32
    %dma_wait3A_461 = arith.constant 0 : i32
    %dma_wait3A_462 = tpu.memref_slice %arg2[%dma_wait3A_460, %dma_wait3A_461] : memref<10000x128xf32, #tpu.memory_space<hbm>> -> memref<10000x128xf32, #tpu.memory_space<hbm>>
    tpu.wait_indirect_dma semaphore(%arg10 : memref<!tpu.dma_semaphore, #tpu.memory_space<semaphore_mem>>) src(%dma_wait3A_462 : memref<10000x128xf32, #tpu.memory_space<hbm>>) dst(%arg9 : memref<400x128xf32, #tpu.memory_space<vmem>>)
    "tpu.region"() ({
      %run_scoped3A = tpu.sem_alloc : memref<!tpu.dma_semaphore, #tpu.memory_space<semaphore_mem>>
      %dma_start3A_551 = arith.constant 0 : i32
      %dma_start3A_552 = tpu.memref_slice %arg6[%add3A_442, %dma_start3A_551] : memref<320000x128xf32, #tpu.memory_space<hbm>> -> memref<400x128xf32, #tpu.memory_space<hbm>>
      %dma_start3A_553 = arith.constant 0 : i32
      %dma_start3A_554 = tpu.memref_slice %arg6[%add3A_442, %dma_start3A_553] : memref<320000x128xf32, #tpu.memory_space<hbm>> -> memref<400x128xf32, #tpu.memory_space<hbm>>
      tpu.enqueue_dma source(%arg9 : memref<400x128xf32, #tpu.memory_space<vmem>>) target(%dma_start3A_554 : memref<400x128xf32, #tpu.memory_space<hbm>>) target_semaphore(%run_scoped3A : memref<!tpu.dma_semaphore, #tpu.memory_space<semaphore_mem>>)
      %dma_wait3A_555 = arith.constant 0 : i32
      %dma_wait3A_556 = tpu.memref_slice %arg6[%add3A_442, %dma_wait3A_555] : memref<320000x128xf32, #tpu.memory_space<hbm>> -> memref<400x128xf32, #tpu.memory_space<hbm>>
      %dma_wait3A_557 = arith.constant 0 : i32
      %dma_wait3A_558 = tpu.memref_slice %arg6[%add3A_442, %dma_wait3A_557] : memref<320000x128xf32, #tpu.memory_space<hbm>> -> memref<400x128xf32, #tpu.memory_space<hbm>>
      tpu.wait_dma2 semaphore(%run_scoped3A : memref<!tpu.dma_semaphore, #tpu.memory_space<semaphore_mem>>) src(%arg9 : memref<400x128xf32, #tpu.memory_space<vmem>>) dst(%dma_wait3A_558 : memref<400x128xf32, #tpu.memory_space<hbm>>)
      tpu.yield
    }) : () -> ()
    %add3A_463 = arith.constant 8400 : i32
    %add3A_464 = arith.addi %mul3A_2, %add3A_463 : i32
    "tpu.region"() ({
      %run_scoped3A = tpu.sem_alloc : memref<!tpu.dma_semaphore, #tpu.memory_space<semaphore_mem>>
      %dma_start3A_551 = arith.constant 0 : i32
      %dma_start3A_552 = tpu.memref_slice %arg7[%dma_start3A_551] : memref<416xi32, #tpu.memory_space<vmem>> -> memref<400xi32, #tpu.memory_space<vmem>>
      %dma_start3A_553 = tpu.memref_slice %arg3[%add3A_464] : memref<320000xi32, #tpu.memory_space<hbm>> -> memref<400xi32, #tpu.memory_space<hbm>>
      %dma_start3A_554 = arith.constant 0 : i32
      %dma_start3A_555 = tpu.memref_slice %arg7[%dma_start3A_554] : memref<416xi32, #tpu.memory_space<vmem>> -> memref<400xi32, #tpu.memory_space<vmem>>
      %dma_start3A_556 = tpu.memref_slice %arg3[%add3A_464] : memref<320000xi32, #tpu.memory_space<hbm>> -> memref<400xi32, #tpu.memory_space<hbm>>
      tpu.enqueue_dma source(%dma_start3A_556 : memref<400xi32, #tpu.memory_space<hbm>>) target(%dma_start3A_555 : memref<400xi32, #tpu.memory_space<vmem>>) target_semaphore(%run_scoped3A : memref<!tpu.dma_semaphore, #tpu.memory_space<semaphore_mem>>)
      %dma_wait3A_557 = arith.constant 0 : i32
      %dma_wait3A_558 = tpu.memref_slice %arg7[%dma_wait3A_557] : memref<416xi32, #tpu.memory_space<vmem>> -> memref<400xi32, #tpu.memory_space<vmem>>
      %dma_wait3A_559 = tpu.memref_slice %arg3[%add3A_464] : memref<320000xi32, #tpu.memory_space<hbm>> -> memref<400xi32, #tpu.memory_space<hbm>>
      %dma_wait3A_560 = arith.constant 0 : i32
      %dma_wait3A_561 = tpu.memref_slice %arg7[%dma_wait3A_560] : memref<416xi32, #tpu.memory_space<vmem>> -> memref<400xi32, #tpu.memory_space<vmem>>
      %dma_wait3A_562 = tpu.memref_slice %arg3[%add3A_464] : memref<320000xi32, #tpu.memory_space<hbm>> -> memref<400xi32, #tpu.memory_space<hbm>>
      tpu.wait_dma2 semaphore(%run_scoped3A : memref<!tpu.dma_semaphore, #tpu.memory_space<semaphore_mem>>) src(%dma_wait3A_562 : memref<400xi32, #tpu.memory_space<hbm>>) dst(%dma_wait3A_561 : memref<400xi32, #tpu.memory_space<vmem>>)
      tpu.yield
    }) : () -> ()
    "tpu.region"() ({
      %run_scoped3A = tpu.sem_alloc : memref<!tpu.dma_semaphore, #tpu.memory_space<semaphore_mem>>
      %dma_start3A_551 = arith.constant 0 : i32
      %dma_start3A_552 = tpu.memref_slice %arg8[%dma_start3A_551] : memref<416xi32, #tpu.memory_space<vmem>> -> memref<400xi32, #tpu.memory_space<vmem>>
      %dma_start3A_553 = tpu.memref_slice %arg4[%add3A_464] : memref<320000xi32, #tpu.memory_space<hbm>> -> memref<400xi32, #tpu.memory_space<hbm>>
      %dma_start3A_554 = arith.constant 0 : i32
      %dma_start3A_555 = tpu.memref_slice %arg8[%dma_start3A_554] : memref<416xi32, #tpu.memory_space<vmem>> -> memref<400xi32, #tpu.memory_space<vmem>>
      %dma_start3A_556 = tpu.memref_slice %arg4[%add3A_464] : memref<320000xi32, #tpu.memory_space<hbm>> -> memref<400xi32, #tpu.memory_space<hbm>>
      tpu.enqueue_dma source(%dma_start3A_556 : memref<400xi32, #tpu.memory_space<hbm>>) target(%dma_start3A_555 : memref<400xi32, #tpu.memory_space<vmem>>) target_semaphore(%run_scoped3A : memref<!tpu.dma_semaphore, #tpu.memory_space<semaphore_mem>>)
      %dma_wait3A_557 = arith.constant 0 : i32
      %dma_wait3A_558 = tpu.memref_slice %arg8[%dma_wait3A_557] : memref<416xi32, #tpu.memory_space<vmem>> -> memref<400xi32, #tpu.memory_space<vmem>>
      %dma_wait3A_559 = tpu.memref_slice %arg4[%add3A_464] : memref<320000xi32, #tpu.memory_space<hbm>> -> memref<400xi32, #tpu.memory_space<hbm>>
      %dma_wait3A_560 = arith.constant 0 : i32
      %dma_wait3A_561 = tpu.memref_slice %arg8[%dma_wait3A_560] : memref<416xi32, #tpu.memory_space<vmem>> -> memref<400xi32, #tpu.memory_space<vmem>>
      %dma_wait3A_562 = tpu.memref_slice %arg4[%add3A_464] : memref<320000xi32, #tpu.memory_space<hbm>> -> memref<400xi32, #tpu.memory_space<hbm>>
      tpu.wait_dma2 semaphore(%run_scoped3A : memref<!tpu.dma_semaphore, #tpu.memory_space<semaphore_mem>>) src(%dma_wait3A_562 : memref<400xi32, #tpu.memory_space<hbm>>) dst(%dma_wait3A_561 : memref<400xi32, #tpu.memory_space<vmem>>)
      tpu.yield
    }) : () -> ()
    %dma_start3A_465 = arith.constant 0 : i32
    %dma_start3A_466 = tpu.memref_slice %arg7[%dma_start3A_465] : memref<416xi32, #tpu.memory_space<vmem>> -> memref<400xi32, #tpu.memory_space<vmem>>
    %dma_start3A_467 = arith.constant 0 : i32
    %dma_start3A_468 = arith.constant 0 : i32
    %dma_start3A_469 = tpu.memref_slice %arg2[%dma_start3A_467, %dma_start3A_468] : memref<10000x128xf32, #tpu.memory_space<hbm>> -> memref<10000x128xf32, #tpu.memory_space<hbm>>
    tpu.enqueue_indirect_dma source(%dma_start3A_469 : memref<10000x128xf32, #tpu.memory_space<hbm>>) target(%arg9 : memref<400x128xf32, #tpu.memory_space<vmem>>) offsets(%dma_start3A_466 : memref<400xi32, #tpu.memory_space<vmem>>) semaphore(%arg10 : memref<!tpu.dma_semaphore, #tpu.memory_space<semaphore_mem>>)
    %dma_wait3A_470 = arith.constant 0 : i32
    %dma_wait3A_471 = tpu.memref_slice %arg7[%dma_wait3A_470] : memref<416xi32, #tpu.memory_space<vmem>> -> memref<400xi32, #tpu.memory_space<vmem>>
    %dma_wait3A_472 = arith.constant 0 : i32
    %dma_wait3A_473 = arith.constant 0 : i32
    %dma_wait3A_474 = tpu.memref_slice %arg2[%dma_wait3A_472, %dma_wait3A_473] : memref<10000x128xf32, #tpu.memory_space<hbm>> -> memref<10000x128xf32, #tpu.memory_space<hbm>>
    tpu.wait_indirect_dma semaphore(%arg10 : memref<!tpu.dma_semaphore, #tpu.memory_space<semaphore_mem>>) src(%dma_wait3A_474 : memref<10000x128xf32, #tpu.memory_space<hbm>>) dst(%arg9 : memref<400x128xf32, #tpu.memory_space<vmem>>)
    "tpu.region"() ({
      %run_scoped3A = tpu.sem_alloc : memref<!tpu.dma_semaphore, #tpu.memory_space<semaphore_mem>>
      %dma_start3A_551 = arith.constant 0 : i32
      %dma_start3A_552 = tpu.memref_slice %arg5[%add3A_464, %dma_start3A_551] : memref<320000x128xf32, #tpu.memory_space<hbm>> -> memref<400x128xf32, #tpu.memory_space<hbm>>
      %dma_start3A_553 = arith.constant 0 : i32
      %dma_start3A_554 = tpu.memref_slice %arg5[%add3A_464, %dma_start3A_553] : memref<320000x128xf32, #tpu.memory_space<hbm>> -> memref<400x128xf32, #tpu.memory_space<hbm>>
      tpu.enqueue_dma source(%arg9 : memref<400x128xf32, #tpu.memory_space<vmem>>) target(%dma_start3A_554 : memref<400x128xf32, #tpu.memory_space<hbm>>) target_semaphore(%run_scoped3A : memref<!tpu.dma_semaphore, #tpu.memory_space<semaphore_mem>>)
      %dma_wait3A_555 = arith.constant 0 : i32
      %dma_wait3A_556 = tpu.memref_slice %arg5[%add3A_464, %dma_wait3A_555] : memref<320000x128xf32, #tpu.memory_space<hbm>> -> memref<400x128xf32, #tpu.memory_space<hbm>>
      %dma_wait3A_557 = arith.constant 0 : i32
      %dma_wait3A_558 = tpu.memref_slice %arg5[%add3A_464, %dma_wait3A_557] : memref<320000x128xf32, #tpu.memory_space<hbm>> -> memref<400x128xf32, #tpu.memory_space<hbm>>
      tpu.wait_dma2 semaphore(%run_scoped3A : memref<!tpu.dma_semaphore, #tpu.memory_space<semaphore_mem>>) src(%arg9 : memref<400x128xf32, #tpu.memory_space<vmem>>) dst(%dma_wait3A_558 : memref<400x128xf32, #tpu.memory_space<hbm>>)
      tpu.yield
    }) : () -> ()
    %dma_start3A_475 = arith.constant 0 : i32
    %dma_start3A_476 = tpu.memref_slice %arg8[%dma_start3A_475] : memref<416xi32, #tpu.memory_space<vmem>> -> memref<400xi32, #tpu.memory_space<vmem>>
    %dma_start3A_477 = arith.constant 0 : i32
    %dma_start3A_478 = arith.constant 0 : i32
    %dma_start3A_479 = tpu.memref_slice %arg2[%dma_start3A_477, %dma_start3A_478] : memref<10000x128xf32, #tpu.memory_space<hbm>> -> memref<10000x128xf32, #tpu.memory_space<hbm>>
    tpu.enqueue_indirect_dma source(%dma_start3A_479 : memref<10000x128xf32, #tpu.memory_space<hbm>>) target(%arg9 : memref<400x128xf32, #tpu.memory_space<vmem>>) offsets(%dma_start3A_476 : memref<400xi32, #tpu.memory_space<vmem>>) semaphore(%arg10 : memref<!tpu.dma_semaphore, #tpu.memory_space<semaphore_mem>>)
    %dma_wait3A_480 = arith.constant 0 : i32
    %dma_wait3A_481 = tpu.memref_slice %arg8[%dma_wait3A_480] : memref<416xi32, #tpu.memory_space<vmem>> -> memref<400xi32, #tpu.memory_space<vmem>>
    %dma_wait3A_482 = arith.constant 0 : i32
    %dma_wait3A_483 = arith.constant 0 : i32
    %dma_wait3A_484 = tpu.memref_slice %arg2[%dma_wait3A_482, %dma_wait3A_483] : memref<10000x128xf32, #tpu.memory_space<hbm>> -> memref<10000x128xf32, #tpu.memory_space<hbm>>
    tpu.wait_indirect_dma semaphore(%arg10 : memref<!tpu.dma_semaphore, #tpu.memory_space<semaphore_mem>>) src(%dma_wait3A_484 : memref<10000x128xf32, #tpu.memory_space<hbm>>) dst(%arg9 : memref<400x128xf32, #tpu.memory_space<vmem>>)
    "tpu.region"() ({
      %run_scoped3A = tpu.sem_alloc : memref<!tpu.dma_semaphore, #tpu.memory_space<semaphore_mem>>
      %dma_start3A_551 = arith.constant 0 : i32
      %dma_start3A_552 = tpu.memref_slice %arg6[%add3A_464, %dma_start3A_551] : memref<320000x128xf32, #tpu.memory_space<hbm>> -> memref<400x128xf32, #tpu.memory_space<hbm>>
      %dma_start3A_553 = arith.constant 0 : i32
      %dma_start3A_554 = tpu.memref_slice %arg6[%add3A_464, %dma_start3A_553] : memref<320000x128xf32, #tpu.memory_space<hbm>> -> memref<400x128xf32, #tpu.memory_space<hbm>>
      tpu.enqueue_dma source(%arg9 : memref<400x128xf32, #tpu.memory_space<vmem>>) target(%dma_start3A_554 : memref<400x128xf32, #tpu.memory_space<hbm>>) target_semaphore(%run_scoped3A : memref<!tpu.dma_semaphore, #tpu.memory_space<semaphore_mem>>)
      %dma_wait3A_555 = arith.constant 0 : i32
      %dma_wait3A_556 = tpu.memref_slice %arg6[%add3A_464, %dma_wait3A_555] : memref<320000x128xf32, #tpu.memory_space<hbm>> -> memref<400x128xf32, #tpu.memory_space<hbm>>
      %dma_wait3A_557 = arith.constant 0 : i32
      %dma_wait3A_558 = tpu.memref_slice %arg6[%add3A_464, %dma_wait3A_557] : memref<320000x128xf32, #tpu.memory_space<hbm>> -> memref<400x128xf32, #tpu.memory_space<hbm>>
      tpu.wait_dma2 semaphore(%run_scoped3A : memref<!tpu.dma_semaphore, #tpu.memory_space<semaphore_mem>>) src(%arg9 : memref<400x128xf32, #tpu.memory_space<vmem>>) dst(%dma_wait3A_558 : memref<400x128xf32, #tpu.memory_space<hbm>>)
      tpu.yield
    }) : () -> ()
    %add3A_485 = arith.constant 8800 : i32
    %add3A_486 = arith.addi %mul3A_2, %add3A_485 : i32
    "tpu.region"() ({
      %run_scoped3A = tpu.sem_alloc : memref<!tpu.dma_semaphore, #tpu.memory_space<semaphore_mem>>
      %dma_start3A_551 = arith.constant 0 : i32
      %dma_start3A_552 = tpu.memref_slice %arg7[%dma_start3A_551] : memref<416xi32, #tpu.memory_space<vmem>> -> memref<400xi32, #tpu.memory_space<vmem>>
      %dma_start3A_553 = tpu.memref_slice %arg3[%add3A_486] : memref<320000xi32, #tpu.memory_space<hbm>> -> memref<400xi32, #tpu.memory_space<hbm>>
      %dma_start3A_554 = arith.constant 0 : i32
      %dma_start3A_555 = tpu.memref_slice %arg7[%dma_start3A_554] : memref<416xi32, #tpu.memory_space<vmem>> -> memref<400xi32, #tpu.memory_space<vmem>>
      %dma_start3A_556 = tpu.memref_slice %arg3[%add3A_486] : memref<320000xi32, #tpu.memory_space<hbm>> -> memref<400xi32, #tpu.memory_space<hbm>>
      tpu.enqueue_dma source(%dma_start3A_556 : memref<400xi32, #tpu.memory_space<hbm>>) target(%dma_start3A_555 : memref<400xi32, #tpu.memory_space<vmem>>) target_semaphore(%run_scoped3A : memref<!tpu.dma_semaphore, #tpu.memory_space<semaphore_mem>>)
      %dma_wait3A_557 = arith.constant 0 : i32
      %dma_wait3A_558 = tpu.memref_slice %arg7[%dma_wait3A_557] : memref<416xi32, #tpu.memory_space<vmem>> -> memref<400xi32, #tpu.memory_space<vmem>>
      %dma_wait3A_559 = tpu.memref_slice %arg3[%add3A_486] : memref<320000xi32, #tpu.memory_space<hbm>> -> memref<400xi32, #tpu.memory_space<hbm>>
      %dma_wait3A_560 = arith.constant 0 : i32
      %dma_wait3A_561 = tpu.memref_slice %arg7[%dma_wait3A_560] : memref<416xi32, #tpu.memory_space<vmem>> -> memref<400xi32, #tpu.memory_space<vmem>>
      %dma_wait3A_562 = tpu.memref_slice %arg3[%add3A_486] : memref<320000xi32, #tpu.memory_space<hbm>> -> memref<400xi32, #tpu.memory_space<hbm>>
      tpu.wait_dma2 semaphore(%run_scoped3A : memref<!tpu.dma_semaphore, #tpu.memory_space<semaphore_mem>>) src(%dma_wait3A_562 : memref<400xi32, #tpu.memory_space<hbm>>) dst(%dma_wait3A_561 : memref<400xi32, #tpu.memory_space<vmem>>)
      tpu.yield
    }) : () -> ()
    "tpu.region"() ({
      %run_scoped3A = tpu.sem_alloc : memref<!tpu.dma_semaphore, #tpu.memory_space<semaphore_mem>>
      %dma_start3A_551 = arith.constant 0 : i32
      %dma_start3A_552 = tpu.memref_slice %arg8[%dma_start3A_551] : memref<416xi32, #tpu.memory_space<vmem>> -> memref<400xi32, #tpu.memory_space<vmem>>
      %dma_start3A_553 = tpu.memref_slice %arg4[%add3A_486] : memref<320000xi32, #tpu.memory_space<hbm>> -> memref<400xi32, #tpu.memory_space<hbm>>
      %dma_start3A_554 = arith.constant 0 : i32
      %dma_start3A_555 = tpu.memref_slice %arg8[%dma_start3A_554] : memref<416xi32, #tpu.memory_space<vmem>> -> memref<400xi32, #tpu.memory_space<vmem>>
      %dma_start3A_556 = tpu.memref_slice %arg4[%add3A_486] : memref<320000xi32, #tpu.memory_space<hbm>> -> memref<400xi32, #tpu.memory_space<hbm>>
      tpu.enqueue_dma source(%dma_start3A_556 : memref<400xi32, #tpu.memory_space<hbm>>) target(%dma_start3A_555 : memref<400xi32, #tpu.memory_space<vmem>>) target_semaphore(%run_scoped3A : memref<!tpu.dma_semaphore, #tpu.memory_space<semaphore_mem>>)
      %dma_wait3A_557 = arith.constant 0 : i32
      %dma_wait3A_558 = tpu.memref_slice %arg8[%dma_wait3A_557] : memref<416xi32, #tpu.memory_space<vmem>> -> memref<400xi32, #tpu.memory_space<vmem>>
      %dma_wait3A_559 = tpu.memref_slice %arg4[%add3A_486] : memref<320000xi32, #tpu.memory_space<hbm>> -> memref<400xi32, #tpu.memory_space<hbm>>
      %dma_wait3A_560 = arith.constant 0 : i32
      %dma_wait3A_561 = tpu.memref_slice %arg8[%dma_wait3A_560] : memref<416xi32, #tpu.memory_space<vmem>> -> memref<400xi32, #tpu.memory_space<vmem>>
      %dma_wait3A_562 = tpu.memref_slice %arg4[%add3A_486] : memref<320000xi32, #tpu.memory_space<hbm>> -> memref<400xi32, #tpu.memory_space<hbm>>
      tpu.wait_dma2 semaphore(%run_scoped3A : memref<!tpu.dma_semaphore, #tpu.memory_space<semaphore_mem>>) src(%dma_wait3A_562 : memref<400xi32, #tpu.memory_space<hbm>>) dst(%dma_wait3A_561 : memref<400xi32, #tpu.memory_space<vmem>>)
      tpu.yield
    }) : () -> ()
    %dma_start3A_487 = arith.constant 0 : i32
    %dma_start3A_488 = tpu.memref_slice %arg7[%dma_start3A_487] : memref<416xi32, #tpu.memory_space<vmem>> -> memref<400xi32, #tpu.memory_space<vmem>>
    %dma_start3A_489 = arith.constant 0 : i32
    %dma_start3A_490 = arith.constant 0 : i32
    %dma_start3A_491 = tpu.memref_slice %arg2[%dma_start3A_489, %dma_start3A_490] : memref<10000x128xf32, #tpu.memory_space<hbm>> -> memref<10000x128xf32, #tpu.memory_space<hbm>>
    tpu.enqueue_indirect_dma source(%dma_start3A_491 : memref<10000x128xf32, #tpu.memory_space<hbm>>) target(%arg9 : memref<400x128xf32, #tpu.memory_space<vmem>>) offsets(%dma_start3A_488 : memref<400xi32, #tpu.memory_space<vmem>>) semaphore(%arg10 : memref<!tpu.dma_semaphore, #tpu.memory_space<semaphore_mem>>)
    %dma_wait3A_492 = arith.constant 0 : i32
    %dma_wait3A_493 = tpu.memref_slice %arg7[%dma_wait3A_492] : memref<416xi32, #tpu.memory_space<vmem>> -> memref<400xi32, #tpu.memory_space<vmem>>
    %dma_wait3A_494 = arith.constant 0 : i32
    %dma_wait3A_495 = arith.constant 0 : i32
    %dma_wait3A_496 = tpu.memref_slice %arg2[%dma_wait3A_494, %dma_wait3A_495] : memref<10000x128xf32, #tpu.memory_space<hbm>> -> memref<10000x128xf32, #tpu.memory_space<hbm>>
    tpu.wait_indirect_dma semaphore(%arg10 : memref<!tpu.dma_semaphore, #tpu.memory_space<semaphore_mem>>) src(%dma_wait3A_496 : memref<10000x128xf32, #tpu.memory_space<hbm>>) dst(%arg9 : memref<400x128xf32, #tpu.memory_space<vmem>>)
    "tpu.region"() ({
      %run_scoped3A = tpu.sem_alloc : memref<!tpu.dma_semaphore, #tpu.memory_space<semaphore_mem>>
      %dma_start3A_551 = arith.constant 0 : i32
      %dma_start3A_552 = tpu.memref_slice %arg5[%add3A_486, %dma_start3A_551] : memref<320000x128xf32, #tpu.memory_space<hbm>> -> memref<400x128xf32, #tpu.memory_space<hbm>>
      %dma_start3A_553 = arith.constant 0 : i32
      %dma_start3A_554 = tpu.memref_slice %arg5[%add3A_486, %dma_start3A_553] : memref<320000x128xf32, #tpu.memory_space<hbm>> -> memref<400x128xf32, #tpu.memory_space<hbm>>
      tpu.enqueue_dma source(%arg9 : memref<400x128xf32, #tpu.memory_space<vmem>>) target(%dma_start3A_554 : memref<400x128xf32, #tpu.memory_space<hbm>>) target_semaphore(%run_scoped3A : memref<!tpu.dma_semaphore, #tpu.memory_space<semaphore_mem>>)
      %dma_wait3A_555 = arith.constant 0 : i32
      %dma_wait3A_556 = tpu.memref_slice %arg5[%add3A_486, %dma_wait3A_555] : memref<320000x128xf32, #tpu.memory_space<hbm>> -> memref<400x128xf32, #tpu.memory_space<hbm>>
      %dma_wait3A_557 = arith.constant 0 : i32
      %dma_wait3A_558 = tpu.memref_slice %arg5[%add3A_486, %dma_wait3A_557] : memref<320000x128xf32, #tpu.memory_space<hbm>> -> memref<400x128xf32, #tpu.memory_space<hbm>>
      tpu.wait_dma2 semaphore(%run_scoped3A : memref<!tpu.dma_semaphore, #tpu.memory_space<semaphore_mem>>) src(%arg9 : memref<400x128xf32, #tpu.memory_space<vmem>>) dst(%dma_wait3A_558 : memref<400x128xf32, #tpu.memory_space<hbm>>)
      tpu.yield
    }) : () -> ()
    %dma_start3A_497 = arith.constant 0 : i32
    %dma_start3A_498 = tpu.memref_slice %arg8[%dma_start3A_497] : memref<416xi32, #tpu.memory_space<vmem>> -> memref<400xi32, #tpu.memory_space<vmem>>
    %dma_start3A_499 = arith.constant 0 : i32
    %dma_start3A_500 = arith.constant 0 : i32
    %dma_start3A_501 = tpu.memref_slice %arg2[%dma_start3A_499, %dma_start3A_500] : memref<10000x128xf32, #tpu.memory_space<hbm>> -> memref<10000x128xf32, #tpu.memory_space<hbm>>
    tpu.enqueue_indirect_dma source(%dma_start3A_501 : memref<10000x128xf32, #tpu.memory_space<hbm>>) target(%arg9 : memref<400x128xf32, #tpu.memory_space<vmem>>) offsets(%dma_start3A_498 : memref<400xi32, #tpu.memory_space<vmem>>) semaphore(%arg10 : memref<!tpu.dma_semaphore, #tpu.memory_space<semaphore_mem>>)
    %dma_wait3A_502 = arith.constant 0 : i32
    %dma_wait3A_503 = tpu.memref_slice %arg8[%dma_wait3A_502] : memref<416xi32, #tpu.memory_space<vmem>> -> memref<400xi32, #tpu.memory_space<vmem>>
    %dma_wait3A_504 = arith.constant 0 : i32
    %dma_wait3A_505 = arith.constant 0 : i32
    %dma_wait3A_506 = tpu.memref_slice %arg2[%dma_wait3A_504, %dma_wait3A_505] : memref<10000x128xf32, #tpu.memory_space<hbm>> -> memref<10000x128xf32, #tpu.memory_space<hbm>>
    tpu.wait_indirect_dma semaphore(%arg10 : memref<!tpu.dma_semaphore, #tpu.memory_space<semaphore_mem>>) src(%dma_wait3A_506 : memref<10000x128xf32, #tpu.memory_space<hbm>>) dst(%arg9 : memref<400x128xf32, #tpu.memory_space<vmem>>)
    "tpu.region"() ({
      %run_scoped3A = tpu.sem_alloc : memref<!tpu.dma_semaphore, #tpu.memory_space<semaphore_mem>>
      %dma_start3A_551 = arith.constant 0 : i32
      %dma_start3A_552 = tpu.memref_slice %arg6[%add3A_486, %dma_start3A_551] : memref<320000x128xf32, #tpu.memory_space<hbm>> -> memref<400x128xf32, #tpu.memory_space<hbm>>
      %dma_start3A_553 = arith.constant 0 : i32
      %dma_start3A_554 = tpu.memref_slice %arg6[%add3A_486, %dma_start3A_553] : memref<320000x128xf32, #tpu.memory_space<hbm>> -> memref<400x128xf32, #tpu.memory_space<hbm>>
      tpu.enqueue_dma source(%arg9 : memref<400x128xf32, #tpu.memory_space<vmem>>) target(%dma_start3A_554 : memref<400x128xf32, #tpu.memory_space<hbm>>) target_semaphore(%run_scoped3A : memref<!tpu.dma_semaphore, #tpu.memory_space<semaphore_mem>>)
      %dma_wait3A_555 = arith.constant 0 : i32
      %dma_wait3A_556 = tpu.memref_slice %arg6[%add3A_486, %dma_wait3A_555] : memref<320000x128xf32, #tpu.memory_space<hbm>> -> memref<400x128xf32, #tpu.memory_space<hbm>>
      %dma_wait3A_557 = arith.constant 0 : i32
      %dma_wait3A_558 = tpu.memref_slice %arg6[%add3A_486, %dma_wait3A_557] : memref<320000x128xf32, #tpu.memory_space<hbm>> -> memref<400x128xf32, #tpu.memory_space<hbm>>
      tpu.wait_dma2 semaphore(%run_scoped3A : memref<!tpu.dma_semaphore, #tpu.memory_space<semaphore_mem>>) src(%arg9 : memref<400x128xf32, #tpu.memory_space<vmem>>) dst(%dma_wait3A_558 : memref<400x128xf32, #tpu.memory_space<hbm>>)
      tpu.yield
    }) : () -> ()
    %add3A_507 = arith.constant 9200 : i32
    %add3A_508 = arith.addi %mul3A_2, %add3A_507 : i32
    "tpu.region"() ({
      %run_scoped3A = tpu.sem_alloc : memref<!tpu.dma_semaphore, #tpu.memory_space<semaphore_mem>>
      %dma_start3A_551 = arith.constant 0 : i32
      %dma_start3A_552 = tpu.memref_slice %arg7[%dma_start3A_551] : memref<416xi32, #tpu.memory_space<vmem>> -> memref<400xi32, #tpu.memory_space<vmem>>
      %dma_start3A_553 = tpu.memref_slice %arg3[%add3A_508] : memref<320000xi32, #tpu.memory_space<hbm>> -> memref<400xi32, #tpu.memory_space<hbm>>
      %dma_start3A_554 = arith.constant 0 : i32
      %dma_start3A_555 = tpu.memref_slice %arg7[%dma_start3A_554] : memref<416xi32, #tpu.memory_space<vmem>> -> memref<400xi32, #tpu.memory_space<vmem>>
      %dma_start3A_556 = tpu.memref_slice %arg3[%add3A_508] : memref<320000xi32, #tpu.memory_space<hbm>> -> memref<400xi32, #tpu.memory_space<hbm>>
      tpu.enqueue_dma source(%dma_start3A_556 : memref<400xi32, #tpu.memory_space<hbm>>) target(%dma_start3A_555 : memref<400xi32, #tpu.memory_space<vmem>>) target_semaphore(%run_scoped3A : memref<!tpu.dma_semaphore, #tpu.memory_space<semaphore_mem>>)
      %dma_wait3A_557 = arith.constant 0 : i32
      %dma_wait3A_558 = tpu.memref_slice %arg7[%dma_wait3A_557] : memref<416xi32, #tpu.memory_space<vmem>> -> memref<400xi32, #tpu.memory_space<vmem>>
      %dma_wait3A_559 = tpu.memref_slice %arg3[%add3A_508] : memref<320000xi32, #tpu.memory_space<hbm>> -> memref<400xi32, #tpu.memory_space<hbm>>
      %dma_wait3A_560 = arith.constant 0 : i32
      %dma_wait3A_561 = tpu.memref_slice %arg7[%dma_wait3A_560] : memref<416xi32, #tpu.memory_space<vmem>> -> memref<400xi32, #tpu.memory_space<vmem>>
      %dma_wait3A_562 = tpu.memref_slice %arg3[%add3A_508] : memref<320000xi32, #tpu.memory_space<hbm>> -> memref<400xi32, #tpu.memory_space<hbm>>
      tpu.wait_dma2 semaphore(%run_scoped3A : memref<!tpu.dma_semaphore, #tpu.memory_space<semaphore_mem>>) src(%dma_wait3A_562 : memref<400xi32, #tpu.memory_space<hbm>>) dst(%dma_wait3A_561 : memref<400xi32, #tpu.memory_space<vmem>>)
      tpu.yield
    }) : () -> ()
    "tpu.region"() ({
      %run_scoped3A = tpu.sem_alloc : memref<!tpu.dma_semaphore, #tpu.memory_space<semaphore_mem>>
      %dma_start3A_551 = arith.constant 0 : i32
      %dma_start3A_552 = tpu.memref_slice %arg8[%dma_start3A_551] : memref<416xi32, #tpu.memory_space<vmem>> -> memref<400xi32, #tpu.memory_space<vmem>>
      %dma_start3A_553 = tpu.memref_slice %arg4[%add3A_508] : memref<320000xi32, #tpu.memory_space<hbm>> -> memref<400xi32, #tpu.memory_space<hbm>>
      %dma_start3A_554 = arith.constant 0 : i32
      %dma_start3A_555 = tpu.memref_slice %arg8[%dma_start3A_554] : memref<416xi32, #tpu.memory_space<vmem>> -> memref<400xi32, #tpu.memory_space<vmem>>
      %dma_start3A_556 = tpu.memref_slice %arg4[%add3A_508] : memref<320000xi32, #tpu.memory_space<hbm>> -> memref<400xi32, #tpu.memory_space<hbm>>
      tpu.enqueue_dma source(%dma_start3A_556 : memref<400xi32, #tpu.memory_space<hbm>>) target(%dma_start3A_555 : memref<400xi32, #tpu.memory_space<vmem>>) target_semaphore(%run_scoped3A : memref<!tpu.dma_semaphore, #tpu.memory_space<semaphore_mem>>)
      %dma_wait3A_557 = arith.constant 0 : i32
      %dma_wait3A_558 = tpu.memref_slice %arg8[%dma_wait3A_557] : memref<416xi32, #tpu.memory_space<vmem>> -> memref<400xi32, #tpu.memory_space<vmem>>
      %dma_wait3A_559 = tpu.memref_slice %arg4[%add3A_508] : memref<320000xi32, #tpu.memory_space<hbm>> -> memref<400xi32, #tpu.memory_space<hbm>>
      %dma_wait3A_560 = arith.constant 0 : i32
      %dma_wait3A_561 = tpu.memref_slice %arg8[%dma_wait3A_560] : memref<416xi32, #tpu.memory_space<vmem>> -> memref<400xi32, #tpu.memory_space<vmem>>
      %dma_wait3A_562 = tpu.memref_slice %arg4[%add3A_508] : memref<320000xi32, #tpu.memory_space<hbm>> -> memref<400xi32, #tpu.memory_space<hbm>>
      tpu.wait_dma2 semaphore(%run_scoped3A : memref<!tpu.dma_semaphore, #tpu.memory_space<semaphore_mem>>) src(%dma_wait3A_562 : memref<400xi32, #tpu.memory_space<hbm>>) dst(%dma_wait3A_561 : memref<400xi32, #tpu.memory_space<vmem>>)
      tpu.yield
    }) : () -> ()
    %dma_start3A_509 = arith.constant 0 : i32
    %dma_start3A_510 = tpu.memref_slice %arg7[%dma_start3A_509] : memref<416xi32, #tpu.memory_space<vmem>> -> memref<400xi32, #tpu.memory_space<vmem>>
    %dma_start3A_511 = arith.constant 0 : i32
    %dma_start3A_512 = arith.constant 0 : i32
    %dma_start3A_513 = tpu.memref_slice %arg2[%dma_start3A_511, %dma_start3A_512] : memref<10000x128xf32, #tpu.memory_space<hbm>> -> memref<10000x128xf32, #tpu.memory_space<hbm>>
    tpu.enqueue_indirect_dma source(%dma_start3A_513 : memref<10000x128xf32, #tpu.memory_space<hbm>>) target(%arg9 : memref<400x128xf32, #tpu.memory_space<vmem>>) offsets(%dma_start3A_510 : memref<400xi32, #tpu.memory_space<vmem>>) semaphore(%arg10 : memref<!tpu.dma_semaphore, #tpu.memory_space<semaphore_mem>>)
    %dma_wait3A_514 = arith.constant 0 : i32
    %dma_wait3A_515 = tpu.memref_slice %arg7[%dma_wait3A_514] : memref<416xi32, #tpu.memory_space<vmem>> -> memref<400xi32, #tpu.memory_space<vmem>>
    %dma_wait3A_516 = arith.constant 0 : i32
    %dma_wait3A_517 = arith.constant 0 : i32
    %dma_wait3A_518 = tpu.memref_slice %arg2[%dma_wait3A_516, %dma_wait3A_517] : memref<10000x128xf32, #tpu.memory_space<hbm>> -> memref<10000x128xf32, #tpu.memory_space<hbm>>
    tpu.wait_indirect_dma semaphore(%arg10 : memref<!tpu.dma_semaphore, #tpu.memory_space<semaphore_mem>>) src(%dma_wait3A_518 : memref<10000x128xf32, #tpu.memory_space<hbm>>) dst(%arg9 : memref<400x128xf32, #tpu.memory_space<vmem>>)
    "tpu.region"() ({
      %run_scoped3A = tpu.sem_alloc : memref<!tpu.dma_semaphore, #tpu.memory_space<semaphore_mem>>
      %dma_start3A_551 = arith.constant 0 : i32
      %dma_start3A_552 = tpu.memref_slice %arg5[%add3A_508, %dma_start3A_551] : memref<320000x128xf32, #tpu.memory_space<hbm>> -> memref<400x128xf32, #tpu.memory_space<hbm>>
      %dma_start3A_553 = arith.constant 0 : i32
      %dma_start3A_554 = tpu.memref_slice %arg5[%add3A_508, %dma_start3A_553] : memref<320000x128xf32, #tpu.memory_space<hbm>> -> memref<400x128xf32, #tpu.memory_space<hbm>>
      tpu.enqueue_dma source(%arg9 : memref<400x128xf32, #tpu.memory_space<vmem>>) target(%dma_start3A_554 : memref<400x128xf32, #tpu.memory_space<hbm>>) target_semaphore(%run_scoped3A : memref<!tpu.dma_semaphore, #tpu.memory_space<semaphore_mem>>)
      %dma_wait3A_555 = arith.constant 0 : i32
      %dma_wait3A_556 = tpu.memref_slice %arg5[%add3A_508, %dma_wait3A_555] : memref<320000x128xf32, #tpu.memory_space<hbm>> -> memref<400x128xf32, #tpu.memory_space<hbm>>
      %dma_wait3A_557 = arith.constant 0 : i32
      %dma_wait3A_558 = tpu.memref_slice %arg5[%add3A_508, %dma_wait3A_557] : memref<320000x128xf32, #tpu.memory_space<hbm>> -> memref<400x128xf32, #tpu.memory_space<hbm>>
      tpu.wait_dma2 semaphore(%run_scoped3A : memref<!tpu.dma_semaphore, #tpu.memory_space<semaphore_mem>>) src(%arg9 : memref<400x128xf32, #tpu.memory_space<vmem>>) dst(%dma_wait3A_558 : memref<400x128xf32, #tpu.memory_space<hbm>>)
      tpu.yield
    }) : () -> ()
    %dma_start3A_519 = arith.constant 0 : i32
    %dma_start3A_520 = tpu.memref_slice %arg8[%dma_start3A_519] : memref<416xi32, #tpu.memory_space<vmem>> -> memref<400xi32, #tpu.memory_space<vmem>>
    %dma_start3A_521 = arith.constant 0 : i32
    %dma_start3A_522 = arith.constant 0 : i32
    %dma_start3A_523 = tpu.memref_slice %arg2[%dma_start3A_521, %dma_start3A_522] : memref<10000x128xf32, #tpu.memory_space<hbm>> -> memref<10000x128xf32, #tpu.memory_space<hbm>>
    tpu.enqueue_indirect_dma source(%dma_start3A_523 : memref<10000x128xf32, #tpu.memory_space<hbm>>) target(%arg9 : memref<400x128xf32, #tpu.memory_space<vmem>>) offsets(%dma_start3A_520 : memref<400xi32, #tpu.memory_space<vmem>>) semaphore(%arg10 : memref<!tpu.dma_semaphore, #tpu.memory_space<semaphore_mem>>)
    %dma_wait3A_524 = arith.constant 0 : i32
    %dma_wait3A_525 = tpu.memref_slice %arg8[%dma_wait3A_524] : memref<416xi32, #tpu.memory_space<vmem>> -> memref<400xi32, #tpu.memory_space<vmem>>
    %dma_wait3A_526 = arith.constant 0 : i32
    %dma_wait3A_527 = arith.constant 0 : i32
    %dma_wait3A_528 = tpu.memref_slice %arg2[%dma_wait3A_526, %dma_wait3A_527] : memref<10000x128xf32, #tpu.memory_space<hbm>> -> memref<10000x128xf32, #tpu.memory_space<hbm>>
    tpu.wait_indirect_dma semaphore(%arg10 : memref<!tpu.dma_semaphore, #tpu.memory_space<semaphore_mem>>) src(%dma_wait3A_528 : memref<10000x128xf32, #tpu.memory_space<hbm>>) dst(%arg9 : memref<400x128xf32, #tpu.memory_space<vmem>>)
    "tpu.region"() ({
      %run_scoped3A = tpu.sem_alloc : memref<!tpu.dma_semaphore, #tpu.memory_space<semaphore_mem>>
      %dma_start3A_551 = arith.constant 0 : i32
      %dma_start3A_552 = tpu.memref_slice %arg6[%add3A_508, %dma_start3A_551] : memref<320000x128xf32, #tpu.memory_space<hbm>> -> memref<400x128xf32, #tpu.memory_space<hbm>>
      %dma_start3A_553 = arith.constant 0 : i32
      %dma_start3A_554 = tpu.memref_slice %arg6[%add3A_508, %dma_start3A_553] : memref<320000x128xf32, #tpu.memory_space<hbm>> -> memref<400x128xf32, #tpu.memory_space<hbm>>
      tpu.enqueue_dma source(%arg9 : memref<400x128xf32, #tpu.memory_space<vmem>>) target(%dma_start3A_554 : memref<400x128xf32, #tpu.memory_space<hbm>>) target_semaphore(%run_scoped3A : memref<!tpu.dma_semaphore, #tpu.memory_space<semaphore_mem>>)
      %dma_wait3A_555 = arith.constant 0 : i32
      %dma_wait3A_556 = tpu.memref_slice %arg6[%add3A_508, %dma_wait3A_555] : memref<320000x128xf32, #tpu.memory_space<hbm>> -> memref<400x128xf32, #tpu.memory_space<hbm>>
      %dma_wait3A_557 = arith.constant 0 : i32
      %dma_wait3A_558 = tpu.memref_slice %arg6[%add3A_508, %dma_wait3A_557] : memref<320000x128xf32, #tpu.memory_space<hbm>> -> memref<400x128xf32, #tpu.memory_space<hbm>>
      tpu.wait_dma2 semaphore(%run_scoped3A : memref<!tpu.dma_semaphore, #tpu.memory_space<semaphore_mem>>) src(%arg9 : memref<400x128xf32, #tpu.memory_space<vmem>>) dst(%dma_wait3A_558 : memref<400x128xf32, #tpu.memory_space<hbm>>)
      tpu.yield
    }) : () -> ()
    %add3A_529 = arith.constant 9600 : i32
    %add3A_530 = arith.addi %mul3A_2, %add3A_529 : i32
    "tpu.region"() ({
      %run_scoped3A = tpu.sem_alloc : memref<!tpu.dma_semaphore, #tpu.memory_space<semaphore_mem>>
      %dma_start3A_551 = arith.constant 0 : i32
      %dma_start3A_552 = tpu.memref_slice %arg7[%dma_start3A_551] : memref<416xi32, #tpu.memory_space<vmem>> -> memref<400xi32, #tpu.memory_space<vmem>>
      %dma_start3A_553 = tpu.memref_slice %arg3[%add3A_530] : memref<320000xi32, #tpu.memory_space<hbm>> -> memref<400xi32, #tpu.memory_space<hbm>>
      %dma_start3A_554 = arith.constant 0 : i32
      %dma_start3A_555 = tpu.memref_slice %arg7[%dma_start3A_554] : memref<416xi32, #tpu.memory_space<vmem>> -> memref<400xi32, #tpu.memory_space<vmem>>
      %dma_start3A_556 = tpu.memref_slice %arg3[%add3A_530] : memref<320000xi32, #tpu.memory_space<hbm>> -> memref<400xi32, #tpu.memory_space<hbm>>
      tpu.enqueue_dma source(%dma_start3A_556 : memref<400xi32, #tpu.memory_space<hbm>>) target(%dma_start3A_555 : memref<400xi32, #tpu.memory_space<vmem>>) target_semaphore(%run_scoped3A : memref<!tpu.dma_semaphore, #tpu.memory_space<semaphore_mem>>)
      %dma_wait3A_557 = arith.constant 0 : i32
      %dma_wait3A_558 = tpu.memref_slice %arg7[%dma_wait3A_557] : memref<416xi32, #tpu.memory_space<vmem>> -> memref<400xi32, #tpu.memory_space<vmem>>
      %dma_wait3A_559 = tpu.memref_slice %arg3[%add3A_530] : memref<320000xi32, #tpu.memory_space<hbm>> -> memref<400xi32, #tpu.memory_space<hbm>>
      %dma_wait3A_560 = arith.constant 0 : i32
      %dma_wait3A_561 = tpu.memref_slice %arg7[%dma_wait3A_560] : memref<416xi32, #tpu.memory_space<vmem>> -> memref<400xi32, #tpu.memory_space<vmem>>
      %dma_wait3A_562 = tpu.memref_slice %arg3[%add3A_530] : memref<320000xi32, #tpu.memory_space<hbm>> -> memref<400xi32, #tpu.memory_space<hbm>>
      tpu.wait_dma2 semaphore(%run_scoped3A : memref<!tpu.dma_semaphore, #tpu.memory_space<semaphore_mem>>) src(%dma_wait3A_562 : memref<400xi32, #tpu.memory_space<hbm>>) dst(%dma_wait3A_561 : memref<400xi32, #tpu.memory_space<vmem>>)
      tpu.yield
    }) : () -> ()
    "tpu.region"() ({
      %run_scoped3A = tpu.sem_alloc : memref<!tpu.dma_semaphore, #tpu.memory_space<semaphore_mem>>
      %dma_start3A_551 = arith.constant 0 : i32
      %dma_start3A_552 = tpu.memref_slice %arg8[%dma_start3A_551] : memref<416xi32, #tpu.memory_space<vmem>> -> memref<400xi32, #tpu.memory_space<vmem>>
      %dma_start3A_553 = tpu.memref_slice %arg4[%add3A_530] : memref<320000xi32, #tpu.memory_space<hbm>> -> memref<400xi32, #tpu.memory_space<hbm>>
      %dma_start3A_554 = arith.constant 0 : i32
      %dma_start3A_555 = tpu.memref_slice %arg8[%dma_start3A_554] : memref<416xi32, #tpu.memory_space<vmem>> -> memref<400xi32, #tpu.memory_space<vmem>>
      %dma_start3A_556 = tpu.memref_slice %arg4[%add3A_530] : memref<320000xi32, #tpu.memory_space<hbm>> -> memref<400xi32, #tpu.memory_space<hbm>>
      tpu.enqueue_dma source(%dma_start3A_556 : memref<400xi32, #tpu.memory_space<hbm>>) target(%dma_start3A_555 : memref<400xi32, #tpu.memory_space<vmem>>) target_semaphore(%run_scoped3A : memref<!tpu.dma_semaphore, #tpu.memory_space<semaphore_mem>>)
      %dma_wait3A_557 = arith.constant 0 : i32
      %dma_wait3A_558 = tpu.memref_slice %arg8[%dma_wait3A_557] : memref<416xi32, #tpu.memory_space<vmem>> -> memref<400xi32, #tpu.memory_space<vmem>>
      %dma_wait3A_559 = tpu.memref_slice %arg4[%add3A_530] : memref<320000xi32, #tpu.memory_space<hbm>> -> memref<400xi32, #tpu.memory_space<hbm>>
      %dma_wait3A_560 = arith.constant 0 : i32
      %dma_wait3A_561 = tpu.memref_slice %arg8[%dma_wait3A_560] : memref<416xi32, #tpu.memory_space<vmem>> -> memref<400xi32, #tpu.memory_space<vmem>>
      %dma_wait3A_562 = tpu.memref_slice %arg4[%add3A_530] : memref<320000xi32, #tpu.memory_space<hbm>> -> memref<400xi32, #tpu.memory_space<hbm>>
      tpu.wait_dma2 semaphore(%run_scoped3A : memref<!tpu.dma_semaphore, #tpu.memory_space<semaphore_mem>>) src(%dma_wait3A_562 : memref<400xi32, #tpu.memory_space<hbm>>) dst(%dma_wait3A_561 : memref<400xi32, #tpu.memory_space<vmem>>)
      tpu.yield
    }) : () -> ()
    %dma_start3A_531 = arith.constant 0 : i32
    %dma_start3A_532 = tpu.memref_slice %arg7[%dma_start3A_531] : memref<416xi32, #tpu.memory_space<vmem>> -> memref<400xi32, #tpu.memory_space<vmem>>
    %dma_start3A_533 = arith.constant 0 : i32
    %dma_start3A_534 = arith.constant 0 : i32
    %dma_start3A_535 = tpu.memref_slice %arg2[%dma_start3A_533, %dma_start3A_534] : memref<10000x128xf32, #tpu.memory_space<hbm>> -> memref<10000x128xf32, #tpu.memory_space<hbm>>
    tpu.enqueue_indirect_dma source(%dma_start3A_535 : memref<10000x128xf32, #tpu.memory_space<hbm>>) target(%arg9 : memref<400x128xf32, #tpu.memory_space<vmem>>) offsets(%dma_start3A_532 : memref<400xi32, #tpu.memory_space<vmem>>) semaphore(%arg10 : memref<!tpu.dma_semaphore, #tpu.memory_space<semaphore_mem>>)
    %dma_wait3A_536 = arith.constant 0 : i32
    %dma_wait3A_537 = tpu.memref_slice %arg7[%dma_wait3A_536] : memref<416xi32, #tpu.memory_space<vmem>> -> memref<400xi32, #tpu.memory_space<vmem>>
    %dma_wait3A_538 = arith.constant 0 : i32
    %dma_wait3A_539 = arith.constant 0 : i32
    %dma_wait3A_540 = tpu.memref_slice %arg2[%dma_wait3A_538, %dma_wait3A_539] : memref<10000x128xf32, #tpu.memory_space<hbm>> -> memref<10000x128xf32, #tpu.memory_space<hbm>>
    tpu.wait_indirect_dma semaphore(%arg10 : memref<!tpu.dma_semaphore, #tpu.memory_space<semaphore_mem>>) src(%dma_wait3A_540 : memref<10000x128xf32, #tpu.memory_space<hbm>>) dst(%arg9 : memref<400x128xf32, #tpu.memory_space<vmem>>)
    "tpu.region"() ({
      %run_scoped3A = tpu.sem_alloc : memref<!tpu.dma_semaphore, #tpu.memory_space<semaphore_mem>>
      %dma_start3A_551 = arith.constant 0 : i32
      %dma_start3A_552 = tpu.memref_slice %arg5[%add3A_530, %dma_start3A_551] : memref<320000x128xf32, #tpu.memory_space<hbm>> -> memref<400x128xf32, #tpu.memory_space<hbm>>
      %dma_start3A_553 = arith.constant 0 : i32
      %dma_start3A_554 = tpu.memref_slice %arg5[%add3A_530, %dma_start3A_553] : memref<320000x128xf32, #tpu.memory_space<hbm>> -> memref<400x128xf32, #tpu.memory_space<hbm>>
      tpu.enqueue_dma source(%arg9 : memref<400x128xf32, #tpu.memory_space<vmem>>) target(%dma_start3A_554 : memref<400x128xf32, #tpu.memory_space<hbm>>) target_semaphore(%run_scoped3A : memref<!tpu.dma_semaphore, #tpu.memory_space<semaphore_mem>>)
      %dma_wait3A_555 = arith.constant 0 : i32
      %dma_wait3A_556 = tpu.memref_slice %arg5[%add3A_530, %dma_wait3A_555] : memref<320000x128xf32, #tpu.memory_space<hbm>> -> memref<400x128xf32, #tpu.memory_space<hbm>>
      %dma_wait3A_557 = arith.constant 0 : i32
      %dma_wait3A_558 = tpu.memref_slice %arg5[%add3A_530, %dma_wait3A_557] : memref<320000x128xf32, #tpu.memory_space<hbm>> -> memref<400x128xf32, #tpu.memory_space<hbm>>
      tpu.wait_dma2 semaphore(%run_scoped3A : memref<!tpu.dma_semaphore, #tpu.memory_space<semaphore_mem>>) src(%arg9 : memref<400x128xf32, #tpu.memory_space<vmem>>) dst(%dma_wait3A_558 : memref<400x128xf32, #tpu.memory_space<hbm>>)
      tpu.yield
    }) : () -> ()
    %dma_start3A_541 = arith.constant 0 : i32
    %dma_start3A_542 = tpu.memref_slice %arg8[%dma_start3A_541] : memref<416xi32, #tpu.memory_space<vmem>> -> memref<400xi32, #tpu.memory_space<vmem>>
    %dma_start3A_543 = arith.constant 0 : i32
    %dma_start3A_544 = arith.constant 0 : i32
    %dma_start3A_545 = tpu.memref_slice %arg2[%dma_start3A_543, %dma_start3A_544] : memref<10000x128xf32, #tpu.memory_space<hbm>> -> memref<10000x128xf32, #tpu.memory_space<hbm>>
    tpu.enqueue_indirect_dma source(%dma_start3A_545 : memref<10000x128xf32, #tpu.memory_space<hbm>>) target(%arg9 : memref<400x128xf32, #tpu.memory_space<vmem>>) offsets(%dma_start3A_542 : memref<400xi32, #tpu.memory_space<vmem>>) semaphore(%arg10 : memref<!tpu.dma_semaphore, #tpu.memory_space<semaphore_mem>>)
    %dma_wait3A_546 = arith.constant 0 : i32
    %dma_wait3A_547 = tpu.memref_slice %arg8[%dma_wait3A_546] : memref<416xi32, #tpu.memory_space<vmem>> -> memref<400xi32, #tpu.memory_space<vmem>>
    %dma_wait3A_548 = arith.constant 0 : i32
    %dma_wait3A_549 = arith.constant 0 : i32
    %dma_wait3A_550 = tpu.memref_slice %arg2[%dma_wait3A_548, %dma_wait3A_549] : memref<10000x128xf32, #tpu.memory_space<hbm>> -> memref<10000x128xf32, #tpu.memory_space<hbm>>
    tpu.wait_indirect_dma semaphore(%arg10 : memref<!tpu.dma_semaphore, #tpu.memory_space<semaphore_mem>>) src(%dma_wait3A_550 : memref<10000x128xf32, #tpu.memory_space<hbm>>) dst(%arg9 : memref<400x128xf32, #tpu.memory_space<vmem>>)
    "tpu.region"() ({
      %run_scoped3A = tpu.sem_alloc : memref<!tpu.dma_semaphore, #tpu.memory_space<semaphore_mem>>
      %dma_start3A_551 = arith.constant 0 : i32
      %dma_start3A_552 = tpu.memref_slice %arg6[%add3A_530, %dma_start3A_551] : memref<320000x128xf32, #tpu.memory_space<hbm>> -> memref<400x128xf32, #tpu.memory_space<hbm>>
      %dma_start3A_553 = arith.constant 0 : i32
      %dma_start3A_554 = tpu.memref_slice %arg6[%add3A_530, %dma_start3A_553] : memref<320000x128xf32, #tpu.memory_space<hbm>> -> memref<400x128xf32, #tpu.memory_space<hbm>>
      tpu.enqueue_dma source(%arg9 : memref<400x128xf32, #tpu.memory_space<vmem>>) target(%dma_start3A_554 : memref<400x128xf32, #tpu.memory_space<hbm>>) target_semaphore(%run_scoped3A : memref<!tpu.dma_semaphore, #tpu.memory_space<semaphore_mem>>)
      %dma_wait3A_555 = arith.constant 0 : i32
      %dma_wait3A_556 = tpu.memref_slice %arg6[%add3A_530, %dma_wait3A_555] : memref<320000x128xf32, #tpu.memory_space<hbm>> -> memref<400x128xf32, #tpu.memory_space<hbm>>
      %dma_wait3A_557 = arith.constant 0 : i32
      %dma_wait3A_558 = tpu.memref_slice %arg6[%add3A_530, %dma_wait3A_557] : memref<320000x128xf32, #tpu.memory_space<hbm>> -> memref<400x128xf32, #tpu.memory_space<hbm>>
      tpu.wait_dma2 semaphore(%run_scoped3A : memref<!tpu.dma_semaphore, #tpu.memory_space<semaphore_mem>>) src(%arg9 : memref<400x128xf32, #tpu.memory_space<vmem>>) dst(%dma_wait3A_558 : memref<400x128xf32, #tpu.memory_space<hbm>>)
      tpu.yield
    }) : () -> ()
    return
  }
}

#map = affine_map<(d0, d1) -> (0)>
module attributes {stable_mosaic.version = 14 : i64} {
  func.func @expand(%arg0: i32, %arg1: i32, %arg2: memref<320000xi32, #tpu.memory_space<hbm>>, %arg3: memref<320000xi32, #tpu.memory_space<hbm>>, %arg4: memref<16000000xi32, #tpu.memory_space<hbm>>, %arg5: memref<528xi32, #tpu.memory_space<vmem>>, %arg6: memref<528xi32, #tpu.memory_space<vmem>>, %arg7: memref<25600xi32, #tpu.memory_space<vmem>>) attributes {dimension_semantics = [#tpu.dimension_semantics<core_parallel>, #tpu.dimension_semantics<subcore_parallel>], iteration_bounds = array<i64: 2, 16>, scalar_prefetch = 0 : i64, scratch_operands = 3 : i64, tpu.core_type = #tpu.core_type<sc_vector_subcore>, window_params = [{transform_indices = #map}, {transform_indices = #map}, {transform_indices = #map}]} {
    %mul3A = arith.constant 2 : i32
    %mul3A_0 = arith.muli %arg1, %mul3A : i32
    %add3A = arith.addi %mul3A_0, %arg0 : i32
    %iota3A = tpu.iota {dimensions = array<i32: 0>} : vector<16xi32>
    %while3A = arith.constant 0 : i32
    %while3A_1 = arith.constant 0 : i32
    %while3A_2 = arith.constant 20 : i32
    %while3A_3 = arith.subi %while3A_2, %while3A_1 : i32
    %while3A_4 = arith.addi %while3A_1, %while3A_3 : i32
    %while3A_5 = arith.constant 1 : i32
    %while3A_6 = arith.divsi %while3A_3, %while3A_5 : i32
    %while3A_7 = arith.muli %while3A_6, %while3A_5 : i32
    %while3A_8 = arith.addi %while3A_1, %while3A_7 : i32
    %while3A_9 = arith.constant 1 : i32
    scf.for %while3A_11 = %while3A_1 to %while3A_8 step %while3A_9  : i32 {
      %mul3A_12 = arith.constant 32 : i32
      %mul3A_13 = arith.muli %mul3A_12, %while3A_11 : i32
      %add3A_14 = arith.addi %add3A, %mul3A_13 : i32
      %lt3A = arith.constant 625 : i32
      %lt3A_15 = arith.cmpi slt, %add3A_14, %lt3A : i32
      %convert_element_type3A = arith.extui %lt3A_15 : i1 to i32
      %cond3A = arith.constant 0 : i32
      %cond3A_16 = arith.cmpi ne, %convert_element_type3A, %cond3A : i32
      scf.if %cond3A_16 {
        %mul3A_17 = arith.constant 512 : i32
        %mul3A_18 = arith.muli %add3A_14, %mul3A_17 : i32
        "tpu.region"() ({
          %run_scoped3A = tpu.sem_alloc : memref<!tpu.dma_semaphore, #tpu.memory_space<semaphore_mem>>
          %dma_start3A = arith.constant 0 : i32
          %dma_start3A_34 = tpu.memref_slice %arg5[%dma_start3A] : memref<528xi32, #tpu.memory_space<vmem>> -> memref<512xi32, #tpu.memory_space<vmem>>
          %dma_start3A_35 = tpu.memref_slice %arg2[%mul3A_18] : memref<320000xi32, #tpu.memory_space<hbm>> -> memref<512xi32, #tpu.memory_space<hbm>>
          %dma_start3A_36 = arith.constant 0 : i32
          %dma_start3A_37 = tpu.memref_slice %arg5[%dma_start3A_36] : memref<528xi32, #tpu.memory_space<vmem>> -> memref<512xi32, #tpu.memory_space<vmem>>
          %dma_start3A_38 = tpu.memref_slice %arg2[%mul3A_18] : memref<320000xi32, #tpu.memory_space<hbm>> -> memref<512xi32, #tpu.memory_space<hbm>>
          tpu.enqueue_dma source(%dma_start3A_38 : memref<512xi32, #tpu.memory_space<hbm>>) target(%dma_start3A_37 : memref<512xi32, #tpu.memory_space<vmem>>) target_semaphore(%run_scoped3A : memref<!tpu.dma_semaphore, #tpu.memory_space<semaphore_mem>>)
          %dma_wait3A = arith.constant 0 : i32
          %dma_wait3A_39 = tpu.memref_slice %arg5[%dma_wait3A] : memref<528xi32, #tpu.memory_space<vmem>> -> memref<512xi32, #tpu.memory_space<vmem>>
          %dma_wait3A_40 = tpu.memref_slice %arg2[%mul3A_18] : memref<320000xi32, #tpu.memory_space<hbm>> -> memref<512xi32, #tpu.memory_space<hbm>>
          %dma_wait3A_41 = arith.constant 0 : i32
          %dma_wait3A_42 = tpu.memref_slice %arg5[%dma_wait3A_41] : memref<528xi32, #tpu.memory_space<vmem>> -> memref<512xi32, #tpu.memory_space<vmem>>
          %dma_wait3A_43 = tpu.memref_slice %arg2[%mul3A_18] : memref<320000xi32, #tpu.memory_space<hbm>> -> memref<512xi32, #tpu.memory_space<hbm>>
          tpu.wait_dma2 semaphore(%run_scoped3A : memref<!tpu.dma_semaphore, #tpu.memory_space<semaphore_mem>>) src(%dma_wait3A_43 : memref<512xi32, #tpu.memory_space<hbm>>) dst(%dma_wait3A_42 : memref<512xi32, #tpu.memory_space<vmem>>)
          tpu.yield
        }) : () -> ()
        "tpu.region"() ({
          %run_scoped3A = tpu.sem_alloc : memref<!tpu.dma_semaphore, #tpu.memory_space<semaphore_mem>>
          %dma_start3A = arith.constant 0 : i32
          %dma_start3A_34 = tpu.memref_slice %arg6[%dma_start3A] : memref<528xi32, #tpu.memory_space<vmem>> -> memref<512xi32, #tpu.memory_space<vmem>>
          %dma_start3A_35 = tpu.memref_slice %arg3[%mul3A_18] : memref<320000xi32, #tpu.memory_space<hbm>> -> memref<512xi32, #tpu.memory_space<hbm>>
          %dma_start3A_36 = arith.constant 0 : i32
          %dma_start3A_37 = tpu.memref_slice %arg6[%dma_start3A_36] : memref<528xi32, #tpu.memory_space<vmem>> -> memref<512xi32, #tpu.memory_space<vmem>>
          %dma_start3A_38 = tpu.memref_slice %arg3[%mul3A_18] : memref<320000xi32, #tpu.memory_space<hbm>> -> memref<512xi32, #tpu.memory_space<hbm>>
          tpu.enqueue_dma source(%dma_start3A_38 : memref<512xi32, #tpu.memory_space<hbm>>) target(%dma_start3A_37 : memref<512xi32, #tpu.memory_space<vmem>>) target_semaphore(%run_scoped3A : memref<!tpu.dma_semaphore, #tpu.memory_space<semaphore_mem>>)
          %dma_wait3A = arith.constant 0 : i32
          %dma_wait3A_39 = tpu.memref_slice %arg6[%dma_wait3A] : memref<528xi32, #tpu.memory_space<vmem>> -> memref<512xi32, #tpu.memory_space<vmem>>
          %dma_wait3A_40 = tpu.memref_slice %arg3[%mul3A_18] : memref<320000xi32, #tpu.memory_space<hbm>> -> memref<512xi32, #tpu.memory_space<hbm>>
          %dma_wait3A_41 = arith.constant 0 : i32
          %dma_wait3A_42 = tpu.memref_slice %arg6[%dma_wait3A_41] : memref<528xi32, #tpu.memory_space<vmem>> -> memref<512xi32, #tpu.memory_space<vmem>>
          %dma_wait3A_43 = tpu.memref_slice %arg3[%mul3A_18] : memref<320000xi32, #tpu.memory_space<hbm>> -> memref<512xi32, #tpu.memory_space<hbm>>
          tpu.wait_dma2 semaphore(%run_scoped3A : memref<!tpu.dma_semaphore, #tpu.memory_space<semaphore_mem>>) src(%dma_wait3A_43 : memref<512xi32, #tpu.memory_space<hbm>>) dst(%dma_wait3A_42 : memref<512xi32, #tpu.memory_space<vmem>>)
          tpu.yield
        }) : () -> ()
        %while3A_19 = arith.constant 0 : i32
        %while3A_20 = arith.constant 0 : i32
        %while3A_21 = arith.constant 800 : i32
        %while3A_22 = arith.subi %while3A_21, %while3A_20 : i32
        %while3A_23 = arith.addi %while3A_20, %while3A_22 : i32
        %while3A_24 = arith.constant 1 : i32
        %while3A_25 = arith.divsi %while3A_22, %while3A_24 : i32
        %while3A_26 = arith.muli %while3A_25, %while3A_24 : i32
        %while3A_27 = arith.addi %while3A_20, %while3A_26 : i32
        %while3A_28 = arith.constant 1 : i32
        scf.for %while3A_34 = %while3A_20 to %while3A_27 step %while3A_28  : i32 {
          %mul3A_35 = arith.constant 16 : i32
          %mul3A_36 = arith.muli %while3A_34, %mul3A_35 : i32
          %add3A_37 = vector.broadcast %mul3A_36 : i32 to vector<16xi32>
          %add3A_38 = arith.addi %add3A_37, %iota3A : vector<16xi32>
          %mul3A_39 = arith.constant 5243 : i32
          %mul3A_40 = vector.broadcast %mul3A_39 : i32 to vector<16xi32>
          %mul3A_41 = arith.muli %add3A_38, %mul3A_40 : vector<16xi32>
          %shift_right_logical3A = arith.constant 17 : i32
          %shift_right_logical3A_42 = vector.broadcast %shift_right_logical3A : i32 to vector<16xi32>
          %shift_right_logical3A_43 = arith.shrui %mul3A_41, %shift_right_logical3A_42 : vector<16xi32>
          %mul3A_44 = arith.constant 25 : i32
          %mul3A_45 = vector.broadcast %mul3A_44 : i32 to vector<16xi32>
          %mul3A_46 = arith.muli %mul3A_45, %shift_right_logical3A_43 : vector<16xi32>
          %sub3A = arith.subi %add3A_38, %mul3A_46 : vector<16xi32>
          %mul3A_47 = arith.constant 52 : i32
          %mul3A_48 = vector.broadcast %mul3A_47 : i32 to vector<16xi32>
          %mul3A_49 = arith.muli %sub3A, %mul3A_48 : vector<16xi32>
          %shift_right_logical3A_50 = arith.constant 8 : i32
          %shift_right_logical3A_51 = vector.broadcast %shift_right_logical3A_50 : i32 to vector<16xi32>
          %shift_right_logical3A_52 = arith.shrui %mul3A_49, %shift_right_logical3A_51 : vector<16xi32>
          %mul3A_53 = arith.constant 5 : i32
          %mul3A_54 = vector.broadcast %mul3A_53 : i32 to vector<16xi32>
          %mul3A_55 = arith.muli %mul3A_54, %shift_right_logical3A_52 : vector<16xi32>
          %sub3A_56 = arith.subi %sub3A, %mul3A_55 : vector<16xi32>
          %gather3A = tpu.vector_load_idx %arg5[%shift_right_logical3A_43] : memref<528xi32, #tpu.memory_space<vmem>>[vector<16xi32>], vector<16xi32>,
          %gather3A_57 = tpu.vector_load_idx %arg6[%shift_right_logical3A_43] : memref<528xi32, #tpu.memory_space<vmem>>[vector<16xi32>], vector<16xi32>,
          %shift_right_logical3A_58 = arith.constant 3 : i32
          %shift_right_logical3A_59 = arith.shrui %while3A_34, %shift_right_logical3A_58 : i32
          %mul3A_60 = arith.constant 256 : i32
          %mul3A_61 = arith.muli %mul3A_60, %shift_right_logical3A_59 : i32
          %and3A = arith.constant 7 : i32
          %and3A_62 = arith.andi %while3A_34, %and3A : i32
          %mul3A_63 = arith.constant 16 : i32
          %mul3A_64 = arith.muli %mul3A_63, %and3A_62 : i32
          %add3A_65 = arith.addi %mul3A_61, %mul3A_64 : i32
          %mul3A_66 = arith.constant 5 : i32
          %mul3A_67 = vector.broadcast %mul3A_66 : i32 to vector<16xi32>
          %mul3A_68 = arith.muli %mul3A_67, %gather3A : vector<16xi32>
          %add3A_69 = arith.addi %mul3A_68, %shift_right_logical3A_52 : vector<16xi32>
          %swap3A = arith.index_cast %add3A_65 : i32 to index
          %swap3A_70 = tpu.vector_load %arg7[%swap3A] {strides = array<i32>} : memref<25600xi32, #tpu.memory_space<vmem>>, vector<16xi32>,
          tpu.vector_store %arg7[%swap3A], %add3A_69 {strides = array<i32>} : memref<25600xi32, #tpu.memory_space<vmem>>, vector<16xi32>,
          %mul3A_71 = arith.constant 5 : i32
          %mul3A_72 = vector.broadcast %mul3A_71 : i32 to vector<16xi32>
          %mul3A_73 = arith.muli %mul3A_72, %gather3A_57 : vector<16xi32>
          %add3A_74 = arith.addi %mul3A_73, %sub3A_56 : vector<16xi32>
          %add3A_75 = arith.constant 128 : i32
          %add3A_76 = arith.addi %add3A_65, %add3A_75 : i32
          %swap3A_77 = arith.index_cast %add3A_76 : i32 to index
          %swap3A_78 = tpu.vector_load %arg7[%swap3A_77] {strides = array<i32>} : memref<25600xi32, #tpu.memory_space<vmem>>, vector<16xi32>,
          tpu.vector_store %arg7[%swap3A_77], %add3A_74 {strides = array<i32>} : memref<25600xi32, #tpu.memory_space<vmem>>, vector<16xi32>,
        }
        %while3A_29 = arith.constant 1 : i32
        scf.for %while3A_34 = %while3A_27 to %while3A_23 step %while3A_29  : i32 {
          %mul3A_35 = arith.constant 16 : i32
          %mul3A_36 = arith.muli %while3A_34, %mul3A_35 : i32
          %add3A_37 = vector.broadcast %mul3A_36 : i32 to vector<16xi32>
          %add3A_38 = arith.addi %add3A_37, %iota3A : vector<16xi32>
          %mul3A_39 = arith.constant 5243 : i32
          %mul3A_40 = vector.broadcast %mul3A_39 : i32 to vector<16xi32>
          %mul3A_41 = arith.muli %add3A_38, %mul3A_40 : vector<16xi32>
          %shift_right_logical3A = arith.constant 17 : i32
          %shift_right_logical3A_42 = vector.broadcast %shift_right_logical3A : i32 to vector<16xi32>
          %shift_right_logical3A_43 = arith.shrui %mul3A_41, %shift_right_logical3A_42 : vector<16xi32>
          %mul3A_44 = arith.constant 25 : i32
          %mul3A_45 = vector.broadcast %mul3A_44 : i32 to vector<16xi32>
          %mul3A_46 = arith.muli %mul3A_45, %shift_right_logical3A_43 : vector<16xi32>
          %sub3A = arith.subi %add3A_38, %mul3A_46 : vector<16xi32>
          %mul3A_47 = arith.constant 52 : i32
          %mul3A_48 = vector.broadcast %mul3A_47 : i32 to vector<16xi32>
          %mul3A_49 = arith.muli %sub3A, %mul3A_48 : vector<16xi32>
          %shift_right_logical3A_50 = arith.constant 8 : i32
          %shift_right_logical3A_51 = vector.broadcast %shift_right_logical3A_50 : i32 to vector<16xi32>
          %shift_right_logical3A_52 = arith.shrui %mul3A_49, %shift_right_logical3A_51 : vector<16xi32>
          %mul3A_53 = arith.constant 5 : i32
          %mul3A_54 = vector.broadcast %mul3A_53 : i32 to vector<16xi32>
          %mul3A_55 = arith.muli %mul3A_54, %shift_right_logical3A_52 : vector<16xi32>
          %sub3A_56 = arith.subi %sub3A, %mul3A_55 : vector<16xi32>
          %gather3A = tpu.vector_load_idx %arg5[%shift_right_logical3A_43] : memref<528xi32, #tpu.memory_space<vmem>>[vector<16xi32>], vector<16xi32>,
          %gather3A_57 = tpu.vector_load_idx %arg6[%shift_right_logical3A_43] : memref<528xi32, #tpu.memory_space<vmem>>[vector<16xi32>], vector<16xi32>,
          %shift_right_logical3A_58 = arith.constant 3 : i32
          %shift_right_logical3A_59 = arith.shrui %while3A_34, %shift_right_logical3A_58 : i32
          %mul3A_60 = arith.constant 256 : i32
          %mul3A_61 = arith.muli %mul3A_60, %shift_right_logical3A_59 : i32
          %and3A = arith.constant 7 : i32
          %and3A_62 = arith.andi %while3A_34, %and3A : i32
          %mul3A_63 = arith.constant 16 : i32
          %mul3A_64 = arith.muli %mul3A_63, %and3A_62 : i32
          %add3A_65 = arith.addi %mul3A_61, %mul3A_64 : i32
          %mul3A_66 = arith.constant 5 : i32
          %mul3A_67 = vector.broadcast %mul3A_66 : i32 to vector<16xi32>
          %mul3A_68 = arith.muli %mul3A_67, %gather3A : vector<16xi32>
          %add3A_69 = arith.addi %mul3A_68, %shift_right_logical3A_52 : vector<16xi32>
          %swap3A = arith.index_cast %add3A_65 : i32 to index
          %swap3A_70 = tpu.vector_load %arg7[%swap3A] {strides = array<i32>} : memref<25600xi32, #tpu.memory_space<vmem>>, vector<16xi32>,
          tpu.vector_store %arg7[%swap3A], %add3A_69 {strides = array<i32>} : memref<25600xi32, #tpu.memory_space<vmem>>, vector<16xi32>,
          %mul3A_71 = arith.constant 5 : i32
          %mul3A_72 = vector.broadcast %mul3A_71 : i32 to vector<16xi32>
          %mul3A_73 = arith.muli %mul3A_72, %gather3A_57 : vector<16xi32>
          %add3A_74 = arith.addi %mul3A_73, %sub3A_56 : vector<16xi32>
          %add3A_75 = arith.constant 128 : i32
          %add3A_76 = arith.addi %add3A_65, %add3A_75 : i32
          %swap3A_77 = arith.index_cast %add3A_76 : i32 to index
          %swap3A_78 = tpu.vector_load %arg7[%swap3A_77] {strides = array<i32>} : memref<25600xi32, #tpu.memory_space<vmem>>, vector<16xi32>,
          tpu.vector_store %arg7[%swap3A_77], %add3A_74 {strides = array<i32>} : memref<25600xi32, #tpu.memory_space<vmem>>, vector<16xi32>,
        }
        %mul3A_30 = arith.constant 2 : i32
        %mul3A_31 = arith.muli %add3A_14, %mul3A_30 : i32
        %mul3A_32 = arith.constant 12800 : i32
        %mul3A_33 = arith.muli %mul3A_31, %mul3A_32 : i32
        "tpu.region"() ({
          %run_scoped3A = tpu.sem_alloc : memref<!tpu.dma_semaphore, #tpu.memory_space<semaphore_mem>>
          %dma_start3A = tpu.memref_slice %arg4[%mul3A_33] : memref<16000000xi32, #tpu.memory_space<hbm>> -> memref<25600xi32, #tpu.memory_space<hbm>>
          %dma_start3A_34 = tpu.memref_slice %arg4[%mul3A_33] : memref<16000000xi32, #tpu.memory_space<hbm>> -> memref<25600xi32, #tpu.memory_space<hbm>>
          tpu.enqueue_dma source(%arg7 : memref<25600xi32, #tpu.memory_space<vmem>>) target(%dma_start3A_34 : memref<25600xi32, #tpu.memory_space<hbm>>) target_semaphore(%run_scoped3A : memref<!tpu.dma_semaphore, #tpu.memory_space<semaphore_mem>>)
          %dma_wait3A = tpu.memref_slice %arg4[%mul3A_33] : memref<16000000xi32, #tpu.memory_space<hbm>> -> memref<25600xi32, #tpu.memory_space<hbm>>
          %dma_wait3A_35 = tpu.memref_slice %arg4[%mul3A_33] : memref<16000000xi32, #tpu.memory_space<hbm>> -> memref<25600xi32, #tpu.memory_space<hbm>>
          tpu.wait_dma2 semaphore(%run_scoped3A : memref<!tpu.dma_semaphore, #tpu.memory_space<semaphore_mem>>) src(%arg7 : memref<25600xi32, #tpu.memory_space<vmem>>) dst(%dma_wait3A_35 : memref<25600xi32, #tpu.memory_space<hbm>>)
          tpu.yield
        }) : () -> ()
      } else {
      }
    }
    %while3A_10 = arith.constant 1 : i32
    scf.for %while3A_11 = %while3A_8 to %while3A_4 step %while3A_10  : i32 {
      %mul3A_12 = arith.constant 32 : i32
      %mul3A_13 = arith.muli %mul3A_12, %while3A_11 : i32
      %add3A_14 = arith.addi %add3A, %mul3A_13 : i32
      %lt3A = arith.constant 625 : i32
      %lt3A_15 = arith.cmpi slt, %add3A_14, %lt3A : i32
      %convert_element_type3A = arith.extui %lt3A_15 : i1 to i32
      %cond3A = arith.constant 0 : i32
      %cond3A_16 = arith.cmpi ne, %convert_element_type3A, %cond3A : i32
      scf.if %cond3A_16 {
        %mul3A_17 = arith.constant 512 : i32
        %mul3A_18 = arith.muli %add3A_14, %mul3A_17 : i32
        "tpu.region"() ({
          %run_scoped3A = tpu.sem_alloc : memref<!tpu.dma_semaphore, #tpu.memory_space<semaphore_mem>>
          %dma_start3A = arith.constant 0 : i32
          %dma_start3A_34 = tpu.memref_slice %arg5[%dma_start3A] : memref<528xi32, #tpu.memory_space<vmem>> -> memref<512xi32, #tpu.memory_space<vmem>>
          %dma_start3A_35 = tpu.memref_slice %arg2[%mul3A_18] : memref<320000xi32, #tpu.memory_space<hbm>> -> memref<512xi32, #tpu.memory_space<hbm>>
          %dma_start3A_36 = arith.constant 0 : i32
          %dma_start3A_37 = tpu.memref_slice %arg5[%dma_start3A_36] : memref<528xi32, #tpu.memory_space<vmem>> -> memref<512xi32, #tpu.memory_space<vmem>>
          %dma_start3A_38 = tpu.memref_slice %arg2[%mul3A_18] : memref<320000xi32, #tpu.memory_space<hbm>> -> memref<512xi32, #tpu.memory_space<hbm>>
          tpu.enqueue_dma source(%dma_start3A_38 : memref<512xi32, #tpu.memory_space<hbm>>) target(%dma_start3A_37 : memref<512xi32, #tpu.memory_space<vmem>>) target_semaphore(%run_scoped3A : memref<!tpu.dma_semaphore, #tpu.memory_space<semaphore_mem>>)
          %dma_wait3A = arith.constant 0 : i32
          %dma_wait3A_39 = tpu.memref_slice %arg5[%dma_wait3A] : memref<528xi32, #tpu.memory_space<vmem>> -> memref<512xi32, #tpu.memory_space<vmem>>
          %dma_wait3A_40 = tpu.memref_slice %arg2[%mul3A_18] : memref<320000xi32, #tpu.memory_space<hbm>> -> memref<512xi32, #tpu.memory_space<hbm>>
          %dma_wait3A_41 = arith.constant 0 : i32
          %dma_wait3A_42 = tpu.memref_slice %arg5[%dma_wait3A_41] : memref<528xi32, #tpu.memory_space<vmem>> -> memref<512xi32, #tpu.memory_space<vmem>>
          %dma_wait3A_43 = tpu.memref_slice %arg2[%mul3A_18] : memref<320000xi32, #tpu.memory_space<hbm>> -> memref<512xi32, #tpu.memory_space<hbm>>
          tpu.wait_dma2 semaphore(%run_scoped3A : memref<!tpu.dma_semaphore, #tpu.memory_space<semaphore_mem>>) src(%dma_wait3A_43 : memref<512xi32, #tpu.memory_space<hbm>>) dst(%dma_wait3A_42 : memref<512xi32, #tpu.memory_space<vmem>>)
          tpu.yield
        }) : () -> ()
        "tpu.region"() ({
          %run_scoped3A = tpu.sem_alloc : memref<!tpu.dma_semaphore, #tpu.memory_space<semaphore_mem>>
          %dma_start3A = arith.constant 0 : i32
          %dma_start3A_34 = tpu.memref_slice %arg6[%dma_start3A] : memref<528xi32, #tpu.memory_space<vmem>> -> memref<512xi32, #tpu.memory_space<vmem>>
          %dma_start3A_35 = tpu.memref_slice %arg3[%mul3A_18] : memref<320000xi32, #tpu.memory_space<hbm>> -> memref<512xi32, #tpu.memory_space<hbm>>
          %dma_start3A_36 = arith.constant 0 : i32
          %dma_start3A_37 = tpu.memref_slice %arg6[%dma_start3A_36] : memref<528xi32, #tpu.memory_space<vmem>> -> memref<512xi32, #tpu.memory_space<vmem>>
          %dma_start3A_38 = tpu.memref_slice %arg3[%mul3A_18] : memref<320000xi32, #tpu.memory_space<hbm>> -> memref<512xi32, #tpu.memory_space<hbm>>
          tpu.enqueue_dma source(%dma_start3A_38 : memref<512xi32, #tpu.memory_space<hbm>>) target(%dma_start3A_37 : memref<512xi32, #tpu.memory_space<vmem>>) target_semaphore(%run_scoped3A : memref<!tpu.dma_semaphore, #tpu.memory_space<semaphore_mem>>)
          %dma_wait3A = arith.constant 0 : i32
          %dma_wait3A_39 = tpu.memref_slice %arg6[%dma_wait3A] : memref<528xi32, #tpu.memory_space<vmem>> -> memref<512xi32, #tpu.memory_space<vmem>>
          %dma_wait3A_40 = tpu.memref_slice %arg3[%mul3A_18] : memref<320000xi32, #tpu.memory_space<hbm>> -> memref<512xi32, #tpu.memory_space<hbm>>
          %dma_wait3A_41 = arith.constant 0 : i32
          %dma_wait3A_42 = tpu.memref_slice %arg6[%dma_wait3A_41] : memref<528xi32, #tpu.memory_space<vmem>> -> memref<512xi32, #tpu.memory_space<vmem>>
          %dma_wait3A_43 = tpu.memref_slice %arg3[%mul3A_18] : memref<320000xi32, #tpu.memory_space<hbm>> -> memref<512xi32, #tpu.memory_space<hbm>>
          tpu.wait_dma2 semaphore(%run_scoped3A : memref<!tpu.dma_semaphore, #tpu.memory_space<semaphore_mem>>) src(%dma_wait3A_43 : memref<512xi32, #tpu.memory_space<hbm>>) dst(%dma_wait3A_42 : memref<512xi32, #tpu.memory_space<vmem>>)
          tpu.yield
        }) : () -> ()
        %while3A_19 = arith.constant 0 : i32
        %while3A_20 = arith.constant 0 : i32
        %while3A_21 = arith.constant 800 : i32
        %while3A_22 = arith.subi %while3A_21, %while3A_20 : i32
        %while3A_23 = arith.addi %while3A_20, %while3A_22 : i32
        %while3A_24 = arith.constant 1 : i32
        %while3A_25 = arith.divsi %while3A_22, %while3A_24 : i32
        %while3A_26 = arith.muli %while3A_25, %while3A_24 : i32
        %while3A_27 = arith.addi %while3A_20, %while3A_26 : i32
        %while3A_28 = arith.constant 1 : i32
        scf.for %while3A_34 = %while3A_20 to %while3A_27 step %while3A_28  : i32 {
          %mul3A_35 = arith.constant 16 : i32
          %mul3A_36 = arith.muli %while3A_34, %mul3A_35 : i32
          %add3A_37 = vector.broadcast %mul3A_36 : i32 to vector<16xi32>
          %add3A_38 = arith.addi %add3A_37, %iota3A : vector<16xi32>
          %mul3A_39 = arith.constant 5243 : i32
          %mul3A_40 = vector.broadcast %mul3A_39 : i32 to vector<16xi32>
          %mul3A_41 = arith.muli %add3A_38, %mul3A_40 : vector<16xi32>
          %shift_right_logical3A = arith.constant 17 : i32
          %shift_right_logical3A_42 = vector.broadcast %shift_right_logical3A : i32 to vector<16xi32>
          %shift_right_logical3A_43 = arith.shrui %mul3A_41, %shift_right_logical3A_42 : vector<16xi32>
          %mul3A_44 = arith.constant 25 : i32
          %mul3A_45 = vector.broadcast %mul3A_44 : i32 to vector<16xi32>
          %mul3A_46 = arith.muli %mul3A_45, %shift_right_logical3A_43 : vector<16xi32>
          %sub3A = arith.subi %add3A_38, %mul3A_46 : vector<16xi32>
          %mul3A_47 = arith.constant 52 : i32
          %mul3A_48 = vector.broadcast %mul3A_47 : i32 to vector<16xi32>
          %mul3A_49 = arith.muli %sub3A, %mul3A_48 : vector<16xi32>
          %shift_right_logical3A_50 = arith.constant 8 : i32
          %shift_right_logical3A_51 = vector.broadcast %shift_right_logical3A_50 : i32 to vector<16xi32>
          %shift_right_logical3A_52 = arith.shrui %mul3A_49, %shift_right_logical3A_51 : vector<16xi32>
          %mul3A_53 = arith.constant 5 : i32
          %mul3A_54 = vector.broadcast %mul3A_53 : i32 to vector<16xi32>
          %mul3A_55 = arith.muli %mul3A_54, %shift_right_logical3A_52 : vector<16xi32>
          %sub3A_56 = arith.subi %sub3A, %mul3A_55 : vector<16xi32>
          %gather3A = tpu.vector_load_idx %arg5[%shift_right_logical3A_43] : memref<528xi32, #tpu.memory_space<vmem>>[vector<16xi32>], vector<16xi32>,
          %gather3A_57 = tpu.vector_load_idx %arg6[%shift_right_logical3A_43] : memref<528xi32, #tpu.memory_space<vmem>>[vector<16xi32>], vector<16xi32>,
          %shift_right_logical3A_58 = arith.constant 3 : i32
          %shift_right_logical3A_59 = arith.shrui %while3A_34, %shift_right_logical3A_58 : i32
          %mul3A_60 = arith.constant 256 : i32
          %mul3A_61 = arith.muli %mul3A_60, %shift_right_logical3A_59 : i32
          %and3A = arith.constant 7 : i32
          %and3A_62 = arith.andi %while3A_34, %and3A : i32
          %mul3A_63 = arith.constant 16 : i32
          %mul3A_64 = arith.muli %mul3A_63, %and3A_62 : i32
          %add3A_65 = arith.addi %mul3A_61, %mul3A_64 : i32
          %mul3A_66 = arith.constant 5 : i32
          %mul3A_67 = vector.broadcast %mul3A_66 : i32 to vector<16xi32>
          %mul3A_68 = arith.muli %mul3A_67, %gather3A : vector<16xi32>
          %add3A_69 = arith.addi %mul3A_68, %shift_right_logical3A_52 : vector<16xi32>
          %swap3A = arith.index_cast %add3A_65 : i32 to index
          %swap3A_70 = tpu.vector_load %arg7[%swap3A] {strides = array<i32>} : memref<25600xi32, #tpu.memory_space<vmem>>, vector<16xi32>,
          tpu.vector_store %arg7[%swap3A], %add3A_69 {strides = array<i32>} : memref<25600xi32, #tpu.memory_space<vmem>>, vector<16xi32>,
          %mul3A_71 = arith.constant 5 : i32
          %mul3A_72 = vector.broadcast %mul3A_71 : i32 to vector<16xi32>
          %mul3A_73 = arith.muli %mul3A_72, %gather3A_57 : vector<16xi32>
          %add3A_74 = arith.addi %mul3A_73, %sub3A_56 : vector<16xi32>
          %add3A_75 = arith.constant 128 : i32
          %add3A_76 = arith.addi %add3A_65, %add3A_75 : i32
          %swap3A_77 = arith.index_cast %add3A_76 : i32 to index
          %swap3A_78 = tpu.vector_load %arg7[%swap3A_77] {strides = array<i32>} : memref<25600xi32, #tpu.memory_space<vmem>>, vector<16xi32>,
          tpu.vector_store %arg7[%swap3A_77], %add3A_74 {strides = array<i32>} : memref<25600xi32, #tpu.memory_space<vmem>>, vector<16xi32>,
        }
        %while3A_29 = arith.constant 1 : i32
        scf.for %while3A_34 = %while3A_27 to %while3A_23 step %while3A_29  : i32 {
          %mul3A_35 = arith.constant 16 : i32
          %mul3A_36 = arith.muli %while3A_34, %mul3A_35 : i32
          %add3A_37 = vector.broadcast %mul3A_36 : i32 to vector<16xi32>
          %add3A_38 = arith.addi %add3A_37, %iota3A : vector<16xi32>
          %mul3A_39 = arith.constant 5243 : i32
          %mul3A_40 = vector.broadcast %mul3A_39 : i32 to vector<16xi32>
          %mul3A_41 = arith.muli %add3A_38, %mul3A_40 : vector<16xi32>
          %shift_right_logical3A = arith.constant 17 : i32
          %shift_right_logical3A_42 = vector.broadcast %shift_right_logical3A : i32 to vector<16xi32>
          %shift_right_logical3A_43 = arith.shrui %mul3A_41, %shift_right_logical3A_42 : vector<16xi32>
          %mul3A_44 = arith.constant 25 : i32
          %mul3A_45 = vector.broadcast %mul3A_44 : i32 to vector<16xi32>
          %mul3A_46 = arith.muli %mul3A_45, %shift_right_logical3A_43 : vector<16xi32>
          %sub3A = arith.subi %add3A_38, %mul3A_46 : vector<16xi32>
          %mul3A_47 = arith.constant 52 : i32
          %mul3A_48 = vector.broadcast %mul3A_47 : i32 to vector<16xi32>
          %mul3A_49 = arith.muli %sub3A, %mul3A_48 : vector<16xi32>
          %shift_right_logical3A_50 = arith.constant 8 : i32
          %shift_right_logical3A_51 = vector.broadcast %shift_right_logical3A_50 : i32 to vector<16xi32>
          %shift_right_logical3A_52 = arith.shrui %mul3A_49, %shift_right_logical3A_51 : vector<16xi32>
          %mul3A_53 = arith.constant 5 : i32
          %mul3A_54 = vector.broadcast %mul3A_53 : i32 to vector<16xi32>
          %mul3A_55 = arith.muli %mul3A_54, %shift_right_logical3A_52 : vector<16xi32>
          %sub3A_56 = arith.subi %sub3A, %mul3A_55 : vector<16xi32>
          %gather3A = tpu.vector_load_idx %arg5[%shift_right_logical3A_43] : memref<528xi32, #tpu.memory_space<vmem>>[vector<16xi32>], vector<16xi32>,
          %gather3A_57 = tpu.vector_load_idx %arg6[%shift_right_logical3A_43] : memref<528xi32, #tpu.memory_space<vmem>>[vector<16xi32>], vector<16xi32>,
          %shift_right_logical3A_58 = arith.constant 3 : i32
          %shift_right_logical3A_59 = arith.shrui %while3A_34, %shift_right_logical3A_58 : i32
          %mul3A_60 = arith.constant 256 : i32
          %mul3A_61 = arith.muli %mul3A_60, %shift_right_logical3A_59 : i32
          %and3A = arith.constant 7 : i32
          %and3A_62 = arith.andi %while3A_34, %and3A : i32
          %mul3A_63 = arith.constant 16 : i32
          %mul3A_64 = arith.muli %mul3A_63, %and3A_62 : i32
          %add3A_65 = arith.addi %mul3A_61, %mul3A_64 : i32
          %mul3A_66 = arith.constant 5 : i32
          %mul3A_67 = vector.broadcast %mul3A_66 : i32 to vector<16xi32>
          %mul3A_68 = arith.muli %mul3A_67, %gather3A : vector<16xi32>
          %add3A_69 = arith.addi %mul3A_68, %shift_right_logical3A_52 : vector<16xi32>
          %swap3A = arith.index_cast %add3A_65 : i32 to index
          %swap3A_70 = tpu.vector_load %arg7[%swap3A] {strides = array<i32>} : memref<25600xi32, #tpu.memory_space<vmem>>, vector<16xi32>,
          tpu.vector_store %arg7[%swap3A], %add3A_69 {strides = array<i32>} : memref<25600xi32, #tpu.memory_space<vmem>>, vector<16xi32>,
          %mul3A_71 = arith.constant 5 : i32
          %mul3A_72 = vector.broadcast %mul3A_71 : i32 to vector<16xi32>
          %mul3A_73 = arith.muli %mul3A_72, %gather3A_57 : vector<16xi32>
          %add3A_74 = arith.addi %mul3A_73, %sub3A_56 : vector<16xi32>
          %add3A_75 = arith.constant 128 : i32
          %add3A_76 = arith.addi %add3A_65, %add3A_75 : i32
          %swap3A_77 = arith.index_cast %add3A_76 : i32 to index
          %swap3A_78 = tpu.vector_load %arg7[%swap3A_77] {strides = array<i32>} : memref<25600xi32, #tpu.memory_space<vmem>>, vector<16xi32>,
          tpu.vector_store %arg7[%swap3A_77], %add3A_74 {strides = array<i32>} : memref<25600xi32, #tpu.memory_space<vmem>>, vector<16xi32>,
        }
        %mul3A_30 = arith.constant 2 : i32
        %mul3A_31 = arith.muli %add3A_14, %mul3A_30 : i32
        %mul3A_32 = arith.constant 12800 : i32
        %mul3A_33 = arith.muli %mul3A_31, %mul3A_32 : i32
        "tpu.region"() ({
          %run_scoped3A = tpu.sem_alloc : memref<!tpu.dma_semaphore, #tpu.memory_space<semaphore_mem>>
          %dma_start3A = tpu.memref_slice %arg4[%mul3A_33] : memref<16000000xi32, #tpu.memory_space<hbm>> -> memref<25600xi32, #tpu.memory_space<hbm>>
          %dma_start3A_34 = tpu.memref_slice %arg4[%mul3A_33] : memref<16000000xi32, #tpu.memory_space<hbm>> -> memref<25600xi32, #tpu.memory_space<hbm>>
          tpu.enqueue_dma source(%arg7 : memref<25600xi32, #tpu.memory_space<vmem>>) target(%dma_start3A_34 : memref<25600xi32, #tpu.memory_space<hbm>>) target_semaphore(%run_scoped3A : memref<!tpu.dma_semaphore, #tpu.memory_space<semaphore_mem>>)
          %dma_wait3A = tpu.memref_slice %arg4[%mul3A_33] : memref<16000000xi32, #tpu.memory_space<hbm>> -> memref<25600xi32, #tpu.memory_space<hbm>>
          %dma_wait3A_35 = tpu.memref_slice %arg4[%mul3A_33] : memref<16000000xi32, #tpu.memory_space<hbm>> -> memref<25600xi32, #tpu.memory_space<hbm>>
          tpu.wait_dma2 semaphore(%run_scoped3A : memref<!tpu.dma_semaphore, #tpu.memory_space<semaphore_mem>>) src(%arg7 : memref<25600xi32, #tpu.memory_space<vmem>>) dst(%dma_wait3A_35 : memref<25600xi32, #tpu.memory_space<hbm>>)
          tpu.yield
        }) : () -> ()
      } else {
      }
    }
    return
  }
}

module attributes {stable_mosaic.version = 14 : i64} {
  func.func @_pool_body(%arg0: i32, %arg1: memref<2000x320xf32, #tpu.memory_space<vmem>>, %arg2: memref<2000x320xf32, #tpu.memory_space<vmem>>, %arg3: memref<2000x64xf32, #tpu.memory_space<vmem>>, %arg4: memref<2000x64xf32, #tpu.memory_space<vmem>>) attributes {dimension_semantics = [#tpu.dimension_semantics<arbitrary>], iteration_bounds = array<i64: 5>, scalar_prefetch = 0 : i64, scratch_operands = 0 : i64, tpu.core_type = #tpu.core_type<tc>, window_params = [{transform_indices = @transform_0, window_bounds = array<i64: 2000, 320>}, {transform_indices = @transform_1, window_bounds = array<i64: 2000, 320>}, {transform_indices = @transform_2, window_bounds = array<i64: 2000, 64>}, {transform_indices = @transform_3, window_bounds = array<i64: 2000, 64>}]} {
    %get3A = arith.constant 0 : index
    %get3A_0 = arith.constant 0 : index
    %get3A_1 = vector.load %arg1[%get3A, %get3A_0] : memref<2000x320xf32, #tpu.memory_space<vmem>>, vector<2000x320xf32>
    %get3A_2 = arith.constant 0 : index
    %get3A_3 = arith.constant 0 : index
    %get3A_4 = vector.load %arg2[%get3A_2, %get3A_3] : memref<2000x320xf32, #tpu.memory_space<vmem>>, vector<2000x320xf32>
    %slice3A = vector.extract_strided_slice %get3A_1 {offsets = [0, 0], sizes = [2000, 64], strides = [1, 1]} : vector<2000x320xf32> to vector<2000x64xf32>
    %slice3A_5 = vector.extract_strided_slice %get3A_4 {offsets = [0, 0], sizes = [2000, 64], strides = [1, 1]} : vector<2000x320xf32> to vector<2000x64xf32>
    %slice3A_6 = vector.extract_strided_slice %get3A_1 {offsets = [0, 64], sizes = [2000, 64], strides = [1, 1]} : vector<2000x320xf32> to vector<2000x64xf32>
    %add3A = arith.addf %slice3A, %slice3A_6 : vector<2000x64xf32>
    %slice3A_7 = vector.extract_strided_slice %get3A_4 {offsets = [0, 64], sizes = [2000, 64], strides = [1, 1]} : vector<2000x320xf32> to vector<2000x64xf32>
    %add3A_8 = arith.addf %slice3A_5, %slice3A_7 : vector<2000x64xf32>
    %slice3A_9 = vector.extract_strided_slice %get3A_1 {offsets = [0, 128], sizes = [2000, 64], strides = [1, 1]} : vector<2000x320xf32> to vector<2000x64xf32>
    %add3A_10 = arith.addf %add3A, %slice3A_9 : vector<2000x64xf32>
    %slice3A_11 = vector.extract_strided_slice %get3A_4 {offsets = [0, 128], sizes = [2000, 64], strides = [1, 1]} : vector<2000x320xf32> to vector<2000x64xf32>
    %add3A_12 = arith.addf %add3A_8, %slice3A_11 : vector<2000x64xf32>
    %slice3A_13 = vector.extract_strided_slice %get3A_1 {offsets = [0, 192], sizes = [2000, 64], strides = [1, 1]} : vector<2000x320xf32> to vector<2000x64xf32>
    %add3A_14 = arith.addf %add3A_10, %slice3A_13 : vector<2000x64xf32>
    %slice3A_15 = vector.extract_strided_slice %get3A_4 {offsets = [0, 192], sizes = [2000, 64], strides = [1, 1]} : vector<2000x320xf32> to vector<2000x64xf32>
    %add3A_16 = arith.addf %add3A_12, %slice3A_15 : vector<2000x64xf32>
    %slice3A_17 = vector.extract_strided_slice %get3A_1 {offsets = [0, 256], sizes = [2000, 64], strides = [1, 1]} : vector<2000x320xf32> to vector<2000x64xf32>
    %add3A_18 = arith.addf %add3A_14, %slice3A_17 : vector<2000x64xf32>
    %slice3A_19 = vector.extract_strided_slice %get3A_4 {offsets = [0, 256], sizes = [2000, 64], strides = [1, 1]} : vector<2000x320xf32> to vector<2000x64xf32>
    %add3A_20 = arith.addf %add3A_16, %slice3A_19 : vector<2000x64xf32>
    %mul3A = arith.constant 2.000000e-01 : f32
    %mul3A_21 = vector.broadcast %mul3A : f32 to vector<2000x64xf32>
    %mul3A_22 = arith.mulf %add3A_18, %mul3A_21 : vector<2000x64xf32>
    %swap3A = arith.constant 0 : index
    %swap3A_23 = arith.constant 0 : index
    %swap3A_24 = vector.load %arg3[%swap3A, %swap3A_23] : memref<2000x64xf32, #tpu.memory_space<vmem>>, vector<2000x64xf32>
    tpu.vector_store %arg3[%swap3A, %swap3A_23], %mul3A_22 {strides = array<i32>} : memref<2000x64xf32, #tpu.memory_space<vmem>>, vector<2000x64xf32>,
    %mul3A_25 = arith.constant 2.000000e-01 : f32
    %mul3A_26 = vector.broadcast %mul3A_25 : f32 to vector<2000x64xf32>
    %mul3A_27 = arith.mulf %add3A_20, %mul3A_26 : vector<2000x64xf32>
    %swap3A_28 = arith.constant 0 : index
    %swap3A_29 = arith.constant 0 : index
    %swap3A_30 = vector.load %arg4[%swap3A_28, %swap3A_29] : memref<2000x64xf32, #tpu.memory_space<vmem>>, vector<2000x64xf32>
    tpu.vector_store %arg4[%swap3A_28, %swap3A_29], %mul3A_27 {strides = array<i32>} : memref<2000x64xf32, #tpu.memory_space<vmem>>, vector<2000x64xf32>,
    return
  }
  func.func @transform_0(%arg0: i32) -> (i32, i32) {
    %c0_i32 = arith.constant 0 : i32
    %c0_i32_0 = arith.constant 0 : i32
    return %arg0, %c0_i32 : i32, i32
  }
  func.func @transform_1(%arg0: i32) -> (i32, i32) {
    %c0_i32 = arith.constant 0 : i32
    %c0_i32_0 = arith.constant 0 : i32
    return %arg0, %c0_i32 : i32, i32
  }
  func.func @transform_2(%arg0: i32) -> (i32, i32) {
    %c0_i32 = arith.constant 0 : i32
    %c0_i32_0 = arith.constant 0 : i32
    return %arg0, %c0_i32 : i32, i32
  }
  func.func @transform_3(%arg0: i32) -> (i32, i32) {
    %c0_i32 = arith.constant 0 : i32
    %c0_i32_0 = arith.constant 0 : i32
    return %arg0, %c0_i32 : i32, i32
  }
}

module attributes {stable_mosaic.version = 14 : i64} {
  func.func @_main_body(%arg0: i32, %arg1: memref<2560x128xf32, #tpu.memory_space<vmem>>, %arg2: memref<2560x128xf32, #tpu.memory_space<vmem>>, %arg3: memref<16x256xf32, #tpu.memory_space<vmem>>, %arg4: memref<10x1xf32, #tpu.memory_space<vmem>>, %arg5: memref<25x2560xf32, #tpu.memory_space<vmem>>) attributes {dimension_semantics = [#tpu.dimension_semantics<arbitrary>], iteration_bounds = array<i64: 125>, scalar_prefetch = 0 : i64, scratch_operands = 0 : i64, tpu.core_type = #tpu.core_type<tc>, window_params = [{transform_indices = @transform_0, window_bounds = array<i64: 2560, 128>}, {transform_indices = @transform_1, window_bounds = array<i64: 2560, 128>}, {pipeline_mode = #tpu.pipeline_mode<synchronous>, transform_indices = @transform_2, window_bounds = array<i64: 16, 256>}, {pipeline_mode = #tpu.pipeline_mode<synchronous>, transform_indices = @transform_3, window_bounds = array<i64: 10, 1>}, {transform_indices = @transform_4, window_bounds = array<i64: 25, 2560>}]} {
    %get3A = arith.constant 0 : index
    %get3A_0 = arith.constant 0 : index
    %get3A_1 = vector.load %arg1[%get3A, %get3A_0] : memref<2560x128xf32, #tpu.memory_space<vmem>>, vector<2560x64xf32>
    %get3A_2 = arith.constant 0 : index
    %get3A_3 = arith.constant 64 : index
    %get3A_4 = vector.load %arg2[%get3A_2, %get3A_3] : memref<2560x128xf32, #tpu.memory_space<vmem>>, vector<2560x64xf32>
    %mul3A = arith.mulf %get3A_1, %get3A_1 : vector<2560x64xf32>
    %mul3A_5 = arith.mulf %get3A_4, %get3A_4 : vector<2560x64xf32>
    %concatenate3A = tpu.concatenate %get3A_1, %get3A_4, %mul3A, %mul3A_5 in 1 : vector<2560x64xf32>, vector<2560x64xf32>, vector<2560x64xf32>, vector<2560x64xf32> -> vector<2560x256xf32>
    %get3A_6 = arith.constant 0 : index
    %get3A_7 = arith.constant 0 : index
    %get3A_8 = vector.load %arg3[%get3A_6, %get3A_7] : memref<16x256xf32, #tpu.memory_space<vmem>>, vector<16x256xf32>
    %dot_general3A = arith.constant dense<0.000000e+00> : vector<16x2560xf32>
    %dot_general3A_9 = tpu.matmul %get3A_8, %concatenate3A, %dot_general3A {dimension_numbers = #tpu.dot_dimension_numbers<[1], [1], [0], [0], [0, 0, 1, 0], [], []>, transpose_lhs_hint = false} : vector<16x256xf32>, vector<2560x256xf32>, vector<16x2560xf32> -> vector<16x2560xf32>
    %slice3A = vector.extract_strided_slice %dot_general3A_9 {offsets = [10, 0], sizes = [1, 2560], strides = [1, 1]} : vector<16x2560xf32> to vector<1x2560xf32>
    %slice3A_10 = vector.extract_strided_slice %dot_general3A_9 {offsets = [11, 0], sizes = [1, 2560], strides = [1, 1]} : vector<16x2560xf32> to vector<1x2560xf32>
    %mul3A_11 = arith.mulf %slice3A, %slice3A : vector<1x2560xf32>
    %sub3A = arith.subf %slice3A_10, %mul3A_11 : vector<1x2560xf32>
    %add3A = arith.constant 9.99999974E-6 : f32
    %add3A_12 = vector.broadcast %add3A : f32 to vector<1x2560xf32>
    %add3A_13 = arith.addf %sub3A, %add3A_12 : vector<1x2560xf32>
    %rsqrt3A = math.rsqrt %add3A_13 : vector<1x2560xf32>
    %slice3A_14 = vector.extract_strided_slice %dot_general3A_9 {offsets = [0, 0], sizes = [10, 2560], strides = [1, 1]} : vector<16x2560xf32> to vector<10x2560xf32>
    %mul3A_15 = vector.broadcast %rsqrt3A : vector<1x2560xf32> to vector<10x2560xf32>
    %mul3A_16 = arith.mulf %slice3A_14, %mul3A_15 : vector<10x2560xf32>
    %get3A_17 = arith.constant 0 : index
    %get3A_18 = arith.constant 0 : index
    %get3A_19 = vector.load %arg4[%get3A_17, %get3A_18] : memref<10x1xf32, #tpu.memory_space<vmem>>, vector<10x1xf32>
    %add3A_20 = vector.broadcast %get3A_19 : vector<10x1xf32> to vector<10x2560xf32>
    %add3A_21 = arith.addf %mul3A_16, %add3A_20 : vector<10x2560xf32>
    %neg3A = arith.constant 0.000000e+00 : f32
    %neg3A_22 = vector.broadcast %neg3A : f32 to vector<10x2560xf32>
    %neg3A_23 = arith.subf %neg3A_22, %add3A_21 : vector<10x2560xf32>
    %exp3A = math.exp %neg3A_23 : vector<10x2560xf32>
    %add3A_24 = arith.constant 1.000000e+00 : f32
    %add3A_25 = vector.broadcast %add3A_24 : f32 to vector<10x2560xf32>
    %add3A_26 = arith.addf %add3A_25, %exp3A : vector<10x2560xf32>
    %div3A = arith.constant 1.000000e+00 : f32
    %div3A_27 = vector.broadcast %div3A : f32 to vector<10x2560xf32>
    %div3A_28 = arith.divf %div3A_27, %add3A_26 : vector<10x2560xf32>
    %slice3A_29 = vector.extract_strided_slice %div3A_28 {offsets = [0, 0], sizes = [1, 2560], strides = [1, 1]} : vector<10x2560xf32> to vector<1x2560xf32>
    %reshape3A = vector.shape_cast %slice3A_29 : vector<1x2560xf32> to vector<20x128xf32>
    %slice3A_30 = vector.extract_strided_slice %div3A_28 {offsets = [1, 0], sizes = [1, 2560], strides = [1, 1]} : vector<10x2560xf32> to vector<1x2560xf32>
    %reshape3A_31 = vector.shape_cast %slice3A_30 : vector<1x2560xf32> to vector<20x128xf32>
    %slice3A_32 = vector.extract_strided_slice %div3A_28 {offsets = [2, 0], sizes = [1, 2560], strides = [1, 1]} : vector<10x2560xf32> to vector<1x2560xf32>
    %reshape3A_33 = vector.shape_cast %slice3A_32 : vector<1x2560xf32> to vector<20x128xf32>
    %slice3A_34 = vector.extract_strided_slice %div3A_28 {offsets = [3, 0], sizes = [1, 2560], strides = [1, 1]} : vector<10x2560xf32> to vector<1x2560xf32>
    %reshape3A_35 = vector.shape_cast %slice3A_34 : vector<1x2560xf32> to vector<20x128xf32>
    %slice3A_36 = vector.extract_strided_slice %div3A_28 {offsets = [4, 0], sizes = [1, 2560], strides = [1, 1]} : vector<10x2560xf32> to vector<1x2560xf32>
    %reshape3A_37 = vector.shape_cast %slice3A_36 : vector<1x2560xf32> to vector<20x128xf32>
    %slice3A_38 = vector.extract_strided_slice %div3A_28 {offsets = [5, 0], sizes = [1, 2560], strides = [1, 1]} : vector<10x2560xf32> to vector<1x2560xf32>
    %reshape3A_39 = vector.shape_cast %slice3A_38 : vector<1x2560xf32> to vector<20x128xf32>
    %slice3A_40 = vector.extract_strided_slice %div3A_28 {offsets = [6, 0], sizes = [1, 2560], strides = [1, 1]} : vector<10x2560xf32> to vector<1x2560xf32>
    %reshape3A_41 = vector.shape_cast %slice3A_40 : vector<1x2560xf32> to vector<20x128xf32>
    %slice3A_42 = vector.extract_strided_slice %div3A_28 {offsets = [7, 0], sizes = [1, 2560], strides = [1, 1]} : vector<10x2560xf32> to vector<1x2560xf32>
    %reshape3A_43 = vector.shape_cast %slice3A_42 : vector<1x2560xf32> to vector<20x128xf32>
    %slice3A_44 = vector.extract_strided_slice %div3A_28 {offsets = [8, 0], sizes = [1, 2560], strides = [1, 1]} : vector<10x2560xf32> to vector<1x2560xf32>
    %reshape3A_45 = vector.shape_cast %slice3A_44 : vector<1x2560xf32> to vector<20x128xf32>
    %slice3A_46 = vector.extract_strided_slice %div3A_28 {offsets = [9, 0], sizes = [1, 2560], strides = [1, 1]} : vector<10x2560xf32> to vector<1x2560xf32>
    %reshape3A_47 = vector.shape_cast %slice3A_46 : vector<1x2560xf32> to vector<20x128xf32>
    %mul3A_48 = arith.mulf %reshape3A, %reshape3A : vector<20x128xf32>
    %add3A_49 = arith.constant 1.000000e+00 : f32
    %add3A_50 = vector.broadcast %add3A_49 : f32 to vector<20x128xf32>
    %add3A_51 = arith.addf %add3A_50, %mul3A_48 : vector<20x128xf32>
    %mul3A_52 = arith.mulf %reshape3A_31, %reshape3A_31 : vector<20x128xf32>
    %add3A_53 = arith.addf %add3A_51, %mul3A_52 : vector<20x128xf32>
    %mul3A_54 = arith.mulf %reshape3A_35, %reshape3A_35 : vector<20x128xf32>
    %add3A_55 = arith.addf %add3A_53, %mul3A_54 : vector<20x128xf32>
    %mul3A_56 = arith.mulf %reshape3A_41, %reshape3A_41 : vector<20x128xf32>
    %add3A_57 = arith.addf %add3A_55, %mul3A_56 : vector<20x128xf32>
    %div3A_58 = arith.constant 2.000000e+00 : f32
    %div3A_59 = vector.broadcast %div3A_58 : f32 to vector<20x128xf32>
    %div3A_60 = arith.divf %div3A_59, %add3A_57 : vector<20x128xf32>
    %mul3A_61 = arith.mulf %div3A_60, %reshape3A : vector<20x128xf32>
    %mul3A_62 = arith.mulf %div3A_60, %reshape3A_31 : vector<20x128xf32>
    %mul3A_63 = arith.mulf %div3A_60, %reshape3A_35 : vector<20x128xf32>
    %mul3A_64 = arith.mulf %div3A_60, %reshape3A_41 : vector<20x128xf32>
    %sub3A_65 = arith.constant 1.000000e+00 : f32
    %sub3A_66 = vector.broadcast %sub3A_65 : f32 to vector<20x128xf32>
    %sub3A_67 = arith.subf %sub3A_66, %div3A_60 : vector<20x128xf32>
    %mul3A_68 = arith.mulf %div3A_60, %reshape3A : vector<20x128xf32>
    %neg3A_69 = arith.constant 0.000000e+00 : f32
    %neg3A_70 = vector.broadcast %neg3A_69 : f32 to vector<20x128xf32>
    %neg3A_71 = arith.subf %neg3A_70, %mul3A_68 : vector<20x128xf32>
    %mul3A_72 = arith.mulf %div3A_60, %reshape3A_31 : vector<20x128xf32>
    %neg3A_73 = arith.constant 0.000000e+00 : f32
    %neg3A_74 = vector.broadcast %neg3A_73 : f32 to vector<20x128xf32>
    %neg3A_75 = arith.subf %neg3A_74, %mul3A_72 : vector<20x128xf32>
    %mul3A_76 = arith.mulf %div3A_60, %reshape3A_35 : vector<20x128xf32>
    %neg3A_77 = arith.constant 0.000000e+00 : f32
    %neg3A_78 = vector.broadcast %neg3A_77 : f32 to vector<20x128xf32>
    %neg3A_79 = arith.subf %neg3A_78, %mul3A_76 : vector<20x128xf32>
    %mul3A_80 = arith.mulf %div3A_60, %reshape3A_41 : vector<20x128xf32>
    %neg3A_81 = arith.constant 0.000000e+00 : f32
    %neg3A_82 = vector.broadcast %neg3A_81 : f32 to vector<20x128xf32>
    %neg3A_83 = arith.subf %neg3A_82, %mul3A_80 : vector<20x128xf32>
    %neg3A_84 = arith.constant 0.000000e+00 : f32
    %neg3A_85 = vector.broadcast %neg3A_84 : f32 to vector<20x128xf32>
    %neg3A_86 = arith.subf %neg3A_85, %mul3A_61 : vector<20x128xf32>
    %mul3A_87 = arith.mulf %mul3A_61, %reshape3A : vector<20x128xf32>
    %sub3A_88 = arith.constant 1.000000e+00 : f32
    %sub3A_89 = vector.broadcast %sub3A_88 : f32 to vector<20x128xf32>
    %sub3A_90 = arith.subf %sub3A_89, %mul3A_87 : vector<20x128xf32>
    %mul3A_91 = arith.mulf %mul3A_61, %reshape3A_31 : vector<20x128xf32>
    %neg3A_92 = arith.constant 0.000000e+00 : f32
    %neg3A_93 = vector.broadcast %neg3A_92 : f32 to vector<20x128xf32>
    %neg3A_94 = arith.subf %neg3A_93, %mul3A_91 : vector<20x128xf32>
    %mul3A_95 = arith.mulf %mul3A_61, %reshape3A_35 : vector<20x128xf32>
    %neg3A_96 = arith.constant 0.000000e+00 : f32
    %neg3A_97 = vector.broadcast %neg3A_96 : f32 to vector<20x128xf32>
    %neg3A_98 = arith.subf %neg3A_97, %mul3A_95 : vector<20x128xf32>
    %mul3A_99 = arith.mulf %mul3A_61, %reshape3A_41 : vector<20x128xf32>
    %neg3A_100 = arith.constant 0.000000e+00 : f32
    %neg3A_101 = vector.broadcast %neg3A_100 : f32 to vector<20x128xf32>
    %neg3A_102 = arith.subf %neg3A_101, %mul3A_99 : vector<20x128xf32>
    %neg3A_103 = arith.constant 0.000000e+00 : f32
    %neg3A_104 = vector.broadcast %neg3A_103 : f32 to vector<20x128xf32>
    %neg3A_105 = arith.subf %neg3A_104, %mul3A_62 : vector<20x128xf32>
    %mul3A_106 = arith.mulf %mul3A_62, %reshape3A : vector<20x128xf32>
    %neg3A_107 = arith.constant 0.000000e+00 : f32
    %neg3A_108 = vector.broadcast %neg3A_107 : f32 to vector<20x128xf32>
    %neg3A_109 = arith.subf %neg3A_108, %mul3A_106 : vector<20x128xf32>
    %mul3A_110 = arith.mulf %mul3A_62, %reshape3A_31 : vector<20x128xf32>
    %sub3A_111 = arith.constant 1.000000e+00 : f32
    %sub3A_112 = vector.broadcast %sub3A_111 : f32 to vector<20x128xf32>
    %sub3A_113 = arith.subf %sub3A_112, %mul3A_110 : vector<20x128xf32>
    %mul3A_114 = arith.mulf %mul3A_62, %reshape3A_35 : vector<20x128xf32>
    %neg3A_115 = arith.constant 0.000000e+00 : f32
    %neg3A_116 = vector.broadcast %neg3A_115 : f32 to vector<20x128xf32>
    %neg3A_117 = arith.subf %neg3A_116, %mul3A_114 : vector<20x128xf32>
    %mul3A_118 = arith.mulf %mul3A_62, %reshape3A_41 : vector<20x128xf32>
    %neg3A_119 = arith.constant 0.000000e+00 : f32
    %neg3A_120 = vector.broadcast %neg3A_119 : f32 to vector<20x128xf32>
    %neg3A_121 = arith.subf %neg3A_120, %mul3A_118 : vector<20x128xf32>
    %neg3A_122 = arith.constant 0.000000e+00 : f32
    %neg3A_123 = vector.broadcast %neg3A_122 : f32 to vector<20x128xf32>
    %neg3A_124 = arith.subf %neg3A_123, %mul3A_63 : vector<20x128xf32>
    %mul3A_125 = arith.mulf %mul3A_63, %reshape3A : vector<20x128xf32>
    %neg3A_126 = arith.constant 0.000000e+00 : f32
    %neg3A_127 = vector.broadcast %neg3A_126 : f32 to vector<20x128xf32>
    %neg3A_128 = arith.subf %neg3A_127, %mul3A_125 : vector<20x128xf32>
    %mul3A_129 = arith.mulf %mul3A_63, %reshape3A_31 : vector<20x128xf32>
    %neg3A_130 = arith.constant 0.000000e+00 : f32
    %neg3A_131 = vector.broadcast %neg3A_130 : f32 to vector<20x128xf32>
    %neg3A_132 = arith.subf %neg3A_131, %mul3A_129 : vector<20x128xf32>
    %mul3A_133 = arith.mulf %mul3A_63, %reshape3A_35 : vector<20x128xf32>
    %sub3A_134 = arith.constant 1.000000e+00 : f32
    %sub3A_135 = vector.broadcast %sub3A_134 : f32 to vector<20x128xf32>
    %sub3A_136 = arith.subf %sub3A_135, %mul3A_133 : vector<20x128xf32>
    %mul3A_137 = arith.mulf %mul3A_63, %reshape3A_41 : vector<20x128xf32>
    %neg3A_138 = arith.constant 0.000000e+00 : f32
    %neg3A_139 = vector.broadcast %neg3A_138 : f32 to vector<20x128xf32>
    %neg3A_140 = arith.subf %neg3A_139, %mul3A_137 : vector<20x128xf32>
    %neg3A_141 = arith.constant 0.000000e+00 : f32
    %neg3A_142 = vector.broadcast %neg3A_141 : f32 to vector<20x128xf32>
    %neg3A_143 = arith.subf %neg3A_142, %mul3A_64 : vector<20x128xf32>
    %mul3A_144 = arith.mulf %mul3A_64, %reshape3A : vector<20x128xf32>
    %neg3A_145 = arith.constant 0.000000e+00 : f32
    %neg3A_146 = vector.broadcast %neg3A_145 : f32 to vector<20x128xf32>
    %neg3A_147 = arith.subf %neg3A_146, %mul3A_144 : vector<20x128xf32>
    %mul3A_148 = arith.mulf %mul3A_64, %reshape3A_31 : vector<20x128xf32>
    %neg3A_149 = arith.constant 0.000000e+00 : f32
    %neg3A_150 = vector.broadcast %neg3A_149 : f32 to vector<20x128xf32>
    %neg3A_151 = arith.subf %neg3A_150, %mul3A_148 : vector<20x128xf32>
    %mul3A_152 = arith.mulf %mul3A_64, %reshape3A_35 : vector<20x128xf32>
    %neg3A_153 = arith.constant 0.000000e+00 : f32
    %neg3A_154 = vector.broadcast %neg3A_153 : f32 to vector<20x128xf32>
    %neg3A_155 = arith.subf %neg3A_154, %mul3A_152 : vector<20x128xf32>
    %mul3A_156 = arith.mulf %mul3A_64, %reshape3A_41 : vector<20x128xf32>
    %sub3A_157 = arith.constant 1.000000e+00 : f32
    %sub3A_158 = vector.broadcast %sub3A_157 : f32 to vector<20x128xf32>
    %sub3A_159 = arith.subf %sub3A_158, %mul3A_156 : vector<20x128xf32>
    %mul3A_160 = arith.mulf %reshape3A_33, %reshape3A_33 : vector<20x128xf32>
    %add3A_161 = arith.constant 1.000000e+00 : f32
    %add3A_162 = vector.broadcast %add3A_161 : f32 to vector<20x128xf32>
    %add3A_163 = arith.addf %add3A_162, %mul3A_160 : vector<20x128xf32>
    %mul3A_164 = arith.mulf %reshape3A_37, %reshape3A_37 : vector<20x128xf32>
    %add3A_165 = arith.addf %add3A_163, %mul3A_164 : vector<20x128xf32>
    %mul3A_166 = arith.mulf %reshape3A_43, %reshape3A_43 : vector<20x128xf32>
    %add3A_167 = arith.addf %add3A_165, %mul3A_166 : vector<20x128xf32>
    %div3A_168 = arith.constant 2.000000e+00 : f32
    %div3A_169 = vector.broadcast %div3A_168 : f32 to vector<20x128xf32>
    %div3A_170 = arith.divf %div3A_169, %add3A_167 : vector<20x128xf32>
    %mul3A_171 = arith.mulf %neg3A_75, %reshape3A_33 : vector<20x128xf32>
    %add3A_172 = arith.addf %neg3A_71, %mul3A_171 : vector<20x128xf32>
    %mul3A_173 = arith.mulf %neg3A_79, %reshape3A_37 : vector<20x128xf32>
    %add3A_174 = arith.addf %add3A_172, %mul3A_173 : vector<20x128xf32>
    %mul3A_175 = arith.mulf %neg3A_83, %reshape3A_43 : vector<20x128xf32>
    %add3A_176 = arith.addf %add3A_174, %mul3A_175 : vector<20x128xf32>
    %mul3A_177 = arith.mulf %div3A_170, %add3A_176 : vector<20x128xf32>
    %sub3A_178 = arith.subf %neg3A_71, %mul3A_177 : vector<20x128xf32>
    %mul3A_179 = arith.mulf %mul3A_177, %reshape3A_33 : vector<20x128xf32>
    %sub3A_180 = arith.subf %neg3A_75, %mul3A_179 : vector<20x128xf32>
    %mul3A_181 = arith.mulf %mul3A_177, %reshape3A_37 : vector<20x128xf32>
    %sub3A_182 = arith.subf %neg3A_79, %mul3A_181 : vector<20x128xf32>
    %mul3A_183 = arith.mulf %mul3A_177, %reshape3A_43 : vector<20x128xf32>
    %sub3A_184 = arith.subf %neg3A_83, %mul3A_183 : vector<20x128xf32>
    %mul3A_185 = arith.mulf %neg3A_94, %reshape3A_33 : vector<20x128xf32>
    %add3A_186 = arith.addf %sub3A_90, %mul3A_185 : vector<20x128xf32>
    %mul3A_187 = arith.mulf %neg3A_98, %reshape3A_37 : vector<20x128xf32>
    %add3A_188 = arith.addf %add3A_186, %mul3A_187 : vector<20x128xf32>
    %mul3A_189 = arith.mulf %neg3A_102, %reshape3A_43 : vector<20x128xf32>
    %add3A_190 = arith.addf %add3A_188, %mul3A_189 : vector<20x128xf32>
    %mul3A_191 = arith.mulf %div3A_170, %add3A_190 : vector<20x128xf32>
    %sub3A_192 = arith.subf %sub3A_90, %mul3A_191 : vector<20x128xf32>
    %mul3A_193 = arith.mulf %mul3A_191, %reshape3A_33 : vector<20x128xf32>
    %sub3A_194 = arith.subf %neg3A_94, %mul3A_193 : vector<20x128xf32>
    %mul3A_195 = arith.mulf %mul3A_191, %reshape3A_37 : vector<20x128xf32>
    %sub3A_196 = arith.subf %neg3A_98, %mul3A_195 : vector<20x128xf32>
    %mul3A_197 = arith.mulf %mul3A_191, %reshape3A_43 : vector<20x128xf32>
    %sub3A_198 = arith.subf %neg3A_102, %mul3A_197 : vector<20x128xf32>
    %mul3A_199 = arith.mulf %sub3A_113, %reshape3A_33 : vector<20x128xf32>
    %add3A_200 = arith.addf %neg3A_109, %mul3A_199 : vector<20x128xf32>
    %mul3A_201 = arith.mulf %neg3A_117, %reshape3A_37 : vector<20x128xf32>
    %add3A_202 = arith.addf %add3A_200, %mul3A_201 : vector<20x128xf32>
    %mul3A_203 = arith.mulf %neg3A_121, %reshape3A_43 : vector<20x128xf32>
    %add3A_204 = arith.addf %add3A_202, %mul3A_203 : vector<20x128xf32>
    %mul3A_205 = arith.mulf %div3A_170, %add3A_204 : vector<20x128xf32>
    %sub3A_206 = arith.subf %neg3A_109, %mul3A_205 : vector<20x128xf32>
    %mul3A_207 = arith.mulf %mul3A_205, %reshape3A_33 : vector<20x128xf32>
    %sub3A_208 = arith.subf %sub3A_113, %mul3A_207 : vector<20x128xf32>
    %mul3A_209 = arith.mulf %mul3A_205, %reshape3A_37 : vector<20x128xf32>
    %sub3A_210 = arith.subf %neg3A_117, %mul3A_209 : vector<20x128xf32>
    %mul3A_211 = arith.mulf %mul3A_205, %reshape3A_43 : vector<20x128xf32>
    %sub3A_212 = arith.subf %neg3A_121, %mul3A_211 : vector<20x128xf32>
    %mul3A_213 = arith.mulf %neg3A_132, %reshape3A_33 : vector<20x128xf32>
    %add3A_214 = arith.addf %neg3A_128, %mul3A_213 : vector<20x128xf32>
    %mul3A_215 = arith.mulf %sub3A_136, %reshape3A_37 : vector<20x128xf32>
    %add3A_216 = arith.addf %add3A_214, %mul3A_215 : vector<20x128xf32>
    %mul3A_217 = arith.mulf %neg3A_140, %reshape3A_43 : vector<20x128xf32>
    %add3A_218 = arith.addf %add3A_216, %mul3A_217 : vector<20x128xf32>
    %mul3A_219 = arith.mulf %div3A_170, %add3A_218 : vector<20x128xf32>
    %sub3A_220 = arith.subf %neg3A_128, %mul3A_219 : vector<20x128xf32>
    %mul3A_221 = arith.mulf %mul3A_219, %reshape3A_33 : vector<20x128xf32>
    %sub3A_222 = arith.subf %neg3A_132, %mul3A_221 : vector<20x128xf32>
    %mul3A_223 = arith.mulf %mul3A_219, %reshape3A_37 : vector<20x128xf32>
    %sub3A_224 = arith.subf %sub3A_136, %mul3A_223 : vector<20x128xf32>
    %mul3A_225 = arith.mulf %mul3A_219, %reshape3A_43 : vector<20x128xf32>
    %sub3A_226 = arith.subf %neg3A_140, %mul3A_225 : vector<20x128xf32>
    %mul3A_227 = arith.mulf %neg3A_151, %reshape3A_33 : vector<20x128xf32>
    %add3A_228 = arith.addf %neg3A_147, %mul3A_227 : vector<20x128xf32>
    %mul3A_229 = arith.mulf %neg3A_155, %reshape3A_37 : vector<20x128xf32>
    %add3A_230 = arith.addf %add3A_228, %mul3A_229 : vector<20x128xf32>
    %mul3A_231 = arith.mulf %sub3A_159, %reshape3A_43 : vector<20x128xf32>
    %add3A_232 = arith.addf %add3A_230, %mul3A_231 : vector<20x128xf32>
    %mul3A_233 = arith.mulf %div3A_170, %add3A_232 : vector<20x128xf32>
    %sub3A_234 = arith.subf %neg3A_147, %mul3A_233 : vector<20x128xf32>
    %mul3A_235 = arith.mulf %mul3A_233, %reshape3A_33 : vector<20x128xf32>
    %sub3A_236 = arith.subf %neg3A_151, %mul3A_235 : vector<20x128xf32>
    %mul3A_237 = arith.mulf %mul3A_233, %reshape3A_37 : vector<20x128xf32>
    %sub3A_238 = arith.subf %neg3A_155, %mul3A_237 : vector<20x128xf32>
    %mul3A_239 = arith.mulf %mul3A_233, %reshape3A_43 : vector<20x128xf32>
    %sub3A_240 = arith.subf %sub3A_159, %mul3A_239 : vector<20x128xf32>
    %mul3A_241 = arith.mulf %reshape3A_39, %reshape3A_39 : vector<20x128xf32>
    %add3A_242 = arith.constant 1.000000e+00 : f32
    %add3A_243 = vector.broadcast %add3A_242 : f32 to vector<20x128xf32>
    %add3A_244 = arith.addf %add3A_243, %mul3A_241 : vector<20x128xf32>
    %mul3A_245 = arith.mulf %reshape3A_45, %reshape3A_45 : vector<20x128xf32>
    %add3A_246 = arith.addf %add3A_244, %mul3A_245 : vector<20x128xf32>
    %div3A_247 = arith.constant 2.000000e+00 : f32
    %div3A_248 = vector.broadcast %div3A_247 : f32 to vector<20x128xf32>
    %div3A_249 = arith.divf %div3A_248, %add3A_246 : vector<20x128xf32>
    %mul3A_250 = arith.mulf %sub3A_182, %reshape3A_39 : vector<20x128xf32>
    %add3A_251 = arith.addf %sub3A_180, %mul3A_250 : vector<20x128xf32>
    %mul3A_252 = arith.mulf %sub3A_184, %reshape3A_45 : vector<20x128xf32>
    %add3A_253 = arith.addf %add3A_251, %mul3A_252 : vector<20x128xf32>
    %mul3A_254 = arith.mulf %div3A_249, %add3A_253 : vector<20x128xf32>
    %sub3A_255 = arith.subf %sub3A_180, %mul3A_254 : vector<20x128xf32>
    %mul3A_256 = arith.mulf %mul3A_254, %reshape3A_39 : vector<20x128xf32>
    %sub3A_257 = arith.subf %sub3A_182, %mul3A_256 : vector<20x128xf32>
    %mul3A_258 = arith.mulf %mul3A_254, %reshape3A_45 : vector<20x128xf32>
    %sub3A_259 = arith.subf %sub3A_184, %mul3A_258 : vector<20x128xf32>
    %mul3A_260 = arith.mulf %sub3A_196, %reshape3A_39 : vector<20x128xf32>
    %add3A_261 = arith.addf %sub3A_194, %mul3A_260 : vector<20x128xf32>
    %mul3A_262 = arith.mulf %sub3A_198, %reshape3A_45 : vector<20x128xf32>
    %add3A_263 = arith.addf %add3A_261, %mul3A_262 : vector<20x128xf32>
    %mul3A_264 = arith.mulf %div3A_249, %add3A_263 : vector<20x128xf32>
    %sub3A_265 = arith.subf %sub3A_194, %mul3A_264 : vector<20x128xf32>
    %mul3A_266 = arith.mulf %mul3A_264, %reshape3A_39 : vector<20x128xf32>
    %sub3A_267 = arith.subf %sub3A_196, %mul3A_266 : vector<20x128xf32>
    %mul3A_268 = arith.mulf %mul3A_264, %reshape3A_45 : vector<20x128xf32>
    %sub3A_269 = arith.subf %sub3A_198, %mul3A_268 : vector<20x128xf32>
    %mul3A_270 = arith.mulf %sub3A_210, %reshape3A_39 : vector<20x128xf32>
    %add3A_271 = arith.addf %sub3A_208, %mul3A_270 : vector<20x128xf32>
    %mul3A_272 = arith.mulf %sub3A_212, %reshape3A_45 : vector<20x128xf32>
    %add3A_273 = arith.addf %add3A_271, %mul3A_272 : vector<20x128xf32>
    %mul3A_274 = arith.mulf %div3A_249, %add3A_273 : vector<20x128xf32>
    %sub3A_275 = arith.subf %sub3A_208, %mul3A_274 : vector<20x128xf32>
    %mul3A_276 = arith.mulf %mul3A_274, %reshape3A_39 : vector<20x128xf32>
    %sub3A_277 = arith.subf %sub3A_210, %mul3A_276 : vector<20x128xf32>
    %mul3A_278 = arith.mulf %mul3A_274, %reshape3A_45 : vector<20x128xf32>
    %sub3A_279 = arith.subf %sub3A_212, %mul3A_278 : vector<20x128xf32>
    %mul3A_280 = arith.mulf %sub3A_224, %reshape3A_39 : vector<20x128xf32>
    %add3A_281 = arith.addf %sub3A_222, %mul3A_280 : vector<20x128xf32>
    %mul3A_282 = arith.mulf %sub3A_226, %reshape3A_45 : vector<20x128xf32>
    %add3A_283 = arith.addf %add3A_281, %mul3A_282 : vector<20x128xf32>
    %mul3A_284 = arith.mulf %div3A_249, %add3A_283 : vector<20x128xf32>
    %sub3A_285 = arith.subf %sub3A_222, %mul3A_284 : vector<20x128xf32>
    %mul3A_286 = arith.mulf %mul3A_284, %reshape3A_39 : vector<20x128xf32>
    %sub3A_287 = arith.subf %sub3A_224, %mul3A_286 : vector<20x128xf32>
    %mul3A_288 = arith.mulf %mul3A_284, %reshape3A_45 : vector<20x128xf32>
    %sub3A_289 = arith.subf %sub3A_226, %mul3A_288 : vector<20x128xf32>
    %mul3A_290 = arith.mulf %sub3A_238, %reshape3A_39 : vector<20x128xf32>
    %add3A_291 = arith.addf %sub3A_236, %mul3A_290 : vector<20x128xf32>
    %mul3A_292 = arith.mulf %sub3A_240, %reshape3A_45 : vector<20x128xf32>
    %add3A_293 = arith.addf %add3A_291, %mul3A_292 : vector<20x128xf32>
    %mul3A_294 = arith.mulf %div3A_249, %add3A_293 : vector<20x128xf32>
    %sub3A_295 = arith.subf %sub3A_236, %mul3A_294 : vector<20x128xf32>
    %mul3A_296 = arith.mulf %mul3A_294, %reshape3A_39 : vector<20x128xf32>
    %sub3A_297 = arith.subf %sub3A_238, %mul3A_296 : vector<20x128xf32>
    %mul3A_298 = arith.mulf %mul3A_294, %reshape3A_45 : vector<20x128xf32>
    %sub3A_299 = arith.subf %sub3A_240, %mul3A_298 : vector<20x128xf32>
    %mul3A_300 = arith.mulf %reshape3A_47, %reshape3A_47 : vector<20x128xf32>
    %add3A_301 = arith.constant 1.000000e+00 : f32
    %add3A_302 = vector.broadcast %add3A_301 : f32 to vector<20x128xf32>
    %add3A_303 = arith.addf %add3A_302, %mul3A_300 : vector<20x128xf32>
    %div3A_304 = arith.constant 2.000000e+00 : f32
    %div3A_305 = vector.broadcast %div3A_304 : f32 to vector<20x128xf32>
    %div3A_306 = arith.divf %div3A_305, %add3A_303 : vector<20x128xf32>
    %mul3A_307 = arith.mulf %sub3A_259, %reshape3A_47 : vector<20x128xf32>
    %add3A_308 = arith.addf %sub3A_257, %mul3A_307 : vector<20x128xf32>
    %mul3A_309 = arith.mulf %div3A_306, %add3A_308 : vector<20x128xf32>
    %sub3A_310 = arith.subf %sub3A_257, %mul3A_309 : vector<20x128xf32>
    %mul3A_311 = arith.mulf %mul3A_309, %reshape3A_47 : vector<20x128xf32>
    %sub3A_312 = arith.subf %sub3A_259, %mul3A_311 : vector<20x128xf32>
    %mul3A_313 = arith.mulf %sub3A_269, %reshape3A_47 : vector<20x128xf32>
    %add3A_314 = arith.addf %sub3A_267, %mul3A_313 : vector<20x128xf32>
    %mul3A_315 = arith.mulf %div3A_306, %add3A_314 : vector<20x128xf32>
    %sub3A_316 = arith.subf %sub3A_267, %mul3A_315 : vector<20x128xf32>
    %mul3A_317 = arith.mulf %mul3A_315, %reshape3A_47 : vector<20x128xf32>
    %sub3A_318 = arith.subf %sub3A_269, %mul3A_317 : vector<20x128xf32>
    %mul3A_319 = arith.mulf %sub3A_279, %reshape3A_47 : vector<20x128xf32>
    %add3A_320 = arith.addf %sub3A_277, %mul3A_319 : vector<20x128xf32>
    %mul3A_321 = arith.mulf %div3A_306, %add3A_320 : vector<20x128xf32>
    %sub3A_322 = arith.subf %sub3A_277, %mul3A_321 : vector<20x128xf32>
    %mul3A_323 = arith.mulf %mul3A_321, %reshape3A_47 : vector<20x128xf32>
    %sub3A_324 = arith.subf %sub3A_279, %mul3A_323 : vector<20x128xf32>
    %mul3A_325 = arith.mulf %sub3A_289, %reshape3A_47 : vector<20x128xf32>
    %add3A_326 = arith.addf %sub3A_287, %mul3A_325 : vector<20x128xf32>
    %mul3A_327 = arith.mulf %div3A_306, %add3A_326 : vector<20x128xf32>
    %sub3A_328 = arith.subf %sub3A_287, %mul3A_327 : vector<20x128xf32>
    %mul3A_329 = arith.mulf %mul3A_327, %reshape3A_47 : vector<20x128xf32>
    %sub3A_330 = arith.subf %sub3A_289, %mul3A_329 : vector<20x128xf32>
    %mul3A_331 = arith.mulf %sub3A_299, %reshape3A_47 : vector<20x128xf32>
    %add3A_332 = arith.addf %sub3A_297, %mul3A_331 : vector<20x128xf32>
    %mul3A_333 = arith.mulf %div3A_306, %add3A_332 : vector<20x128xf32>
    %sub3A_334 = arith.subf %sub3A_297, %mul3A_333 : vector<20x128xf32>
    %mul3A_335 = arith.mulf %mul3A_333, %reshape3A_47 : vector<20x128xf32>
    %sub3A_336 = arith.subf %sub3A_299, %mul3A_335 : vector<20x128xf32>
    %neg3A_337 = arith.constant 0.000000e+00 : f32
    %neg3A_338 = vector.broadcast %neg3A_337 : f32 to vector<20x128xf32>
    %neg3A_339 = arith.subf %neg3A_338, %sub3A_312 : vector<20x128xf32>
    %neg3A_340 = arith.constant 0.000000e+00 : f32
    %neg3A_341 = vector.broadcast %neg3A_340 : f32 to vector<20x128xf32>
    %neg3A_342 = arith.subf %neg3A_341, %sub3A_318 : vector<20x128xf32>
    %neg3A_343 = arith.constant 0.000000e+00 : f32
    %neg3A_344 = vector.broadcast %neg3A_343 : f32 to vector<20x128xf32>
    %neg3A_345 = arith.subf %neg3A_344, %sub3A_324 : vector<20x128xf32>
    %neg3A_346 = arith.constant 0.000000e+00 : f32
    %neg3A_347 = vector.broadcast %neg3A_346 : f32 to vector<20x128xf32>
    %neg3A_348 = arith.subf %neg3A_347, %sub3A_330 : vector<20x128xf32>
    %neg3A_349 = arith.constant 0.000000e+00 : f32
    %neg3A_350 = vector.broadcast %neg3A_349 : f32 to vector<20x128xf32>
    %neg3A_351 = arith.subf %neg3A_350, %sub3A_336 : vector<20x128xf32>
    %reshape3A_352 = vector.shape_cast %sub3A_67 : vector<20x128xf32> to vector<1x2560xf32>
    %reshape3A_353 = vector.shape_cast %sub3A_178 : vector<20x128xf32> to vector<1x2560xf32>
    %reshape3A_354 = vector.shape_cast %sub3A_255 : vector<20x128xf32> to vector<1x2560xf32>
    %reshape3A_355 = vector.shape_cast %sub3A_310 : vector<20x128xf32> to vector<1x2560xf32>
    %reshape3A_356 = vector.shape_cast %neg3A_339 : vector<20x128xf32> to vector<1x2560xf32>
    %reshape3A_357 = vector.shape_cast %neg3A_86 : vector<20x128xf32> to vector<1x2560xf32>
    %reshape3A_358 = vector.shape_cast %sub3A_192 : vector<20x128xf32> to vector<1x2560xf32>
    %reshape3A_359 = vector.shape_cast %sub3A_265 : vector<20x128xf32> to vector<1x2560xf32>
    %reshape3A_360 = vector.shape_cast %sub3A_316 : vector<20x128xf32> to vector<1x2560xf32>
    %reshape3A_361 = vector.shape_cast %neg3A_342 : vector<20x128xf32> to vector<1x2560xf32>
    %reshape3A_362 = vector.shape_cast %neg3A_105 : vector<20x128xf32> to vector<1x2560xf32>
    %reshape3A_363 = vector.shape_cast %sub3A_206 : vector<20x128xf32> to vector<1x2560xf32>
    %reshape3A_364 = vector.shape_cast %sub3A_275 : vector<20x128xf32> to vector<1x2560xf32>
    %reshape3A_365 = vector.shape_cast %sub3A_322 : vector<20x128xf32> to vector<1x2560xf32>
    %reshape3A_366 = vector.shape_cast %neg3A_345 : vector<20x128xf32> to vector<1x2560xf32>
    %reshape3A_367 = vector.shape_cast %neg3A_124 : vector<20x128xf32> to vector<1x2560xf32>
    %reshape3A_368 = vector.shape_cast %sub3A_220 : vector<20x128xf32> to vector<1x2560xf32>
    %reshape3A_369 = vector.shape_cast %sub3A_285 : vector<20x128xf32> to vector<1x2560xf32>
    %reshape3A_370 = vector.shape_cast %sub3A_328 : vector<20x128xf32> to vector<1x2560xf32>
    %reshape3A_371 = vector.shape_cast %neg3A_348 : vector<20x128xf32> to vector<1x2560xf32>
    %reshape3A_372 = vector.shape_cast %neg3A_143 : vector<20x128xf32> to vector<1x2560xf32>
    %reshape3A_373 = vector.shape_cast %sub3A_234 : vector<20x128xf32> to vector<1x2560xf32>
    %reshape3A_374 = vector.shape_cast %sub3A_295 : vector<20x128xf32> to vector<1x2560xf32>
    %reshape3A_375 = vector.shape_cast %sub3A_334 : vector<20x128xf32> to vector<1x2560xf32>
    %reshape3A_376 = vector.shape_cast %neg3A_351 : vector<20x128xf32> to vector<1x2560xf32>
    %concatenate3A_377 = tpu.concatenate %reshape3A_352, %reshape3A_353, %reshape3A_354, %reshape3A_355, %reshape3A_356, %reshape3A_357, %reshape3A_358, %reshape3A_359, %reshape3A_360, %reshape3A_361, %reshape3A_362, %reshape3A_363, %reshape3A_364, %reshape3A_365, %reshape3A_366, %reshape3A_367, %reshape3A_368, %reshape3A_369, %reshape3A_370, %reshape3A_371, %reshape3A_372, %reshape3A_373, %reshape3A_374, %reshape3A_375, %reshape3A_376 in 0 : vector<1x2560xf32>, vector<1x2560xf32>, vector<1x2560xf32>, vector<1x2560xf32>, vector<1x2560xf32>, vector<1x2560xf32>, vector<1x2560xf32>, vector<1x2560xf32>, vector<1x2560xf32>, vector<1x2560xf32>, vector<1x2560xf32>, vector<1x2560xf32>, vector<1x2560xf32>, vector<1x2560xf32>, vector<1x2560xf32>, vector<1x2560xf32>, vector<1x2560xf32>, vector<1x2560xf32>, vector<1x2560xf32>, vector<1x2560xf32>, vector<1x2560xf32>, vector<1x2560xf32>, vector<1x2560xf32>, vector<1x2560xf32>, vector<1x2560xf32> -> vector<25x2560xf32>
    %swap3A = arith.constant 0 : index
    %swap3A_378 = arith.constant 0 : index
    %swap3A_379 = vector.load %arg5[%swap3A, %swap3A_378] : memref<25x2560xf32, #tpu.memory_space<vmem>>, vector<25x2560xf32>
    tpu.vector_store %arg5[%swap3A, %swap3A_378], %concatenate3A_377 {strides = array<i32>} : memref<25x2560xf32, #tpu.memory_space<vmem>>, vector<25x2560xf32>,
    return
  }
  func.func @transform_0(%arg0: i32) -> (i32, i32) {
    %c0_i32 = arith.constant 0 : i32
    %c0_i32_0 = arith.constant 0 : i32
    return %arg0, %c0_i32 : i32, i32
  }
  func.func @transform_1(%arg0: i32) -> (i32, i32) {
    %c0_i32 = arith.constant 0 : i32
    %c0_i32_0 = arith.constant 0 : i32
    return %arg0, %c0_i32 : i32, i32
  }
  func.func @transform_2(%arg0: i32) -> (i32, i32) {
    %c0_i32 = arith.constant 0 : i32
    %c0_i32_0 = arith.constant 0 : i32
    %c0_i32_1 = arith.constant 0 : i32
    return %c0_i32, %c0_i32_0 : i32, i32
  }
  func.func @transform_3(%arg0: i32) -> (i32, i32) {
    %c0_i32 = arith.constant 0 : i32
    %c0_i32_0 = arith.constant 0 : i32
    %c0_i32_1 = arith.constant 0 : i32
    return %c0_i32, %c0_i32_0 : i32, i32
  }
  func.func @transform_4(%arg0: i32) -> (i32, i32) {
    %c0_i32 = arith.constant 0 : i32
    %c0_i32_0 = arith.constant 0 : i32
    return %c0_i32, %arg0 : i32, i32
  }
}

</mosaic_0001>

<sc_bundles>
// kernel: kernel.6.cloned.1.call-start
scs
__scs_entry_jumppad:
0x0: {  	(pc) =	sbr.rel $0x88, $3  }
0x1: {  	(tag) =	ssettag $0x0;
	lr =	simm.s32 $0x1  }
0x2: {  	[smem:$0x3F9A] =	sst lr;
	_ =	strace $0xD0000000  }
0x3: {  	_ = 	snop  }
0x4: {  	_ = 	snop  }
0x5: {  	_ = 	snop  }
0x6: {  	_ = 	snop  }
0x7: {  	_ = 	snop  }
__scs_overlays_trampoline_lowered:
0x8: {  	[smem:$0x3FA9] =	sst s0  }
0x9: {  	[smem:$0x3FAA] =	sst s1  }
0xa: {  	[smem:$0x3FAB] =	sst s2  }
0xb: {  	[smem:$0x3FAC] =	sst s3  }
0xc: {  	[smem:$0x3FAD] =	sst s4  }
0xd: {  	[smem:$0x3FAE] =	sst s5  }
0xe: {  	[smem:$0x3FAF] =	sst s6  }
0xf: {  	[smem:$0x3FB0] =	sst s7  }
0x10: {  	[smem:$0x3FB1] =	sst s8  }
0x11: {  	[smem:$0x3FB2] =	sst s9;
	s0 =	simm.s32 @!p0 $0x0  }
0x12: {  	s1 =	sld [smem:$0x3F98];
	s0 =	simm.s32 @p0 $0x1  }
0x13: {  	[smem:$0x3FB3] =	sst s0;
	s0 =	simm.s32 @!p1 $0x0  }
0x14: {  	s2 =	sld [smem:$0x3F97];
	s0 =	simm.s32 @p1 $0x1  }
0x15: {  	[smem:$0x3FB4] =	sst s0;
	s0 =	simm.s32 @!p2 $0x0  }
0x16: {  	s3 =	sld [smem:$0x3FDB];
	s0 =	simm.s32 @p2 $0x1  }
0x17: {  	s4 =	simm.s32 $0x1BF5;
	[smem:$0x3FB6] =	sst s0  }
0x18: {  	s0 =	sld [smem:$0x3F99];
	_ =	swait.ge [sflag:s4], $0x0  }
0x19: {  	s7 =	sld [smem:$0x3F9A]  }
0x1a: {  	s8 =	sadd.s32 $0xFFFFE003, lr  }
0x1b: {  	s9 =	sadd.s32 $0xFFFFFEF7, lr;
	s5 =	simm.s32 $0xFFFFFFFF;
	p2 =	slt.u32 s8, $0xFFFFF086  }
0x1c: {  	p1 =	slt.u32 s9, $0xF7A;
	s5 =	simm.s32 @!p2 $0x0  }
0x1d: {  	s5 =	simm.s32 @p1 $0x1;
	p0 =	seq.s32 s7, s2  }
0x1e: {  	s7 =	smul.u32 @!p0 $0xF7A, s2;
	p2 =	seq.s32 @!p0 s5, $0x0  }
0x1f: {  	s9 =	smul.u32 $0xF7A, s1;
	s8 =	simm.s32 @!p0 $0x1BF5;
	p2 =	por !p2, p0  }
0x20: {  	[sflag:s8] =	ssyncset.s32 @!p0 $0xFFFFF086;
	s6 =	sadd.s32 @!p0 s3, s7;
	s7 =	simm.s32 @!p0 $0x108  }
0x21: {  	s3 =	sadd.s32 s3, s9;
	s6 =	sadd.s32 @!p0 $0x88, s6;
	s7 =	simm.s32 @p2 $0x1082  }
0x22: {  	[simem:s7], [sflag:s8] =	dma.local @!p0 [hbm:s6], $0xF7A  }
0x23: {  	s9 =	sor.u32 $0xD0000000, s2;
	s6 =	simm.s32 $0x108;
	_ =	swait.ge @!p0 [sflag:s8], $0x0  }
0x24: {  	s3 =	sadd.s32 $0x88, s3;
	s6 =	simm.s32 @!p1 $0x1082;
	[sflag:s4] =	ssyncset.s32 $0xFFFFF086  }
0x25: {  	[simem:s6], [sflag:s4] =	dma.local [hbm:s3], $0xF7A  }
0x26: {  	[smem:$0x3F9A] =	sst s1;
	(tag) =	ssettag s2;
	_ =	strace s9  }
0x27: {  	s1 =	sld [smem:$0x3FAA]  }
0x28: {  	s2 =	sld [smem:$0x3FAB]  }
0x29: {  	s4 =	sld [smem:$0x3FAD]  }
0x2a: {  	p0 =	seq.s32 s5, $0x0;
	s5 =	sld [smem:$0x3FAE]  }
0x2b: {  	s6 =	sld [smem:$0x3FAF]  }
0x2c: {  	s7 =	sld [smem:$0x3FB0]  }
0x2d: {  	s3 =	simm.s32 $0x108;
	s8 =	sld [smem:$0x3FB1]  }
0x2e: {  	s3 =	simm.s32 @!p0 $0x1082;
	s9 =	sld [smem:$0x3FB2]  }
0x2f: {  	lr =	sadd.s32 s0, s3;
	s0 =	sld [smem:$0x3FA9]  }
0x30: {  	s3 =	sld [smem:$0x3FAC]  }
0x31: {  	[smem:$0x3FB5] =	sst s10  }
0x32: {  	s10 =	sld [smem:$0x3FB3];
	_ =	sdelay $0x3  }
0x33: {  	p0 =	seq.s32 s10, $0x1;
	s10 =	sld [smem:$0x3FB5];
	_ =	sdelay $0x3  }
0x34: {  	[smem:$0x3FB5] =	sst s10  }
0x35: {  	s10 =	sld [smem:$0x3FB4];
	_ =	sdelay $0x3  }
0x36: {  	p1 =	seq.s32 s10, $0x1;
	s10 =	sld [smem:$0x3FB5];
	_ =	sdelay $0x3  }
0x37: {  	[smem:$0x3FB5] =	sst s10  }
0x38: {  	s10 =	sld [smem:$0x3FB6]  }
0x39: {  	_ = 	snop;
	(pc) =	sbr.ind lr, $3  }
0x3a: {  	_ = 	snop  }
0x3b: {  	_ = 	snop  }
0x3c: {  	p2 =	seq.s32 s10, $0x1;
	s10 =	sld [smem:$0x3FB5]  }
0x3d: {  	_ =	shalt  }
0x3e: {  	_ =	shalt  }
0x3f: {  	_ =	shalt  }
0x40: {  	_ =	shalt  }
0x41: {  	_ =	shalt  }
0x42: {  	_ =	shalt  }
0x43: {  	_ =	shalt  }
0x44: {  	_ =	shalt  }
0x45: {  	_ =	shalt  }
0x46: {  	_ =	shalt  }
0x47: {  	_ =	shalt  }
0x48: {  	_ =	shalt  }
0x49: {  	_ =	shalt  }
0x4a: {  	_ =	shalt  }
0x4b: {  	_ =	shalt  }
0x4c: {  	_ =	shalt  }
0x4d: {  	_ =	shalt  }
0x4e: {  	_ =	shalt  }
0x4f: {  	_ =	shalt  }
0x50: {  	_ =	shalt  }
0x51: {  	_ =	shalt  }
0x52: {  	_ =	shalt  }
0x53: {  	_ =	shalt  }
0x54: {  	_ =	shalt  }
0x55: {  	_ =	shalt  }
0x56: {  	_ =	shalt  }
0x57: {  	_ =	shalt  }
0x58: {  	_ =	shalt  }
0x59: {  	_ =	shalt  }
0x5a: {  	_ =	shalt  }
0x5b: {  	_ =	shalt  }
0x5c: {  	_ =	shalt  }
0x5d: {  	_ =	shalt  }
0x5e: {  	_ =	shalt  }
0x5f: {  	_ =	shalt  }
0x60: {  	_ =	shalt  }
0x61: {  	_ =	shalt  }
0x62: {  	_ =	shalt  }
0x63: {  	_ =	shalt  }
0x64: {  	_ =	shalt  }
0x65: {  	_ =	shalt  }
0x66: {  	_ =	shalt  }
0x67: {  	_ =	shalt  }
0x68: {  	_ =	shalt  }
0x69: {  	_ =	shalt  }
0x6a: {  	_ =	shalt  }
0x6b: {  	_ =	shalt  }
0x6c: {  	_ =	shalt  }
0x6d: {  	_ =	shalt  }
0x6e: {  	_ =	shalt  }
0x6f: {  	_ =	shalt  }
0x70: {  	_ =	shalt  }
0x71: {  	_ =	shalt  }
0x72: {  	_ =	shalt  }
0x73: {  	_ =	shalt  }
0x74: {  	_ =	shalt  }
0x75: {  	_ =	shalt  }
0x76: {  	_ =	shalt  }
0x77: {  	_ =	shalt  }
0x78: {  	_ =	shalt  }
0x79: {  	_ =	shalt  }
0x7a: {  	_ =	shalt  }
0x7b: {  	_ =	shalt  }
0x7c: {  	_ =	shalt  }
0x7d: {  	_ =	shalt  }
0x7e: {  	_ =	shalt  }
0x7f: {  	_ =	shalt  }
0x80: {  	_ =	shalt  }
0x81: {  	_ =	shalt  }
0x82: {  	_ =	shalt  }
0x83: {  	_ =	shalt  }
0x84: {  	_ =	shalt  }
0x85: {  	_ =	shalt  }
0x86: {  	_ =	shalt  }
0x87: {  	_ =	shalt  }
.Lfunc_end0:
.L_simem_size_0:
called_computation_lowered:
.L_overlay_start_0:
0x88: {  	s2 =	sld [smem:$0x3FD9]  }
0x89: {  	s3 =	sld [smem:$0x3FFE];
	_ =	sdelay $0x1  }
0x8a: {  	s1 =	srdreg.scid  }
0x8b: {  	s0 =	sand.u32 $0x1, s1  }
0x8c: {  	s15 =	sshll.u32 s0, $0xA;
	s2 =	sadd.s32 s3, s2  }
0x8d: {  	s2 =	sadd.s32 s2, s15  }
0x8e: {  	[smem:$0x3FC1] =	sst s2  }
0x8f: {  	_ = 	snop  }
0x90: {  	s2 =	sld [smem:$0x3FD0];
	_ =	sdelay $0x2  }
0x91: {  	s16 =	simm.s32 $0xB;
	s4 =	simm.s32 $0x10  }
0x92: {  	[smem:s4], [sflag:s16] =	dma.local [hbm:s2], $0x1  }
0x93: {  	_ =	swait.eq [sflag:s16], $0x1  }
0x94: {  	[sflag:s16] =	ssyncset.done $0x0  }
0x95: {  	[sflag:s16] =	ssyncadd.s32 $0xFFFFFFFF  }
0x96: {  	s17 =	sld [smem:$0x11];
	(tm) =	ssettm $0x1  }
0x97: {  	s18 =	sld [smem:$0x3FFB];
	_ =	sdelay $0x3  }
0x98: {  	_ =	strace s18  }
0x99: {  	s2 =	sld [smem:$0x3FFC];
	_ =	sdelay $0x3  }
0x9a: {  	_ =	strace s2  }
0x9b: {  	s2 =	sld [smem:$0x3FFD];
	_ =	sdelay $0x3  }
0x9c: {  	_ =	strace s2  }
0x9d: {  	_ =	strace $0x8FFFFFFF  }
0x9e: {  	s19 =	sld [smem:$0x3FDB];
	_ =	sdelay $0x1  }
0x9f: {  	s20 =	simm.s32 $_scs_section_size  }
0xa0: {  	s5 =	simm.s32 $_size__tile_overlayer_lowered;
	s6 =	simm.s32 $_tile_overlayer_lowered  }
0xa1: {  	s7 =	simm.s32 $0x1BFF;
	s21 =	sshll.u32 s6, $0x1;
	s4 =	sadd.s32 s20, s19  }
0xa2: {  	s22 =	simm.s32 $0x0;
	s5 =	sshll.u32 s5, $0x1;
	s6 =	sadd.s32 s21, s4  }
0xa3: {  	[timem:s22], [sflag:s7] =	dma.local [hbm:s6], s5  }
0xa4: {  	_ =	swait.ge [sflag:s7], s5  }
0xa5: {  	s5 =	ssub.s32 $0x0, s5;
	[sflag:s7] =	ssyncset.done $0x0  }
0xa6: {  	[sflag:s7] =	ssyncadd.s32 s5;
	_ =	sdelay $0x1  }
0xa7: {  	s23 =	simm.s32 $0x1B8B  }
0xa8: {  	_ =	swait.ge [sflag:s23], $0x1  }
0xa9: {  	[sflag:s23] =	ssyncset.done $0x0  }
0xaa: {  	[sflag:s23] =	ssyncadd.s32 $0xFFFFFFFF  }
0xab: {  	s5 =	sld [smem:$0x0]  }
0xac: {  	s6 =	sand.u32 $0xFFFFFFFE, s1  }
0xad: {  	p0 =	sne.s32 s1, s6  }
0xae: {  	s6 =	sshll.u32 @p0 s6, $0xE  }
0xaf: {  	s6 =	sadd.s32 @p0 $0x11B8D, s6;
	s7 =	sshll.u32 @p0 s5, $0x11  }
0xb0: {  	s6 =	sor.u32 @p0 s7, s6  }
0xb1: {  	[sflag:s6] =	ssyncadd.remote.s32 @p0 $0x1;
	_ =	sdelay $0x1  }
0xb2: {  	s6 =	simm.s32 @p0 $0x1B8D  }
0xb3: {  	_ =	swait.eq @p0 [sflag:s6], $0x1  }
0xb4: {  	[sflag:s6] =	ssyncadd.s32 @p0 $0xFFFFFFFF  }
0xb5: {  	s7 =	sshll.u32 @!p0 s1, $0xE  }
0xb6: {  	s7 =	sor.u32 @!p0 $0x4000, s7;
	s6 =	simm.s32 @!p0 $0x1B8D  }
0xb7: {  	s5 =	sshll.u32 @!p0 s5, $0x11;
	s7 =	sadd.s32 @!p0 $0x11B8D, s7;
	_ =	swait.eq @!p0 [sflag:s6], $0x1  }
0xb8: {  	s5 =	sor.u32 @!p0 s5, s7;
	[sflag:s6] =	ssyncadd.s32 @!p0 $0xFFFFFFFF  }
0xb9: {  	s25 =	simm.s32 $0x1B8E;
	s24 =	sld [smem:$0x3FFE];
	[sflag:s5] =	ssyncadd.remote.s32 @!p0 $0x1  }
0xba: {  	s26 =	simm.s32 $execute0_lowered;
	[smem:$0x3FD2] =	sst s25  }
0xbb: {  	s6 =	sshll.u32 s26, $0x1;
	_ =	strace $0x80000049;
	[dreg:$0x1] =	wrdreg $0xFFFFFFFF  }
0xbc: {  	s28 =	simm.s32 $_size_execute0_lowered;
	s4 =	sadd.s32 s4, s6;
	[dreg:$0x0] =	wrdreg $0x0  }
0xbd: {  	s6 =	sshll.u32 s28, $0x1;
	[dreg:$0x2] =	wrdreg s4  }
0xbe: {  	[dreg:$0x3] =	wrdreg s6  }
0xbf: {  	[dreg:$0x4] =	wrdreg $0xC0  }
0xc0: {  	_ =	task [dreg:s22], $0x5FFFF  }
0xc1: {  	[dreg:$0x1] =	wrdreg $0xFFFFFFFF  }
0xc2: {  	[dreg:$0x0] =	wrdreg $0x60  }
0xc3: {  	[dreg:$0x2] =	wrdreg s24  }
0xc4: {  	[dreg:$0x3] =	wrdreg s17  }
0xc5: {  	[dreg:$0x4] =	wrdreg $0x9  }
0xc6: {  	_ =	task.clear_ibuf [dreg:s22], $0x5FFFF;
	_ =	strace $0x90000049  }
0xc7: {  	s29 =	simm.s32 $0x9;
	_ =	strace $0x8000004B  }
0xc8: {  	_ =	swait.ge [sflag:s29], $0x1  }
0xc9: {  	[sflag:s29] =	ssyncadd.s32 $0xFFFFFFFF  }
0xca: {  	_ =	strace $0x9000004B  }
0xcb: {  	_ =	sfence  }
0xcc: {  	s30 =	sld [smem:$0x0];
	_ =	sdelay $0x2  }
0xcd: {  	s31 =	sshll.u32 s1, $0xD;
	s1 =	sshrl.u32 s1, $0x2  }
0xce: {  	s4 =	sand.u32 $0x4000, s31;
	s1 =	sadd.s32 s1, s30  }
0xcf: {  	s0 =	sor.u32 s4, s0;
	s1 =	sshll.u32 s1, $0x11  }
0xd0: {  	s0 =	sor.u32 s1, s0  }
0xd1: {  	s0 =	sadd.s32 $0x8F2B, s0  }
0xd2: {  	[sflag:s0] =	ssyncadd.remote.s32 $0x1  }
0xd3: {  	_ =	sfence.sel $0xFFFF  }
0xd4: {  	[dreg:$0x0] =	wrdreg $0xFFFFFFFF;
	(pc) =	sbr.abs _section_cstart, $3  }
0xd5: {  	[dreg:$0x1] =	wrdreg $0xFFFFFFFF  }
0xd6: {  	_ =	task.clear_ibuf [dreg:s22], $0x2FFFF;
	_ =	strace $0x9FFFFFFF  }
0xd7: {  	(tm) =	ssettm $0x7FFFFFFF  }
tec
execute0_lowered:
.L_overlay_start_1:
0x0: {  	(tag) =	ssettag $0x1  }
0x1: {  	s6 =	rddreg [dreg:$0x0]  }
0x2: {  	s1 =	rddreg [dreg:$0x1]  }
0x3: {  	s0 =	rddreg [dreg:$0x2];
	s2 =	simm.s32 $0x0  }
0x4: {  	s3 =	srdreg.scid;
	s9 =	simm.s32 $0x2;
	s10 =	simm.s32 $0x210  }
.Ltmp0:
0x5: {  	s11 =	simm.s32 $0x420;
	s4 =	sand.u32 $0x1, s3;
	(pc) =	sbr.rel .LBB2_1-.Ltmp0, $4  }
0x6: {  	s12 =	simm.s32 $0x1;
	s13 =	simm.s32 $0x0;
	s7 =	ssub.s32 $0x2, s4  }
0x7: {  	[smem:$0x7FF] =	sst s2;
	s5 =	sadd.s32 $0xA800, s6;
	s8 =	sshrl.u32 s7, $0x1  }
0x8: {  	s3 =	stileid.u32;
	s6 =	sadd.s32 $0xA00, s6;
	s8 =	ssub.s32 s7, s8  }
0x9: {  	v0 =	vlaneseq.u32;
	_ =	strace $0x8000004A;
	s7 =	sshll.u32 s3, $0x1;
	s8 =	smax.u32 s8, $0x1  }
.LBB2_7:
0xa: {  	s13 =	sadd.s32 $0x1, s13  }
0xb: {  	p0 =	sne.s32 s13, s8  }
.Ltmp1:
0xc: {  	_ = 	snop;
	(pc) =	sbr.rel @!p0 .LBB2_8-.Ltmp1, $1  }
0xd: {  	_ =	sdelay $0x3  }
.LBB2_1:
.Ltmp2:
0xe: {  	(pc) =	sbr.rel .LBB2_2-.Ltmp2, $2  }
0xf: {  	_ =	sdelay $0x2  }
0x10: {  	s14 =	simm.s32 $0x0  }
.LBB2_6:
0x11: {  	s14 =	sadd.s32 $0x1, s14  }
0x12: {  	p0 =	sne.s32 s14, $0x14  }
.Ltmp3:
0x13: {  	_ = 	snop;
	(pc) =	sbr.rel @!p0 .LBB2_7-.Ltmp3, $1  }
0x14: {  	_ =	sdelay $0x3  }
.LBB2_2:
0x15: {  	s15 =	sshll.u32 s14, $0x5  }
0x16: {  	s15 =	sor.u32 s15, s7  }
0x17: {  	s15 =	sor.u32 s4, s15  }
0x18: {  	p0 =	sgt.u32 s15, $0x270  }
.Ltmp4:
0x19: {  	_ = 	snop;
	(pc) =	sbr.rel @p0 .LBB2_6-.Ltmp4, $1  }
0x1a: {  	_ =	sdelay $0x3  }
0x1b: {  	s17 =	sshll.u32 s15, $0x6  }
0x1c: {  	s16 =	simm.s32 $0x0;
	s18 =	sadd.s32 s5, s17  }
0x1d: {  	v1 =	vor.u32 s16, v0;
	[tilespmem:s16], [sflag:$0x2] =	stream.linear.gather [hbm4b:s18+s16], $0x200, $0x38;
	[tilespmem:$0x6820] =	vst v63  }
0x1e: {  	v2 =	vmul.u32 $0x147B, v1;
	_ =	swait.ge [sflag:s9], $0x200  }
0x1f: {  	[sflag:s9] =	ssyncset.done $0x0  }
0x20: {  	s17 =	sadd.s32 s6, s17;
	v2 =	vshrl.u32 v2, $0x11;
	[sflag:s9] =	ssyncadd.s32 $0xFFFFFE00  }
0x21: {  	[tilespmem:s10], [sflag:$0x2] =	stream.linear.gather [hbm4b:s17+s16], $0x200, $0x38;
	[tilespmem:$0x6820] =	vst v63  }
0x22: {  	_ =	swait.ge [sflag:s9], $0x200  }
0x23: {  	[sflag:s9] =	ssyncset.done $0x0  }
0x24: {  	v3 =	vmul.u32 $0xFFFFFFE7, v2;
	[sflag:s9] =	ssyncadd.s32 $0xFFFFFE00  }
0x25: {  	v4 =	vld.idx.msk [tilespmem:v2+s2+$0x0], $0xffff  }
0x26: {  	s17 =	simm.s32 $0x10;
	v5 =	vadd.s32 v1, v3  }
0x27: {  	v1 =	vor.u32 s17, v0;
	v6 =	vld.idx.msk [tilespmem:v2+s10+$0x0], $0xffff;
	v2 =	vmul.u32 $0x34, v5  }
0x28: {  	v3 =	vmul.u32 $0x147B, v1  }
0x29: {  	v7 =	vshrl.u32 v2, $0x8  }
0x2a: {  	v2 =	vshrl.u32 v3, $0x11;
	v8 =	vmul.u32 $0xFFFFFFFB, v7;
	v9 =	vmul.u32 $0x5, v4  }
0x2b: {  	s19 =	sand.u32 $0x7F00, s16;
	s20 =	sand.u32 $0x70, s16;
	v3 =	vmul.u32 $0xFFFFFFE7, v2  }
0x2c: {  	s18 =	simm.s32 $0x20;
	s19 =	sor.u32 s20, s19;
	v4 =	vadd.s32 v5, v8;
	v5 =	vmul.u32 $0x5, v6;
	v6 =	vadd.s32 v7, v9  }
.LBB2_4:
0x2d: {  	p0 =	sne.s32 s18, $0x31F0  }
0x2e: {  	[tilespmem:s19+$0x420] =	vst v6;
	v4 =	vadd.s32 v5, v4;
	s16 =	sadd.s32 $0x20, s16;
	s20 =	smov.u32 s18;
	s18 =	sadd.s32 $0x10, s18  }
0x2f: {  	[tilespmem:s19+$0x4A0] =	vst v4  }
0x30: {  	v4 =	vld.idx.msk [tilespmem:v2+s2+$0x0], $0xffff  }
0x31: {  	v5 =	vadd.s32 v1, v3;
	v6 =	vld.idx.msk [tilespmem:v2+s10+$0x0], $0xffff  }
0x32: {  	v2 =	vmul.u32 $0x34, v5  }
0x33: {  	v1 =	vor.u32 s20, v0  }
.Ltmp5:
0x34: {  	v3 =	vmul.u32 $0x147B, v1;
	v7 =	vshrl.u32 v2, $0x8;
	(pc) =	sbr.rel @p0 .LBB2_4-.Ltmp5, $4  }
0x35: {  	v8 =	vmul.u32 $0xFFFFFFFB, v7  }
0x36: {  	v2 =	vshrl.u32 v3, $0x11;
	v9 =	vmul.u32 $0x5, v4  }
0x37: {  	s21 =	sand.u32 $0x70, s17;
	s19 =	sand.u32 $0x7F00, s16;
	s17 =	smov.u32 s20;
	v3 =	vmul.u32 $0xFFFFFFE7, v2;
	v4 =	vadd.s32 v5, v8;
	v5 =	vmul.u32 $0x5, v6  }
0x38: {  	s19 =	sor.u32 s21, s19;
	v6 =	vadd.s32 v7, v9  }
0x39: {  	_ =	sdelay $0x1  }
0x3a: {  	[tilespmem:s19+$0x420] =	vst v6;
	v4 =	vadd.s32 v5, v4  }
0x3b: {  	[tilespmem:s19+$0x4A0] =	vst v4  }
0x3c: {  	v4 =	vld.idx.msk [tilespmem:v2+s2+$0x0], $0xffff  }
0x3d: {  	v1 =	vadd.s32 v1, v3;
	v2 =	vld.idx.msk [tilespmem:v2+s10+$0x0], $0xffff  }
0x3e: {  	v3 =	vmul.u32 $0x34, v1;
	_ =	sdelay $0x1  }
0x3f: {  	v3 =	vshrl.u32 v3, $0x8  }
0x40: {  	s16 =	sadd.s32 $0x20, s16;
	v63 =	vmul.u32 $0xFFFFFFFB, v3;
	v4 =	vmul.u32 $0x5, v4  }
0x41: {  	s17 =	sand.u32 $0x70, s17;
	s16 =	sand.u32 $0x7F00, s16;
	v2 =	vmul.u32 $0x5, v2  }
0x42: {  	s15 =	smul.u32 $0xC80, s15;
	s16 =	sor.u32 s17, s16;
	v1 =	vadd.s32 v1, v63;
	v3 =	vadd.s32 v3, v4  }
0x43: {  	v1 =	vadd.s32 v2, v1;
	[tilespmem:s16+$0x420] =	vst v3  }
.Ltmp6:
0x44: {  	s15 =	sadd.s32 s1, s15;
	[tilespmem:s16+$0x4A0] =	vst v1;
	(pc) =	sbr.rel .LBB2_6-.Ltmp6, $4  }
0x45: {  	[hbm4b:s15+s2] =	stream.linear.scatter [tilespmem:s11], [sflag:$0x1], $0x6400, $0x38;
	[tilespmem:$0x6820] =	vst v63  }
0x46: {  	_ =	swait.ge [sflag:s12], $0x6400  }
0x47: {  	[sflag:s12] =	ssyncset.done $0x0  }
0x48: {  	[sflag:s12] =	ssyncadd.s32 $0xFFFF9C00  }
.LBB2_8:
0x49: {  	_ =	sfence.sel $0x180000  }
0x4a: {  	[bflag:$0x0] =	sbarrier.arrive $0xFFFF  }
0x4b: {  	p0 =	sne.s32 s3, $0x0;
	_ =	strace $0x9000004A  }
0x4c: {  	s0 =	sadd.s32 @!p0 $0x100000, s0;
	[bflag:$0x2] =	sbarrier.arrive $0xFFFF  }
0x4d: {  	[sflag:s0] =	ssyncadd.tile.s32 @!p0 $0x1;
	_ =	shalt  }
.Lfunc_end2:
_tile_overlayer_lowered:
.L_overlay_start_2:
0x4e: {  	(tag) =	ssettag $0x2  }
0x4f: {  	s0 =	rddreg [dreg:$0x0];
	s2 =	stileid.u32  }
0x50: {  	s1 =	rddreg [dreg:$0x1];
	p0 =	sne.s32 s2, $0x0  }
0x51: {  	s3 =	rddreg [dreg:$0x2];
	[bflag:$0x3] =	sbarrier.arrive $0xFFFF;
	s2 =	simm.s32 @!p0 $0x1C01  }
0x52: {  	[timem:s3], [sflag:s2] =	dma.local @!p0 [hbm:s0], s1  }
0x53: {  	s0 =	simm.s32 @!p0 $0x1  }
0x54: {  	_ =	swait.ge @!p0 [sflag:s0], s1  }
0x55: {  	s1 =	ssub.s32 @!p0 $0x0, s1;
	[sflag:s0] =	ssyncset.done @!p0 $0x0  }
0x56: {  	[sflag:s0] =	ssyncadd.s32 @!p0 s1  }
0x57: {  	[bflag:$0x3] =	sbarrier.arrive $0xFFFF  }
0x58: {  	_ =	shalt  }

// kernel: kernel.9.cloned.1.call-start
scs
__scs_entry_jumppad:
0x0: {  	(pc) =	sbr.rel $0x88, $3  }
0x1: {  	(tag) =	ssettag $0x0;
	lr =	simm.s32 $0x1  }
0x2: {  	[smem:$0x3F9A] =	sst lr;
	_ =	strace $0xD0000000  }
0x3: {  	_ = 	snop  }
0x4: {  	_ = 	snop  }
0x5: {  	_ = 	snop  }
0x6: {  	_ = 	snop  }
0x7: {  	_ = 	snop  }
__scs_overlays_trampoline_lowered:
0x8: {  	[smem:$0x3FA9] =	sst s0  }
0x9: {  	[smem:$0x3FAA] =	sst s1  }
0xa: {  	[smem:$0x3FAB] =	sst s2  }
0xb: {  	[smem:$0x3FAC] =	sst s3  }
0xc: {  	[smem:$0x3FAD] =	sst s4  }
0xd: {  	[smem:$0x3FAE] =	sst s5  }
0xe: {  	[smem:$0x3FAF] =	sst s6  }
0xf: {  	[smem:$0x3FB0] =	sst s7  }
0x10: {  	[smem:$0x3FB1] =	sst s8  }
0x11: {  	[smem:$0x3FB2] =	sst s9;
	s0 =	simm.s32 @!p0 $0x0  }
0x12: {  	s1 =	sld [smem:$0x3F98];
	s0 =	simm.s32 @p0 $0x1  }
0x13: {  	[smem:$0x3FB3] =	sst s0;
	s0 =	simm.s32 @!p1 $0x0  }
0x14: {  	s2 =	sld [smem:$0x3F97];
	s0 =	simm.s32 @p1 $0x1  }
0x15: {  	[smem:$0x3FB4] =	sst s0;
	s0 =	simm.s32 @!p2 $0x0  }
0x16: {  	s3 =	sld [smem:$0x3FDB];
	s0 =	simm.s32 @p2 $0x1  }
0x17: {  	s4 =	simm.s32 $0x1BF5;
	[smem:$0x3FB6] =	sst s0  }
0x18: {  	s0 =	sld [smem:$0x3F99];
	_ =	swait.ge [sflag:s4], $0x0  }
0x19: {  	s7 =	sld [smem:$0x3F9A]  }
0x1a: {  	s8 =	sadd.s32 $0xFFFFE003, lr  }
0x1b: {  	s9 =	sadd.s32 $0xFFFFFEF7, lr;
	s5 =	simm.s32 $0xFFFFFFFF;
	p2 =	slt.u32 s8, $0xFFFFF086  }
0x1c: {  	p1 =	slt.u32 s9, $0xF7A;
	s5 =	simm.s32 @!p2 $0x0  }
0x1d: {  	s5 =	simm.s32 @p1 $0x1;
	p0 =	seq.s32 s7, s2  }
0x1e: {  	s7 =	smul.u32 @!p0 $0xF7A, s2;
	p2 =	seq.s32 @!p0 s5, $0x0  }
0x1f: {  	s9 =	smul.u32 $0xF7A, s1;
	s8 =	simm.s32 @!p0 $0x1BF5;
	p2 =	por !p2, p0  }
0x20: {  	[sflag:s8] =	ssyncset.s32 @!p0 $0xFFFFF086;
	s6 =	sadd.s32 @!p0 s3, s7;
	s7 =	simm.s32 @!p0 $0x108  }
0x21: {  	s3 =	sadd.s32 s3, s9;
	s6 =	sadd.s32 @!p0 $0x88, s6;
	s7 =	simm.s32 @p2 $0x1082  }
0x22: {  	[simem:s7], [sflag:s8] =	dma.local @!p0 [hbm:s6], $0xF7A  }
0x23: {  	s9 =	sor.u32 $0xD0000000, s2;
	s6 =	simm.s32 $0x108;
	_ =	swait.ge @!p0 [sflag:s8], $0x0  }
0x24: {  	s3 =	sadd.s32 $0x88, s3;
	s6 =	simm.s32 @!p1 $0x1082;
	[sflag:s4] =	ssyncset.s32 $0xFFFFF086  }
0x25: {  	[simem:s6], [sflag:s4] =	dma.local [hbm:s3], $0xF7A  }
0x26: {  	[smem:$0x3F9A] =	sst s1;
	(tag) =	ssettag s2;
	_ =	strace s9  }
0x27: {  	s1 =	sld [smem:$0x3FAA]  }
0x28: {  	s2 =	sld [smem:$0x3FAB]  }
0x29: {  	s4 =	sld [smem:$0x3FAD]  }
0x2a: {  	p0 =	seq.s32 s5, $0x0;
	s5 =	sld [smem:$0x3FAE]  }
0x2b: {  	s6 =	sld [smem:$0x3FAF]  }
0x2c: {  	s7 =	sld [smem:$0x3FB0]  }
0x2d: {  	s3 =	simm.s32 $0x108;
	s8 =	sld [smem:$0x3FB1]  }
0x2e: {  	s3 =	simm.s32 @!p0 $0x1082;
	s9 =	sld [smem:$0x3FB2]  }
0x2f: {  	lr =	sadd.s32 s0, s3;
	s0 =	sld [smem:$0x3FA9]  }
0x30: {  	s3 =	sld [smem:$0x3FAC]  }
0x31: {  	[smem:$0x3FB5] =	sst s10  }
0x32: {  	s10 =	sld [smem:$0x3FB3];
	_ =	sdelay $0x3  }
0x33: {  	p0 =	seq.s32 s10, $0x1;
	s10 =	sld [smem:$0x3FB5];
	_ =	sdelay $0x3  }
0x34: {  	[smem:$0x3FB5] =	sst s10  }
0x35: {  	s10 =	sld [smem:$0x3FB4];
	_ =	sdelay $0x3  }
0x36: {  	p1 =	seq.s32 s10, $0x1;
	s10 =	sld [smem:$0x3FB5];
	_ =	sdelay $0x3  }
0x37: {  	[smem:$0x3FB5] =	sst s10  }
0x38: {  	s10 =	sld [smem:$0x3FB6]  }
0x39: {  	_ = 	snop;
	(pc) =	sbr.ind lr, $3  }
0x3a: {  	_ = 	snop  }
0x3b: {  	_ = 	snop  }
0x3c: {  	p2 =	seq.s32 s10, $0x1;
	s10 =	sld [smem:$0x3FB5]  }
0x3d: {  	_ =	shalt  }
0x3e: {  	_ =	shalt  }
0x3f: {  	_ =	shalt  }
0x40: {  	_ =	shalt  }
0x41: {  	_ =	shalt  }
0x42: {  	_ =	shalt  }
0x43: {  	_ =	shalt  }
0x44: {  	_ =	shalt  }
0x45: {  	_ =	shalt  }
0x46: {  	_ =	shalt  }
0x47: {  	_ =	shalt  }
0x48: {  	_ =	shalt  }
0x49: {  	_ =	shalt  }
0x4a: {  	_ =	shalt  }
0x4b: {  	_ =	shalt  }
0x4c: {  	_ =	shalt  }
0x4d: {  	_ =	shalt  }
0x4e: {  	_ =	shalt  }
0x4f: {  	_ =	shalt  }
0x50: {  	_ =	shalt  }
0x51: {  	_ =	shalt  }
0x52: {  	_ =	shalt  }
0x53: {  	_ =	shalt  }
0x54: {  	_ =	shalt  }
0x55: {  	_ =	shalt  }
0x56: {  	_ =	shalt  }
0x57: {  	_ =	shalt  }
0x58: {  	_ =	shalt  }
0x59: {  	_ =	shalt  }
0x5a: {  	_ =	shalt  }
0x5b: {  	_ =	shalt  }
0x5c: {  	_ =	shalt  }
0x5d: {  	_ =	shalt  }
0x5e: {  	_ =	shalt  }
0x5f: {  	_ =	shalt  }
0x60: {  	_ =	shalt  }
0x61: {  	_ =	shalt  }
0x62: {  	_ =	shalt  }
0x63: {  	_ =	shalt  }
0x64: {  	_ =	shalt  }
0x65: {  	_ =	shalt  }
0x66: {  	_ =	shalt  }
0x67: {  	_ =	shalt  }
0x68: {  	_ =	shalt  }
0x69: {  	_ =	shalt  }
0x6a: {  	_ =	shalt  }
0x6b: {  	_ =	shalt  }
0x6c: {  	_ =	shalt  }
0x6d: {  	_ =	shalt  }
0x6e: {  	_ =	shalt  }
0x6f: {  	_ =	shalt  }
0x70: {  	_ =	shalt  }
0x71: {  	_ =	shalt  }
0x72: {  	_ =	shalt  }
0x73: {  	_ =	shalt  }
0x74: {  	_ =	shalt  }
0x75: {  	_ =	shalt  }
0x76: {  	_ =	shalt  }
0x77: {  	_ =	shalt  }
0x78: {  	_ =	shalt  }
0x79: {  	_ =	shalt  }
0x7a: {  	_ =	shalt  }
0x7b: {  	_ =	shalt  }
0x7c: {  	_ =	shalt  }
0x7d: {  	_ =	shalt  }
0x7e: {  	_ =	shalt  }
0x7f: {  	_ =	shalt  }
0x80: {  	_ =	shalt  }
0x81: {  	_ =	shalt  }
0x82: {  	_ =	shalt  }
0x83: {  	_ =	shalt  }
0x84: {  	_ =	shalt  }
0x85: {  	_ =	shalt  }
0x86: {  	_ =	shalt  }
0x87: {  	_ =	shalt  }
.Lfunc_end0:
.L_simem_size_0:
called_computation.1_lowered:
.L_overlay_start_0:
0x88: {  	s2 =	sld [smem:$0x3FD9]  }
0x89: {  	s3 =	sld [smem:$0x3FFE];
	_ =	sdelay $0x1  }
0x8a: {  	s1 =	srdreg.scid  }
0x8b: {  	s0 =	sand.u32 $0x1, s1  }
0x8c: {  	s14 =	sshll.u32 s0, $0xA;
	s2 =	sadd.s32 s3, s2  }
0x8d: {  	s2 =	sadd.s32 s2, s14  }
0x8e: {  	[smem:$0x3FC1] =	sst s2  }
0x8f: {  	_ = 	snop  }
0x90: {  	s2 =	sld [smem:$0x3FD0];
	_ =	sdelay $0x2  }
0x91: {  	s15 =	simm.s32 $0xB;
	s4 =	simm.s32 $0x10  }
0x92: {  	[smem:s4], [sflag:s15] =	dma.local [hbm:s2], $0x1  }
0x93: {  	_ =	swait.eq [sflag:s15], $0x1  }
0x94: {  	[sflag:s15] =	ssyncset.done $0x0  }
0x95: {  	[sflag:s15] =	ssyncadd.s32 $0xFFFFFFFF  }
0x96: {  	s16 =	sld [smem:$0x10];
	(tm) =	ssettm $0x1  }
0x97: {  	s17 =	sld [smem:$0x3FFB];
	_ =	sdelay $0x3  }
0x98: {  	_ =	strace s17  }
0x99: {  	s3 =	sld [smem:$0x3FFC];
	_ =	sdelay $0x3  }
0x9a: {  	_ =	strace s3  }
0x9b: {  	s3 =	sld [smem:$0x3FFD];
	_ =	sdelay $0x3  }
0x9c: {  	_ =	strace s3  }
0x9d: {  	_ =	strace $0x8FFFFFFF  }
0x9e: {  	s18 =	sld [smem:$0x3FDB];
	_ =	sdelay $0x1  }
0x9f: {  	s19 =	simm.s32 $_scs_section_size  }
0xa0: {  	s5 =	simm.s32 $_size__tile_overlayer_lowered;
	s6 =	simm.s32 $_tile_overlayer_lowered  }
0xa1: {  	s22 =	simm.s32 $0x1BFF;
	s21 =	sshll.u32 s6, $0x1;
	s3 =	sadd.s32 s19, s18  }
0xa2: {  	s7 =	simm.s32 $0x0;
	s20 =	sshll.u32 s5, $0x1;
	s5 =	sadd.s32 s21, s3  }
0xa3: {  	[timem:s7], [sflag:s22] =	dma.local [hbm:s5], s20  }
0xa4: {  	_ =	swait.ge [sflag:s22], s20  }
0xa5: {  	s4 =	ssub.s32 $0x0, s20;
	[sflag:s22] =	ssyncset.done $0x0  }
0xa6: {  	[sflag:s22] =	ssyncadd.s32 s4;
	_ =	sdelay $0x1  }
0xa7: {  	s23 =	simm.s32 $0x1B8B  }
0xa8: {  	_ =	swait.ge [sflag:s23], $0x1  }
0xa9: {  	[sflag:s23] =	ssyncset.done $0x0  }
0xaa: {  	s25 =	simm.s32 $0x1B8E;
	s24 =	sld [smem:$0x3FFE];
	[sflag:s23] =	ssyncadd.s32 $0xFFFFFFFF  }
0xab: {  	s26 =	simm.s32 $execute0_lowered;
	[smem:$0x3FD2] =	sst s25  }
0xac: {  	s5 =	sshll.u32 s26, $0x1;
	_ =	strace $0x80000046;
	[dreg:$0x1] =	wrdreg $0xFFFFFFFF  }
0xad: {  	s28 =	simm.s32 $_size_execute0_lowered;
	s3 =	sadd.s32 s3, s5;
	[dreg:$0x0] =	wrdreg $0x0  }
0xae: {  	s5 =	sshll.u32 s28, $0x1;
	[dreg:$0x2] =	wrdreg s3  }
0xaf: {  	[dreg:$0x3] =	wrdreg s5  }
0xb0: {  	[dreg:$0x4] =	wrdreg $0xC0  }
0xb1: {  	_ =	task [dreg:s7], $0x5FFFF  }
0xb2: {  	[dreg:$0x1] =	wrdreg $0xFFFFFFFF  }
0xb3: {  	[dreg:$0x0] =	wrdreg $0x60  }
0xb4: {  	[dreg:$0x2] =	wrdreg s16  }
0xb5: {  	[dreg:$0x3] =	wrdreg s24  }
0xb6: {  	[dreg:$0x4] =	wrdreg $0xA  }
0xb7: {  	_ =	task.clear_ibuf [dreg:s7], $0x5FFFF;
	_ =	strace $0x90000046  }
0xb8: {  	s29 =	simm.s32 $0xA;
	_ =	strace $0x80000048  }
0xb9: {  	_ =	swait.ge [sflag:s29], $0x1  }
0xba: {  	[sflag:s29] =	ssyncadd.s32 $0xFFFFFFFF  }
0xbb: {  	_ =	strace $0x90000048  }
0xbc: {  	_ =	sfence  }
0xbd: {  	s30 =	sld [smem:$0x0];
	_ =	sdelay $0x2  }
0xbe: {  	s31 =	sshll.u32 s1, $0xD;
	s1 =	sshrl.u32 s1, $0x2  }
0xbf: {  	s3 =	sand.u32 $0x4000, s31;
	s1 =	sadd.s32 s1, s30  }
0xc0: {  	s0 =	sor.u32 s3, s0;
	s1 =	sshll.u32 s1, $0x11  }
0xc1: {  	s0 =	sor.u32 s1, s0  }
0xc2: {  	s0 =	sadd.s32 $0x8F2B, s0  }
0xc3: {  	[sflag:s0] =	ssyncadd.remote.s32 $0x1  }
0xc4: {  	_ =	sfence.sel $0xFFFF  }
0xc5: {  	[dreg:$0x0] =	wrdreg $0xFFFFFFFF;
	(pc) =	sbr.abs _section_cstart, $3  }
0xc6: {  	[dreg:$0x1] =	wrdreg $0xFFFFFFFF  }
0xc7: {  	_ =	task.clear_ibuf [dreg:s7], $0x2FFFF;
	_ =	strace $0x9FFFFFFF  }
0xc8: {  	(tm) =	ssettm $0x7FFFFFFF  }
0xc9: {  	_ =	shalt  }
tec
execute0_lowered:
.L_overlay_start_1:
0x0: {  	(tag) =	ssettag $0x1  }
0x1: {  	s0 =	srdreg.scid;
	s1 =	stileid.u32  }
0x2: {  	s8 =	sand.u32 $0x1, s0;
	s18 =	sshll.u32 s1, $0x1  }
0x3: {  	s2 =	rddreg [dreg:$0x0];
	s0 =	sor.u32 s8, s18  }
0x4: {  	s4 =	rddreg [dreg:$0x1];
	s3 =	simm.s32 $0x0;
	s7 =	smul.u32 $0x2710, s0  }
0x5: {  	[smem:$0x7FF] =	sst s3;
	s0 =	smul.u32 $0x27100, s0  }
0x6: {  	s5 =	sadd.s32 $0xA800, s4;
	s6 =	sadd.s32 $0xA00, s4;
	s1 =	sadd.s32 $0x14600, s4  }
0x7: {  	s4 =	sadd.s32 $0x4F6600, s4;
	_ =	strace $0x80000047;
	s19 =	sadd.s32 s1, s0  }
0x8: {  	s9 =	sshrl.u32 s7, $0x3;
	s0 =	sadd.s32 s4, s0;
	[dreg:$0x5] =	wrdreg s19  }
0x9: {  	s20 =	sadd.s32 $0x190, s7;
	s10 =	sadd.s32 s5, s9;
	[dreg:$0x6] =	wrdreg s0  }
0xa: {  	s9 =	sadd.s32 s6, s9;
	s21 =	sshrl.u32 s20, $0x3;
	[dreg:$0x3] =	wrdreg s10  }
0xb: {  	[dreg:$0x4] =	wrdreg s9;
	s22 =	sadd.s32 s5, s21  }
0xc: {  	s24 =	sshll.u32 s20, $0x4;
	s23 =	sadd.s32 s6, s21;
	[dreg:$0x7] =	wrdreg s22  }
0xd: {  	s26 =	sadd.s32 $0x320, s7;
	s25 =	sadd.s32 s1, s24;
	[dreg:$0x8] =	wrdreg s23  }
0xe: {  	s11 =	sshrl.u32 s26, $0x3;
	s9 =	sadd.s32 s4, s24;
	[dreg:$0x9] =	wrdreg s25  }
0xf: {  	s12 =	sadd.s32 s5, s11;
	[dreg:$0xa] =	wrdreg s9  }
0x10: {  	s14 =	sshll.u32 s26, $0x4;
	s13 =	sadd.s32 s6, s11;
	[dreg:$0xb] =	wrdreg s12  }
0x11: {  	s16 =	sadd.s32 $0x4B0, s7;
	s15 =	sadd.s32 s1, s14;
	[dreg:$0xc] =	wrdreg s13  }
0x12: {  	s18 =	sshrl.u32 s16, $0x3;
	s17 =	sadd.s32 s4, s14;
	[dreg:$0xd] =	wrdreg s15  }
0x13: {  	s19 =	sadd.s32 s5, s18;
	[dreg:$0xe] =	wrdreg s17  }
0x14: {  	s20 =	sadd.s32 s6, s18;
	s21 =	sshll.u32 s16, $0x4;
	[dreg:$0xf] =	wrdreg s19  }
0x15: {  	[dreg:$0x10] =	wrdreg s20;
	s22 =	sadd.s32 s1, s21;
	s23 =	sadd.s32 $0x640, s7  }
0x16: {  	s24 =	sadd.s32 s4, s21;
	[dreg:$0x11] =	wrdreg s22;
	s25 =	sshrl.u32 s23, $0x3  }
0x17: {  	[dreg:$0x12] =	wrdreg s24;
	s26 =	sadd.s32 s5, s25  }
0x18: {  	s10 =	sshll.u32 s23, $0x4;
	s9 =	sadd.s32 s6, s25;
	[dreg:$0x13] =	wrdreg s26  }
0x19: {  	s12 =	sadd.s32 $0x7D0, s7;
	s11 =	sadd.s32 s1, s10;
	[dreg:$0x14] =	wrdreg s9  }
0x1a: {  	s14 =	sshrl.u32 s12, $0x3;
	s13 =	sadd.s32 s4, s10;
	[dreg:$0x15] =	wrdreg s11  }
0x1b: {  	s15 =	sadd.s32 s5, s14;
	[dreg:$0x16] =	wrdreg s13  }
0x1c: {  	s17 =	sshll.u32 s12, $0x4;
	s16 =	sadd.s32 s6, s14;
	[dreg:$0x17] =	wrdreg s15  }
0x1d: {  	s19 =	sadd.s32 $0x960, s7;
	s18 =	sadd.s32 s1, s17;
	[dreg:$0x18] =	wrdreg s16  }
0x1e: {  	s21 =	sshrl.u32 s19, $0x3;
	s20 =	sadd.s32 s4, s17;
	[dreg:$0x19] =	wrdreg s18  }
0x1f: {  	s22 =	sadd.s32 s5, s21;
	[dreg:$0x1a] =	wrdreg s20  }
0x20: {  	s24 =	sshll.u32 s19, $0x4;
	s23 =	sadd.s32 s6, s21;
	[dreg:$0x1b] =	wrdreg s22  }
0x21: {  	s25 =	sadd.s32 s1, s24;
	[dreg:$0x1c] =	wrdreg s23;
	s26 =	sadd.s32 $0xAF0, s7  }
0x22: {  	[dreg:$0x1d] =	wrdreg s25;
	s9 =	sadd.s32 s4, s24;
	s11 =	sshrl.u32 s26, $0x3  }
0x23: {  	[dreg:$0x1e] =	wrdreg s9;
	s12 =	sadd.s32 s5, s11  }
0x24: {  	s14 =	sshll.u32 s26, $0x4;
	s13 =	sadd.s32 s6, s11;
	[dreg:$0x1f] =	wrdreg s12  }
0x25: {  	s16 =	sadd.s32 $0xC80, s7;
	s15 =	sadd.s32 s1, s14;
	[smem:$0x7CD] =	sst s13  }
0x26: {  	s18 =	sshrl.u32 s16, $0x3;
	s17 =	sadd.s32 s4, s14;
	[smem:$0x7CE] =	sst s15  }
0x27: {  	s19 =	sadd.s32 s5, s18;
	[smem:$0x7CF] =	sst s17  }
0x28: {  	s21 =	sshll.u32 s16, $0x4;
	s20 =	sadd.s32 s6, s18;
	[smem:$0x7D0] =	sst s19  }
0x29: {  	s23 =	sadd.s32 $0xE10, s7;
	s22 =	sadd.s32 s1, s21;
	[smem:$0x7D1] =	sst s20  }
0x2a: {  	s25 =	sshrl.u32 s23, $0x3;
	s24 =	sadd.s32 s4, s21;
	[smem:$0x7D2] =	sst s22  }
0x2b: {  	s26 =	sadd.s32 s5, s25;
	[smem:$0x7D3] =	sst s24  }
0x2c: {  	s10 =	sshll.u32 s23, $0x4;
	s9 =	sadd.s32 s6, s25;
	[smem:$0x7D4] =	sst s26  }
0x2d: {  	s11 =	sadd.s32 s1, s10;
	[smem:$0x7D5] =	sst s9;
	s12 =	sadd.s32 $0xFA0, s7  }
0x2e: {  	[smem:$0x7D6] =	sst s11;
	s13 =	sadd.s32 s4, s10;
	s14 =	sshrl.u32 s12, $0x3  }
0x2f: {  	[smem:$0x7D7] =	sst s13;
	s15 =	sadd.s32 s5, s14  }
0x30: {  	s17 =	sshll.u32 s12, $0x4;
	s16 =	sadd.s32 s6, s14;
	[smem:$0x7D8] =	sst s15  }
0x31: {  	s19 =	sadd.s32 $0x1130, s7;
	s18 =	sadd.s32 s1, s17;
	[smem:$0x7D9] =	sst s16  }
0x32: {  	s21 =	sshrl.u32 s19, $0x3;
	s20 =	sadd.s32 s4, s17;
	[smem:$0x7DA] =	sst s18  }
0x33: {  	s22 =	sadd.s32 s5, s21;
	[smem:$0x7DB] =	sst s20  }
0x34: {  	s24 =	sshll.u32 s19, $0x4;
	s23 =	sadd.s32 s6, s21;
	[smem:$0x7DC] =	sst s22  }
0x35: {  	s26 =	sadd.s32 $0x12C0, s7;
	s25 =	sadd.s32 s1, s24;
	[smem:$0x7DD] =	sst s23  }
0x36: {  	s11 =	sshrl.u32 s26, $0x3;
	s9 =	sadd.s32 s4, s24;
	[smem:$0x7DE] =	sst s25  }
0x37: {  	s12 =	sadd.s32 s5, s11;
	[smem:$0x7DF] =	sst s9  }
0x38: {  	s13 =	sadd.s32 s6, s11;
	s14 =	sshll.u32 s26, $0x4;
	[smem:$0x7E0] =	sst s12  }
0x39: {  	[smem:$0x7E1] =	sst s13;
	s15 =	sadd.s32 s1, s14;
	s16 =	sadd.s32 $0x1450, s7  }
0x3a: {  	s17 =	sadd.s32 s4, s14;
	[smem:$0x7E2] =	sst s15;
	s18 =	sshrl.u32 s16, $0x3  }
0x3b: {  	[smem:$0x7E3] =	sst s17;
	s19 =	sadd.s32 s5, s18  }
0x3c: {  	s21 =	sshll.u32 s16, $0x4;
	s20 =	sadd.s32 s6, s18;
	[smem:$0x7E4] =	sst s19  }
0x3d: {  	s23 =	sadd.s32 $0x15E0, s7;
	s22 =	sadd.s32 s1, s21;
	[smem:$0x7E5] =	sst s20  }
0x3e: {  	s25 =	sshrl.u32 s23, $0x3;
	s24 =	sadd.s32 s4, s21;
	[smem:$0x7E6] =	sst s22  }
0x3f: {  	s26 =	sadd.s32 s5, s25;
	[smem:$0x7E7] =	sst s24  }
0x40: {  	s10 =	sshll.u32 s23, $0x4;
	s9 =	sadd.s32 s6, s25;
	[smem:$0x7E8] =	sst s26  }
0x41: {  	s12 =	sadd.s32 $0x1770, s7;
	s11 =	sadd.s32 s1, s10;
	[smem:$0x7E9] =	sst s9  }
0x42: {  	s14 =	sshrl.u32 s12, $0x3;
	s13 =	sadd.s32 s4, s10;
	[smem:$0x7EA] =	sst s11  }
0x43: {  	s15 =	sadd.s32 s5, s14;
	[smem:$0x7EB] =	sst s13  }
0x44: {  	s17 =	sshll.u32 s12, $0x4;
	s16 =	sadd.s32 s6, s14;
	[smem:$0x7EC] =	sst s15  }
0x45: {  	s18 =	sadd.s32 s1, s17;
	[smem:$0x7ED] =	sst s16;
	s19 =	sadd.s32 $0x1900, s7  }
0x46: {  	[smem:$0x7EE] =	sst s18;
	s20 =	sadd.s32 s4, s17;
	s21 =	sshrl.u32 s19, $0x3  }
0x47: {  	p0 =	por $0x0, $0x0;
	[smem:$0x7EF] =	sst s20;
	s22 =	sadd.s32 s5, s21  }
0x48: {  	s24 =	sshll.u32 s19, $0x4;
	s23 =	sadd.s32 s6, s21;
	[smem:$0x7F0] =	sst s22  }
0x49: {  	s26 =	sadd.s32 $0x1A90, s7;
	s25 =	sadd.s32 s1, s24;
	[smem:$0x7F1] =	sst s23  }
0x4a: {  	s12 =	sshrl.u32 s26, $0x3;
	s11 =	sadd.s32 s4, s24;
	[smem:$0x7F2] =	sst s25  }
0x4b: {  	s8 =	ssub.s32 $0x2, s8;
	s13 =	sadd.s32 s5, s12;
	[smem:$0x7F3] =	sst s11  }
0x4c: {  	s15 =	sshll.u32 s26, $0x4;
	s14 =	sadd.s32 s6, s12;
	[smem:$0x7F4] =	sst s13  }
0x4d: {  	s17 =	sadd.s32 $0x1C20, s7;
	s16 =	sadd.s32 s1, s15;
	[smem:$0x7F5] =	sst s14  }
0x4e: {  	s19 =	sshrl.u32 s17, $0x3;
	s18 =	sadd.s32 s4, s15;
	[smem:$0x7F6] =	sst s16  }
0x4f: {  	s20 =	sadd.s32 s5, s19;
	s21 =	sadd.s32 s6, s19;
	[smem:$0x7F7] =	sst s18  }
0x50: {  	s24 =	sadd.s32 $0x1DB0, s7;
	s11 =	sshrl.u32 s8, $0x1;
	[smem:$0x7F8] =	sst s20  }
0x51: {  	s22 =	sshll.u32 s17, $0x4;
	[smem:$0x7F9] =	sst s21;
	s26 =	sshrl.u32 s24, $0x3  }
0x52: {  	s14 =	sadd.s32 $0x1F40, s7;
	s15 =	sshll.u32 s24, $0x4;
	s18 =	sadd.s32 $0x20D0, s7  }
0x53: {  	s20 =	sadd.s32 $0x2260, s7;
	s23 =	sadd.s32 s1, s22;
	s25 =	sadd.s32 s4, s22  }
0x54: {  	s11 =	ssub.s32 s8, s11;
	s12 =	sadd.s32 s5, s26;
	s13 =	sadd.s32 s6, s26  }
0x55: {  	s16 =	sshrl.u32 s14, $0x3;
	s31 =	sadd.s32 s1, s15;
	s30 =	sadd.s32 s4, s15  }
0x56: {  	s17 =	sshll.u32 s14, $0x4;
	s19 =	sshrl.u32 s18, $0x3;
	[smem:$0x7FA] =	sst s23  }
0x57: {  	s10 =	sshll.u32 s18, $0x4;
	s14 =	sshrl.u32 s20, $0x3;
	[smem:$0x7FB] =	sst s25  }
0x58: {  	s15 =	sadd.s32 $0x23F0, s7;
	s7 =	sadd.s32 $0x2580, s7;
	[smem:$0x7FC] =	sst s12  }
0x59: {  	s0 =	sshll.u32 s20, $0x4;
	[smem:$0x7FD] =	sst s13;
	s29 =	sadd.s32 s5, s16  }
0x5a: {  	s28 =	sadd.s32 s6, s16;
	s26 =	sadd.s32 s1, s17;
	s24 =	sadd.s32 s4, s17  }
0x5b: {  	s23 =	sadd.s32 s5, s19;
	s22 =	sadd.s32 s6, s19;
	s19 =	sadd.s32 s5, s14  }
0x5c: {  	s12 =	sshrl.u32 s15, $0x3;
	s18 =	sadd.s32 s6, s14;
	s13 =	sshrl.u32 s7, $0x3  }
0x5d: {  	s25 =	sadd.s32 s1, s10;
	s21 =	sadd.s32 s4, s10;
	s20 =	sadd.s32 s1, s0  }
0x5e: {  	s16 =	sadd.s32 s5, s12;
	s14 =	sadd.s32 s6, s12;
	s12 =	smax.u32 s11, $0x1  }
0x5f: {  	s17 =	sadd.s32 s4, s0;
	s9 =	sshll.u32 s15, $0x4;
	p1 =	sne.s32 s12, $0x1  }
.Ltmp0:
0x60: {  	s10 =	sshll.u32 s7, $0x4;
	s0 =	rddreg [dreg:$0x3];
	(pc) =	sbr.rel @!p1 .LBB2_3-.Ltmp0, $4  }
0x61: {  	s8 =	sadd.s32 s5, s13;
	s6 =	sadd.s32 s6, s13;
	s15 =	sadd.s32 s1, s9  }
0x62: {  	s13 =	sadd.s32 s4, s9;
	s7 =	sadd.s32 s1, s10;
	s4 =	sadd.s32 s4, s10  }
0x63: {  	s5 =	simm.s32 $0x2;
	s10 =	simm.s32 $0x200;
	s9 =	simm.s32 $0x400  }
0x64: {  	s11 =	simm.s32 $0x1;
	s1 =	sadd.s32 $0xFFFFFFFF, s12;
	s12 =	simm.s32 $0x190  }
0x65: {  	[tilespmem:s3], [sflag:$0x2] =	stream.linear.gather [hbm4b:s0+s3], $0x190, $0x38;
	[tilespmem:$0xCC00] =	vst v63  }
0x66: {  	_ =	swait.ge [sflag:s5], $0x190  }
0x67: {  	[sflag:s5] =	ssyncset.done $0x0  }
0x68: {  	s0 =	rddreg [dreg:$0x4];
	[sflag:s5] =	ssyncadd.s32 $0xFFFFFE70  }
0x69: {  	[tilespmem:s10], [sflag:$0x2] =	stream.linear.gather [hbm4b:s0+s3], $0x190, $0x38;
	[tilespmem:$0xCC00] =	vst v63  }
0x6a: {  	_ =	swait.ge [sflag:s5], $0x190  }
0x6b: {  	[sflag:s5] =	ssyncset.done $0x0  }
0x6c: {  	[sflag:s5] =	ssyncadd.s32 $0xFFFFFE70  }
0x6d: {  	[tilespmem:s9], [sflag:$0x1] =	stream.indirect.gather [hbm4b:s2+s12], $0x80, s3, s12, $0xb8;
	[tilespmem:$0xCC00] =	vst v63  }
0x6e: {  	_ =	swait.ge [sflag:s11], $0xC800  }
0x6f: {  	[sflag:s11] =	ssyncset.done $0x0  }
0x70: {  	s0 =	rddreg [dreg:$0x5];
	[sflag:s11] =	ssyncadd.s32 $0xFFFF3800  }
0x71: {  	[hbm4b:s0+s3] =	stream.linear.scatter [tilespmem:s9], [sflag:$0x2], $0xC800, $0x38;
	[tilespmem:$0xCC00] =	vst v63  }
0x72: {  	_ =	swait.ge [sflag:s5], $0xC800  }
0x73: {  	[sflag:s5] =	ssyncset.done $0x0  }
0x74: {  	[sflag:s5] =	ssyncadd.s32 $0xFFFF3800  }
0x75: {  	[tilespmem:s9], [sflag:$0x1] =	stream.indirect.gather [hbm4b:s2+s12], $0x80, s10, s12, $0xb8;
	[tilespmem:$0xCC00] =	vst v63  }
0x76: {  	_ =	swait.ge [sflag:s11], $0xC800  }
0x77: {  	[sflag:s11] =	ssyncset.done $0x0  }
0x78: {  	s0 =	rddreg [dreg:$0x6];
	[sflag:s11] =	ssyncadd.s32 $0xFFFF3800  }
0x79: {  	[hbm4b:s0+s3] =	stream.linear.scatter [tilespmem:s9], [sflag:$0x2], $0xC800, $0x38;
	[tilespmem:$0xCC00] =	vst v63  }
0x7a: {  	_ =	swait.ge [sflag:s5], $0xC800  }
0x7b: {  	[sflag:s5] =	ssyncset.done $0x0  }
0x7c: {  	s0 =	rddreg [dreg:$0x7];
	[sflag:s5] =	ssyncadd.s32 $0xFFFF3800  }
0x7d: {  	[tilespmem:s3], [sflag:$0x2] =	stream.linear.gather [hbm4b:s0+s3], $0x190, $0x38;
	[tilespmem:$0xCC00] =	vst v63  }
0x7e: {  	_ =	swait.ge [sflag:s5], $0x190  }
0x7f: {  	[sflag:s5] =	ssyncset.done $0x0  }
0x80: {  	s0 =	rddreg [dreg:$0x8];
	[sflag:s5] =	ssyncadd.s32 $0xFFFFFE70  }
0x81: {  	[tilespmem:s10], [sflag:$0x2] =	stream.linear.gather [hbm4b:s0+s3], $0x190, $0x38;
	[tilespmem:$0xCC00] =	vst v63  }
0x82: {  	_ =	swait.ge [sflag:s5], $0x190  }
0x83: {  	[sflag:s5] =	ssyncset.done $0x0  }
0x84: {  	[sflag:s5] =	ssyncadd.s32 $0xFFFFFE70  }
0x85: {  	[tilespmem:s9], [sflag:$0x1] =	stream.indirect.gather [hbm4b:s2+s12], $0x80, s3, s12, $0xb8;
	[tilespmem:$0xCC00] =	vst v63  }
0x86: {  	_ =	swait.ge [sflag:s11], $0xC800  }
0x87: {  	[sflag:s11] =	ssyncset.done $0x0  }
0x88: {  	s0 =	rddreg [dreg:$0x9];
	[sflag:s11] =	ssyncadd.s32 $0xFFFF3800  }
0x89: {  	[hbm4b:s0+s3] =	stream.linear.scatter [tilespmem:s9], [sflag:$0x2], $0xC800, $0x38;
	[tilespmem:$0xCC00] =	vst v63  }
0x8a: {  	_ =	swait.ge [sflag:s5], $0xC800  }
0x8b: {  	[sflag:s5] =	ssyncset.done $0x0  }
0x8c: {  	[sflag:s5] =	ssyncadd.s32 $0xFFFF3800  }
0x8d: {  	[tilespmem:s9], [sflag:$0x1] =	stream.indirect.gather [hbm4b:s2+s12], $0x80, s10, s12, $0xb8;
	[tilespmem:$0xCC00] =	vst v63  }
0x8e: {  	_ =	swait.ge [sflag:s11], $0xC800  }
0x8f: {  	[sflag:s11] =	ssyncset.done $0x0  }
0x90: {  	s0 =	rddreg [dreg:$0xa];
	[sflag:s11] =	ssyncadd.s32 $0xFFFF3800  }
0x91: {  	[hbm4b:s0+s3] =	stream.linear.scatter [tilespmem:s9], [sflag:$0x2], $0xC800, $0x38;
	[tilespmem:$0xCC00] =	vst v63  }
0x92: {  	_ =	swait.ge [sflag:s5], $0xC800  }
0x93: {  	[sflag:s5] =	ssyncset.done $0x0  }
0x94: {  	s0 =	rddreg [dreg:$0xb];
	[sflag:s5] =	ssyncadd.s32 $0xFFFF3800  }
0x95: {  	[tilespmem:s3], [sflag:$0x2] =	stream.linear.gather [hbm4b:s0+s3], $0x190, $0x38;
	[tilespmem:$0xCC00] =	vst v63  }
0x96: {  	_ =	swait.ge [sflag:s5], $0x190  }
0x97: {  	[sflag:s5] =	ssyncset.done $0x0  }
0x98: {  	s0 =	rddreg [dreg:$0xc];
	[sflag:s5] =	ssyncadd.s32 $0xFFFFFE70  }
0x99: {  	[tilespmem:s10], [sflag:$0x2] =	stream.linear.gather [hbm4b:s0+s3], $0x190, $0x38;
	[tilespmem:$0xCC00] =	vst v63  }
0x9a: {  	_ =	swait.ge [sflag:s5], $0x190  }
0x9b: {  	[sflag:s5] =	ssyncset.done $0x0  }
0x9c: {  	[sflag:s5] =	ssyncadd.s32 $0xFFFFFE70  }
0x9d: {  	[tilespmem:s9], [sflag:$0x1] =	stream.indirect.gather [hbm4b:s2+s12], $0x80, s3, s12, $0xb8;
	[tilespmem:$0xCC00] =	vst v63  }
0x9e: {  	_ =	swait.ge [sflag:s11], $0xC800  }
0x9f: {  	[sflag:s11] =	ssyncset.done $0x0  }
0xa0: {  	s0 =	rddreg [dreg:$0xd];
	[sflag:s11] =	ssyncadd.s32 $0xFFFF3800  }
0xa1: {  	[hbm4b:s0+s3] =	stream.linear.scatter [tilespmem:s9], [sflag:$0x2], $0xC800, $0x38;
	[tilespmem:$0xCC00] =	vst v63  }
0xa2: {  	_ =	swait.ge [sflag:s5], $0xC800  }
0xa3: {  	[sflag:s5] =	ssyncset.done $0x0  }
0xa4: {  	[sflag:s5] =	ssyncadd.s32 $0xFFFF3800  }
0xa5: {  	[tilespmem:s9], [sflag:$0x1] =	stream.indirect.gather [hbm4b:s2+s12], $0x80, s10, s12, $0xb8;
	[tilespmem:$0xCC00] =	vst v63  }
0xa6: {  	_ =	swait.ge [sflag:s11], $0xC800  }
0xa7: {  	[sflag:s11] =	ssyncset.done $0x0  }
0xa8: {  	s0 =	rddreg [dreg:$0xe];
	[sflag:s11] =	ssyncadd.s32 $0xFFFF3800  }
0xa9: {  	[hbm4b:s0+s3] =	stream.linear.scatter [tilespmem:s9], [sflag:$0x2], $0xC800, $0x38;
	[tilespmem:$0xCC00] =	vst v63  }
0xaa: {  	_ =	swait.ge [sflag:s5], $0xC800  }
0xab: {  	[sflag:s5] =	ssyncset.done $0x0  }
0xac: {  	s0 =	rddreg [dreg:$0xf];
	[sflag:s5] =	ssyncadd.s32 $0xFFFF3800  }
0xad: {  	[tilespmem:s3], [sflag:$0x2] =	stream.linear.gather [hbm4b:s0+s3], $0x190, $0x38;
	[tilespmem:$0xCC00] =	vst v63  }
0xae: {  	_ =	swait.ge [sflag:s5], $0x190  }
0xaf: {  	[sflag:s5] =	ssyncset.done $0x0  }
0xb0: {  	s0 =	rddreg [dreg:$0x10];
	[sflag:s5] =	ssyncadd.s32 $0xFFFFFE70  }
0xb1: {  	[tilespmem:s10], [sflag:$0x2] =	stream.linear.gather [hbm4b:s0+s3], $0x190, $0x38;
	[tilespmem:$0xCC00] =	vst v63  }
0xb2: {  	_ =	swait.ge [sflag:s5], $0x190  }
0xb3: {  	[sflag:s5] =	ssyncset.done $0x0  }
0xb4: {  	[sflag:s5] =	ssyncadd.s32 $0xFFFFFE70  }
0xb5: {  	[tilespmem:s9], [sflag:$0x1] =	stream.indirect.gather [hbm4b:s2+s12], $0x80, s3, s12, $0xb8;
	[tilespmem:$0xCC00] =	vst v63  }
0xb6: {  	_ =	swait.ge [sflag:s11], $0xC800  }
0xb7: {  	[sflag:s11] =	ssyncset.done $0x0  }
0xb8: {  	s0 =	rddreg [dreg:$0x11];
	[sflag:s11] =	ssyncadd.s32 $0xFFFF3800  }
0xb9: {  	[hbm4b:s0+s3] =	stream.linear.scatter [tilespmem:s9], [sflag:$0x2], $0xC800, $0x38;
	[tilespmem:$0xCC00] =	vst v63  }
0xba: {  	_ =	swait.ge [sflag:s5], $0xC800  }
0xbb: {  	[sflag:s5] =	ssyncset.done $0x0  }
0xbc: {  	[sflag:s5] =	ssyncadd.s32 $0xFFFF3800  }
0xbd: {  	[tilespmem:s9], [sflag:$0x1] =	stream.indirect.gather [hbm4b:s2+s12], $0x80, s10, s12, $0xb8;
	[tilespmem:$0xCC00] =	vst v63  }
0xbe: {  	_ =	swait.ge [sflag:s11], $0xC800  }
0xbf: {  	[sflag:s11] =	ssyncset.done $0x0  }
0xc0: {  	s0 =	rddreg [dreg:$0x12];
	[sflag:s11] =	ssyncadd.s32 $0xFFFF3800  }
0xc1: {  	[hbm4b:s0+s3] =	stream.linear.scatter [tilespmem:s9], [sflag:$0x2], $0xC800, $0x38;
	[tilespmem:$0xCC00] =	vst v63  }
0xc2: {  	_ =	swait.ge [sflag:s5], $0xC800  }
0xc3: {  	[sflag:s5] =	ssyncset.done $0x0  }
0xc4: {  	s0 =	rddreg [dreg:$0x13];
	[sflag:s5] =	ssyncadd.s32 $0xFFFF3800  }
0xc5: {  	[tilespmem:s3], [sflag:$0x2] =	stream.linear.gather [hbm4b:s0+s3], $0x190, $0x38;
	[tilespmem:$0xCC00] =	vst v63  }
0xc6: {  	_ =	swait.ge [sflag:s5], $0x190  }
0xc7: {  	[sflag:s5] =	ssyncset.done $0x0  }
0xc8: {  	s0 =	rddreg [dreg:$0x14];
	[sflag:s5] =	ssyncadd.s32 $0xFFFFFE70  }
0xc9: {  	[tilespmem:s10], [sflag:$0x2] =	stream.linear.gather [hbm4b:s0+s3], $0x190, $0x38;
	[tilespmem:$0xCC00] =	vst v63  }
0xca: {  	_ =	swait.ge [sflag:s5], $0x190  }
0xcb: {  	[sflag:s5] =	ssyncset.done $0x0  }
0xcc: {  	[sflag:s5] =	ssyncadd.s32 $0xFFFFFE70  }
0xcd: {  	[tilespmem:s9], [sflag:$0x1] =	stream.indirect.gather [hbm4b:s2+s12], $0x80, s3, s12, $0xb8;
	[tilespmem:$0xCC00] =	vst v63  }
0xce: {  	_ =	swait.ge [sflag:s11], $0xC800  }
0xcf: {  	[sflag:s11] =	ssyncset.done $0x0  }
0xd0: {  	s0 =	rddreg [dreg:$0x15];
	[sflag:s11] =	ssyncadd.s32 $0xFFFF3800  }
0xd1: {  	[hbm4b:s0+s3] =	stream.linear.scatter [tilespmem:s9], [sflag:$0x2], $0xC800, $0x38;
	[tilespmem:$0xCC00] =	vst v63  }
0xd2: {  	_ =	swait.ge [sflag:s5], $0xC800  }
0xd3: {  	[sflag:s5] =	ssyncset.done $0x0  }
0xd4: {  	[sflag:s5] =	ssyncadd.s32 $0xFFFF3800  }
0xd5: {  	[tilespmem:s9], [sflag:$0x1] =	stream.indirect.gather [hbm4b:s2+s12], $0x80, s10, s12, $0xb8;
	[tilespmem:$0xCC00] =	vst v63  }
0xd6: {  	_ =	swait.ge [sflag:s11], $0xC800  }
0xd7: {  	[sflag:s11] =	ssyncset.done $0x0  }
0xd8: {  	s0 =	rddreg [dreg:$0x16];
	[sflag:s11] =	ssyncadd.s32 $0xFFFF3800  }
0xd9: {  	[hbm4b:s0+s3] =	stream.linear.scatter [tilespmem:s9], [sflag:$0x2], $0xC800, $0x38;
	[tilespmem:$0xCC00] =	vst v63  }
0xda: {  	_ =	swait.ge [sflag:s5], $0xC800  }
0xdb: {  	[sflag:s5] =	ssyncset.done $0x0  }
0xdc: {  	s0 =	rddreg [dreg:$0x17];
	[sflag:s5] =	ssyncadd.s32 $0xFFFF3800  }
0xdd: {  	[tilespmem:s3], [sflag:$0x2] =	stream.linear.gather [hbm4b:s0+s3], $0x190, $0x38;
	[tilespmem:$0xCC00] =	vst v63  }
0xde: {  	_ =	swait.ge [sflag:s5], $0x190  }
0xdf: {  	[sflag:s5] =	ssyncset.done $0x0  }
0xe0: {  	s0 =	rddreg [dreg:$0x18];
	[sflag:s5] =	ssyncadd.s32 $0xFFFFFE70  }
0xe1: {  	[tilespmem:s10], [sflag:$0x2] =	stream.linear.gather [hbm4b:s0+s3], $0x190, $0x38;
	[tilespmem:$0xCC00] =	vst v63  }
0xe2: {  	_ =	swait.ge [sflag:s5], $0x190  }
0xe3: {  	[sflag:s5] =	ssyncset.done $0x0  }
0xe4: {  	[sflag:s5] =	ssyncadd.s32 $0xFFFFFE70  }
0xe5: {  	[tilespmem:s9], [sflag:$0x1] =	stream.indirect.gather [hbm4b:s2+s12], $0x80, s3, s12, $0xb8;
	[tilespmem:$0xCC00] =	vst v63  }
0xe6: {  	_ =	swait.ge [sflag:s11], $0xC800  }
0xe7: {  	[sflag:s11] =	ssyncset.done $0x0  }
0xe8: {  	s0 =	rddreg [dreg:$0x19];
	[sflag:s11] =	ssyncadd.s32 $0xFFFF3800  }
0xe9: {  	[hbm4b:s0+s3] =	stream.linear.scatter [tilespmem:s9], [sflag:$0x2], $0xC800, $0x38;
	[tilespmem:$0xCC00] =	vst v63  }
0xea: {  	_ =	swait.ge [sflag:s5], $0xC800  }
0xeb: {  	[sflag:s5] =	ssyncset.done $0x0  }
0xec: {  	[sflag:s5] =	ssyncadd.s32 $0xFFFF3800  }
0xed: {  	[tilespmem:s9], [sflag:$0x1] =	stream.indirect.gather [hbm4b:s2+s12], $0x80, s10, s12, $0xb8;
	[tilespmem:$0xCC00] =	vst v63  }
0xee: {  	_ =	swait.ge [sflag:s11], $0xC800  }
0xef: {  	[sflag:s11] =	ssyncset.done $0x0  }
0xf0: {  	s0 =	rddreg [dreg:$0x1a];
	[sflag:s11] =	ssyncadd.s32 $0xFFFF3800  }
0xf1: {  	[hbm4b:s0+s3] =	stream.linear.scatter [tilespmem:s9], [sflag:$0x2], $0xC800, $0x38;
	[tilespmem:$0xCC00] =	vst v63  }
0xf2: {  	_ =	swait.ge [sflag:s5], $0xC800  }
0xf3: {  	[sflag:s5] =	ssyncset.done $0x0  }
0xf4: {  	s0 =	rddreg [dreg:$0x1b];
	[sflag:s5] =	ssyncadd.s32 $0xFFFF3800  }
0xf5: {  	[tilespmem:s3], [sflag:$0x2] =	stream.linear.gather [hbm4b:s0+s3], $0x190, $0x38;
	[tilespmem:$0xCC00] =	vst v63  }
0xf6: {  	_ =	swait.ge [sflag:s5], $0x190  }
0xf7: {  	[sflag:s5] =	ssyncset.done $0x0  }
0xf8: {  	s0 =	rddreg [dreg:$0x1c];
	[sflag:s5] =	ssyncadd.s32 $0xFFFFFE70  }
0xf9: {  	[tilespmem:s10], [sflag:$0x2] =	stream.linear.gather [hbm4b:s0+s3], $0x190, $0x38;
	[tilespmem:$0xCC00] =	vst v63  }
0xfa: {  	_ =	swait.ge [sflag:s5], $0x190  }
0xfb: {  	[sflag:s5] =	ssyncset.done $0x0  }
0xfc: {  	[sflag:s5] =	ssyncadd.s32 $0xFFFFFE70  }
0xfd: {  	[tilespmem:s9], [sflag:$0x1] =	stream.indirect.gather [hbm4b:s2+s12], $0x80, s3, s12, $0xb8;
	[tilespmem:$0xCC00] =	vst v63  }
0xfe: {  	_ =	swait.ge [sflag:s11], $0xC800  }
0xff: {  	[sflag:s11] =	ssyncset.done $0x0  }
0x100: {  	s0 =	rddreg [dreg:$0x1d];
	[sflag:s11] =	ssyncadd.s32 $0xFFFF3800  }
0x101: {  	[hbm4b:s0+s3] =	stream.linear.scatter [tilespmem:s9], [sflag:$0x2], $0xC800, $0x38;
	[tilespmem:$0xCC00] =	vst v63  }
0x102: {  	_ =	swait.ge [sflag:s5], $0xC800  }
0x103: {  	[sflag:s5] =	ssyncset.done $0x0  }
0x104: {  	[sflag:s5] =	ssyncadd.s32 $0xFFFF3800  }
0x105: {  	[tilespmem:s9], [sflag:$0x1] =	stream.indirect.gather [hbm4b:s2+s12], $0x80, s10, s12, $0xb8;
	[tilespmem:$0xCC00] =	vst v63  }
0x106: {  	_ =	swait.ge [sflag:s11], $0xC800  }
0x107: {  	[sflag:s11] =	ssyncset.done $0x0  }
0x108: {  	s0 =	rddreg [dreg:$0x1e];
	[sflag:s11] =	ssyncadd.s32 $0xFFFF3800  }
0x109: {  	[hbm4b:s0+s3] =	stream.linear.scatter [tilespmem:s9], [sflag:$0x2], $0xC800, $0x38;
	[tilespmem:$0xCC00] =	vst v63  }
0x10a: {  	_ =	swait.ge [sflag:s5], $0xC800  }
0x10b: {  	[sflag:s5] =	ssyncset.done $0x0  }
0x10c: {  	s0 =	rddreg [dreg:$0x1f];
	[sflag:s5] =	ssyncadd.s32 $0xFFFF3800  }
0x10d: {  	[tilespmem:s3], [sflag:$0x2] =	stream.linear.gather [hbm4b:s0+s3], $0x190, $0x38;
	[tilespmem:$0xCC00] =	vst v63  }
0x10e: {  	_ =	swait.ge [sflag:s5], $0x190  }
0x10f: {  	s0 =	sld [smem:$0x7CD]  }
0x110: {  	[sflag:s5] =	ssyncset.done $0x0  }
0x111: {  	[sflag:s5] =	ssyncadd.s32 $0xFFFFFE70  }
0x112: {  	[tilespmem:s10], [sflag:$0x2] =	stream.linear.gather [hbm4b:s0+s3], $0x190, $0x38;
	[tilespmem:$0xCC00] =	vst v63  }
0x113: {  	_ =	swait.ge [sflag:s5], $0x190  }
0x114: {  	[sflag:s5] =	ssyncset.done $0x0  }
0x115: {  	[sflag:s5] =	ssyncadd.s32 $0xFFFFFE70  }
0x116: {  	[tilespmem:s9], [sflag:$0x1] =	stream.indirect.gather [hbm4b:s2+s12], $0x80, s3, s12, $0xb8;
	[tilespmem:$0xCC00] =	vst v63  }
0x117: {  	_ =	swait.ge [sflag:s11], $0xC800  }
0x118: {  	s0 =	sld [smem:$0x7CE]  }
0x119: {  	[sflag:s11] =	ssyncset.done $0x0  }
0x11a: {  	[sflag:s11] =	ssyncadd.s32 $0xFFFF3800  }
0x11b: {  	[hbm4b:s0+s3] =	stream.linear.scatter [tilespmem:s9], [sflag:$0x2], $0xC800, $0x38;
	[tilespmem:$0xCC00] =	vst v63  }
0x11c: {  	_ =	swait.ge [sflag:s5], $0xC800  }
0x11d: {  	[sflag:s5] =	ssyncset.done $0x0  }
0x11e: {  	[sflag:s5] =	ssyncadd.s32 $0xFFFF3800  }
0x11f: {  	[tilespmem:s9], [sflag:$0x1] =	stream.indirect.gather [hbm4b:s2+s12], $0x80, s10, s12, $0xb8;
	[tilespmem:$0xCC00] =	vst v63  }
0x120: {  	_ =	swait.ge [sflag:s11], $0xC800  }
0x121: {  	s0 =	sld [smem:$0x7CF]  }
0x122: {  	[sflag:s11] =	ssyncset.done $0x0  }
0x123: {  	[sflag:s11] =	ssyncadd.s32 $0xFFFF3800  }
0x124: {  	[hbm4b:s0+s3] =	stream.linear.scatter [tilespmem:s9], [sflag:$0x2], $0xC800, $0x38;
	[tilespmem:$0xCC00] =	vst v63  }
0x125: {  	_ =	swait.ge [sflag:s5], $0xC800  }
0x126: {  	s0 =	sld [smem:$0x7D0]  }
0x127: {  	[sflag:s5] =	ssyncset.done $0x0  }
0x128: {  	[sflag:s5] =	ssyncadd.s32 $0xFFFF3800  }
0x129: {  	[tilespmem:s3], [sflag:$0x2] =	stream.linear.gather [hbm4b:s0+s3], $0x190, $0x38;
	[tilespmem:$0xCC00] =	vst v63  }
0x12a: {  	_ =	swait.ge [sflag:s5], $0x190  }
0x12b: {  	s0 =	sld [smem:$0x7D1]  }
0x12c: {  	[sflag:s5] =	ssyncset.done $0x0  }
0x12d: {  	[sflag:s5] =	ssyncadd.s32 $0xFFFFFE70  }
0x12e: {  	[tilespmem:s10], [sflag:$0x2] =	stream.linear.gather [hbm4b:s0+s3], $0x190, $0x38;
	[tilespmem:$0xCC00] =	vst v63  }
0x12f: {  	_ =	swait.ge [sflag:s5], $0x190  }
0x130: {  	[sflag:s5] =	ssyncset.done $0x0  }
0x131: {  	[sflag:s5] =	ssyncadd.s32 $0xFFFFFE70  }
0x132: {  	[tilespmem:s9], [sflag:$0x1] =	stream.indirect.gather [hbm4b:s2+s12], $0x80, s3, s12, $0xb8;
	[tilespmem:$0xCC00] =	vst v63  }
0x133: {  	_ =	swait.ge [sflag:s11], $0xC800  }
0x134: {  	s0 =	sld [smem:$0x7D2]  }
0x135: {  	[sflag:s11] =	ssyncset.done $0x0  }
0x136: {  	[sflag:s11] =	ssyncadd.s32 $0xFFFF3800  }
0x137: {  	[hbm4b:s0+s3] =	stream.linear.scatter [tilespmem:s9], [sflag:$0x2], $0xC800, $0x38;
	[tilespmem:$0xCC00] =	vst v63  }
0x138: {  	_ =	swait.ge [sflag:s5], $0xC800  }
0x139: {  	[sflag:s5] =	ssyncset.done $0x0  }
0x13a: {  	[sflag:s5] =	ssyncadd.s32 $0xFFFF3800  }
0x13b: {  	[tilespmem:s9], [sflag:$0x1] =	stream.indirect.gather [hbm4b:s2+s12], $0x80, s10, s12, $0xb8;
	[tilespmem:$0xCC00] =	vst v63  }
0x13c: {  	_ =	swait.ge [sflag:s11], $0xC800  }
0x13d: {  	s0 =	sld [smem:$0x7D3]  }
0x13e: {  	[sflag:s11] =	ssyncset.done $0x0  }
0x13f: {  	[sflag:s11] =	ssyncadd.s32 $0xFFFF3800  }
0x140: {  	[hbm4b:s0+s3] =	stream.linear.scatter [tilespmem:s9], [sflag:$0x2], $0xC800, $0x38;
	[tilespmem:$0xCC00] =	vst v63  }
0x141: {  	_ =	swait.ge [sflag:s5], $0xC800  }
0x142: {  	s0 =	sld [smem:$0x7D4]  }
0x143: {  	[sflag:s5] =	ssyncset.done $0x0  }
0x144: {  	[sflag:s5] =	ssyncadd.s32 $0xFFFF3800  }
0x145: {  	[tilespmem:s3], [sflag:$0x2] =	stream.linear.gather [hbm4b:s0+s3], $0x190, $0x38;
	[tilespmem:$0xCC00] =	vst v63  }
0x146: {  	_ =	swait.ge [sflag:s5], $0x190  }
0x147: {  	s0 =	sld [smem:$0x7D5]  }
0x148: {  	[sflag:s5] =	ssyncset.done $0x0  }
0x149: {  	[sflag:s5] =	ssyncadd.s32 $0xFFFFFE70  }
0x14a: {  	[tilespmem:s10], [sflag:$0x2] =	stream.linear.gather [hbm4b:s0+s3], $0x190, $0x38;
	[tilespmem:$0xCC00] =	vst v63  }
0x14b: {  	_ =	swait.ge [sflag:s5], $0x190  }
0x14c: {  	[sflag:s5] =	ssyncset.done $0x0  }
0x14d: {  	[sflag:s5] =	ssyncadd.s32 $0xFFFFFE70  }
0x14e: {  	[tilespmem:s9], [sflag:$0x1] =	stream.indirect.gather [hbm4b:s2+s12], $0x80, s3, s12, $0xb8;
	[tilespmem:$0xCC00] =	vst v63  }
0x14f: {  	_ =	swait.ge [sflag:s11], $0xC800  }
0x150: {  	s0 =	sld [smem:$0x7D6]  }
0x151: {  	[sflag:s11] =	ssyncset.done $0x0  }
0x152: {  	[sflag:s11] =	ssyncadd.s32 $0xFFFF3800  }
0x153: {  	[hbm4b:s0+s3] =	stream.linear.scatter [tilespmem:s9], [sflag:$0x2], $0xC800, $0x38;
	[tilespmem:$0xCC00] =	vst v63  }
0x154: {  	_ =	swait.ge [sflag:s5], $0xC800  }
0x155: {  	[sflag:s5] =	ssyncset.done $0x0  }
0x156: {  	[sflag:s5] =	ssyncadd.s32 $0xFFFF3800  }
0x157: {  	[tilespmem:s9], [sflag:$0x1] =	stream.indirect.gather [hbm4b:s2+s12], $0x80, s10, s12, $0xb8;
	[tilespmem:$0xCC00] =	vst v63  }
0x158: {  	_ =	swait.ge [sflag:s11], $0xC800  }
0x159: {  	s0 =	sld [smem:$0x7D7]  }
0x15a: {  	[sflag:s11] =	ssyncset.done $0x0  }
0x15b: {  	[sflag:s11] =	ssyncadd.s32 $0xFFFF3800  }
0x15c: {  	[hbm4b:s0+s3] =	stream.linear.scatter [tilespmem:s9], [sflag:$0x2], $0xC800, $0x38;
	[tilespmem:$0xCC00] =	vst v63  }
0x15d: {  	_ =	swait.ge [sflag:s5], $0xC800  }
0x15e: {  	s0 =	sld [smem:$0x7D8]  }
0x15f: {  	[sflag:s5] =	ssyncset.done $0x0  }
0x160: {  	[sflag:s5] =	ssyncadd.s32 $0xFFFF3800  }
0x161: {  	[tilespmem:s3], [sflag:$0x2] =	stream.linear.gather [hbm4b:s0+s3], $0x190, $0x38;
	[tilespmem:$0xCC00] =	vst v63  }
0x162: {  	_ =	swait.ge [sflag:s5], $0x190  }
0x163: {  	s0 =	sld [smem:$0x7D9]  }
0x164: {  	[sflag:s5] =	ssyncset.done $0x0  }
0x165: {  	[sflag:s5] =	ssyncadd.s32 $0xFFFFFE70  }
0x166: {  	[tilespmem:s10], [sflag:$0x2] =	stream.linear.gather [hbm4b:s0+s3], $0x190, $0x38;
	[tilespmem:$0xCC00] =	vst v63  }
0x167: {  	_ =	swait.ge [sflag:s5], $0x190  }
0x168: {  	[sflag:s5] =	ssyncset.done $0x0  }
0x169: {  	[sflag:s5] =	ssyncadd.s32 $0xFFFFFE70  }
0x16a: {  	[tilespmem:s9], [sflag:$0x1] =	stream.indirect.gather [hbm4b:s2+s12], $0x80, s3, s12, $0xb8;
	[tilespmem:$0xCC00] =	vst v63  }
0x16b: {  	_ =	swait.ge [sflag:s11], $0xC800  }
0x16c: {  	s0 =	sld [smem:$0x7DA]  }
0x16d: {  	[sflag:s11] =	ssyncset.done $0x0  }
0x16e: {  	[sflag:s11] =	ssyncadd.s32 $0xFFFF3800  }
0x16f: {  	[hbm4b:s0+s3] =	stream.linear.scatter [tilespmem:s9], [sflag:$0x2], $0xC800, $0x38;
	[tilespmem:$0xCC00] =	vst v63  }
0x170: {  	_ =	swait.ge [sflag:s5], $0xC800  }
0x171: {  	[sflag:s5] =	ssyncset.done $0x0  }
0x172: {  	[sflag:s5] =	ssyncadd.s32 $0xFFFF3800  }
0x173: {  	[tilespmem:s9], [sflag:$0x1] =	stream.indirect.gather [hbm4b:s2+s12], $0x80, s10, s12, $0xb8;
	[tilespmem:$0xCC00] =	vst v63  }
0x174: {  	_ =	swait.ge [sflag:s11], $0xC800  }
0x175: {  	s0 =	sld [smem:$0x7DB]  }
0x176: {  	[sflag:s11] =	ssyncset.done $0x0  }
0x177: {  	[sflag:s11] =	ssyncadd.s32 $0xFFFF3800  }
0x178: {  	[hbm4b:s0+s3] =	stream.linear.scatter [tilespmem:s9], [sflag:$0x2], $0xC800, $0x38;
	[tilespmem:$0xCC00] =	vst v63  }
0x179: {  	_ =	swait.ge [sflag:s5], $0xC800  }
0x17a: {  	s0 =	sld [smem:$0x7DC]  }
0x17b: {  	[sflag:s5] =	ssyncset.done $0x0  }
0x17c: {  	[sflag:s5] =	ssyncadd.s32 $0xFFFF3800  }
0x17d: {  	[tilespmem:s3], [sflag:$0x2] =	stream.linear.gather [hbm4b:s0+s3], $0x190, $0x38;
	[tilespmem:$0xCC00] =	vst v63  }
0x17e: {  	_ =	swait.ge [sflag:s5], $0x190  }
0x17f: {  	s0 =	sld [smem:$0x7DD]  }
0x180: {  	[sflag:s5] =	ssyncset.done $0x0  }
0x181: {  	[sflag:s5] =	ssyncadd.s32 $0xFFFFFE70  }
0x182: {  	[tilespmem:s10], [sflag:$0x2] =	stream.linear.gather [hbm4b:s0+s3], $0x190, $0x38;
	[tilespmem:$0xCC00] =	vst v63  }
0x183: {  	_ =	swait.ge [sflag:s5], $0x190  }
0x184: {  	[sflag:s5] =	ssyncset.done $0x0  }
0x185: {  	[sflag:s5] =	ssyncadd.s32 $0xFFFFFE70  }
0x186: {  	[tilespmem:s9], [sflag:$0x1] =	stream.indirect.gather [hbm4b:s2+s12], $0x80, s3, s12, $0xb8;
	[tilespmem:$0xCC00] =	vst v63  }
0x187: {  	_ =	swait.ge [sflag:s11], $0xC800  }
0x188: {  	s0 =	sld [smem:$0x7DE]  }
0x189: {  	[sflag:s11] =	ssyncset.done $0x0  }
0x18a: {  	[sflag:s11] =	ssyncadd.s32 $0xFFFF3800  }
0x18b: {  	[hbm4b:s0+s3] =	stream.linear.scatter [tilespmem:s9], [sflag:$0x2], $0xC800, $0x38;
	[tilespmem:$0xCC00] =	vst v63  }
0x18c: {  	_ =	swait.ge [sflag:s5], $0xC800  }
0x18d: {  	[sflag:s5] =	ssyncset.done $0x0  }
0x18e: {  	[sflag:s5] =	ssyncadd.s32 $0xFFFF3800  }
0x18f: {  	[tilespmem:s9], [sflag:$0x1] =	stream.indirect.gather [hbm4b:s2+s12], $0x80, s10, s12, $0xb8;
	[tilespmem:$0xCC00] =	vst v63  }
0x190: {  	_ =	swait.ge [sflag:s11], $0xC800  }
0x191: {  	s0 =	sld [smem:$0x7DF]  }
0x192: {  	[sflag:s11] =	ssyncset.done $0x0  }
0x193: {  	[sflag:s11] =	ssyncadd.s32 $0xFFFF3800  }
0x194: {  	[hbm4b:s0+s3] =	stream.linear.scatter [tilespmem:s9], [sflag:$0x2], $0xC800, $0x38;
	[tilespmem:$0xCC00] =	vst v63  }
0x195: {  	_ =	swait.ge [sflag:s5], $0xC800  }
0x196: {  	s0 =	sld [smem:$0x7E0]  }
0x197: {  	[sflag:s5] =	ssyncset.done $0x0  }
0x198: {  	[sflag:s5] =	ssyncadd.s32 $0xFFFF3800  }
0x199: {  	[tilespmem:s3], [sflag:$0x2] =	stream.linear.gather [hbm4b:s0+s3], $0x190, $0x38;
	[tilespmem:$0xCC00] =	vst v63  }
0x19a: {  	_ =	swait.ge [sflag:s5], $0x190  }
0x19b: {  	s0 =	sld [smem:$0x7E1]  }
0x19c: {  	[sflag:s5] =	ssyncset.done $0x0  }
0x19d: {  	[sflag:s5] =	ssyncadd.s32 $0xFFFFFE70  }
0x19e: {  	[tilespmem:s10], [sflag:$0x2] =	stream.linear.gather [hbm4b:s0+s3], $0x190, $0x38;
	[tilespmem:$0xCC00] =	vst v63  }
0x19f: {  	_ =	swait.ge [sflag:s5], $0x190  }
0x1a0: {  	[sflag:s5] =	ssyncset.done $0x0  }
0x1a1: {  	[sflag:s5] =	ssyncadd.s32 $0xFFFFFE70  }
0x1a2: {  	[tilespmem:s9], [sflag:$0x1] =	stream.indirect.gather [hbm4b:s2+s12], $0x80, s3, s12, $0xb8;
	[tilespmem:$0xCC00] =	vst v63  }
0x1a3: {  	_ =	swait.ge [sflag:s11], $0xC800  }
0x1a4: {  	s0 =	sld [smem:$0x7E2]  }
0x1a5: {  	[sflag:s11] =	ssyncset.done $0x0  }
0x1a6: {  	[sflag:s11] =	ssyncadd.s32 $0xFFFF3800  }
0x1a7: {  	[hbm4b:s0+s3] =	stream.linear.scatter [tilespmem:s9], [sflag:$0x2], $0xC800, $0x38;
	[tilespmem:$0xCC00] =	vst v63  }
0x1a8: {  	_ =	swait.ge [sflag:s5], $0xC800  }
0x1a9: {  	[sflag:s5] =	ssyncset.done $0x0  }
0x1aa: {  	[sflag:s5] =	ssyncadd.s32 $0xFFFF3800  }
0x1ab: {  	[tilespmem:s9], [sflag:$0x1] =	stream.indirect.gather [hbm4b:s2+s12], $0x80, s10, s12, $0xb8;
	[tilespmem:$0xCC00] =	vst v63  }
0x1ac: {  	_ =	swait.ge [sflag:s11], $0xC800  }
0x1ad: {  	s0 =	sld [smem:$0x7E3]  }
0x1ae: {  	[sflag:s11] =	ssyncset.done $0x0  }
0x1af: {  	[sflag:s11] =	ssyncadd.s32 $0xFFFF3800  }
0x1b0: {  	[hbm4b:s0+s3] =	stream.linear.scatter [tilespmem:s9], [sflag:$0x2], $0xC800, $0x38;
	[tilespmem:$0xCC00] =	vst v63  }
0x1b1: {  	_ =	swait.ge [sflag:s5], $0xC800  }
0x1b2: {  	s0 =	sld [smem:$0x7E4]  }
0x1b3: {  	[sflag:s5] =	ssyncset.done $0x0  }
0x1b4: {  	[sflag:s5] =	ssyncadd.s32 $0xFFFF3800  }
0x1b5: {  	[tilespmem:s3], [sflag:$0x2] =	stream.linear.gather [hbm4b:s0+s3], $0x190, $0x38;
	[tilespmem:$0xCC00] =	vst v63  }
0x1b6: {  	_ =	swait.ge [sflag:s5], $0x190  }
0x1b7: {  	s0 =	sld [smem:$0x7E5]  }
0x1b8: {  	[sflag:s5] =	ssyncset.done $0x0  }
0x1b9: {  	[sflag:s5] =	ssyncadd.s32 $0xFFFFFE70  }
0x1ba: {  	[tilespmem:s10], [sflag:$0x2] =	stream.linear.gather [hbm4b:s0+s3], $0x190, $0x38;
	[tilespmem:$0xCC00] =	vst v63  }
0x1bb: {  	_ =	swait.ge [sflag:s5], $0x190  }
0x1bc: {  	[sflag:s5] =	ssyncset.done $0x0  }
0x1bd: {  	[sflag:s5] =	ssyncadd.s32 $0xFFFFFE70  }
0x1be: {  	[tilespmem:s9], [sflag:$0x1] =	stream.indirect.gather [hbm4b:s2+s12], $0x80, s3, s12, $0xb8;
	[tilespmem:$0xCC00] =	vst v63  }
0x1bf: {  	_ =	swait.ge [sflag:s11], $0xC800  }
0x1c0: {  	s0 =	sld [smem:$0x7E6]  }
0x1c1: {  	[sflag:s11] =	ssyncset.done $0x0  }
0x1c2: {  	[sflag:s11] =	ssyncadd.s32 $0xFFFF3800  }
0x1c3: {  	[hbm4b:s0+s3] =	stream.linear.scatter [tilespmem:s9], [sflag:$0x2], $0xC800, $0x38;
	[tilespmem:$0xCC00] =	vst v63  }
0x1c4: {  	_ =	swait.ge [sflag:s5], $0xC800  }
0x1c5: {  	[sflag:s5] =	ssyncset.done $0x0  }
0x1c6: {  	[sflag:s5] =	ssyncadd.s32 $0xFFFF3800  }
0x1c7: {  	[tilespmem:s9], [sflag:$0x1] =	stream.indirect.gather [hbm4b:s2+s12], $0x80, s10, s12, $0xb8;
	[tilespmem:$0xCC00] =	vst v63  }
0x1c8: {  	_ =	swait.ge [sflag:s11], $0xC800  }
0x1c9: {  	s0 =	sld [smem:$0x7E7]  }
0x1ca: {  	[sflag:s11] =	ssyncset.done $0x0  }
0x1cb: {  	[sflag:s11] =	ssyncadd.s32 $0xFFFF3800  }
0x1cc: {  	[hbm4b:s0+s3] =	stream.linear.scatter [tilespmem:s9], [sflag:$0x2], $0xC800, $0x38;
	[tilespmem:$0xCC00] =	vst v63  }
0x1cd: {  	_ =	swait.ge [sflag:s5], $0xC800  }
0x1ce: {  	s0 =	sld [smem:$0x7E8]  }
0x1cf: {  	[sflag:s5] =	ssyncset.done $0x0  }
0x1d0: {  	[sflag:s5] =	ssyncadd.s32 $0xFFFF3800  }
0x1d1: {  	[tilespmem:s3], [sflag:$0x2] =	stream.linear.gather [hbm4b:s0+s3], $0x190, $0x38;
	[tilespmem:$0xCC00] =	vst v63  }
0x1d2: {  	_ =	swait.ge [sflag:s5], $0x190  }
0x1d3: {  	s0 =	sld [smem:$0x7E9]  }
0x1d4: {  	[sflag:s5] =	ssyncset.done $0x0  }
0x1d5: {  	[sflag:s5] =	ssyncadd.s32 $0xFFFFFE70  }
0x1d6: {  	[tilespmem:s10], [sflag:$0x2] =	stream.linear.gather [hbm4b:s0+s3], $0x190, $0x38;
	[tilespmem:$0xCC00] =	vst v63  }
0x1d7: {  	_ =	swait.ge [sflag:s5], $0x190  }
0x1d8: {  	[sflag:s5] =	ssyncset.done $0x0  }
0x1d9: {  	[sflag:s5] =	ssyncadd.s32 $0xFFFFFE70  }
0x1da: {  	[tilespmem:s9], [sflag:$0x1] =	stream.indirect.gather [hbm4b:s2+s12], $0x80, s3, s12, $0xb8;
	[tilespmem:$0xCC00] =	vst v63  }
0x1db: {  	_ =	swait.ge [sflag:s11], $0xC800  }
0x1dc: {  	s0 =	sld [smem:$0x7EA]  }
0x1dd: {  	[sflag:s11] =	ssyncset.done $0x0  }
0x1de: {  	[sflag:s11] =	ssyncadd.s32 $0xFFFF3800  }
0x1df: {  	[hbm4b:s0+s3] =	stream.linear.scatter [tilespmem:s9], [sflag:$0x2], $0xC800, $0x38;
	[tilespmem:$0xCC00] =	vst v63  }
0x1e0: {  	_ =	swait.ge [sflag:s5], $0xC800  }
0x1e1: {  	[sflag:s5] =	ssyncset.done $0x0  }
0x1e2: {  	[sflag:s5] =	ssyncadd.s32 $0xFFFF3800  }
0x1e3: {  	[tilespmem:s9], [sflag:$0x1] =	stream.indirect.gather [hbm4b:s2+s12], $0x80, s10, s12, $0xb8;
	[tilespmem:$0xCC00] =	vst v63  }
0x1e4: {  	_ =	swait.ge [sflag:s11], $0xC800  }
0x1e5: {  	s0 =	sld [smem:$0x7EB]  }
0x1e6: {  	[sflag:s11] =	ssyncset.done $0x0  }
0x1e7: {  	[sflag:s11] =	ssyncadd.s32 $0xFFFF3800  }
0x1e8: {  	[hbm4b:s0+s3] =	stream.linear.scatter [tilespmem:s9], [sflag:$0x2], $0xC800, $0x38;
	[tilespmem:$0xCC00] =	vst v63  }
0x1e9: {  	_ =	swait.ge [sflag:s5], $0xC800  }
0x1ea: {  	s0 =	sld [smem:$0x7EC]  }
0x1eb: {  	[sflag:s5] =	ssyncset.done $0x0  }
0x1ec: {  	[sflag:s5] =	ssyncadd.s32 $0xFFFF3800  }
0x1ed: {  	[tilespmem:s3], [sflag:$0x2] =	stream.linear.gather [hbm4b:s0+s3], $0x190, $0x38;
	[tilespmem:$0xCC00] =	vst v63  }
0x1ee: {  	_ =	swait.ge [sflag:s5], $0x190  }
0x1ef: {  	s0 =	sld [smem:$0x7ED]  }
0x1f0: {  	[sflag:s5] =	ssyncset.done $0x0  }
0x1f1: {  	[sflag:s5] =	ssyncadd.s32 $0xFFFFFE70  }
0x1f2: {  	[tilespmem:s10], [sflag:$0x2] =	stream.linear.gather [hbm4b:s0+s3], $0x190, $0x38;
	[tilespmem:$0xCC00] =	vst v63  }
0x1f3: {  	_ =	swait.ge [sflag:s5], $0x190  }
0x1f4: {  	[sflag:s5] =	ssyncset.done $0x0  }
0x1f5: {  	[sflag:s5] =	ssyncadd.s32 $0xFFFFFE70  }
0x1f6: {  	[tilespmem:s9], [sflag:$0x1] =	stream.indirect.gather [hbm4b:s2+s12], $0x80, s3, s12, $0xb8;
	[tilespmem:$0xCC00] =	vst v63  }
0x1f7: {  	_ =	swait.ge [sflag:s11], $0xC800  }
0x1f8: {  	s0 =	sld [smem:$0x7EE]  }
0x1f9: {  	[sflag:s11] =	ssyncset.done $0x0  }
0x1fa: {  	[sflag:s11] =	ssyncadd.s32 $0xFFFF3800  }
0x1fb: {  	[hbm4b:s0+s3] =	stream.linear.scatter [tilespmem:s9], [sflag:$0x2], $0xC800, $0x38;
	[tilespmem:$0xCC00] =	vst v63  }
0x1fc: {  	_ =	swait.ge [sflag:s5], $0xC800  }
0x1fd: {  	[sflag:s5] =	ssyncset.done $0x0  }
0x1fe: {  	[sflag:s5] =	ssyncadd.s32 $0xFFFF3800  }
0x1ff: {  	[tilespmem:s9], [sflag:$0x1] =	stream.indirect.gather [hbm4b:s2+s12], $0x80, s10, s12, $0xb8;
	[tilespmem:$0xCC00] =	vst v63  }
0x200: {  	_ =	swait.ge [sflag:s11], $0xC800  }
0x201: {  	s0 =	sld [smem:$0x7EF]  }
0x202: {  	[sflag:s11] =	ssyncset.done $0x0  }
0x203: {  	[sflag:s11] =	ssyncadd.s32 $0xFFFF3800  }
0x204: {  	[hbm4b:s0+s3] =	stream.linear.scatter [tilespmem:s9], [sflag:$0x2], $0xC800, $0x38;
	[tilespmem:$0xCC00] =	vst v63  }
0x205: {  	_ =	swait.ge [sflag:s5], $0xC800  }
0x206: {  	s0 =	sld [smem:$0x7F0]  }
0x207: {  	[sflag:s5] =	ssyncset.done $0x0  }
0x208: {  	[sflag:s5] =	ssyncadd.s32 $0xFFFF3800  }
0x209: {  	[tilespmem:s3], [sflag:$0x2] =	stream.linear.gather [hbm4b:s0+s3], $0x190, $0x38;
	[tilespmem:$0xCC00] =	vst v63  }
0x20a: {  	_ =	swait.ge [sflag:s5], $0x190  }
0x20b: {  	s0 =	sld [smem:$0x7F1]  }
0x20c: {  	[sflag:s5] =	ssyncset.done $0x0  }
0x20d: {  	[sflag:s5] =	ssyncadd.s32 $0xFFFFFE70  }
0x20e: {  	[tilespmem:s10], [sflag:$0x2] =	stream.linear.gather [hbm4b:s0+s3], $0x190, $0x38;
	[tilespmem:$0xCC00] =	vst v63  }
0x20f: {  	_ =	swait.ge [sflag:s5], $0x190  }
0x210: {  	[sflag:s5] =	ssyncset.done $0x0  }
0x211: {  	[sflag:s5] =	ssyncadd.s32 $0xFFFFFE70  }
0x212: {  	[tilespmem:s9], [sflag:$0x1] =	stream.indirect.gather [hbm4b:s2+s12], $0x80, s3, s12, $0xb8;
	[tilespmem:$0xCC00] =	vst v63  }
0x213: {  	_ =	swait.ge [sflag:s11], $0xC800  }
0x214: {  	s0 =	sld [smem:$0x7F2]  }
0x215: {  	[sflag:s11] =	ssyncset.done $0x0  }
0x216: {  	[sflag:s11] =	ssyncadd.s32 $0xFFFF3800  }
0x217: {  	[hbm4b:s0+s3] =	stream.linear.scatter [tilespmem:s9], [sflag:$0x2], $0xC800, $0x38;
	[tilespmem:$0xCC00] =	vst v63  }
0x218: {  	_ =	swait.ge [sflag:s5], $0xC800  }
0x219: {  	[sflag:s5] =	ssyncset.done $0x0  }
0x21a: {  	[sflag:s5] =	ssyncadd.s32 $0xFFFF3800  }
0x21b: {  	[tilespmem:s9], [sflag:$0x1] =	stream.indirect.gather [hbm4b:s2+s12], $0x80, s10, s12, $0xb8;
	[tilespmem:$0xCC00] =	vst v63  }
0x21c: {  	_ =	swait.ge [sflag:s11], $0xC800  }
0x21d: {  	s0 =	sld [smem:$0x7F3]  }
0x21e: {  	[sflag:s11] =	ssyncset.done $0x0  }
0x21f: {  	[sflag:s11] =	ssyncadd.s32 $0xFFFF3800  }
0x220: {  	[hbm4b:s0+s3] =	stream.linear.scatter [tilespmem:s9], [sflag:$0x2], $0xC800, $0x38;
	[tilespmem:$0xCC00] =	vst v63  }
0x221: {  	_ =	swait.ge [sflag:s5], $0xC800  }
0x222: {  	s0 =	sld [smem:$0x7F4]  }
0x223: {  	[sflag:s5] =	ssyncset.done $0x0  }
0x224: {  	[sflag:s5] =	ssyncadd.s32 $0xFFFF3800  }
0x225: {  	[tilespmem:s3], [sflag:$0x2] =	stream.linear.gather [hbm4b:s0+s3], $0x190, $0x38;
	[tilespmem:$0xCC00] =	vst v63  }
0x226: {  	_ =	swait.ge [sflag:s5], $0x190  }
0x227: {  	s0 =	sld [smem:$0x7F5]  }
0x228: {  	[sflag:s5] =	ssyncset.done $0x0  }
0x229: {  	[sflag:s5] =	ssyncadd.s32 $0xFFFFFE70  }
0x22a: {  	[tilespmem:s10], [sflag:$0x2] =	stream.linear.gather [hbm4b:s0+s3], $0x190, $0x38;
	[tilespmem:$0xCC00] =	vst v63  }
0x22b: {  	_ =	swait.ge [sflag:s5], $0x190  }
0x22c: {  	[sflag:s5] =	ssyncset.done $0x0  }
0x22d: {  	[sflag:s5] =	ssyncadd.s32 $0xFFFFFE70  }
0x22e: {  	[tilespmem:s9], [sflag:$0x1] =	stream.indirect.gather [hbm4b:s2+s12], $0x80, s3, s12, $0xb8;
	[tilespmem:$0xCC00] =	vst v63  }
0x22f: {  	_ =	swait.ge [sflag:s11], $0xC800  }
0x230: {  	s0 =	sld [smem:$0x7F6]  }
0x231: {  	[sflag:s11] =	ssyncset.done $0x0  }
0x232: {  	[sflag:s11] =	ssyncadd.s32 $0xFFFF3800  }
0x233: {  	[hbm4b:s0+s3] =	stream.linear.scatter [tilespmem:s9], [sflag:$0x2], $0xC800, $0x38;
	[tilespmem:$0xCC00] =	vst v63  }
0x234: {  	_ =	swait.ge [sflag:s5], $0xC800  }
0x235: {  	[sflag:s5] =	ssyncset.done $0x0  }
0x236: {  	[sflag:s5] =	ssyncadd.s32 $0xFFFF3800  }
0x237: {  	[tilespmem:s9], [sflag:$0x1] =	stream.indirect.gather [hbm4b:s2+s12], $0x80, s10, s12, $0xb8;
	[tilespmem:$0xCC00] =	vst v63  }
0x238: {  	_ =	swait.ge [sflag:s11], $0xC800  }
0x239: {  	s0 =	sld [smem:$0x7F7]  }
0x23a: {  	[sflag:s11] =	ssyncset.done $0x0  }
0x23b: {  	[sflag:s11] =	ssyncadd.s32 $0xFFFF3800  }
0x23c: {  	[hbm4b:s0+s3] =	stream.linear.scatter [tilespmem:s9], [sflag:$0x2], $0xC800, $0x38;
	[tilespmem:$0xCC00] =	vst v63  }
0x23d: {  	_ =	swait.ge [sflag:s5], $0xC800  }
0x23e: {  	s0 =	sld [smem:$0x7F8]  }
0x23f: {  	[sflag:s5] =	ssyncset.done $0x0  }
0x240: {  	[sflag:s5] =	ssyncadd.s32 $0xFFFF3800  }
0x241: {  	[tilespmem:s3], [sflag:$0x2] =	stream.linear.gather [hbm4b:s0+s3], $0x190, $0x38;
	[tilespmem:$0xCC00] =	vst v63  }
0x242: {  	_ =	swait.ge [sflag:s5], $0x190  }
0x243: {  	s0 =	sld [smem:$0x7F9]  }
0x244: {  	[sflag:s5] =	ssyncset.done $0x0  }
0x245: {  	[sflag:s5] =	ssyncadd.s32 $0xFFFFFE70  }
0x246: {  	[tilespmem:s10], [sflag:$0x2] =	stream.linear.gather [hbm4b:s0+s3], $0x190, $0x38;
	[tilespmem:$0xCC00] =	vst v63  }
0x247: {  	_ =	swait.ge [sflag:s5], $0x190  }
0x248: {  	[sflag:s5] =	ssyncset.done $0x0  }
0x249: {  	[sflag:s5] =	ssyncadd.s32 $0xFFFFFE70  }
0x24a: {  	[tilespmem:s9], [sflag:$0x1] =	stream.indirect.gather [hbm4b:s2+s12], $0x80, s3, s12, $0xb8;
	[tilespmem:$0xCC00] =	vst v63  }
0x24b: {  	_ =	swait.ge [sflag:s11], $0xC800  }
0x24c: {  	s0 =	sld [smem:$0x7FA]  }
0x24d: {  	[sflag:s11] =	ssyncset.done $0x0  }
0x24e: {  	[sflag:s11] =	ssyncadd.s32 $0xFFFF3800  }
0x24f: {  	[hbm4b:s0+s3] =	stream.linear.scatter [tilespmem:s9], [sflag:$0x2], $0xC800, $0x38;
	[tilespmem:$0xCC00] =	vst v63  }
0x250: {  	_ =	swait.ge [sflag:s5], $0xC800  }
0x251: {  	[sflag:s5] =	ssyncset.done $0x0  }
0x252: {  	[sflag:s5] =	ssyncadd.s32 $0xFFFF3800  }
0x253: {  	[tilespmem:s9], [sflag:$0x1] =	stream.indirect.gather [hbm4b:s2+s12], $0x80, s10, s12, $0xb8;
	[tilespmem:$0xCC00] =	vst v63  }
0x254: {  	_ =	swait.ge [sflag:s11], $0xC800  }
0x255: {  	s0 =	sld [smem:$0x7FB]  }
0x256: {  	[sflag:s11] =	ssyncset.done $0x0  }
0x257: {  	[sflag:s11] =	ssyncadd.s32 $0xFFFF3800  }
0x258: {  	[hbm4b:s0+s3] =	stream.linear.scatter [tilespmem:s9], [sflag:$0x2], $0xC800, $0x38;
	[tilespmem:$0xCC00] =	vst v63  }
0x259: {  	_ =	swait.ge [sflag:s5], $0xC800  }
0x25a: {  	s0 =	sld [smem:$0x7FC]  }
0x25b: {  	[sflag:s5] =	ssyncset.done $0x0  }
0x25c: {  	[sflag:s5] =	ssyncadd.s32 $0xFFFF3800  }
0x25d: {  	[tilespmem:s3], [sflag:$0x2] =	stream.linear.gather [hbm4b:s0+s3], $0x190, $0x38;
	[tilespmem:$0xCC00] =	vst v63  }
0x25e: {  	_ =	swait.ge [sflag:s5], $0x190  }
0x25f: {  	s0 =	sld [smem:$0x7FD]  }
0x260: {  	[sflag:s5] =	ssyncset.done $0x0  }
0x261: {  	[sflag:s5] =	ssyncadd.s32 $0xFFFFFE70  }
0x262: {  	[tilespmem:s10], [sflag:$0x2] =	stream.linear.gather [hbm4b:s0+s3], $0x190, $0x38;
	[tilespmem:$0xCC00] =	vst v63  }
0x263: {  	_ =	swait.ge [sflag:s5], $0x190  }
0x264: {  	[sflag:s5] =	ssyncset.done $0x0  }
0x265: {  	[sflag:s5] =	ssyncadd.s32 $0xFFFFFE70  }
0x266: {  	[tilespmem:s9], [sflag:$0x1] =	stream.indirect.gather [hbm4b:s2+s12], $0x80, s3, s12, $0xb8;
	[tilespmem:$0xCC00] =	vst v63  }
0x267: {  	_ =	swait.ge [sflag:s11], $0xC800  }
0x268: {  	[sflag:s11] =	ssyncset.done $0x0  }
0x269: {  	[sflag:s11] =	ssyncadd.s32 $0xFFFF3800  }
0x26a: {  	[hbm4b:s31+s3] =	stream.linear.scatter [tilespmem:s9], [sflag:$0x2], $0xC800, $0x38;
	[tilespmem:$0xCC00] =	vst v63  }
0x26b: {  	_ =	swait.ge [sflag:s5], $0xC800  }
0x26c: {  	[sflag:s5] =	ssyncset.done $0x0  }
0x26d: {  	[sflag:s5] =	ssyncadd.s32 $0xFFFF3800  }
0x26e: {  	[tilespmem:s9], [sflag:$0x1] =	stream.indirect.gather [hbm4b:s2+s12], $0x80, s10, s12, $0xb8;
	[tilespmem:$0xCC00] =	vst v63  }
0x26f: {  	_ =	swait.ge [sflag:s11], $0xC800  }
0x270: {  	[sflag:s11] =	ssyncset.done $0x0  }
0x271: {  	[sflag:s11] =	ssyncadd.s32 $0xFFFF3800  }
0x272: {  	[hbm4b:s30+s3] =	stream.linear.scatter [tilespmem:s9], [sflag:$0x2], $0xC800, $0x38;
	[tilespmem:$0xCC00] =	vst v63  }
0x273: {  	_ =	swait.ge [sflag:s5], $0xC800  }
0x274: {  	[sflag:s5] =	ssyncset.done $0x0  }
0x275: {  	[sflag:s5] =	ssyncadd.s32 $0xFFFF3800  }
0x276: {  	[tilespmem:s3], [sflag:$0x2] =	stream.linear.gather [hbm4b:s29+s3], $0x190, $0x38;
	[tilespmem:$0xCC00] =	vst v63  }
0x277: {  	_ =	swait.ge [sflag:s5], $0x190  }
0x278: {  	[sflag:s5] =	ssyncset.done $0x0  }
0x279: {  	[sflag:s5] =	ssyncadd.s32 $0xFFFFFE70  }
0x27a: {  	[tilespmem:s10], [sflag:$0x2] =	stream.linear.gather [hbm4b:s28+s3], $0x190, $0x38;
	[tilespmem:$0xCC00] =	vst v63  }
0x27b: {  	_ =	swait.ge [sflag:s5], $0x190  }
0x27c: {  	[sflag:s5] =	ssyncset.done $0x0  }
0x27d: {  	[sflag:s5] =	ssyncadd.s32 $0xFFFFFE70  }
0x27e: {  	[tilespmem:s9], [sflag:$0x1] =	stream.indirect.gather [hbm4b:s2+s12], $0x80, s3, s12, $0xb8;
	[tilespmem:$0xCC00] =	vst v63  }
0x27f: {  	_ =	swait.ge [sflag:s11], $0xC800  }
0x280: {  	[sflag:s11] =	ssyncset.done $0x0  }
0x281: {  	[sflag:s11] =	ssyncadd.s32 $0xFFFF3800  }
0x282: {  	[hbm4b:s26+s3] =	stream.linear.scatter [tilespmem:s9], [sflag:$0x2], $0xC800, $0x38;
	[tilespmem:$0xCC00] =	vst v63  }
0x283: {  	_ =	swait.ge [sflag:s5], $0xC800  }
0x284: {  	[sflag:s5] =	ssyncset.done $0x0  }
0x285: {  	[sflag:s5] =	ssyncadd.s32 $0xFFFF3800  }
0x286: {  	[tilespmem:s9], [sflag:$0x1] =	stream.indirect.gather [hbm4b:s2+s12], $0x80, s10, s12, $0xb8;
	[tilespmem:$0xCC00] =	vst v63  }
0x287: {  	_ =	swait.ge [sflag:s11], $0xC800  }
0x288: {  	[sflag:s11] =	ssyncset.done $0x0  }
0x289: {  	[sflag:s11] =	ssyncadd.s32 $0xFFFF3800  }
0x28a: {  	[hbm4b:s24+s3] =	stream.linear.scatter [tilespmem:s9], [sflag:$0x2], $0xC800, $0x38;
	[tilespmem:$0xCC00] =	vst v63  }
0x28b: {  	_ =	swait.ge [sflag:s5], $0xC800  }
0x28c: {  	[sflag:s5] =	ssyncset.done $0x0  }
0x28d: {  	[sflag:s5] =	ssyncadd.s32 $0xFFFF3800  }
0x28e: {  	[tilespmem:s3], [sflag:$0x2] =	stream.linear.gather [hbm4b:s23+s3], $0x190, $0x38;
	[tilespmem:$0xCC00] =	vst v63  }
0x28f: {  	_ =	swait.ge [sflag:s5], $0x190  }
0x290: {  	[sflag:s5] =	ssyncset.done $0x0  }
0x291: {  	[sflag:s5] =	ssyncadd.s32 $0xFFFFFE70  }
0x292: {  	[tilespmem:s10], [sflag:$0x2] =	stream.linear.gather [hbm4b:s22+s3], $0x190, $0x38;
	[tilespmem:$0xCC00] =	vst v63  }
0x293: {  	_ =	swait.ge [sflag:s5], $0x190  }
0x294: {  	[sflag:s5] =	ssyncset.done $0x0  }
0x295: {  	[sflag:s5] =	ssyncadd.s32 $0xFFFFFE70  }
0x296: {  	[tilespmem:s9], [sflag:$0x1] =	stream.indirect.gather [hbm4b:s2+s12], $0x80, s3, s12, $0xb8;
	[tilespmem:$0xCC00] =	vst v63  }
0x297: {  	_ =	swait.ge [sflag:s11], $0xC800  }
0x298: {  	[sflag:s11] =	ssyncset.done $0x0  }
0x299: {  	[sflag:s11] =	ssyncadd.s32 $0xFFFF3800  }
0x29a: {  	[hbm4b:s25+s3] =	stream.linear.scatter [tilespmem:s9], [sflag:$0x2], $0xC800, $0x38;
	[tilespmem:$0xCC00] =	vst v63  }
0x29b: {  	_ =	swait.ge [sflag:s5], $0xC800  }
0x29c: {  	[sflag:s5] =	ssyncset.done $0x0  }
0x29d: {  	[sflag:s5] =	ssyncadd.s32 $0xFFFF3800  }
0x29e: {  	[tilespmem:s9], [sflag:$0x1] =	stream.indirect.gather [hbm4b:s2+s12], $0x80, s10, s12, $0xb8;
	[tilespmem:$0xCC00] =	vst v63  }
0x29f: {  	_ =	swait.ge [sflag:s11], $0xC800  }
0x2a0: {  	[sflag:s11] =	ssyncset.done $0x0  }
0x2a1: {  	[sflag:s11] =	ssyncadd.s32 $0xFFFF3800  }
0x2a2: {  	[hbm4b:s21+s3] =	stream.linear.scatter [tilespmem:s9], [sflag:$0x2], $0xC800, $0x38;
	[tilespmem:$0xCC00] =	vst v63  }
0x2a3: {  	_ =	swait.ge [sflag:s5], $0xC800  }
0x2a4: {  	[sflag:s5] =	ssyncset.done $0x0  }
0x2a5: {  	[sflag:s5] =	ssyncadd.s32 $0xFFFF3800  }
0x2a6: {  	[tilespmem:s3], [sflag:$0x2] =	stream.linear.gather [hbm4b:s19+s3], $0x190, $0x38;
	[tilespmem:$0xCC00] =	vst v63  }
0x2a7: {  	_ =	swait.ge [sflag:s5], $0x190  }
0x2a8: {  	[sflag:s5] =	ssyncset.done $0x0  }
0x2a9: {  	[sflag:s5] =	ssyncadd.s32 $0xFFFFFE70  }
0x2aa: {  	[tilespmem:s10], [sflag:$0x2] =	stream.linear.gather [hbm4b:s18+s3], $0x190, $0x38;
	[tilespmem:$0xCC00] =	vst v63  }
0x2ab: {  	_ =	swait.ge [sflag:s5], $0x190  }
0x2ac: {  	[sflag:s5] =	ssyncset.done $0x0  }
0x2ad: {  	[sflag:s5] =	ssyncadd.s32 $0xFFFFFE70  }
0x2ae: {  	[tilespmem:s9], [sflag:$0x1] =	stream.indirect.gather [hbm4b:s2+s12], $0x80, s3, s12, $0xb8;
	[tilespmem:$0xCC00] =	vst v63  }
0x2af: {  	_ =	swait.ge [sflag:s11], $0xC800  }
0x2b0: {  	[sflag:s11] =	ssyncset.done $0x0  }
0x2b1: {  	[sflag:s11] =	ssyncadd.s32 $0xFFFF3800  }
0x2b2: {  	[hbm4b:s20+s3] =	stream.linear.scatter [tilespmem:s9], [sflag:$0x2], $0xC800, $0x38;
	[tilespmem:$0xCC00] =	vst v63  }
0x2b3: {  	_ =	swait.ge [sflag:s5], $0xC800  }
0x2b4: {  	[sflag:s5] =	ssyncset.done $0x0  }
0x2b5: {  	[sflag:s5] =	ssyncadd.s32 $0xFFFF3800  }
0x2b6: {  	[tilespmem:s9], [sflag:$0x1] =	stream.indirect.gather [hbm4b:s2+s12], $0x80, s10, s12, $0xb8;
	[tilespmem:$0xCC00] =	vst v63  }
0x2b7: {  	_ =	swait.ge [sflag:s11], $0xC800  }
0x2b8: {  	[sflag:s11] =	ssyncset.done $0x0  }
0x2b9: {  	[sflag:s11] =	ssyncadd.s32 $0xFFFF3800  }
0x2ba: {  	[hbm4b:s17+s3] =	stream.linear.scatter [tilespmem:s9], [sflag:$0x2], $0xC800, $0x38;
	[tilespmem:$0xCC00] =	vst v63  }
0x2bb: {  	_ =	swait.ge [sflag:s5], $0xC800  }
0x2bc: {  	[sflag:s5] =	ssyncset.done $0x0  }
0x2bd: {  	[sflag:s5] =	ssyncadd.s32 $0xFFFF3800  }
0x2be: {  	[tilespmem:s3], [sflag:$0x2] =	stream.linear.gather [hbm4b:s16+s3], $0x190, $0x38;
	[tilespmem:$0xCC00] =	vst v63  }
0x2bf: {  	_ =	swait.ge [sflag:s5], $0x190  }
0x2c0: {  	[sflag:s5] =	ssyncset.done $0x0  }
0x2c1: {  	[sflag:s5] =	ssyncadd.s32 $0xFFFFFE70  }
0x2c2: {  	[tilespmem:s10], [sflag:$0x2] =	stream.linear.gather [hbm4b:s14+s3], $0x190, $0x38;
	[tilespmem:$0xCC00] =	vst v63  }
0x2c3: {  	_ =	swait.ge [sflag:s5], $0x190  }
0x2c4: {  	[sflag:s5] =	ssyncset.done $0x0  }
0x2c5: {  	[sflag:s5] =	ssyncadd.s32 $0xFFFFFE70  }
0x2c6: {  	[tilespmem:s9], [sflag:$0x1] =	stream.indirect.gather [hbm4b:s2+s12], $0x80, s3, s12, $0xb8;
	[tilespmem:$0xCC00] =	vst v63  }
0x2c7: {  	_ =	swait.ge [sflag:s11], $0xC800  }
0x2c8: {  	[sflag:s11] =	ssyncset.done $0x0  }
0x2c9: {  	[sflag:s11] =	ssyncadd.s32 $0xFFFF3800  }
0x2ca: {  	[hbm4b:s15+s3] =	stream.linear.scatter [tilespmem:s9], [sflag:$0x2], $0xC800, $0x38;
	[tilespmem:$0xCC00] =	vst v63  }
0x2cb: {  	_ =	swait.ge [sflag:s5], $0xC800  }
0x2cc: {  	[sflag:s5] =	ssyncset.done $0x0  }
0x2cd: {  	[sflag:s5] =	ssyncadd.s32 $0xFFFF3800  }
0x2ce: {  	[tilespmem:s9], [sflag:$0x1] =	stream.indirect.gather [hbm4b:s2+s12], $0x80, s10, s12, $0xb8;
	[tilespmem:$0xCC00] =	vst v63  }
0x2cf: {  	_ =	swait.ge [sflag:s11], $0xC800  }
0x2d0: {  	[sflag:s11] =	ssyncset.done $0x0  }
0x2d1: {  	[sflag:s11] =	ssyncadd.s32 $0xFFFF3800  }
0x2d2: {  	[hbm4b:s13+s3] =	stream.linear.scatter [tilespmem:s9], [sflag:$0x2], $0xC800, $0x38;
	[tilespmem:$0xCC00] =	vst v63  }
0x2d3: {  	_ =	swait.ge [sflag:s5], $0xC800  }
0x2d4: {  	[sflag:s5] =	ssyncset.done $0x0  }
0x2d5: {  	[sflag:s5] =	ssyncadd.s32 $0xFFFF3800  }
0x2d6: {  	[tilespmem:s3], [sflag:$0x2] =	stream.linear.gather [hbm4b:s8+s3], $0x190, $0x38;
	[tilespmem:$0xCC00] =	vst v63  }
0x2d7: {  	_ =	swait.ge [sflag:s5], $0x190  }
0x2d8: {  	[sflag:s5] =	ssyncset.done $0x0  }
0x2d9: {  	[sflag:s5] =	ssyncadd.s32 $0xFFFFFE70  }
0x2da: {  	[tilespmem:s10], [sflag:$0x2] =	stream.linear.gather [hbm4b:s6+s3], $0x190, $0x38;
	[tilespmem:$0xCC00] =	vst v63  }
0x2db: {  	_ =	swait.ge [sflag:s5], $0x190  }
0x2dc: {  	[sflag:s5] =	ssyncset.done $0x0  }
0x2dd: {  	[sflag:s5] =	ssyncadd.s32 $0xFFFFFE70  }
0x2de: {  	[tilespmem:s9], [sflag:$0x1] =	stream.indirect.gather [hbm4b:s2+s12], $0x80, s3, s12, $0xb8;
	[tilespmem:$0xCC00] =	vst v63  }
0x2df: {  	_ =	swait.ge [sflag:s11], $0xC800  }
0x2e0: {  	[sflag:s11] =	ssyncset.done $0x0  }
0x2e1: {  	[sflag:s11] =	ssyncadd.s32 $0xFFFF3800  }
0x2e2: {  	[hbm4b:s7+s3] =	stream.linear.scatter [tilespmem:s9], [sflag:$0x2], $0xC800, $0x38;
	[tilespmem:$0xCC00] =	vst v63  }
0x2e3: {  	_ =	swait.ge [sflag:s5], $0xC800  }
0x2e4: {  	[sflag:s5] =	ssyncset.done $0x0  }
0x2e5: {  	[sflag:s5] =	ssyncadd.s32 $0xFFFF3800  }
0x2e6: {  	[tilespmem:s9], [sflag:$0x1] =	stream.indirect.gather [hbm4b:s2+s12], $0x80, s10, s12, $0xb8;
	[tilespmem:$0xCC00] =	vst v63  }
0x2e7: {  	p1 =	sne.s32 s1, $0x1;
	_ =	swait.ge [sflag:s11], $0xC800  }
.Ltmp1:
0x2e8: {  	[sflag:s11] =	ssyncset.done $0x0;
	(pc) =	sbr.rel @!p1 .LBB2_3-.Ltmp1, $4  }
0x2e9: {  	[sflag:s11] =	ssyncadd.s32 $0xFFFF3800  }
0x2ea: {  	[hbm4b:s4+s3] =	stream.linear.scatter [tilespmem:s9], [sflag:$0x2], $0xC800, $0x38;
	[tilespmem:$0xCC00] =	vst v63  }
0x2eb: {  	s1 =	sadd.s32 $0xFFFFFFFF, s1;
	_ =	swait.ge [sflag:s5], $0xC800  }
0x2ec: {  	p0 =	por $0x1, $0x1;
	s0 =	rddreg [dreg:$0x3];
	[sflag:s5] =	ssyncset.done $0x0  }
.LBB2_2:
0x2ed: {  	[sflag:s5] =	ssyncadd.s32 $0xFFFF3800  }
0x2ee: {  	[tilespmem:s3], [sflag:$0x2] =	stream.linear.gather [hbm4b:s0+s3], $0x190, $0x38;
	[tilespmem:$0xCC00] =	vst v63  }
0x2ef: {  	_ =	swait.ge [sflag:s5], $0x190  }
0x2f0: {  	[sflag:s5] =	ssyncset.done $0x0  }
0x2f1: {  	s0 =	rddreg [dreg:$0x4];
	[sflag:s5] =	ssyncadd.s32 $0xFFFFFE70  }
0x2f2: {  	[tilespmem:s10], [sflag:$0x2] =	stream.linear.gather [hbm4b:s0+s3], $0x190, $0x38;
	[tilespmem:$0xCC00] =	vst v63  }
0x2f3: {  	_ =	swait.ge [sflag:s5], $0x190  }
0x2f4: {  	[sflag:s5] =	ssyncset.done $0x0  }
0x2f5: {  	[sflag:s5] =	ssyncadd.s32 $0xFFFFFE70  }
0x2f6: {  	[tilespmem:s9], [sflag:$0x1] =	stream.indirect.gather [hbm4b:s2+s12], $0x80, s3, s12, $0xb8;
	[tilespmem:$0xCC00] =	vst v63  }
0x2f7: {  	_ =	swait.ge [sflag:s11], $0xC800  }
0x2f8: {  	[sflag:s11] =	ssyncset.done $0x0  }
0x2f9: {  	s0 =	rddreg [dreg:$0x5];
	[sflag:s11] =	ssyncadd.s32 $0xFFFF3800  }
0x2fa: {  	[hbm4b:s0+s3] =	stream.linear.scatter [tilespmem:s9], [sflag:$0x2], $0xC800, $0x38;
	[tilespmem:$0xCC00] =	vst v63  }
0x2fb: {  	_ =	swait.ge [sflag:s5], $0xC800  }
0x2fc: {  	[sflag:s5] =	ssyncset.done $0x0  }
0x2fd: {  	[sflag:s5] =	ssyncadd.s32 $0xFFFF3800  }
0x2fe: {  	[tilespmem:s9], [sflag:$0x1] =	stream.indirect.gather [hbm4b:s2+s12], $0x80, s10, s12, $0xb8;
	[tilespmem:$0xCC00] =	vst v63  }
0x2ff: {  	_ =	swait.ge [sflag:s11], $0xC800  }
0x300: {  	[sflag:s11] =	ssyncset.done $0x0  }
0x301: {  	s0 =	rddreg [dreg:$0x6];
	[sflag:s11] =	ssyncadd.s32 $0xFFFF3800  }
0x302: {  	[hbm4b:s0+s3] =	stream.linear.scatter [tilespmem:s9], [sflag:$0x2], $0xC800, $0x38;
	[tilespmem:$0xCC00] =	vst v63  }
0x303: {  	_ =	swait.ge [sflag:s5], $0xC800  }
0x304: {  	[sflag:s5] =	ssyncset.done $0x0  }
0x305: {  	s0 =	rddreg [dreg:$0x7];
	[sflag:s5] =	ssyncadd.s32 $0xFFFF3800  }
0x306: {  	[tilespmem:s3], [sflag:$0x2] =	stream.linear.gather [hbm4b:s0+s3], $0x190, $0x38;
	[tilespmem:$0xCC00] =	vst v63  }
0x307: {  	_ =	swait.ge [sflag:s5], $0x190  }
0x308: {  	[sflag:s5] =	ssyncset.done $0x0  }
0x309: {  	s0 =	rddreg [dreg:$0x8];
	[sflag:s5] =	ssyncadd.s32 $0xFFFFFE70  }
0x30a: {  	[tilespmem:s10], [sflag:$0x2] =	stream.linear.gather [hbm4b:s0+s3], $0x190, $0x38;
	[tilespmem:$0xCC00] =	vst v63  }
0x30b: {  	_ =	swait.ge [sflag:s5], $0x190  }
0x30c: {  	[sflag:s5] =	ssyncset.done $0x0  }
0x30d: {  	[sflag:s5] =	ssyncadd.s32 $0xFFFFFE70  }
0x30e: {  	[tilespmem:s9], [sflag:$0x1] =	stream.indirect.gather [hbm4b:s2+s12], $0x80, s3, s12, $0xb8;
	[tilespmem:$0xCC00] =	vst v63  }
0x30f: {  	_ =	swait.ge [sflag:s11], $0xC800  }
0x310: {  	[sflag:s11] =	ssyncset.done $0x0  }
0x311: {  	s0 =	rddreg [dreg:$0x9];
	[sflag:s11] =	ssyncadd.s32 $0xFFFF3800  }
0x312: {  	[hbm4b:s0+s3] =	stream.linear.scatter [tilespmem:s9], [sflag:$0x2], $0xC800, $0x38;
	[tilespmem:$0xCC00] =	vst v63  }
0x313: {  	_ =	swait.ge [sflag:s5], $0xC800  }
0x314: {  	[sflag:s5] =	ssyncset.done $0x0  }
0x315: {  	[sflag:s5] =	ssyncadd.s32 $0xFFFF3800  }
0x316: {  	[tilespmem:s9], [sflag:$0x1] =	stream.indirect.gather [hbm4b:s2+s12], $0x80, s10, s12, $0xb8;
	[tilespmem:$0xCC00] =	vst v63  }
0x317: {  	_ =	swait.ge [sflag:s11], $0xC800  }
0x318: {  	[sflag:s11] =	ssyncset.done $0x0  }
0x319: {  	s0 =	rddreg [dreg:$0xa];
	[sflag:s11] =	ssyncadd.s32 $0xFFFF3800  }
0x31a: {  	[hbm4b:s0+s3] =	stream.linear.scatter [tilespmem:s9], [sflag:$0x2], $0xC800, $0x38;
	[tilespmem:$0xCC00] =	vst v63  }
0x31b: {  	_ =	swait.ge [sflag:s5], $0xC800  }
0x31c: {  	[sflag:s5] =	ssyncset.done $0x0  }
0x31d: {  	s0 =	rddreg [dreg:$0xb];
	[sflag:s5] =	ssyncadd.s32 $0xFFFF3800  }
0x31e: {  	[tilespmem:s3], [sflag:$0x2] =	stream.linear.gather [hbm4b:s0+s3], $0x190, $0x38;
	[tilespmem:$0xCC00] =	vst v63  }
0x31f: {  	_ =	swait.ge [sflag:s5], $0x190  }
0x320: {  	[sflag:s5] =	ssyncset.done $0x0  }
0x321: {  	s0 =	rddreg [dreg:$0xc];
	[sflag:s5] =	ssyncadd.s32 $0xFFFFFE70  }
0x322: {  	[tilespmem:s10], [sflag:$0x2] =	stream.linear.gather [hbm4b:s0+s3], $0x190, $0x38;
	[tilespmem:$0xCC00] =	vst v63  }
0x323: {  	_ =	swait.ge [sflag:s5], $0x190  }
0x324: {  	[sflag:s5] =	ssyncset.done $0x0  }
0x325: {  	[sflag:s5] =	ssyncadd.s32 $0xFFFFFE70  }
0x326: {  	[tilespmem:s9], [sflag:$0x1] =	stream.indirect.gather [hbm4b:s2+s12], $0x80, s3, s12, $0xb8;
	[tilespmem:$0xCC00] =	vst v63  }
0x327: {  	_ =	swait.ge [sflag:s11], $0xC800  }
0x328: {  	[sflag:s11] =	ssyncset.done $0x0  }
0x329: {  	s0 =	rddreg [dreg:$0xd];
	[sflag:s11] =	ssyncadd.s32 $0xFFFF3800  }
0x32a: {  	[hbm4b:s0+s3] =	stream.linear.scatter [tilespmem:s9], [sflag:$0x2], $0xC800, $0x38;
	[tilespmem:$0xCC00] =	vst v63  }
0x32b: {  	_ =	swait.ge [sflag:s5], $0xC800  }
0x32c: {  	[sflag:s5] =	ssyncset.done $0x0  }
0x32d: {  	[sflag:s5] =	ssyncadd.s32 $0xFFFF3800  }
0x32e: {  	[tilespmem:s9], [sflag:$0x1] =	stream.indirect.gather [hbm4b:s2+s12], $0x80, s10, s12, $0xb8;
	[tilespmem:$0xCC00] =	vst v63  }
0x32f: {  	_ =	swait.ge [sflag:s11], $0xC800  }
0x330: {  	[sflag:s11] =	ssyncset.done $0x0  }
0x331: {  	s0 =	rddreg [dreg:$0xe];
	[sflag:s11] =	ssyncadd.s32 $0xFFFF3800  }
0x332: {  	[hbm4b:s0+s3] =	stream.linear.scatter [tilespmem:s9], [sflag:$0x2], $0xC800, $0x38;
	[tilespmem:$0xCC00] =	vst v63  }
0x333: {  	_ =	swait.ge [sflag:s5], $0xC800  }
0x334: {  	[sflag:s5] =	ssyncset.done $0x0  }
0x335: {  	s0 =	rddreg [dreg:$0xf];
	[sflag:s5] =	ssyncadd.s32 $0xFFFF3800  }
0x336: {  	[tilespmem:s3], [sflag:$0x2] =	stream.linear.gather [hbm4b:s0+s3], $0x190, $0x38;
	[tilespmem:$0xCC00] =	vst v63  }
0x337: {  	_ =	swait.ge [sflag:s5], $0x190  }
0x338: {  	[sflag:s5] =	ssyncset.done $0x0  }
0x339: {  	s0 =	rddreg [dreg:$0x10];
	[sflag:s5] =	ssyncadd.s32 $0xFFFFFE70  }
0x33a: {  	[tilespmem:s10], [sflag:$0x2] =	stream.linear.gather [hbm4b:s0+s3], $0x190, $0x38;
	[tilespmem:$0xCC00] =	vst v63  }
0x33b: {  	_ =	swait.ge [sflag:s5], $0x190  }
0x33c: {  	[sflag:s5] =	ssyncset.done $0x0  }
0x33d: {  	[sflag:s5] =	ssyncadd.s32 $0xFFFFFE70  }
0x33e: {  	[tilespmem:s9], [sflag:$0x1] =	stream.indirect.gather [hbm4b:s2+s12], $0x80, s3, s12, $0xb8;
	[tilespmem:$0xCC00] =	vst v63  }
0x33f: {  	_ =	swait.ge [sflag:s11], $0xC800  }
0x340: {  	[sflag:s11] =	ssyncset.done $0x0  }
0x341: {  	s0 =	rddreg [dreg:$0x11];
	[sflag:s11] =	ssyncadd.s32 $0xFFFF3800  }
0x342: {  	[hbm4b:s0+s3] =	stream.linear.scatter [tilespmem:s9], [sflag:$0x2], $0xC800, $0x38;
	[tilespmem:$0xCC00] =	vst v63  }
0x343: {  	_ =	swait.ge [sflag:s5], $0xC800  }
0x344: {  	[sflag:s5] =	ssyncset.done $0x0  }
0x345: {  	[sflag:s5] =	ssyncadd.s32 $0xFFFF3800  }
0x346: {  	[tilespmem:s9], [sflag:$0x1] =	stream.indirect.gather [hbm4b:s2+s12], $0x80, s10, s12, $0xb8;
	[tilespmem:$0xCC00] =	vst v63  }
0x347: {  	_ =	swait.ge [sflag:s11], $0xC800  }
0x348: {  	[sflag:s11] =	ssyncset.done $0x0  }
0x349: {  	s0 =	rddreg [dreg:$0x12];
	[sflag:s11] =	ssyncadd.s32 $0xFFFF3800  }
0x34a: {  	[hbm4b:s0+s3] =	stream.linear.scatter [tilespmem:s9], [sflag:$0x2], $0xC800, $0x38;
	[tilespmem:$0xCC00] =	vst v63  }
0x34b: {  	_ =	swait.ge [sflag:s5], $0xC800  }
0x34c: {  	[sflag:s5] =	ssyncset.done $0x0  }
0x34d: {  	s0 =	rddreg [dreg:$0x13];
	[sflag:s5] =	ssyncadd.s32 $0xFFFF3800  }
0x34e: {  	[tilespmem:s3], [sflag:$0x2] =	stream.linear.gather [hbm4b:s0+s3], $0x190, $0x38;
	[tilespmem:$0xCC00] =	vst v63  }
0x34f: {  	_ =	swait.ge [sflag:s5], $0x190  }
0x350: {  	[sflag:s5] =	ssyncset.done $0x0  }
0x351: {  	s0 =	rddreg [dreg:$0x14];
	[sflag:s5] =	ssyncadd.s32 $0xFFFFFE70  }
0x352: {  	[tilespmem:s10], [sflag:$0x2] =	stream.linear.gather [hbm4b:s0+s3], $0x190, $0x38;
	[tilespmem:$0xCC00] =	vst v63  }
0x353: {  	_ =	swait.ge [sflag:s5], $0x190  }
0x354: {  	[sflag:s5] =	ssyncset.done $0x0  }
0x355: {  	[sflag:s5] =	ssyncadd.s32 $0xFFFFFE70  }
0x356: {  	[tilespmem:s9], [sflag:$0x1] =	stream.indirect.gather [hbm4b:s2+s12], $0x80, s3, s12, $0xb8;
	[tilespmem:$0xCC00] =	vst v63  }
0x357: {  	_ =	swait.ge [sflag:s11], $0xC800  }
0x358: {  	[sflag:s11] =	ssyncset.done $0x0  }
0x359: {  	s0 =	rddreg [dreg:$0x15];
	[sflag:s11] =	ssyncadd.s32 $0xFFFF3800  }
0x35a: {  	[hbm4b:s0+s3] =	stream.linear.scatter [tilespmem:s9], [sflag:$0x2], $0xC800, $0x38;
	[tilespmem:$0xCC00] =	vst v63  }
0x35b: {  	_ =	swait.ge [sflag:s5], $0xC800  }
0x35c: {  	[sflag:s5] =	ssyncset.done $0x0  }
0x35d: {  	[sflag:s5] =	ssyncadd.s32 $0xFFFF3800  }
0x35e: {  	[tilespmem:s9], [sflag:$0x1] =	stream.indirect.gather [hbm4b:s2+s12], $0x80, s10, s12, $0xb8;
	[tilespmem:$0xCC00] =	vst v63  }
0x35f: {  	_ =	swait.ge [sflag:s11], $0xC800  }
0x360: {  	[sflag:s11] =	ssyncset.done $0x0  }
0x361: {  	s0 =	rddreg [dreg:$0x16];
	[sflag:s11] =	ssyncadd.s32 $0xFFFF3800  }
0x362: {  	[hbm4b:s0+s3] =	stream.linear.scatter [tilespmem:s9], [sflag:$0x2], $0xC800, $0x38;
	[tilespmem:$0xCC00] =	vst v63  }
0x363: {  	_ =	swait.ge [sflag:s5], $0xC800  }
0x364: {  	[sflag:s5] =	ssyncset.done $0x0  }
0x365: {  	s0 =	rddreg [dreg:$0x17];
	[sflag:s5] =	ssyncadd.s32 $0xFFFF3800  }
0x366: {  	[tilespmem:s3], [sflag:$0x2] =	stream.linear.gather [hbm4b:s0+s3], $0x190, $0x38;
	[tilespmem:$0xCC00] =	vst v63  }
0x367: {  	_ =	swait.ge [sflag:s5], $0x190  }
0x368: {  	[sflag:s5] =	ssyncset.done $0x0  }
0x369: {  	s0 =	rddreg [dreg:$0x18];
	[sflag:s5] =	ssyncadd.s32 $0xFFFFFE70  }
0x36a: {  	[tilespmem:s10], [sflag:$0x2] =	stream.linear.gather [hbm4b:s0+s3], $0x190, $0x38;
	[tilespmem:$0xCC00] =	vst v63  }
0x36b: {  	_ =	swait.ge [sflag:s5], $0x190  }
0x36c: {  	[sflag:s5] =	ssyncset.done $0x0  }
0x36d: {  	[sflag:s5] =	ssyncadd.s32 $0xFFFFFE70  }
0x36e: {  	[tilespmem:s9], [sflag:$0x1] =	stream.indirect.gather [hbm4b:s2+s12], $0x80, s3, s12, $0xb8;
	[tilespmem:$0xCC00] =	vst v63  }
0x36f: {  	_ =	swait.ge [sflag:s11], $0xC800  }
0x370: {  	[sflag:s11] =	ssyncset.done $0x0  }
0x371: {  	s0 =	rddreg [dreg:$0x19];
	[sflag:s11] =	ssyncadd.s32 $0xFFFF3800  }
0x372: {  	[hbm4b:s0+s3] =	stream.linear.scatter [tilespmem:s9], [sflag:$0x2], $0xC800, $0x38;
	[tilespmem:$0xCC00] =	vst v63  }
0x373: {  	_ =	swait.ge [sflag:s5], $0xC800  }
0x374: {  	[sflag:s5] =	ssyncset.done $0x0  }
0x375: {  	[sflag:s5] =	ssyncadd.s32 $0xFFFF3800  }
0x376: {  	[tilespmem:s9], [sflag:$0x1] =	stream.indirect.gather [hbm4b:s2+s12], $0x80, s10, s12, $0xb8;
	[tilespmem:$0xCC00] =	vst v63  }
0x377: {  	_ =	swait.ge [sflag:s11], $0xC800  }
0x378: {  	[sflag:s11] =	ssyncset.done $0x0  }
0x379: {  	s0 =	rddreg [dreg:$0x1a];
	[sflag:s11] =	ssyncadd.s32 $0xFFFF3800  }
0x37a: {  	[hbm4b:s0+s3] =	stream.linear.scatter [tilespmem:s9], [sflag:$0x2], $0xC800, $0x38;
	[tilespmem:$0xCC00] =	vst v63  }
0x37b: {  	_ =	swait.ge [sflag:s5], $0xC800  }
0x37c: {  	[sflag:s5] =	ssyncset.done $0x0  }
0x37d: {  	s0 =	rddreg [dreg:$0x1b];
	[sflag:s5] =	ssyncadd.s32 $0xFFFF3800  }
0x37e: {  	[tilespmem:s3], [sflag:$0x2] =	stream.linear.gather [hbm4b:s0+s3], $0x190, $0x38;
	[tilespmem:$0xCC00] =	vst v63  }
0x37f: {  	_ =	swait.ge [sflag:s5], $0x190  }
0x380: {  	[sflag:s5] =	ssyncset.done $0x0  }
0x381: {  	s0 =	rddreg [dreg:$0x1c];
	[sflag:s5] =	ssyncadd.s32 $0xFFFFFE70  }
0x382: {  	[tilespmem:s10], [sflag:$0x2] =	stream.linear.gather [hbm4b:s0+s3], $0x190, $0x38;
	[tilespmem:$0xCC00] =	vst v63  }
0x383: {  	_ =	swait.ge [sflag:s5], $0x190  }
0x384: {  	[sflag:s5] =	ssyncset.done $0x0  }
0x385: {  	[sflag:s5] =	ssyncadd.s32 $0xFFFFFE70  }
0x386: {  	[tilespmem:s9], [sflag:$0x1] =	stream.indirect.gather [hbm4b:s2+s12], $0x80, s3, s12, $0xb8;
	[tilespmem:$0xCC00] =	vst v63  }
0x387: {  	_ =	swait.ge [sflag:s11], $0xC800  }
0x388: {  	[sflag:s11] =	ssyncset.done $0x0  }
0x389: {  	s0 =	rddreg [dreg:$0x1d];
	[sflag:s11] =	ssyncadd.s32 $0xFFFF3800  }
0x38a: {  	[hbm4b:s0+s3] =	stream.linear.scatter [tilespmem:s9], [sflag:$0x2], $0xC800, $0x38;
	[tilespmem:$0xCC00] =	vst v63  }
0x38b: {  	_ =	swait.ge [sflag:s5], $0xC800  }
0x38c: {  	[sflag:s5] =	ssyncset.done $0x0  }
0x38d: {  	[sflag:s5] =	ssyncadd.s32 $0xFFFF3800  }
0x38e: {  	[tilespmem:s9], [sflag:$0x1] =	stream.indirect.gather [hbm4b:s2+s12], $0x80, s10, s12, $0xb8;
	[tilespmem:$0xCC00] =	vst v63  }
0x38f: {  	_ =	swait.ge [sflag:s11], $0xC800  }
0x390: {  	[sflag:s11] =	ssyncset.done $0x0  }
0x391: {  	s0 =	rddreg [dreg:$0x1e];
	[sflag:s11] =	ssyncadd.s32 $0xFFFF3800  }
0x392: {  	[hbm4b:s0+s3] =	stream.linear.scatter [tilespmem:s9], [sflag:$0x2], $0xC800, $0x38;
	[tilespmem:$0xCC00] =	vst v63  }
0x393: {  	_ =	swait.ge [sflag:s5], $0xC800  }
0x394: {  	[sflag:s5] =	ssyncset.done $0x0  }
0x395: {  	s0 =	rddreg [dreg:$0x1f];
	[sflag:s5] =	ssyncadd.s32 $0xFFFF3800  }
0x396: {  	[tilespmem:s3], [sflag:$0x2] =	stream.linear.gather [hbm4b:s0+s3], $0x190, $0x38;
	[tilespmem:$0xCC00] =	vst v63  }
0x397: {  	_ =	swait.ge [sflag:s5], $0x190  }
0x398: {  	s0 =	sld [smem:$0x7CD]  }
0x399: {  	[sflag:s5] =	ssyncset.done $0x0  }
0x39a: {  	[sflag:s5] =	ssyncadd.s32 $0xFFFFFE70  }
0x39b: {  	[tilespmem:s10], [sflag:$0x2] =	stream.linear.gather [hbm4b:s0+s3], $0x190, $0x38;
	[tilespmem:$0xCC00] =	vst v63  }
0x39c: {  	_ =	swait.ge [sflag:s5], $0x190  }
0x39d: {  	[sflag:s5] =	ssyncset.done $0x0  }
0x39e: {  	[sflag:s5] =	ssyncadd.s32 $0xFFFFFE70  }
0x39f: {  	[tilespmem:s9], [sflag:$0x1] =	stream.indirect.gather [hbm4b:s2+s12], $0x80, s3, s12, $0xb8;
	[tilespmem:$0xCC00] =	vst v63  }
0x3a0: {  	_ =	swait.ge [sflag:s11], $0xC800  }
0x3a1: {  	s0 =	sld [smem:$0x7CE]  }
0x3a2: {  	[sflag:s11] =	ssyncset.done $0x0  }
0x3a3: {  	[sflag:s11] =	ssyncadd.s32 $0xFFFF3800  }
0x3a4: {  	[hbm4b:s0+s3] =	stream.linear.scatter [tilespmem:s9], [sflag:$0x2], $0xC800, $0x38;
	[tilespmem:$0xCC00] =	vst v63  }
0x3a5: {  	_ =	swait.ge [sflag:s5], $0xC800  }
0x3a6: {  	[sflag:s5] =	ssyncset.done $0x0  }
0x3a7: {  	[sflag:s5] =	ssyncadd.s32 $0xFFFF3800  }
0x3a8: {  	[tilespmem:s9], [sflag:$0x1] =	stream.indirect.gather [hbm4b:s2+s12], $0x80, s10, s12, $0xb8;
	[tilespmem:$0xCC00] =	vst v63  }
0x3a9: {  	_ =	swait.ge [sflag:s11], $0xC800  }
0x3aa: {  	s0 =	sld [smem:$0x7CF]  }
0x3ab: {  	[sflag:s11] =	ssyncset.done $0x0  }
0x3ac: {  	[sflag:s11] =	ssyncadd.s32 $0xFFFF3800  }
0x3ad: {  	[hbm4b:s0+s3] =	stream.linear.scatter [tilespmem:s9], [sflag:$0x2], $0xC800, $0x38;
	[tilespmem:$0xCC00] =	vst v63  }
0x3ae: {  	_ =	swait.ge [sflag:s5], $0xC800  }
0x3af: {  	s0 =	sld [smem:$0x7D0]  }
0x3b0: {  	[sflag:s5] =	ssyncset.done $0x0  }
0x3b1: {  	[sflag:s5] =	ssyncadd.s32 $0xFFFF3800  }
0x3b2: {  	[tilespmem:s3], [sflag:$0x2] =	stream.linear.gather [hbm4b:s0+s3], $0x190, $0x38;
	[tilespmem:$0xCC00] =	vst v63  }
0x3b3: {  	_ =	swait.ge [sflag:s5], $0x190  }
0x3b4: {  	s0 =	sld [smem:$0x7D1]  }
0x3b5: {  	[sflag:s5] =	ssyncset.done $0x0  }
0x3b6: {  	[sflag:s5] =	ssyncadd.s32 $0xFFFFFE70  }
0x3b7: {  	[tilespmem:s10], [sflag:$0x2] =	stream.linear.gather [hbm4b:s0+s3], $0x190, $0x38;
	[tilespmem:$0xCC00] =	vst v63  }
0x3b8: {  	_ =	swait.ge [sflag:s5], $0x190  }
0x3b9: {  	[sflag:s5] =	ssyncset.done $0x0  }
0x3ba: {  	[sflag:s5] =	ssyncadd.s32 $0xFFFFFE70  }
0x3bb: {  	[tilespmem:s9], [sflag:$0x1] =	stream.indirect.gather [hbm4b:s2+s12], $0x80, s3, s12, $0xb8;
	[tilespmem:$0xCC00] =	vst v63  }
0x3bc: {  	_ =	swait.ge [sflag:s11], $0xC800  }
0x3bd: {  	s0 =	sld [smem:$0x7D2]  }
0x3be: {  	[sflag:s11] =	ssyncset.done $0x0  }
0x3bf: {  	[sflag:s11] =	ssyncadd.s32 $0xFFFF3800  }
0x3c0: {  	[hbm4b:s0+s3] =	stream.linear.scatter [tilespmem:s9], [sflag:$0x2], $0xC800, $0x38;
	[tilespmem:$0xCC00] =	vst v63  }
0x3c1: {  	_ =	swait.ge [sflag:s5], $0xC800  }
0x3c2: {  	[sflag:s5] =	ssyncset.done $0x0  }
0x3c3: {  	[sflag:s5] =	ssyncadd.s32 $0xFFFF3800  }
0x3c4: {  	[tilespmem:s9], [sflag:$0x1] =	stream.indirect.gather [hbm4b:s2+s12], $0x80, s10, s12, $0xb8;
	[tilespmem:$0xCC00] =	vst v63  }
0x3c5: {  	_ =	swait.ge [sflag:s11], $0xC800  }
0x3c6: {  	s0 =	sld [smem:$0x7D3]  }
0x3c7: {  	[sflag:s11] =	ssyncset.done $0x0  }
0x3c8: {  	[sflag:s11] =	ssyncadd.s32 $0xFFFF3800  }
0x3c9: {  	[hbm4b:s0+s3] =	stream.linear.scatter [tilespmem:s9], [sflag:$0x2], $0xC800, $0x38;
	[tilespmem:$0xCC00] =	vst v63  }
0x3ca: {  	_ =	swait.ge [sflag:s5], $0xC800  }
0x3cb: {  	s0 =	sld [smem:$0x7D4]  }
0x3cc: {  	[sflag:s5] =	ssyncset.done $0x0  }
0x3cd: {  	[sflag:s5] =	ssyncadd.s32 $0xFFFF3800  }
0x3ce: {  	[tilespmem:s3], [sflag:$0x2] =	stream.linear.gather [hbm4b:s0+s3], $0x190, $0x38;
	[tilespmem:$0xCC00] =	vst v63  }
0x3cf: {  	_ =	swait.ge [sflag:s5], $0x190  }
0x3d0: {  	s0 =	sld [smem:$0x7D5]  }
0x3d1: {  	[sflag:s5] =	ssyncset.done $0x0  }
0x3d2: {  	[sflag:s5] =	ssyncadd.s32 $0xFFFFFE70  }
0x3d3: {  	[tilespmem:s10], [sflag:$0x2] =	stream.linear.gather [hbm4b:s0+s3], $0x190, $0x38;
	[tilespmem:$0xCC00] =	vst v63  }
0x3d4: {  	_ =	swait.ge [sflag:s5], $0x190  }
0x3d5: {  	[sflag:s5] =	ssyncset.done $0x0  }
0x3d6: {  	[sflag:s5] =	ssyncadd.s32 $0xFFFFFE70  }
0x3d7: {  	[tilespmem:s9], [sflag:$0x1] =	stream.indirect.gather [hbm4b:s2+s12], $0x80, s3, s12, $0xb8;
	[tilespmem:$0xCC00] =	vst v63  }
0x3d8: {  	_ =	swait.ge [sflag:s11], $0xC800  }
0x3d9: {  	s0 =	sld [smem:$0x7D6]  }
0x3da: {  	[sflag:s11] =	ssyncset.done $0x0  }
0x3db: {  	[sflag:s11] =	ssyncadd.s32 $0xFFFF3800  }
0x3dc: {  	[hbm4b:s0+s3] =	stream.linear.scatter [tilespmem:s9], [sflag:$0x2], $0xC800, $0x38;
	[tilespmem:$0xCC00] =	vst v63  }
0x3dd: {  	_ =	swait.ge [sflag:s5], $0xC800  }
0x3de: {  	[sflag:s5] =	ssyncset.done $0x0  }
0x3df: {  	[sflag:s5] =	ssyncadd.s32 $0xFFFF3800  }
0x3e0: {  	[tilespmem:s9], [sflag:$0x1] =	stream.indirect.gather [hbm4b:s2+s12], $0x80, s10, s12, $0xb8;
	[tilespmem:$0xCC00] =	vst v63  }
0x3e1: {  	_ =	swait.ge [sflag:s11], $0xC800  }
0x3e2: {  	s0 =	sld [smem:$0x7D7]  }
0x3e3: {  	[sflag:s11] =	ssyncset.done $0x0  }
0x3e4: {  	[sflag:s11] =	ssyncadd.s32 $0xFFFF3800  }
0x3e5: {  	[hbm4b:s0+s3] =	stream.linear.scatter [tilespmem:s9], [sflag:$0x2], $0xC800, $0x38;
	[tilespmem:$0xCC00] =	vst v63  }
0x3e6: {  	_ =	swait.ge [sflag:s5], $0xC800  }
0x3e7: {  	s0 =	sld [smem:$0x7D8]  }
0x3e8: {  	[sflag:s5] =	ssyncset.done $0x0  }
0x3e9: {  	[sflag:s5] =	ssyncadd.s32 $0xFFFF3800  }
0x3ea: {  	[tilespmem:s3], [sflag:$0x2] =	stream.linear.gather [hbm4b:s0+s3], $0x190, $0x38;
	[tilespmem:$0xCC00] =	vst v63  }
0x3eb: {  	_ =	swait.ge [sflag:s5], $0x190  }
0x3ec: {  	s0 =	sld [smem:$0x7D9]  }
0x3ed: {  	[sflag:s5] =	ssyncset.done $0x0  }
0x3ee: {  	[sflag:s5] =	ssyncadd.s32 $0xFFFFFE70  }
0x3ef: {  	[tilespmem:s10], [sflag:$0x2] =	stream.linear.gather [hbm4b:s0+s3], $0x190, $0x38;
	[tilespmem:$0xCC00] =	vst v63  }
0x3f0: {  	_ =	swait.ge [sflag:s5], $0x190  }
0x3f1: {  	[sflag:s5] =	ssyncset.done $0x0  }
0x3f2: {  	[sflag:s5] =	ssyncadd.s32 $0xFFFFFE70  }
0x3f3: {  	[tilespmem:s9], [sflag:$0x1] =	stream.indirect.gather [hbm4b:s2+s12], $0x80, s3, s12, $0xb8;
	[tilespmem:$0xCC00] =	vst v63  }
0x3f4: {  	_ =	swait.ge [sflag:s11], $0xC800  }
0x3f5: {  	s0 =	sld [smem:$0x7DA]  }
0x3f6: {  	[sflag:s11] =	ssyncset.done $0x0  }
0x3f7: {  	[sflag:s11] =	ssyncadd.s32 $0xFFFF3800  }
0x3f8: {  	[hbm4b:s0+s3] =	stream.linear.scatter [tilespmem:s9], [sflag:$0x2], $0xC800, $0x38;
	[tilespmem:$0xCC00] =	vst v63  }
0x3f9: {  	_ =	swait.ge [sflag:s5], $0xC800  }
0x3fa: {  	[sflag:s5] =	ssyncset.done $0x0  }
0x3fb: {  	[sflag:s5] =	ssyncadd.s32 $0xFFFF3800  }
0x3fc: {  	[tilespmem:s9], [sflag:$0x1] =	stream.indirect.gather [hbm4b:s2+s12], $0x80, s10, s12, $0xb8;
	[tilespmem:$0xCC00] =	vst v63  }
0x3fd: {  	_ =	swait.ge [sflag:s11], $0xC800  }
0x3fe: {  	s0 =	sld [smem:$0x7DB]  }
0x3ff: {  	[sflag:s11] =	ssyncset.done $0x0  }
0x400: {  	[sflag:s11] =	ssyncadd.s32 $0xFFFF3800  }
0x401: {  	[hbm4b:s0+s3] =	stream.linear.scatter [tilespmem:s9], [sflag:$0x2], $0xC800, $0x38;
	[tilespmem:$0xCC00] =	vst v63  }
0x402: {  	_ =	swait.ge [sflag:s5], $0xC800  }
0x403: {  	s0 =	sld [smem:$0x7DC]  }
0x404: {  	[sflag:s5] =	ssyncset.done $0x0  }
0x405: {  	[sflag:s5] =	ssyncadd.s32 $0xFFFF3800  }
0x406: {  	[tilespmem:s3], [sflag:$0x2] =	stream.linear.gather [hbm4b:s0+s3], $0x190, $0x38;
	[tilespmem:$0xCC00] =	vst v63  }
0x407: {  	_ =	swait.ge [sflag:s5], $0x190  }
0x408: {  	s0 =	sld [smem:$0x7DD]  }
0x409: {  	[sflag:s5] =	ssyncset.done $0x0  }
0x40a: {  	[sflag:s5] =	ssyncadd.s32 $0xFFFFFE70  }
0x40b: {  	[tilespmem:s10], [sflag:$0x2] =	stream.linear.gather [hbm4b:s0+s3], $0x190, $0x38;
	[tilespmem:$0xCC00] =	vst v63  }
0x40c: {  	_ =	swait.ge [sflag:s5], $0x190  }
0x40d: {  	[sflag:s5] =	ssyncset.done $0x0  }
0x40e: {  	[sflag:s5] =	ssyncadd.s32 $0xFFFFFE70  }
0x40f: {  	[tilespmem:s9], [sflag:$0x1] =	stream.indirect.gather [hbm4b:s2+s12], $0x80, s3, s12, $0xb8;
	[tilespmem:$0xCC00] =	vst v63  }
0x410: {  	_ =	swait.ge [sflag:s11], $0xC800  }
0x411: {  	s0 =	sld [smem:$0x7DE]  }
0x412: {  	[sflag:s11] =	ssyncset.done $0x0  }
0x413: {  	[sflag:s11] =	ssyncadd.s32 $0xFFFF3800  }
0x414: {  	[hbm4b:s0+s3] =	stream.linear.scatter [tilespmem:s9], [sflag:$0x2], $0xC800, $0x38;
	[tilespmem:$0xCC00] =	vst v63  }
0x415: {  	_ =	swait.ge [sflag:s5], $0xC800  }
0x416: {  	[sflag:s5] =	ssyncset.done $0x0  }
0x417: {  	[sflag:s5] =	ssyncadd.s32 $0xFFFF3800  }
0x418: {  	[tilespmem:s9], [sflag:$0x1] =	stream.indirect.gather [hbm4b:s2+s12], $0x80, s10, s12, $0xb8;
	[tilespmem:$0xCC00] =	vst v63  }
0x419: {  	_ =	swait.ge [sflag:s11], $0xC800  }
0x41a: {  	s0 =	sld [smem:$0x7DF]  }
0x41b: {  	[sflag:s11] =	ssyncset.done $0x0  }
0x41c: {  	[sflag:s11] =	ssyncadd.s32 $0xFFFF3800  }
0x41d: {  	[hbm4b:s0+s3] =	stream.linear.scatter [tilespmem:s9], [sflag:$0x2], $0xC800, $0x38;
	[tilespmem:$0xCC00] =	vst v63  }
0x41e: {  	_ =	swait.ge [sflag:s5], $0xC800  }
0x41f: {  	s0 =	sld [smem:$0x7E0]  }
0x420: {  	[sflag:s5] =	ssyncset.done $0x0  }
0x421: {  	[sflag:s5] =	ssyncadd.s32 $0xFFFF3800  }
0x422: {  	[tilespmem:s3], [sflag:$0x2] =	stream.linear.gather [hbm4b:s0+s3], $0x190, $0x38;
	[tilespmem:$0xCC00] =	vst v63  }
0x423: {  	_ =	swait.ge [sflag:s5], $0x190  }
0x424: {  	s0 =	sld [smem:$0x7E1]  }
0x425: {  	[sflag:s5] =	ssyncset.done $0x0  }
0x426: {  	[sflag:s5] =	ssyncadd.s32 $0xFFFFFE70  }
0x427: {  	[tilespmem:s10], [sflag:$0x2] =	stream.linear.gather [hbm4b:s0+s3], $0x190, $0x38;
	[tilespmem:$0xCC00] =	vst v63  }
0x428: {  	_ =	swait.ge [sflag:s5], $0x190  }
0x429: {  	[sflag:s5] =	ssyncset.done $0x0  }
0x42a: {  	[sflag:s5] =	ssyncadd.s32 $0xFFFFFE70  }
0x42b: {  	[tilespmem:s9], [sflag:$0x1] =	stream.indirect.gather [hbm4b:s2+s12], $0x80, s3, s12, $0xb8;
	[tilespmem:$0xCC00] =	vst v63  }
0x42c: {  	_ =	swait.ge [sflag:s11], $0xC800  }
0x42d: {  	s0 =	sld [smem:$0x7E2]  }
0x42e: {  	[sflag:s11] =	ssyncset.done $0x0  }
0x42f: {  	[sflag:s11] =	ssyncadd.s32 $0xFFFF3800  }
0x430: {  	[hbm4b:s0+s3] =	stream.linear.scatter [tilespmem:s9], [sflag:$0x2], $0xC800, $0x38;
	[tilespmem:$0xCC00] =	vst v63  }
0x431: {  	_ =	swait.ge [sflag:s5], $0xC800  }
0x432: {  	[sflag:s5] =	ssyncset.done $0x0  }
0x433: {  	[sflag:s5] =	ssyncadd.s32 $0xFFFF3800  }
0x434: {  	[tilespmem:s9], [sflag:$0x1] =	stream.indirect.gather [hbm4b:s2+s12], $0x80, s10, s12, $0xb8;
	[tilespmem:$0xCC00] =	vst v63  }
0x435: {  	_ =	swait.ge [sflag:s11], $0xC800  }
0x436: {  	s0 =	sld [smem:$0x7E3]  }
0x437: {  	[sflag:s11] =	ssyncset.done $0x0  }
0x438: {  	[sflag:s11] =	ssyncadd.s32 $0xFFFF3800  }
0x439: {  	[hbm4b:s0+s3] =	stream.linear.scatter [tilespmem:s9], [sflag:$0x2], $0xC800, $0x38;
	[tilespmem:$0xCC00] =	vst v63  }
0x43a: {  	_ =	swait.ge [sflag:s5], $0xC800  }
0x43b: {  	s0 =	sld [smem:$0x7E4]  }
0x43c: {  	[sflag:s5] =	ssyncset.done $0x0  }
0x43d: {  	[sflag:s5] =	ssyncadd.s32 $0xFFFF3800  }
0x43e: {  	[tilespmem:s3], [sflag:$0x2] =	stream.linear.gather [hbm4b:s0+s3], $0x190, $0x38;
	[tilespmem:$0xCC00] =	vst v63  }
0x43f: {  	_ =	swait.ge [sflag:s5], $0x190  }
0x440: {  	s0 =	sld [smem:$0x7E5]  }
0x441: {  	[sflag:s5] =	ssyncset.done $0x0  }
0x442: {  	[sflag:s5] =	ssyncadd.s32 $0xFFFFFE70  }
0x443: {  	[tilespmem:s10], [sflag:$0x2] =	stream.linear.gather [hbm4b:s0+s3], $0x190, $0x38;
	[tilespmem:$0xCC00] =	vst v63  }
0x444: {  	_ =	swait.ge [sflag:s5], $0x190  }
0x445: {  	[sflag:s5] =	ssyncset.done $0x0  }
0x446: {  	[sflag:s5] =	ssyncadd.s32 $0xFFFFFE70  }
0x447: {  	[tilespmem:s9], [sflag:$0x1] =	stream.indirect.gather [hbm4b:s2+s12], $0x80, s3, s12, $0xb8;
	[tilespmem:$0xCC00] =	vst v63  }
0x448: {  	_ =	swait.ge [sflag:s11], $0xC800  }
0x449: {  	s0 =	sld [smem:$0x7E6]  }
0x44a: {  	[sflag:s11] =	ssyncset.done $0x0  }
0x44b: {  	[sflag:s11] =	ssyncadd.s32 $0xFFFF3800  }
0x44c: {  	[hbm4b:s0+s3] =	stream.linear.scatter [tilespmem:s9], [sflag:$0x2], $0xC800, $0x38;
	[tilespmem:$0xCC00] =	vst v63  }
0x44d: {  	_ =	swait.ge [sflag:s5], $0xC800  }
0x44e: {  	[sflag:s5] =	ssyncset.done $0x0  }
0x44f: {  	[sflag:s5] =	ssyncadd.s32 $0xFFFF3800  }
0x450: {  	[tilespmem:s9], [sflag:$0x1] =	stream.indirect.gather [hbm4b:s2+s12], $0x80, s10, s12, $0xb8;
	[tilespmem:$0xCC00] =	vst v63  }
0x451: {  	_ =	swait.ge [sflag:s11], $0xC800  }
0x452: {  	s0 =	sld [smem:$0x7E7]  }
0x453: {  	[sflag:s11] =	ssyncset.done $0x0  }
0x454: {  	[sflag:s11] =	ssyncadd.s32 $0xFFFF3800  }
0x455: {  	[hbm4b:s0+s3] =	stream.linear.scatter [tilespmem:s9], [sflag:$0x2], $0xC800, $0x38;
	[tilespmem:$0xCC00] =	vst v63  }
0x456: {  	_ =	swait.ge [sflag:s5], $0xC800  }
0x457: {  	s0 =	sld [smem:$0x7E8]  }
0x458: {  	[sflag:s5] =	ssyncset.done $0x0  }
0x459: {  	[sflag:s5] =	ssyncadd.s32 $0xFFFF3800  }
0x45a: {  	[tilespmem:s3], [sflag:$0x2] =	stream.linear.gather [hbm4b:s0+s3], $0x190, $0x38;
	[tilespmem:$0xCC00] =	vst v63  }
0x45b: {  	_ =	swait.ge [sflag:s5], $0x190  }
0x45c: {  	s0 =	sld [smem:$0x7E9]  }
0x45d: {  	[sflag:s5] =	ssyncset.done $0x0  }
0x45e: {  	[sflag:s5] =	ssyncadd.s32 $0xFFFFFE70  }
0x45f: {  	[tilespmem:s10], [sflag:$0x2] =	stream.linear.gather [hbm4b:s0+s3], $0x190, $0x38;
	[tilespmem:$0xCC00] =	vst v63  }
0x460: {  	_ =	swait.ge [sflag:s5], $0x190  }
0x461: {  	[sflag:s5] =	ssyncset.done $0x0  }
0x462: {  	[sflag:s5] =	ssyncadd.s32 $0xFFFFFE70  }
0x463: {  	[tilespmem:s9], [sflag:$0x1] =	stream.indirect.gather [hbm4b:s2+s12], $0x80, s3, s12, $0xb8;
	[tilespmem:$0xCC00] =	vst v63  }
0x464: {  	_ =	swait.ge [sflag:s11], $0xC800  }
0x465: {  	s0 =	sld [smem:$0x7EA]  }
0x466: {  	[sflag:s11] =	ssyncset.done $0x0  }
0x467: {  	[sflag:s11] =	ssyncadd.s32 $0xFFFF3800  }
0x468: {  	[hbm4b:s0+s3] =	stream.linear.scatter [tilespmem:s9], [sflag:$0x2], $0xC800, $0x38;
	[tilespmem:$0xCC00] =	vst v63  }
0x469: {  	_ =	swait.ge [sflag:s5], $0xC800  }
0x46a: {  	[sflag:s5] =	ssyncset.done $0x0  }
0x46b: {  	[sflag:s5] =	ssyncadd.s32 $0xFFFF3800  }
0x46c: {  	[tilespmem:s9], [sflag:$0x1] =	stream.indirect.gather [hbm4b:s2+s12], $0x80, s10, s12, $0xb8;
	[tilespmem:$0xCC00] =	vst v63  }
0x46d: {  	_ =	swait.ge [sflag:s11], $0xC800  }
0x46e: {  	s0 =	sld [smem:$0x7EB]  }
0x46f: {  	[sflag:s11] =	ssyncset.done $0x0  }
0x470: {  	[sflag:s11] =	ssyncadd.s32 $0xFFFF3800  }
0x471: {  	[hbm4b:s0+s3] =	stream.linear.scatter [tilespmem:s9], [sflag:$0x2], $0xC800, $0x38;
	[tilespmem:$0xCC00] =	vst v63  }
0x472: {  	_ =	swait.ge [sflag:s5], $0xC800  }
0x473: {  	s0 =	sld [smem:$0x7EC]  }
0x474: {  	[sflag:s5] =	ssyncset.done $0x0  }
0x475: {  	[sflag:s5] =	ssyncadd.s32 $0xFFFF3800  }
0x476: {  	[tilespmem:s3], [sflag:$0x2] =	stream.linear.gather [hbm4b:s0+s3], $0x190, $0x38;
	[tilespmem:$0xCC00] =	vst v63  }
0x477: {  	_ =	swait.ge [sflag:s5], $0x190  }
0x478: {  	s0 =	sld [smem:$0x7ED]  }
0x479: {  	[sflag:s5] =	ssyncset.done $0x0  }
0x47a: {  	[sflag:s5] =	ssyncadd.s32 $0xFFFFFE70  }
0x47b: {  	[tilespmem:s10], [sflag:$0x2] =	stream.linear.gather [hbm4b:s0+s3], $0x190, $0x38;
	[tilespmem:$0xCC00] =	vst v63  }
0x47c: {  	_ =	swait.ge [sflag:s5], $0x190  }
0x47d: {  	[sflag:s5] =	ssyncset.done $0x0  }
0x47e: {  	[sflag:s5] =	ssyncadd.s32 $0xFFFFFE70  }
0x47f: {  	[tilespmem:s9], [sflag:$0x1] =	stream.indirect.gather [hbm4b:s2+s12], $0x80, s3, s12, $0xb8;
	[tilespmem:$0xCC00] =	vst v63  }
0x480: {  	_ =	swait.ge [sflag:s11], $0xC800  }
0x481: {  	s0 =	sld [smem:$0x7EE]  }
0x482: {  	[sflag:s11] =	ssyncset.done $0x0  }
0x483: {  	[sflag:s11] =	ssyncadd.s32 $0xFFFF3800  }
0x484: {  	[hbm4b:s0+s3] =	stream.linear.scatter [tilespmem:s9], [sflag:$0x2], $0xC800, $0x38;
	[tilespmem:$0xCC00] =	vst v63  }
0x485: {  	_ =	swait.ge [sflag:s5], $0xC800  }
0x486: {  	[sflag:s5] =	ssyncset.done $0x0  }
0x487: {  	[sflag:s5] =	ssyncadd.s32 $0xFFFF3800  }
0x488: {  	[tilespmem:s9], [sflag:$0x1] =	stream.indirect.gather [hbm4b:s2+s12], $0x80, s10, s12, $0xb8;
	[tilespmem:$0xCC00] =	vst v63  }
0x489: {  	_ =	swait.ge [sflag:s11], $0xC800  }
0x48a: {  	s0 =	sld [smem:$0x7EF]  }
0x48b: {  	[sflag:s11] =	ssyncset.done $0x0  }
0x48c: {  	[sflag:s11] =	ssyncadd.s32 $0xFFFF3800  }
0x48d: {  	[hbm4b:s0+s3] =	stream.linear.scatter [tilespmem:s9], [sflag:$0x2], $0xC800, $0x38;
	[tilespmem:$0xCC00] =	vst v63  }
0x48e: {  	_ =	swait.ge [sflag:s5], $0xC800  }
0x48f: {  	s0 =	sld [smem:$0x7F0]  }
0x490: {  	[sflag:s5] =	ssyncset.done $0x0  }
0x491: {  	[sflag:s5] =	ssyncadd.s32 $0xFFFF3800  }
0x492: {  	[tilespmem:s3], [sflag:$0x2] =	stream.linear.gather [hbm4b:s0+s3], $0x190, $0x38;
	[tilespmem:$0xCC00] =	vst v63  }
0x493: {  	_ =	swait.ge [sflag:s5], $0x190  }
0x494: {  	s0 =	sld [smem:$0x7F1]  }
0x495: {  	[sflag:s5] =	ssyncset.done $0x0  }
0x496: {  	[sflag:s5] =	ssyncadd.s32 $0xFFFFFE70  }
0x497: {  	[tilespmem:s10], [sflag:$0x2] =	stream.linear.gather [hbm4b:s0+s3], $0x190, $0x38;
	[tilespmem:$0xCC00] =	vst v63  }
0x498: {  	_ =	swait.ge [sflag:s5], $0x190  }
0x499: {  	[sflag:s5] =	ssyncset.done $0x0  }
0x49a: {  	[sflag:s5] =	ssyncadd.s32 $0xFFFFFE70  }
0x49b: {  	[tilespmem:s9], [sflag:$0x1] =	stream.indirect.gather [hbm4b:s2+s12], $0x80, s3, s12, $0xb8;
	[tilespmem:$0xCC00] =	vst v63  }
0x49c: {  	_ =	swait.ge [sflag:s11], $0xC800  }
0x49d: {  	s0 =	sld [smem:$0x7F2]  }
0x49e: {  	[sflag:s11] =	ssyncset.done $0x0  }
0x49f: {  	[sflag:s11] =	ssyncadd.s32 $0xFFFF3800  }
0x4a0: {  	[hbm4b:s0+s3] =	stream.linear.scatter [tilespmem:s9], [sflag:$0x2], $0xC800, $0x38;
	[tilespmem:$0xCC00] =	vst v63  }
0x4a1: {  	_ =	swait.ge [sflag:s5], $0xC800  }
0x4a2: {  	[sflag:s5] =	ssyncset.done $0x0  }
0x4a3: {  	[sflag:s5] =	ssyncadd.s32 $0xFFFF3800  }
0x4a4: {  	[tilespmem:s9], [sflag:$0x1] =	stream.indirect.gather [hbm4b:s2+s12], $0x80, s10, s12, $0xb8;
	[tilespmem:$0xCC00] =	vst v63  }
0x4a5: {  	_ =	swait.ge [sflag:s11], $0xC800  }
0x4a6: {  	s0 =	sld [smem:$0x7F3]  }
0x4a7: {  	[sflag:s11] =	ssyncset.done $0x0  }
0x4a8: {  	[sflag:s11] =	ssyncadd.s32 $0xFFFF3800  }
0x4a9: {  	[hbm4b:s0+s3] =	stream.linear.scatter [tilespmem:s9], [sflag:$0x2], $0xC800, $0x38;
	[tilespmem:$0xCC00] =	vst v63  }
0x4aa: {  	_ =	swait.ge [sflag:s5], $0xC800  }
0x4ab: {  	s0 =	sld [smem:$0x7F4]  }
0x4ac: {  	[sflag:s5] =	ssyncset.done $0x0  }
0x4ad: {  	[sflag:s5] =	ssyncadd.s32 $0xFFFF3800  }
0x4ae: {  	[tilespmem:s3], [sflag:$0x2] =	stream.linear.gather [hbm4b:s0+s3], $0x190, $0x38;
	[tilespmem:$0xCC00] =	vst v63  }
0x4af: {  	_ =	swait.ge [sflag:s5], $0x190  }
0x4b0: {  	s0 =	sld [smem:$0x7F5]  }
0x4b1: {  	[sflag:s5] =	ssyncset.done $0x0  }
0x4b2: {  	[sflag:s5] =	ssyncadd.s32 $0xFFFFFE70  }
0x4b3: {  	[tilespmem:s10], [sflag:$0x2] =	stream.linear.gather [hbm4b:s0+s3], $0x190, $0x38;
	[tilespmem:$0xCC00] =	vst v63  }
0x4b4: {  	_ =	swait.ge [sflag:s5], $0x190  }
0x4b5: {  	[sflag:s5] =	ssyncset.done $0x0  }
0x4b6: {  	[sflag:s5] =	ssyncadd.s32 $0xFFFFFE70  }
0x4b7: {  	[tilespmem:s9], [sflag:$0x1] =	stream.indirect.gather [hbm4b:s2+s12], $0x80, s3, s12, $0xb8;
	[tilespmem:$0xCC00] =	vst v63  }
0x4b8: {  	_ =	swait.ge [sflag:s11], $0xC800  }
0x4b9: {  	s0 =	sld [smem:$0x7F6]  }
0x4ba: {  	[sflag:s11] =	ssyncset.done $0x0  }
0x4bb: {  	[sflag:s11] =	ssyncadd.s32 $0xFFFF3800  }
0x4bc: {  	[hbm4b:s0+s3] =	stream.linear.scatter [tilespmem:s9], [sflag:$0x2], $0xC800, $0x38;
	[tilespmem:$0xCC00] =	vst v63  }
0x4bd: {  	_ =	swait.ge [sflag:s5], $0xC800  }
0x4be: {  	[sflag:s5] =	ssyncset.done $0x0  }
0x4bf: {  	[sflag:s5] =	ssyncadd.s32 $0xFFFF3800  }
0x4c0: {  	[tilespmem:s9], [sflag:$0x1] =	stream.indirect.gather [hbm4b:s2+s12], $0x80, s10, s12, $0xb8;
	[tilespmem:$0xCC00] =	vst v63  }
0x4c1: {  	_ =	swait.ge [sflag:s11], $0xC800  }
0x4c2: {  	s0 =	sld [smem:$0x7F7]  }
0x4c3: {  	[sflag:s11] =	ssyncset.done $0x0  }
0x4c4: {  	[sflag:s11] =	ssyncadd.s32 $0xFFFF3800  }
0x4c5: {  	[hbm4b:s0+s3] =	stream.linear.scatter [tilespmem:s9], [sflag:$0x2], $0xC800, $0x38;
	[tilespmem:$0xCC00] =	vst v63  }
0x4c6: {  	_ =	swait.ge [sflag:s5], $0xC800  }
0x4c7: {  	s0 =	sld [smem:$0x7F8]  }
0x4c8: {  	[sflag:s5] =	ssyncset.done $0x0  }
0x4c9: {  	[sflag:s5] =	ssyncadd.s32 $0xFFFF3800  }
0x4ca: {  	[tilespmem:s3], [sflag:$0x2] =	stream.linear.gather [hbm4b:s0+s3], $0x190, $0x38;
	[tilespmem:$0xCC00] =	vst v63  }
0x4cb: {  	_ =	swait.ge [sflag:s5], $0x190  }
0x4cc: {  	s0 =	sld [smem:$0x7F9]  }
0x4cd: {  	[sflag:s5] =	ssyncset.done $0x0  }
0x4ce: {  	[sflag:s5] =	ssyncadd.s32 $0xFFFFFE70  }
0x4cf: {  	[tilespmem:s10], [sflag:$0x2] =	stream.linear.gather [hbm4b:s0+s3], $0x190, $0x38;
	[tilespmem:$0xCC00] =	vst v63  }
0x4d0: {  	_ =	swait.ge [sflag:s5], $0x190  }
0x4d1: {  	[sflag:s5] =	ssyncset.done $0x0  }
0x4d2: {  	[sflag:s5] =	ssyncadd.s32 $0xFFFFFE70  }
0x4d3: {  	[tilespmem:s9], [sflag:$0x1] =	stream.indirect.gather [hbm4b:s2+s12], $0x80, s3, s12, $0xb8;
	[tilespmem:$0xCC00] =	vst v63  }
0x4d4: {  	_ =	swait.ge [sflag:s11], $0xC800  }
0x4d5: {  	s0 =	sld [smem:$0x7FA]  }
0x4d6: {  	[sflag:s11] =	ssyncset.done $0x0  }
0x4d7: {  	[sflag:s11] =	ssyncadd.s32 $0xFFFF3800  }
0x4d8: {  	[hbm4b:s0+s3] =	stream.linear.scatter [tilespmem:s9], [sflag:$0x2], $0xC800, $0x38;
	[tilespmem:$0xCC00] =	vst v63  }
0x4d9: {  	_ =	swait.ge [sflag:s5], $0xC800  }
0x4da: {  	[sflag:s5] =	ssyncset.done $0x0  }
0x4db: {  	[sflag:s5] =	ssyncadd.s32 $0xFFFF3800  }
0x4dc: {  	[tilespmem:s9], [sflag:$0x1] =	stream.indirect.gather [hbm4b:s2+s12], $0x80, s10, s12, $0xb8;
	[tilespmem:$0xCC00] =	vst v63  }
0x4dd: {  	_ =	swait.ge [sflag:s11], $0xC800  }
0x4de: {  	s0 =	sld [smem:$0x7FB]  }
0x4df: {  	[sflag:s11] =	ssyncset.done $0x0  }
0x4e0: {  	[sflag:s11] =	ssyncadd.s32 $0xFFFF3800  }
0x4e1: {  	[hbm4b:s0+s3] =	stream.linear.scatter [tilespmem:s9], [sflag:$0x2], $0xC800, $0x38;
	[tilespmem:$0xCC00] =	vst v63  }
0x4e2: {  	_ =	swait.ge [sflag:s5], $0xC800  }
0x4e3: {  	s0 =	sld [smem:$0x7FC]  }
0x4e4: {  	[sflag:s5] =	ssyncset.done $0x0  }
0x4e5: {  	[sflag:s5] =	ssyncadd.s32 $0xFFFF3800  }
0x4e6: {  	[tilespmem:s3], [sflag:$0x2] =	stream.linear.gather [hbm4b:s0+s3], $0x190, $0x38;
	[tilespmem:$0xCC00] =	vst v63  }
0x4e7: {  	_ =	swait.ge [sflag:s5], $0x190  }
0x4e8: {  	s0 =	sld [smem:$0x7FD]  }
0x4e9: {  	[sflag:s5] =	ssyncset.done $0x0  }
0x4ea: {  	[sflag:s5] =	ssyncadd.s32 $0xFFFFFE70  }
0x4eb: {  	[tilespmem:s10], [sflag:$0x2] =	stream.linear.gather [hbm4b:s0+s3], $0x190, $0x38;
	[tilespmem:$0xCC00] =	vst v63  }
0x4ec: {  	_ =	swait.ge [sflag:s5], $0x190  }
0x4ed: {  	[sflag:s5] =	ssyncset.done $0x0  }
0x4ee: {  	[sflag:s5] =	ssyncadd.s32 $0xFFFFFE70  }
0x4ef: {  	[tilespmem:s9], [sflag:$0x1] =	stream.indirect.gather [hbm4b:s2+s12], $0x80, s3, s12, $0xb8;
	[tilespmem:$0xCC00] =	vst v63  }
0x4f0: {  	_ =	swait.ge [sflag:s11], $0xC800  }
0x4f1: {  	[sflag:s11] =	ssyncset.done $0x0  }
0x4f2: {  	[sflag:s11] =	ssyncadd.s32 $0xFFFF3800  }
0x4f3: {  	[hbm4b:s31+s3] =	stream.linear.scatter [tilespmem:s9], [sflag:$0x2], $0xC800, $0x38;
	[tilespmem:$0xCC00] =	vst v63  }
0x4f4: {  	_ =	swait.ge [sflag:s5], $0xC800  }
0x4f5: {  	[sflag:s5] =	ssyncset.done $0x0  }
0x4f6: {  	[sflag:s5] =	ssyncadd.s32 $0xFFFF3800  }
0x4f7: {  	[tilespmem:s9], [sflag:$0x1] =	stream.indirect.gather [hbm4b:s2+s12], $0x80, s10, s12, $0xb8;
	[tilespmem:$0xCC00] =	vst v63  }
0x4f8: {  	_ =	swait.ge [sflag:s11], $0xC800  }
0x4f9: {  	[sflag:s11] =	ssyncset.done $0x0  }
0x4fa: {  	[sflag:s11] =	ssyncadd.s32 $0xFFFF3800  }
0x4fb: {  	[hbm4b:s30+s3] =	stream.linear.scatter [tilespmem:s9], [sflag:$0x2], $0xC800, $0x38;
	[tilespmem:$0xCC00] =	vst v63  }
0x4fc: {  	_ =	swait.ge [sflag:s5], $0xC800  }
0x4fd: {  	[sflag:s5] =	ssyncset.done $0x0  }
0x4fe: {  	[sflag:s5] =	ssyncadd.s32 $0xFFFF3800  }
0x4ff: {  	[tilespmem:s3], [sflag:$0x2] =	stream.linear.gather [hbm4b:s29+s3], $0x190, $0x38;
	[tilespmem:$0xCC00] =	vst v63  }
0x500: {  	_ =	swait.ge [sflag:s5], $0x190  }
0x501: {  	[sflag:s5] =	ssyncset.done $0x0  }
0x502: {  	[sflag:s5] =	ssyncadd.s32 $0xFFFFFE70  }
0x503: {  	[tilespmem:s10], [sflag:$0x2] =	stream.linear.gather [hbm4b:s28+s3], $0x190, $0x38;
	[tilespmem:$0xCC00] =	vst v63  }
0x504: {  	_ =	swait.ge [sflag:s5], $0x190  }
0x505: {  	[sflag:s5] =	ssyncset.done $0x0  }
0x506: {  	[sflag:s5] =	ssyncadd.s32 $0xFFFFFE70  }
0x507: {  	[tilespmem:s9], [sflag:$0x1] =	stream.indirect.gather [hbm4b:s2+s12], $0x80, s3, s12, $0xb8;
	[tilespmem:$0xCC00] =	vst v63  }
0x508: {  	_ =	swait.ge [sflag:s11], $0xC800  }
0x509: {  	[sflag:s11] =	ssyncset.done $0x0  }
0x50a: {  	[sflag:s11] =	ssyncadd.s32 $0xFFFF3800  }
0x50b: {  	[hbm4b:s26+s3] =	stream.linear.scatter [tilespmem:s9], [sflag:$0x2], $0xC800, $0x38;
	[tilespmem:$0xCC00] =	vst v63  }
0x50c: {  	_ =	swait.ge [sflag:s5], $0xC800  }
0x50d: {  	[sflag:s5] =	ssyncset.done $0x0  }
0x50e: {  	[sflag:s5] =	ssyncadd.s32 $0xFFFF3800  }
0x50f: {  	[tilespmem:s9], [sflag:$0x1] =	stream.indirect.gather [hbm4b:s2+s12], $0x80, s10, s12, $0xb8;
	[tilespmem:$0xCC00] =	vst v63  }
0x510: {  	_ =	swait.ge [sflag:s11], $0xC800  }
0x511: {  	[sflag:s11] =	ssyncset.done $0x0  }
0x512: {  	[sflag:s11] =	ssyncadd.s32 $0xFFFF3800  }
0x513: {  	[hbm4b:s24+s3] =	stream.linear.scatter [tilespmem:s9], [sflag:$0x2], $0xC800, $0x38;
	[tilespmem:$0xCC00] =	vst v63  }
0x514: {  	_ =	swait.ge [sflag:s5], $0xC800  }
0x515: {  	[sflag:s5] =	ssyncset.done $0x0  }
0x516: {  	[sflag:s5] =	ssyncadd.s32 $0xFFFF3800  }
0x517: {  	[tilespmem:s3], [sflag:$0x2] =	stream.linear.gather [hbm4b:s23+s3], $0x190, $0x38;
	[tilespmem:$0xCC00] =	vst v63  }
0x518: {  	_ =	swait.ge [sflag:s5], $0x190  }
0x519: {  	[sflag:s5] =	ssyncset.done $0x0  }
0x51a: {  	[sflag:s5] =	ssyncadd.s32 $0xFFFFFE70  }
0x51b: {  	[tilespmem:s10], [sflag:$0x2] =	stream.linear.gather [hbm4b:s22+s3], $0x190, $0x38;
	[tilespmem:$0xCC00] =	vst v63  }
0x51c: {  	_ =	swait.ge [sflag:s5], $0x190  }
0x51d: {  	[sflag:s5] =	ssyncset.done $0x0  }
0x51e: {  	[sflag:s5] =	ssyncadd.s32 $0xFFFFFE70  }
0x51f: {  	[tilespmem:s9], [sflag:$0x1] =	stream.indirect.gather [hbm4b:s2+s12], $0x80, s3, s12, $0xb8;
	[tilespmem:$0xCC00] =	vst v63  }
0x520: {  	_ =	swait.ge [sflag:s11], $0xC800  }
0x521: {  	[sflag:s11] =	ssyncset.done $0x0  }
0x522: {  	[sflag:s11] =	ssyncadd.s32 $0xFFFF3800  }
0x523: {  	[hbm4b:s25+s3] =	stream.linear.scatter [tilespmem:s9], [sflag:$0x2], $0xC800, $0x38;
	[tilespmem:$0xCC00] =	vst v63  }
0x524: {  	_ =	swait.ge [sflag:s5], $0xC800  }
0x525: {  	[sflag:s5] =	ssyncset.done $0x0  }
0x526: {  	[sflag:s5] =	ssyncadd.s32 $0xFFFF3800  }
0x527: {  	[tilespmem:s9], [sflag:$0x1] =	stream.indirect.gather [hbm4b:s2+s12], $0x80, s10, s12, $0xb8;
	[tilespmem:$0xCC00] =	vst v63  }
0x528: {  	_ =	swait.ge [sflag:s11], $0xC800  }
0x529: {  	[sflag:s11] =	ssyncset.done $0x0  }
0x52a: {  	[sflag:s11] =	ssyncadd.s32 $0xFFFF3800  }
0x52b: {  	[hbm4b:s21+s3] =	stream.linear.scatter [tilespmem:s9], [sflag:$0x2], $0xC800, $0x38;
	[tilespmem:$0xCC00] =	vst v63  }
0x52c: {  	_ =	swait.ge [sflag:s5], $0xC800  }
0x52d: {  	[sflag:s5] =	ssyncset.done $0x0  }
0x52e: {  	[sflag:s5] =	ssyncadd.s32 $0xFFFF3800  }
0x52f: {  	[tilespmem:s3], [sflag:$0x2] =	stream.linear.gather [hbm4b:s19+s3], $0x190, $0x38;
	[tilespmem:$0xCC00] =	vst v63  }
0x530: {  	_ =	swait.ge [sflag:s5], $0x190  }
0x531: {  	[sflag:s5] =	ssyncset.done $0x0  }
0x532: {  	[sflag:s5] =	ssyncadd.s32 $0xFFFFFE70  }
0x533: {  	[tilespmem:s10], [sflag:$0x2] =	stream.linear.gather [hbm4b:s18+s3], $0x190, $0x38;
	[tilespmem:$0xCC00] =	vst v63  }
0x534: {  	_ =	swait.ge [sflag:s5], $0x190  }
0x535: {  	[sflag:s5] =	ssyncset.done $0x0  }
0x536: {  	[sflag:s5] =	ssyncadd.s32 $0xFFFFFE70  }
0x537: {  	[tilespmem:s9], [sflag:$0x1] =	stream.indirect.gather [hbm4b:s2+s12], $0x80, s3, s12, $0xb8;
	[tilespmem:$0xCC00] =	vst v63  }
0x538: {  	_ =	swait.ge [sflag:s11], $0xC800  }
0x539: {  	[sflag:s11] =	ssyncset.done $0x0  }
0x53a: {  	[sflag:s11] =	ssyncadd.s32 $0xFFFF3800  }
0x53b: {  	[hbm4b:s20+s3] =	stream.linear.scatter [tilespmem:s9], [sflag:$0x2], $0xC800, $0x38;
	[tilespmem:$0xCC00] =	vst v63  }
0x53c: {  	_ =	swait.ge [sflag:s5], $0xC800  }
0x53d: {  	[sflag:s5] =	ssyncset.done $0x0  }
0x53e: {  	[sflag:s5] =	ssyncadd.s32 $0xFFFF3800  }
0x53f: {  	[tilespmem:s9], [sflag:$0x1] =	stream.indirect.gather [hbm4b:s2+s12], $0x80, s10, s12, $0xb8;
	[tilespmem:$0xCC00] =	vst v63  }
0x540: {  	_ =	swait.ge [sflag:s11], $0xC800  }
0x541: {  	[sflag:s11] =	ssyncset.done $0x0  }
0x542: {  	[sflag:s11] =	ssyncadd.s32 $0xFFFF3800  }
0x543: {  	[hbm4b:s17+s3] =	stream.linear.scatter [tilespmem:s9], [sflag:$0x2], $0xC800, $0x38;
	[tilespmem:$0xCC00] =	vst v63  }
0x544: {  	_ =	swait.ge [sflag:s5], $0xC800  }
0x545: {  	[sflag:s5] =	ssyncset.done $0x0  }
0x546: {  	[sflag:s5] =	ssyncadd.s32 $0xFFFF3800  }
0x547: {  	[tilespmem:s3], [sflag:$0x2] =	stream.linear.gather [hbm4b:s16+s3], $0x190, $0x38;
	[tilespmem:$0xCC00] =	vst v63  }
0x548: {  	_ =	swait.ge [sflag:s5], $0x190  }
0x549: {  	[sflag:s5] =	ssyncset.done $0x0  }
0x54a: {  	[sflag:s5] =	ssyncadd.s32 $0xFFFFFE70  }
0x54b: {  	[tilespmem:s10], [sflag:$0x2] =	stream.linear.gather [hbm4b:s14+s3], $0x190, $0x38;
	[tilespmem:$0xCC00] =	vst v63  }
0x54c: {  	_ =	swait.ge [sflag:s5], $0x190  }
0x54d: {  	[sflag:s5] =	ssyncset.done $0x0  }
0x54e: {  	[sflag:s5] =	ssyncadd.s32 $0xFFFFFE70  }
0x54f: {  	[tilespmem:s9], [sflag:$0x1] =	stream.indirect.gather [hbm4b:s2+s12], $0x80, s3, s12, $0xb8;
	[tilespmem:$0xCC00] =	vst v63  }
0x550: {  	_ =	swait.ge [sflag:s11], $0xC800  }
0x551: {  	[sflag:s11] =	ssyncset.done $0x0  }
0x552: {  	[sflag:s11] =	ssyncadd.s32 $0xFFFF3800  }
0x553: {  	[hbm4b:s15+s3] =	stream.linear.scatter [tilespmem:s9], [sflag:$0x2], $0xC800, $0x38;
	[tilespmem:$0xCC00] =	vst v63  }
0x554: {  	_ =	swait.ge [sflag:s5], $0xC800  }
0x555: {  	[sflag:s5] =	ssyncset.done $0x0  }
0x556: {  	[sflag:s5] =	ssyncadd.s32 $0xFFFF3800  }
0x557: {  	[tilespmem:s9], [sflag:$0x1] =	stream.indirect.gather [hbm4b:s2+s12], $0x80, s10, s12, $0xb8;
	[tilespmem:$0xCC00] =	vst v63  }
0x558: {  	_ =	swait.ge [sflag:s11], $0xC800  }
0x559: {  	[sflag:s11] =	ssyncset.done $0x0  }
0x55a: {  	[sflag:s11] =	ssyncadd.s32 $0xFFFF3800  }
0x55b: {  	[hbm4b:s13+s3] =	stream.linear.scatter [tilespmem:s9], [sflag:$0x2], $0xC800, $0x38;
	[tilespmem:$0xCC00] =	vst v63  }
0x55c: {  	_ =	swait.ge [sflag:s5], $0xC800  }
0x55d: {  	[sflag:s5] =	ssyncset.done $0x0  }
0x55e: {  	[sflag:s5] =	ssyncadd.s32 $0xFFFF3800  }
0x55f: {  	[tilespmem:s3], [sflag:$0x2] =	stream.linear.gather [hbm4b:s8+s3], $0x190, $0x38;
	[tilespmem:$0xCC00] =	vst v63  }
0x560: {  	_ =	swait.ge [sflag:s5], $0x190  }
0x561: {  	[sflag:s5] =	ssyncset.done $0x0  }
0x562: {  	[sflag:s5] =	ssyncadd.s32 $0xFFFFFE70  }
0x563: {  	[tilespmem:s10], [sflag:$0x2] =	stream.linear.gather [hbm4b:s6+s3], $0x190, $0x38;
	[tilespmem:$0xCC00] =	vst v63  }
0x564: {  	_ =	swait.ge [sflag:s5], $0x190  }
0x565: {  	[sflag:s5] =	ssyncset.done $0x0  }
0x566: {  	[sflag:s5] =	ssyncadd.s32 $0xFFFFFE70  }
0x567: {  	[tilespmem:s9], [sflag:$0x1] =	stream.indirect.gather [hbm4b:s2+s12], $0x80, s3, s12, $0xb8;
	[tilespmem:$0xCC00] =	vst v63  }
0x568: {  	_ =	swait.ge [sflag:s11], $0xC800  }
0x569: {  	[sflag:s11] =	ssyncset.done $0x0  }
0x56a: {  	[sflag:s11] =	ssyncadd.s32 $0xFFFF3800  }
0x56b: {  	[hbm4b:s7+s3] =	stream.linear.scatter [tilespmem:s9], [sflag:$0x2], $0xC800, $0x38;
	[tilespmem:$0xCC00] =	vst v63  }
0x56c: {  	_ =	swait.ge [sflag:s5], $0xC800  }
0x56d: {  	[sflag:s5] =	ssyncset.done $0x0  }
0x56e: {  	[sflag:s5] =	ssyncadd.s32 $0xFFFF3800  }
0x56f: {  	[tilespmem:s9], [sflag:$0x1] =	stream.indirect.gather [hbm4b:s2+s12], $0x80, s10, s12, $0xb8;
	[tilespmem:$0xCC00] =	vst v63  }
0x570: {  	p1 =	sne.s32 s1, $0x1;
	_ =	swait.ge [sflag:s11], $0xC800  }
.Ltmp2:
0x571: {  	[sflag:s11] =	ssyncset.done $0x0;
	(pc) =	sbr.rel @p1 .LBB2_2-.Ltmp2, $4  }
0x572: {  	[sflag:s11] =	ssyncadd.s32 $0xFFFF3800  }
0x573: {  	[hbm4b:s4+s3] =	stream.linear.scatter [tilespmem:s9], [sflag:$0x2], $0xC800, $0x38;
	[tilespmem:$0xCC00] =	vst v63  }
0x574: {  	_ =	swait.ge [sflag:s5], $0xC800  }
0x575: {  	s1 =	sadd.s32 $0xFFFFFFFF, s1;
	s0 =	rddreg [dreg:$0x3];
	[sflag:s5] =	ssyncset.done $0x0  }
.LBB2_3:
0x576: {  	[sflag:s5] =	ssyncadd.s32 @p0 $0xFFFF3800  }
0x577: {  	[tilespmem:s3], [sflag:$0x2] =	stream.linear.gather [hbm4b:s0+s3], $0x190, $0x38;
	[tilespmem:$0xCC00] =	vst v63  }
0x578: {  	_ =	swait.ge [sflag:s5], $0x190  }
0x579: {  	[sflag:s5] =	ssyncset.done $0x0  }
0x57a: {  	s1 =	rddreg [dreg:$0x4];
	[sflag:s5] =	ssyncadd.s32 $0xFFFFFE70  }
0x57b: {  	[tilespmem:s10], [sflag:$0x2] =	stream.linear.gather [hbm4b:s1+s3], $0x190, $0x38;
	[tilespmem:$0xCC00] =	vst v63  }
0x57c: {  	_ =	swait.ge [sflag:s5], $0x190  }
0x57d: {  	[sflag:s5] =	ssyncset.done $0x0  }
0x57e: {  	[sflag:s5] =	ssyncadd.s32 $0xFFFFFE70  }
0x57f: {  	[tilespmem:s9], [sflag:$0x1] =	stream.indirect.gather [hbm4b:s2+s12], $0x80, s3, s12, $0xb8;
	[tilespmem:$0xCC00] =	vst v63  }
0x580: {  	_ =	swait.ge [sflag:s11], $0xC800  }
0x581: {  	[sflag:s11] =	ssyncset.done $0x0  }
0x582: {  	s1 =	rddreg [dreg:$0x5];
	[sflag:s11] =	ssyncadd.s32 $0xFFFF3800  }
0x583: {  	[hbm4b:s1+s3] =	stream.linear.scatter [tilespmem:s9], [sflag:$0x2], $0xC800, $0x38;
	[tilespmem:$0xCC00] =	vst v63  }
0x584: {  	_ =	swait.ge [sflag:s5], $0xC800  }
0x585: {  	[sflag:s5] =	ssyncset.done $0x0  }
0x586: {  	[sflag:s5] =	ssyncadd.s32 $0xFFFF3800  }
0x587: {  	[tilespmem:s9], [sflag:$0x1] =	stream.indirect.gather [hbm4b:s2+s12], $0x80, s10, s12, $0xb8;
	[tilespmem:$0xCC00] =	vst v63  }
0x588: {  	_ =	swait.ge [sflag:s11], $0xC800  }
0x589: {  	[sflag:s11] =	ssyncset.done $0x0  }
0x58a: {  	s1 =	rddreg [dreg:$0x6];
	[sflag:s11] =	ssyncadd.s32 $0xFFFF3800  }
0x58b: {  	[hbm4b:s1+s3] =	stream.linear.scatter [tilespmem:s9], [sflag:$0x2], $0xC800, $0x38;
	[tilespmem:$0xCC00] =	vst v63  }
0x58c: {  	_ =	swait.ge [sflag:s5], $0xC800  }
0x58d: {  	[sflag:s5] =	ssyncset.done $0x0  }
0x58e: {  	s1 =	rddreg [dreg:$0x7];
	[sflag:s5] =	ssyncadd.s32 $0xFFFF3800  }
0x58f: {  	[tilespmem:s3], [sflag:$0x2] =	stream.linear.gather [hbm4b:s1+s3], $0x190, $0x38;
	[tilespmem:$0xCC00] =	vst v63  }
0x590: {  	_ =	swait.ge [sflag:s5], $0x190  }
0x591: {  	[sflag:s5] =	ssyncset.done $0x0  }
0x592: {  	s1 =	rddreg [dreg:$0x8];
	[sflag:s5] =	ssyncadd.s32 $0xFFFFFE70  }
0x593: {  	[tilespmem:s10], [sflag:$0x2] =	stream.linear.gather [hbm4b:s1+s3], $0x190, $0x38;
	[tilespmem:$0xCC00] =	vst v63  }
0x594: {  	_ =	swait.ge [sflag:s5], $0x190  }
0x595: {  	[sflag:s5] =	ssyncset.done $0x0  }
0x596: {  	[sflag:s5] =	ssyncadd.s32 $0xFFFFFE70  }
0x597: {  	[tilespmem:s9], [sflag:$0x1] =	stream.indirect.gather [hbm4b:s2+s12], $0x80, s3, s12, $0xb8;
	[tilespmem:$0xCC00] =	vst v63  }
0x598: {  	_ =	swait.ge [sflag:s11], $0xC800  }
0x599: {  	[sflag:s11] =	ssyncset.done $0x0  }
0x59a: {  	s1 =	rddreg [dreg:$0x9];
	[sflag:s11] =	ssyncadd.s32 $0xFFFF3800  }
0x59b: {  	[hbm4b:s1+s3] =	stream.linear.scatter [tilespmem:s9], [sflag:$0x2], $0xC800, $0x38;
	[tilespmem:$0xCC00] =	vst v63  }
0x59c: {  	_ =	swait.ge [sflag:s5], $0xC800  }
0x59d: {  	[sflag:s5] =	ssyncset.done $0x0  }
0x59e: {  	[sflag:s5] =	ssyncadd.s32 $0xFFFF3800  }
0x59f: {  	[tilespmem:s9], [sflag:$0x1] =	stream.indirect.gather [hbm4b:s2+s12], $0x80, s10, s12, $0xb8;
	[tilespmem:$0xCC00] =	vst v63  }
0x5a0: {  	_ =	swait.ge [sflag:s11], $0xC800  }
0x5a1: {  	[sflag:s11] =	ssyncset.done $0x0  }
0x5a2: {  	s1 =	rddreg [dreg:$0xa];
	[sflag:s11] =	ssyncadd.s32 $0xFFFF3800  }
0x5a3: {  	[hbm4b:s1+s3] =	stream.linear.scatter [tilespmem:s9], [sflag:$0x2], $0xC800, $0x38;
	[tilespmem:$0xCC00] =	vst v63  }
0x5a4: {  	_ =	swait.ge [sflag:s5], $0xC800  }
0x5a5: {  	[sflag:s5] =	ssyncset.done $0x0  }
0x5a6: {  	s1 =	rddreg [dreg:$0xb];
	[sflag:s5] =	ssyncadd.s32 $0xFFFF3800  }
0x5a7: {  	[tilespmem:s3], [sflag:$0x2] =	stream.linear.gather [hbm4b:s1+s3], $0x190, $0x38;
	[tilespmem:$0xCC00] =	vst v63  }
0x5a8: {  	_ =	swait.ge [sflag:s5], $0x190  }
0x5a9: {  	[sflag:s5] =	ssyncset.done $0x0  }
0x5aa: {  	s1 =	rddreg [dreg:$0xc];
	[sflag:s5] =	ssyncadd.s32 $0xFFFFFE70  }
0x5ab: {  	[tilespmem:s10], [sflag:$0x2] =	stream.linear.gather [hbm4b:s1+s3], $0x190, $0x38;
	[tilespmem:$0xCC00] =	vst v63  }
0x5ac: {  	_ =	swait.ge [sflag:s5], $0x190  }
0x5ad: {  	[sflag:s5] =	ssyncset.done $0x0  }
0x5ae: {  	[sflag:s5] =	ssyncadd.s32 $0xFFFFFE70  }
0x5af: {  	[tilespmem:s9], [sflag:$0x1] =	stream.indirect.gather [hbm4b:s2+s12], $0x80, s3, s12, $0xb8;
	[tilespmem:$0xCC00] =	vst v63  }
0x5b0: {  	_ =	swait.ge [sflag:s11], $0xC800  }
0x5b1: {  	[sflag:s11] =	ssyncset.done $0x0  }
0x5b2: {  	s1 =	rddreg [dreg:$0xd];
	[sflag:s11] =	ssyncadd.s32 $0xFFFF3800  }
0x5b3: {  	[hbm4b:s1+s3] =	stream.linear.scatter [tilespmem:s9], [sflag:$0x2], $0xC800, $0x38;
	[tilespmem:$0xCC00] =	vst v63  }
0x5b4: {  	_ =	swait.ge [sflag:s5], $0xC800  }
0x5b5: {  	[sflag:s5] =	ssyncset.done $0x0  }
0x5b6: {  	[sflag:s5] =	ssyncadd.s32 $0xFFFF3800  }
0x5b7: {  	[tilespmem:s9], [sflag:$0x1] =	stream.indirect.gather [hbm4b:s2+s12], $0x80, s10, s12, $0xb8;
	[tilespmem:$0xCC00] =	vst v63  }
0x5b8: {  	_ =	swait.ge [sflag:s11], $0xC800  }
0x5b9: {  	[sflag:s11] =	ssyncset.done $0x0  }
0x5ba: {  	s1 =	rddreg [dreg:$0xe];
	[sflag:s11] =	ssyncadd.s32 $0xFFFF3800  }
0x5bb: {  	[hbm4b:s1+s3] =	stream.linear.scatter [tilespmem:s9], [sflag:$0x2], $0xC800, $0x38;
	[tilespmem:$0xCC00] =	vst v63  }
0x5bc: {  	_ =	swait.ge [sflag:s5], $0xC800  }
0x5bd: {  	[sflag:s5] =	ssyncset.done $0x0  }
0x5be: {  	s1 =	rddreg [dreg:$0xf];
	[sflag:s5] =	ssyncadd.s32 $0xFFFF3800  }
0x5bf: {  	[tilespmem:s3], [sflag:$0x2] =	stream.linear.gather [hbm4b:s1+s3], $0x190, $0x38;
	[tilespmem:$0xCC00] =	vst v63  }
0x5c0: {  	_ =	swait.ge [sflag:s5], $0x190  }
0x5c1: {  	[sflag:s5] =	ssyncset.done $0x0  }
0x5c2: {  	s1 =	rddreg [dreg:$0x10];
	[sflag:s5] =	ssyncadd.s32 $0xFFFFFE70  }
0x5c3: {  	[tilespmem:s10], [sflag:$0x2] =	stream.linear.gather [hbm4b:s1+s3], $0x190, $0x38;
	[tilespmem:$0xCC00] =	vst v63  }
0x5c4: {  	_ =	swait.ge [sflag:s5], $0x190  }
0x5c5: {  	[sflag:s5] =	ssyncset.done $0x0  }
0x5c6: {  	[sflag:s5] =	ssyncadd.s32 $0xFFFFFE70  }
0x5c7: {  	[tilespmem:s9], [sflag:$0x1] =	stream.indirect.gather [hbm4b:s2+s12], $0x80, s3, s12, $0xb8;
	[tilespmem:$0xCC00] =	vst v63  }
0x5c8: {  	_ =	swait.ge [sflag:s11], $0xC800  }
0x5c9: {  	[sflag:s11] =	ssyncset.done $0x0  }
0x5ca: {  	s1 =	rddreg [dreg:$0x11];
	[sflag:s11] =	ssyncadd.s32 $0xFFFF3800  }
0x5cb: {  	[hbm4b:s1+s3] =	stream.linear.scatter [tilespmem:s9], [sflag:$0x2], $0xC800, $0x38;
	[tilespmem:$0xCC00] =	vst v63  }
0x5cc: {  	_ =	swait.ge [sflag:s5], $0xC800  }
0x5cd: {  	[sflag:s5] =	ssyncset.done $0x0  }
0x5ce: {  	[sflag:s5] =	ssyncadd.s32 $0xFFFF3800  }
0x5cf: {  	[tilespmem:s9], [sflag:$0x1] =	stream.indirect.gather [hbm4b:s2+s12], $0x80, s10, s12, $0xb8;
	[tilespmem:$0xCC00] =	vst v63  }
0x5d0: {  	_ =	swait.ge [sflag:s11], $0xC800  }
0x5d1: {  	[sflag:s11] =	ssyncset.done $0x0  }
0x5d2: {  	s1 =	rddreg [dreg:$0x12];
	[sflag:s11] =	ssyncadd.s32 $0xFFFF3800  }
0x5d3: {  	[hbm4b:s1+s3] =	stream.linear.scatter [tilespmem:s9], [sflag:$0x2], $0xC800, $0x38;
	[tilespmem:$0xCC00] =	vst v63  }
0x5d4: {  	_ =	swait.ge [sflag:s5], $0xC800  }
0x5d5: {  	[sflag:s5] =	ssyncset.done $0x0  }
0x5d6: {  	s1 =	rddreg [dreg:$0x13];
	[sflag:s5] =	ssyncadd.s32 $0xFFFF3800  }
0x5d7: {  	[tilespmem:s3], [sflag:$0x2] =	stream.linear.gather [hbm4b:s1+s3], $0x190, $0x38;
	[tilespmem:$0xCC00] =	vst v63  }
0x5d8: {  	_ =	swait.ge [sflag:s5], $0x190  }
0x5d9: {  	[sflag:s5] =	ssyncset.done $0x0  }
0x5da: {  	s1 =	rddreg [dreg:$0x14];
	[sflag:s5] =	ssyncadd.s32 $0xFFFFFE70  }
0x5db: {  	[tilespmem:s10], [sflag:$0x2] =	stream.linear.gather [hbm4b:s1+s3], $0x190, $0x38;
	[tilespmem:$0xCC00] =	vst v63  }
0x5dc: {  	_ =	swait.ge [sflag:s5], $0x190  }
0x5dd: {  	[sflag:s5] =	ssyncset.done $0x0  }
0x5de: {  	[sflag:s5] =	ssyncadd.s32 $0xFFFFFE70  }
0x5df: {  	[tilespmem:s9], [sflag:$0x1] =	stream.indirect.gather [hbm4b:s2+s12], $0x80, s3, s12, $0xb8;
	[tilespmem:$0xCC00] =	vst v63  }
0x5e0: {  	_ =	swait.ge [sflag:s11], $0xC800  }
0x5e1: {  	[sflag:s11] =	ssyncset.done $0x0  }
0x5e2: {  	s1 =	rddreg [dreg:$0x15];
	[sflag:s11] =	ssyncadd.s32 $0xFFFF3800  }
0x5e3: {  	[hbm4b:s1+s3] =	stream.linear.scatter [tilespmem:s9], [sflag:$0x2], $0xC800, $0x38;
	[tilespmem:$0xCC00] =	vst v63  }
0x5e4: {  	_ =	swait.ge [sflag:s5], $0xC800  }
0x5e5: {  	[sflag:s5] =	ssyncset.done $0x0  }
0x5e6: {  	[sflag:s5] =	ssyncadd.s32 $0xFFFF3800  }
0x5e7: {  	[tilespmem:s9], [sflag:$0x1] =	stream.indirect.gather [hbm4b:s2+s12], $0x80, s10, s12, $0xb8;
	[tilespmem:$0xCC00] =	vst v63  }
0x5e8: {  	_ =	swait.ge [sflag:s11], $0xC800  }
0x5e9: {  	[sflag:s11] =	ssyncset.done $0x0  }
0x5ea: {  	s1 =	rddreg [dreg:$0x16];
	[sflag:s11] =	ssyncadd.s32 $0xFFFF3800  }
0x5eb: {  	[hbm4b:s1+s3] =	stream.linear.scatter [tilespmem:s9], [sflag:$0x2], $0xC800, $0x38;
	[tilespmem:$0xCC00] =	vst v63  }
0x5ec: {  	_ =	swait.ge [sflag:s5], $0xC800  }
0x5ed: {  	[sflag:s5] =	ssyncset.done $0x0  }
0x5ee: {  	s1 =	rddreg [dreg:$0x17];
	[sflag:s5] =	ssyncadd.s32 $0xFFFF3800  }
0x5ef: {  	[tilespmem:s3], [sflag:$0x2] =	stream.linear.gather [hbm4b:s1+s3], $0x190, $0x38;
	[tilespmem:$0xCC00] =	vst v63  }
0x5f0: {  	_ =	swait.ge [sflag:s5], $0x190  }
0x5f1: {  	[sflag:s5] =	ssyncset.done $0x0  }
0x5f2: {  	s1 =	rddreg [dreg:$0x18];
	[sflag:s5] =	ssyncadd.s32 $0xFFFFFE70  }
0x5f3: {  	[tilespmem:s10], [sflag:$0x2] =	stream.linear.gather [hbm4b:s1+s3], $0x190, $0x38;
	[tilespmem:$0xCC00] =	vst v63  }
0x5f4: {  	_ =	swait.ge [sflag:s5], $0x190  }
0x5f5: {  	[sflag:s5] =	ssyncset.done $0x0  }
0x5f6: {  	[sflag:s5] =	ssyncadd.s32 $0xFFFFFE70  }
0x5f7: {  	[tilespmem:s9], [sflag:$0x1] =	stream.indirect.gather [hbm4b:s2+s12], $0x80, s3, s12, $0xb8;
	[tilespmem:$0xCC00] =	vst v63  }
0x5f8: {  	_ =	swait.ge [sflag:s11], $0xC800  }
0x5f9: {  	[sflag:s11] =	ssyncset.done $0x0  }
0x5fa: {  	s1 =	rddreg [dreg:$0x19];
	[sflag:s11] =	ssyncadd.s32 $0xFFFF3800  }
0x5fb: {  	[hbm4b:s1+s3] =	stream.linear.scatter [tilespmem:s9], [sflag:$0x2], $0xC800, $0x38;
	[tilespmem:$0xCC00] =	vst v63  }
0x5fc: {  	_ =	swait.ge [sflag:s5], $0xC800  }
0x5fd: {  	[sflag:s5] =	ssyncset.done $0x0  }
0x5fe: {  	[sflag:s5] =	ssyncadd.s32 $0xFFFF3800  }
0x5ff: {  	[tilespmem:s9], [sflag:$0x1] =	stream.indirect.gather [hbm4b:s2+s12], $0x80, s10, s12, $0xb8;
	[tilespmem:$0xCC00] =	vst v63  }
0x600: {  	_ =	swait.ge [sflag:s11], $0xC800  }
0x601: {  	[sflag:s11] =	ssyncset.done $0x0  }
0x602: {  	s1 =	rddreg [dreg:$0x1a];
	[sflag:s11] =	ssyncadd.s32 $0xFFFF3800  }
0x603: {  	[hbm4b:s1+s3] =	stream.linear.scatter [tilespmem:s9], [sflag:$0x2], $0xC800, $0x38;
	[tilespmem:$0xCC00] =	vst v63  }
0x604: {  	_ =	swait.ge [sflag:s5], $0xC800  }
0x605: {  	[sflag:s5] =	ssyncset.done $0x0  }
0x606: {  	s1 =	rddreg [dreg:$0x1b];
	[sflag:s5] =	ssyncadd.s32 $0xFFFF3800  }
0x607: {  	[tilespmem:s3], [sflag:$0x2] =	stream.linear.gather [hbm4b:s1+s3], $0x190, $0x38;
	[tilespmem:$0xCC00] =	vst v63  }
0x608: {  	_ =	swait.ge [sflag:s5], $0x190  }
0x609: {  	[sflag:s5] =	ssyncset.done $0x0  }
0x60a: {  	s1 =	rddreg [dreg:$0x1c];
	[sflag:s5] =	ssyncadd.s32 $0xFFFFFE70  }
0x60b: {  	[tilespmem:s10], [sflag:$0x2] =	stream.linear.gather [hbm4b:s1+s3], $0x190, $0x38;
	[tilespmem:$0xCC00] =	vst v63  }
0x60c: {  	_ =	swait.ge [sflag:s5], $0x190  }
0x60d: {  	[sflag:s5] =	ssyncset.done $0x0  }
0x60e: {  	[sflag:s5] =	ssyncadd.s32 $0xFFFFFE70  }
0x60f: {  	[tilespmem:s9], [sflag:$0x1] =	stream.indirect.gather [hbm4b:s2+s12], $0x80, s3, s12, $0xb8;
	[tilespmem:$0xCC00] =	vst v63  }
0x610: {  	_ =	swait.ge [sflag:s11], $0xC800  }
0x611: {  	[sflag:s11] =	ssyncset.done $0x0  }
0x612: {  	s1 =	rddreg [dreg:$0x1d];
	[sflag:s11] =	ssyncadd.s32 $0xFFFF3800  }
0x613: {  	[hbm4b:s1+s3] =	stream.linear.scatter [tilespmem:s9], [sflag:$0x2], $0xC800, $0x38;
	[tilespmem:$0xCC00] =	vst v63  }
0x614: {  	_ =	swait.ge [sflag:s5], $0xC800  }
0x615: {  	[sflag:s5] =	ssyncset.done $0x0  }
0x616: {  	[sflag:s5] =	ssyncadd.s32 $0xFFFF3800  }
0x617: {  	[tilespmem:s9], [sflag:$0x1] =	stream.indirect.gather [hbm4b:s2+s12], $0x80, s10, s12, $0xb8;
	[tilespmem:$0xCC00] =	vst v63  }
0x618: {  	_ =	swait.ge [sflag:s11], $0xC800  }
0x619: {  	[sflag:s11] =	ssyncset.done $0x0  }
0x61a: {  	s1 =	rddreg [dreg:$0x1e];
	[sflag:s11] =	ssyncadd.s32 $0xFFFF3800  }
0x61b: {  	[hbm4b:s1+s3] =	stream.linear.scatter [tilespmem:s9], [sflag:$0x2], $0xC800, $0x38;
	[tilespmem:$0xCC00] =	vst v63  }
0x61c: {  	_ =	swait.ge [sflag:s5], $0xC800  }
0x61d: {  	[sflag:s5] =	ssyncset.done $0x0  }
0x61e: {  	s1 =	rddreg [dreg:$0x1f];
	[sflag:s5] =	ssyncadd.s32 $0xFFFF3800  }
0x61f: {  	[tilespmem:s3], [sflag:$0x2] =	stream.linear.gather [hbm4b:s1+s3], $0x190, $0x38;
	[tilespmem:$0xCC00] =	vst v63  }
0x620: {  	_ =	swait.ge [sflag:s5], $0x190  }
0x621: {  	s1 =	sld [smem:$0x7CD]  }
0x622: {  	[sflag:s5] =	ssyncset.done $0x0  }
0x623: {  	[sflag:s5] =	ssyncadd.s32 $0xFFFFFE70  }
0x624: {  	[tilespmem:s10], [sflag:$0x2] =	stream.linear.gather [hbm4b:s1+s3], $0x190, $0x38;
	[tilespmem:$0xCC00] =	vst v63  }
0x625: {  	_ =	swait.ge [sflag:s5], $0x190  }
0x626: {  	[sflag:s5] =	ssyncset.done $0x0  }
0x627: {  	[sflag:s5] =	ssyncadd.s32 $0xFFFFFE70  }
0x628: {  	[tilespmem:s9], [sflag:$0x1] =	stream.indirect.gather [hbm4b:s2+s12], $0x80, s3, s12, $0xb8;
	[tilespmem:$0xCC00] =	vst v63  }
0x629: {  	_ =	swait.ge [sflag:s11], $0xC800  }
0x62a: {  	s1 =	sld [smem:$0x7CE]  }
0x62b: {  	[sflag:s11] =	ssyncset.done $0x0  }
0x62c: {  	[sflag:s11] =	ssyncadd.s32 $0xFFFF3800  }
0x62d: {  	[hbm4b:s1+s3] =	stream.linear.scatter [tilespmem:s9], [sflag:$0x2], $0xC800, $0x38;
	[tilespmem:$0xCC00] =	vst v63  }
0x62e: {  	_ =	swait.ge [sflag:s5], $0xC800  }
0x62f: {  	[sflag:s5] =	ssyncset.done $0x0  }
0x630: {  	[sflag:s5] =	ssyncadd.s32 $0xFFFF3800  }
0x631: {  	[tilespmem:s9], [sflag:$0x1] =	stream.indirect.gather [hbm4b:s2+s12], $0x80, s10, s12, $0xb8;
	[tilespmem:$0xCC00] =	vst v63  }
0x632: {  	_ =	swait.ge [sflag:s11], $0xC800  }
0x633: {  	s1 =	sld [smem:$0x7CF]  }
0x634: {  	[sflag:s11] =	ssyncset.done $0x0  }
0x635: {  	[sflag:s11] =	ssyncadd.s32 $0xFFFF3800  }
0x636: {  	[hbm4b:s1+s3] =	stream.linear.scatter [tilespmem:s9], [sflag:$0x2], $0xC800, $0x38;
	[tilespmem:$0xCC00] =	vst v63  }
0x637: {  	_ =	swait.ge [sflag:s5], $0xC800  }
0x638: {  	s1 =	sld [smem:$0x7D0]  }
0x639: {  	[sflag:s5] =	ssyncset.done $0x0  }
0x63a: {  	[sflag:s5] =	ssyncadd.s32 $0xFFFF3800  }
0x63b: {  	[tilespmem:s3], [sflag:$0x2] =	stream.linear.gather [hbm4b:s1+s3], $0x190, $0x38;
	[tilespmem:$0xCC00] =	vst v63  }
0x63c: {  	_ =	swait.ge [sflag:s5], $0x190  }
0x63d: {  	s1 =	sld [smem:$0x7D1]  }
0x63e: {  	[sflag:s5] =	ssyncset.done $0x0  }
0x63f: {  	[sflag:s5] =	ssyncadd.s32 $0xFFFFFE70  }
0x640: {  	[tilespmem:s10], [sflag:$0x2] =	stream.linear.gather [hbm4b:s1+s3], $0x190, $0x38;
	[tilespmem:$0xCC00] =	vst v63  }
0x641: {  	_ =	swait.ge [sflag:s5], $0x190  }
0x642: {  	[sflag:s5] =	ssyncset.done $0x0  }
0x643: {  	[sflag:s5] =	ssyncadd.s32 $0xFFFFFE70  }
0x644: {  	[tilespmem:s9], [sflag:$0x1] =	stream.indirect.gather [hbm4b:s2+s12], $0x80, s3, s12, $0xb8;
	[tilespmem:$0xCC00] =	vst v63  }
0x645: {  	_ =	swait.ge [sflag:s11], $0xC800  }
0x646: {  	s1 =	sld [smem:$0x7D2]  }
0x647: {  	[sflag:s11] =	ssyncset.done $0x0  }
0x648: {  	[sflag:s11] =	ssyncadd.s32 $0xFFFF3800  }
0x649: {  	[hbm4b:s1+s3] =	stream.linear.scatter [tilespmem:s9], [sflag:$0x2], $0xC800, $0x38;
	[tilespmem:$0xCC00] =	vst v63  }
0x64a: {  	_ =	swait.ge [sflag:s5], $0xC800  }
0x64b: {  	[sflag:s5] =	ssyncset.done $0x0  }
0x64c: {  	[sflag:s5] =	ssyncadd.s32 $0xFFFF3800  }
0x64d: {  	[tilespmem:s9], [sflag:$0x1] =	stream.indirect.gather [hbm4b:s2+s12], $0x80, s10, s12, $0xb8;
	[tilespmem:$0xCC00] =	vst v63  }
0x64e: {  	_ =	swait.ge [sflag:s11], $0xC800  }
0x64f: {  	s1 =	sld [smem:$0x7D3]  }
0x650: {  	[sflag:s11] =	ssyncset.done $0x0  }
0x651: {  	[sflag:s11] =	ssyncadd.s32 $0xFFFF3800  }
0x652: {  	[hbm4b:s1+s3] =	stream.linear.scatter [tilespmem:s9], [sflag:$0x2], $0xC800, $0x38;
	[tilespmem:$0xCC00] =	vst v63  }
0x653: {  	_ =	swait.ge [sflag:s5], $0xC800  }
0x654: {  	s1 =	sld [smem:$0x7D4]  }
0x655: {  	[sflag:s5] =	ssyncset.done $0x0  }
0x656: {  	[sflag:s5] =	ssyncadd.s32 $0xFFFF3800  }
0x657: {  	[tilespmem:s3], [sflag:$0x2] =	stream.linear.gather [hbm4b:s1+s3], $0x190, $0x38;
	[tilespmem:$0xCC00] =	vst v63  }
0x658: {  	_ =	swait.ge [sflag:s5], $0x190  }
0x659: {  	s1 =	sld [smem:$0x7D5]  }
0x65a: {  	[sflag:s5] =	ssyncset.done $0x0  }
0x65b: {  	[sflag:s5] =	ssyncadd.s32 $0xFFFFFE70  }
0x65c: {  	[tilespmem:s10], [sflag:$0x2] =	stream.linear.gather [hbm4b:s1+s3], $0x190, $0x38;
	[tilespmem:$0xCC00] =	vst v63  }
0x65d: {  	_ =	swait.ge [sflag:s5], $0x190  }
0x65e: {  	[sflag:s5] =	ssyncset.done $0x0  }
0x65f: {  	[sflag:s5] =	ssyncadd.s32 $0xFFFFFE70  }
0x660: {  	[tilespmem:s9], [sflag:$0x1] =	stream.indirect.gather [hbm4b:s2+s12], $0x80, s3, s12, $0xb8;
	[tilespmem:$0xCC00] =	vst v63  }
0x661: {  	_ =	swait.ge [sflag:s11], $0xC800  }
0x662: {  	s1 =	sld [smem:$0x7D6]  }
0x663: {  	[sflag:s11] =	ssyncset.done $0x0  }
0x664: {  	[sflag:s11] =	ssyncadd.s32 $0xFFFF3800  }
0x665: {  	[hbm4b:s1+s3] =	stream.linear.scatter [tilespmem:s9], [sflag:$0x2], $0xC800, $0x38;
	[tilespmem:$0xCC00] =	vst v63  }
0x666: {  	_ =	swait.ge [sflag:s5], $0xC800  }
0x667: {  	[sflag:s5] =	ssyncset.done $0x0  }
0x668: {  	[sflag:s5] =	ssyncadd.s32 $0xFFFF3800  }
0x669: {  	[tilespmem:s9], [sflag:$0x1] =	stream.indirect.gather [hbm4b:s2+s12], $0x80, s10, s12, $0xb8;
	[tilespmem:$0xCC00] =	vst v63  }
0x66a: {  	_ =	swait.ge [sflag:s11], $0xC800  }
0x66b: {  	s1 =	sld [smem:$0x7D7]  }
0x66c: {  	[sflag:s11] =	ssyncset.done $0x0  }
0x66d: {  	[sflag:s11] =	ssyncadd.s32 $0xFFFF3800  }
0x66e: {  	[hbm4b:s1+s3] =	stream.linear.scatter [tilespmem:s9], [sflag:$0x2], $0xC800, $0x38;
	[tilespmem:$0xCC00] =	vst v63  }
0x66f: {  	_ =	swait.ge [sflag:s5], $0xC800  }
0x670: {  	s1 =	sld [smem:$0x7D8]  }
0x671: {  	[sflag:s5] =	ssyncset.done $0x0  }
0x672: {  	[sflag:s5] =	ssyncadd.s32 $0xFFFF3800  }
0x673: {  	[tilespmem:s3], [sflag:$0x2] =	stream.linear.gather [hbm4b:s1+s3], $0x190, $0x38;
	[tilespmem:$0xCC00] =	vst v63  }
0x674: {  	_ =	swait.ge [sflag:s5], $0x190  }
0x675: {  	s1 =	sld [smem:$0x7D9]  }
0x676: {  	[sflag:s5] =	ssyncset.done $0x0  }
0x677: {  	[sflag:s5] =	ssyncadd.s32 $0xFFFFFE70  }
0x678: {  	[tilespmem:s10], [sflag:$0x2] =	stream.linear.gather [hbm4b:s1+s3], $0x190, $0x38;
	[tilespmem:$0xCC00] =	vst v63  }
0x679: {  	_ =	swait.ge [sflag:s5], $0x190  }
0x67a: {  	[sflag:s5] =	ssyncset.done $0x0  }
0x67b: {  	[sflag:s5] =	ssyncadd.s32 $0xFFFFFE70  }
0x67c: {  	[tilespmem:s9], [sflag:$0x1] =	stream.indirect.gather [hbm4b:s2+s12], $0x80, s3, s12, $0xb8;
	[tilespmem:$0xCC00] =	vst v63  }
0x67d: {  	_ =	swait.ge [sflag:s11], $0xC800  }
0x67e: {  	s1 =	sld [smem:$0x7DA]  }
0x67f: {  	[sflag:s11] =	ssyncset.done $0x0  }
0x680: {  	[sflag:s11] =	ssyncadd.s32 $0xFFFF3800  }
0x681: {  	[hbm4b:s1+s3] =	stream.linear.scatter [tilespmem:s9], [sflag:$0x2], $0xC800, $0x38;
	[tilespmem:$0xCC00] =	vst v63  }
0x682: {  	_ =	swait.ge [sflag:s5], $0xC800  }
0x683: {  	[sflag:s5] =	ssyncset.done $0x0  }
0x684: {  	[sflag:s5] =	ssyncadd.s32 $0xFFFF3800  }
0x685: {  	[tilespmem:s9], [sflag:$0x1] =	stream.indirect.gather [hbm4b:s2+s12], $0x80, s10, s12, $0xb8;
	[tilespmem:$0xCC00] =	vst v63  }
0x686: {  	_ =	swait.ge [sflag:s11], $0xC800  }
0x687: {  	s1 =	sld [smem:$0x7DB]  }
0x688: {  	[sflag:s11] =	ssyncset.done $0x0  }
0x689: {  	[sflag:s11] =	ssyncadd.s32 $0xFFFF3800  }
0x68a: {  	[hbm4b:s1+s3] =	stream.linear.scatter [tilespmem:s9], [sflag:$0x2], $0xC800, $0x38;
	[tilespmem:$0xCC00] =	vst v63  }
0x68b: {  	_ =	swait.ge [sflag:s5], $0xC800  }
0x68c: {  	s1 =	sld [smem:$0x7DC]  }
0x68d: {  	[sflag:s5] =	ssyncset.done $0x0  }
0x68e: {  	[sflag:s5] =	ssyncadd.s32 $0xFFFF3800  }
0x68f: {  	[tilespmem:s3], [sflag:$0x2] =	stream.linear.gather [hbm4b:s1+s3], $0x190, $0x38;
	[tilespmem:$0xCC00] =	vst v63  }
0x690: {  	_ =	swait.ge [sflag:s5], $0x190  }
0x691: {  	s1 =	sld [smem:$0x7DD]  }
0x692: {  	[sflag:s5] =	ssyncset.done $0x0  }
0x693: {  	[sflag:s5] =	ssyncadd.s32 $0xFFFFFE70  }
0x694: {  	[tilespmem:s10], [sflag:$0x2] =	stream.linear.gather [hbm4b:s1+s3], $0x190, $0x38;
	[tilespmem:$0xCC00] =	vst v63  }
0x695: {  	_ =	swait.ge [sflag:s5], $0x190  }
0x696: {  	[sflag:s5] =	ssyncset.done $0x0  }
0x697: {  	[sflag:s5] =	ssyncadd.s32 $0xFFFFFE70  }
0x698: {  	[tilespmem:s9], [sflag:$0x1] =	stream.indirect.gather [hbm4b:s2+s12], $0x80, s3, s12, $0xb8;
	[tilespmem:$0xCC00] =	vst v63  }
0x699: {  	_ =	swait.ge [sflag:s11], $0xC800  }
0x69a: {  	s1 =	sld [smem:$0x7DE]  }
0x69b: {  	[sflag:s11] =	ssyncset.done $0x0  }
0x69c: {  	[sflag:s11] =	ssyncadd.s32 $0xFFFF3800  }
0x69d: {  	[hbm4b:s1+s3] =	stream.linear.scatter [tilespmem:s9], [sflag:$0x2], $0xC800, $0x38;
	[tilespmem:$0xCC00] =	vst v63  }
0x69e: {  	_ =	swait.ge [sflag:s5], $0xC800  }
0x69f: {  	[sflag:s5] =	ssyncset.done $0x0  }
0x6a0: {  	[sflag:s5] =	ssyncadd.s32 $0xFFFF3800  }
0x6a1: {  	[tilespmem:s9], [sflag:$0x1] =	stream.indirect.gather [hbm4b:s2+s12], $0x80, s10, s12, $0xb8;
	[tilespmem:$0xCC00] =	vst v63  }
0x6a2: {  	_ =	swait.ge [sflag:s11], $0xC800  }
0x6a3: {  	s1 =	sld [smem:$0x7DF]  }
0x6a4: {  	[sflag:s11] =	ssyncset.done $0x0  }
0x6a5: {  	[sflag:s11] =	ssyncadd.s32 $0xFFFF3800  }
0x6a6: {  	[hbm4b:s1+s3] =	stream.linear.scatter [tilespmem:s9], [sflag:$0x2], $0xC800, $0x38;
	[tilespmem:$0xCC00] =	vst v63  }
0x6a7: {  	_ =	swait.ge [sflag:s5], $0xC800  }
0x6a8: {  	s1 =	sld [smem:$0x7E0]  }
0x6a9: {  	[sflag:s5] =	ssyncset.done $0x0  }
0x6aa: {  	[sflag:s5] =	ssyncadd.s32 $0xFFFF3800  }
0x6ab: {  	[tilespmem:s3], [sflag:$0x2] =	stream.linear.gather [hbm4b:s1+s3], $0x190, $0x38;
	[tilespmem:$0xCC00] =	vst v63  }
0x6ac: {  	_ =	swait.ge [sflag:s5], $0x190  }
0x6ad: {  	s1 =	sld [smem:$0x7E1]  }
0x6ae: {  	[sflag:s5] =	ssyncset.done $0x0  }
0x6af: {  	[sflag:s5] =	ssyncadd.s32 $0xFFFFFE70  }
0x6b0: {  	[tilespmem:s10], [sflag:$0x2] =	stream.linear.gather [hbm4b:s1+s3], $0x190, $0x38;
	[tilespmem:$0xCC00] =	vst v63  }
0x6b1: {  	_ =	swait.ge [sflag:s5], $0x190  }
0x6b2: {  	[sflag:s5] =	ssyncset.done $0x0  }
0x6b3: {  	[sflag:s5] =	ssyncadd.s32 $0xFFFFFE70  }
0x6b4: {  	[tilespmem:s9], [sflag:$0x1] =	stream.indirect.gather [hbm4b:s2+s12], $0x80, s3, s12, $0xb8;
	[tilespmem:$0xCC00] =	vst v63  }
0x6b5: {  	_ =	swait.ge [sflag:s11], $0xC800  }
0x6b6: {  	s1 =	sld [smem:$0x7E2]  }
0x6b7: {  	[sflag:s11] =	ssyncset.done $0x0  }
0x6b8: {  	[sflag:s11] =	ssyncadd.s32 $0xFFFF3800  }
0x6b9: {  	[hbm4b:s1+s3] =	stream.linear.scatter [tilespmem:s9], [sflag:$0x2], $0xC800, $0x38;
	[tilespmem:$0xCC00] =	vst v63  }
0x6ba: {  	_ =	swait.ge [sflag:s5], $0xC800  }
0x6bb: {  	[sflag:s5] =	ssyncset.done $0x0  }
0x6bc: {  	[sflag:s5] =	ssyncadd.s32 $0xFFFF3800  }
0x6bd: {  	[tilespmem:s9], [sflag:$0x1] =	stream.indirect.gather [hbm4b:s2+s12], $0x80, s10, s12, $0xb8;
	[tilespmem:$0xCC00] =	vst v63  }
0x6be: {  	_ =	swait.ge [sflag:s11], $0xC800  }
0x6bf: {  	s1 =	sld [smem:$0x7E3]  }
0x6c0: {  	[sflag:s11] =	ssyncset.done $0x0  }
0x6c1: {  	[sflag:s11] =	ssyncadd.s32 $0xFFFF3800  }
0x6c2: {  	[hbm4b:s1+s3] =	stream.linear.scatter [tilespmem:s9], [sflag:$0x2], $0xC800, $0x38;
	[tilespmem:$0xCC00] =	vst v63  }
0x6c3: {  	_ =	swait.ge [sflag:s5], $0xC800  }
0x6c4: {  	s1 =	sld [smem:$0x7E4]  }
0x6c5: {  	[sflag:s5] =	ssyncset.done $0x0  }
0x6c6: {  	[sflag:s5] =	ssyncadd.s32 $0xFFFF3800  }
0x6c7: {  	[tilespmem:s3], [sflag:$0x2] =	stream.linear.gather [hbm4b:s1+s3], $0x190, $0x38;
	[tilespmem:$0xCC00] =	vst v63  }
0x6c8: {  	_ =	swait.ge [sflag:s5], $0x190  }
0x6c9: {  	s1 =	sld [smem:$0x7E5]  }
0x6ca: {  	[sflag:s5] =	ssyncset.done $0x0  }
0x6cb: {  	[sflag:s5] =	ssyncadd.s32 $0xFFFFFE70  }
0x6cc: {  	[tilespmem:s10], [sflag:$0x2] =	stream.linear.gather [hbm4b:s1+s3], $0x190, $0x38;
	[tilespmem:$0xCC00] =	vst v63  }
0x6cd: {  	_ =	swait.ge [sflag:s5], $0x190  }
0x6ce: {  	[sflag:s5] =	ssyncset.done $0x0  }
0x6cf: {  	[sflag:s5] =	ssyncadd.s32 $0xFFFFFE70  }
0x6d0: {  	[tilespmem:s9], [sflag:$0x1] =	stream.indirect.gather [hbm4b:s2+s12], $0x80, s3, s12, $0xb8;
	[tilespmem:$0xCC00] =	vst v63  }
0x6d1: {  	_ =	swait.ge [sflag:s11], $0xC800  }
0x6d2: {  	s1 =	sld [smem:$0x7E6]  }
0x6d3: {  	[sflag:s11] =	ssyncset.done $0x0  }
0x6d4: {  	[sflag:s11] =	ssyncadd.s32 $0xFFFF3800  }
0x6d5: {  	[hbm4b:s1+s3] =	stream.linear.scatter [tilespmem:s9], [sflag:$0x2], $0xC800, $0x38;
	[tilespmem:$0xCC00] =	vst v63  }
0x6d6: {  	_ =	swait.ge [sflag:s5], $0xC800  }
0x6d7: {  	[sflag:s5] =	ssyncset.done $0x0  }
0x6d8: {  	[sflag:s5] =	ssyncadd.s32 $0xFFFF3800  }
0x6d9: {  	[tilespmem:s9], [sflag:$0x1] =	stream.indirect.gather [hbm4b:s2+s12], $0x80, s10, s12, $0xb8;
	[tilespmem:$0xCC00] =	vst v63  }
0x6da: {  	_ =	swait.ge [sflag:s11], $0xC800  }
0x6db: {  	s1 =	sld [smem:$0x7E7]  }
0x6dc: {  	[sflag:s11] =	ssyncset.done $0x0  }
0x6dd: {  	[sflag:s11] =	ssyncadd.s32 $0xFFFF3800  }
0x6de: {  	[hbm4b:s1+s3] =	stream.linear.scatter [tilespmem:s9], [sflag:$0x2], $0xC800, $0x38;
	[tilespmem:$0xCC00] =	vst v63  }
0x6df: {  	_ =	swait.ge [sflag:s5], $0xC800  }
0x6e0: {  	s1 =	sld [smem:$0x7E8]  }
0x6e1: {  	[sflag:s5] =	ssyncset.done $0x0  }
0x6e2: {  	[sflag:s5] =	ssyncadd.s32 $0xFFFF3800  }
0x6e3: {  	[tilespmem:s3], [sflag:$0x2] =	stream.linear.gather [hbm4b:s1+s3], $0x190, $0x38;
	[tilespmem:$0xCC00] =	vst v63  }
0x6e4: {  	_ =	swait.ge [sflag:s5], $0x190  }
0x6e5: {  	s1 =	sld [smem:$0x7E9]  }
0x6e6: {  	[sflag:s5] =	ssyncset.done $0x0  }
0x6e7: {  	[sflag:s5] =	ssyncadd.s32 $0xFFFFFE70  }
0x6e8: {  	[tilespmem:s10], [sflag:$0x2] =	stream.linear.gather [hbm4b:s1+s3], $0x190, $0x38;
	[tilespmem:$0xCC00] =	vst v63  }
0x6e9: {  	_ =	swait.ge [sflag:s5], $0x190  }
0x6ea: {  	[sflag:s5] =	ssyncset.done $0x0  }
0x6eb: {  	[sflag:s5] =	ssyncadd.s32 $0xFFFFFE70  }
0x6ec: {  	[tilespmem:s9], [sflag:$0x1] =	stream.indirect.gather [hbm4b:s2+s12], $0x80, s3, s12, $0xb8;
	[tilespmem:$0xCC00] =	vst v63  }
0x6ed: {  	_ =	swait.ge [sflag:s11], $0xC800  }
0x6ee: {  	s1 =	sld [smem:$0x7EA]  }
0x6ef: {  	[sflag:s11] =	ssyncset.done $0x0  }
0x6f0: {  	[sflag:s11] =	ssyncadd.s32 $0xFFFF3800  }
0x6f1: {  	[hbm4b:s1+s3] =	stream.linear.scatter [tilespmem:s9], [sflag:$0x2], $0xC800, $0x38;
	[tilespmem:$0xCC00] =	vst v63  }
0x6f2: {  	_ =	swait.ge [sflag:s5], $0xC800  }
0x6f3: {  	[sflag:s5] =	ssyncset.done $0x0  }
0x6f4: {  	[sflag:s5] =	ssyncadd.s32 $0xFFFF3800  }
0x6f5: {  	[tilespmem:s9], [sflag:$0x1] =	stream.indirect.gather [hbm4b:s2+s12], $0x80, s10, s12, $0xb8;
	[tilespmem:$0xCC00] =	vst v63  }
0x6f6: {  	_ =	swait.ge [sflag:s11], $0xC800  }
0x6f7: {  	s1 =	sld [smem:$0x7EB]  }
0x6f8: {  	[sflag:s11] =	ssyncset.done $0x0  }
0x6f9: {  	[sflag:s11] =	ssyncadd.s32 $0xFFFF3800  }
0x6fa: {  	[hbm4b:s1+s3] =	stream.linear.scatter [tilespmem:s9], [sflag:$0x2], $0xC800, $0x38;
	[tilespmem:$0xCC00] =	vst v63  }
0x6fb: {  	_ =	swait.ge [sflag:s5], $0xC800  }
0x6fc: {  	s1 =	sld [smem:$0x7EC]  }
0x6fd: {  	[sflag:s5] =	ssyncset.done $0x0  }
0x6fe: {  	[sflag:s5] =	ssyncadd.s32 $0xFFFF3800  }
0x6ff: {  	[tilespmem:s3], [sflag:$0x2] =	stream.linear.gather [hbm4b:s1+s3], $0x190, $0x38;
	[tilespmem:$0xCC00] =	vst v63  }
0x700: {  	_ =	swait.ge [sflag:s5], $0x190  }
0x701: {  	s1 =	sld [smem:$0x7ED]  }
0x702: {  	[sflag:s5] =	ssyncset.done $0x0  }
0x703: {  	[sflag:s5] =	ssyncadd.s32 $0xFFFFFE70  }
0x704: {  	[tilespmem:s10], [sflag:$0x2] =	stream.linear.gather [hbm4b:s1+s3], $0x190, $0x38;
	[tilespmem:$0xCC00] =	vst v63  }
0x705: {  	_ =	swait.ge [sflag:s5], $0x190  }
0x706: {  	[sflag:s5] =	ssyncset.done $0x0  }
0x707: {  	[sflag:s5] =	ssyncadd.s32 $0xFFFFFE70  }
0x708: {  	[tilespmem:s9], [sflag:$0x1] =	stream.indirect.gather [hbm4b:s2+s12], $0x80, s3, s12, $0xb8;
	[tilespmem:$0xCC00] =	vst v63  }
0x709: {  	_ =	swait.ge [sflag:s11], $0xC800  }
0x70a: {  	s1 =	sld [smem:$0x7EE]  }
0x70b: {  	[sflag:s11] =	ssyncset.done $0x0  }
0x70c: {  	[sflag:s11] =	ssyncadd.s32 $0xFFFF3800  }
0x70d: {  	[hbm4b:s1+s3] =	stream.linear.scatter [tilespmem:s9], [sflag:$0x2], $0xC800, $0x38;
	[tilespmem:$0xCC00] =	vst v63  }
0x70e: {  	_ =	swait.ge [sflag:s5], $0xC800  }
0x70f: {  	[sflag:s5] =	ssyncset.done $0x0  }
0x710: {  	[sflag:s5] =	ssyncadd.s32 $0xFFFF3800  }
0x711: {  	[tilespmem:s9], [sflag:$0x1] =	stream.indirect.gather [hbm4b:s2+s12], $0x80, s10, s12, $0xb8;
	[tilespmem:$0xCC00] =	vst v63  }
0x712: {  	_ =	swait.ge [sflag:s11], $0xC800  }
0x713: {  	s1 =	sld [smem:$0x7EF]  }
0x714: {  	[sflag:s11] =	ssyncset.done $0x0  }
0x715: {  	[sflag:s11] =	ssyncadd.s32 $0xFFFF3800  }
0x716: {  	[hbm4b:s1+s3] =	stream.linear.scatter [tilespmem:s9], [sflag:$0x2], $0xC800, $0x38;
	[tilespmem:$0xCC00] =	vst v63  }
0x717: {  	_ =	swait.ge [sflag:s5], $0xC800  }
0x718: {  	s1 =	sld [smem:$0x7F0]  }
0x719: {  	[sflag:s5] =	ssyncset.done $0x0  }
0x71a: {  	[sflag:s5] =	ssyncadd.s32 $0xFFFF3800  }
0x71b: {  	[tilespmem:s3], [sflag:$0x2] =	stream.linear.gather [hbm4b:s1+s3], $0x190, $0x38;
	[tilespmem:$0xCC00] =	vst v63  }
0x71c: {  	_ =	swait.ge [sflag:s5], $0x190  }
0x71d: {  	s1 =	sld [smem:$0x7F1]  }
0x71e: {  	[sflag:s5] =	ssyncset.done $0x0  }
0x71f: {  	[sflag:s5] =	ssyncadd.s32 $0xFFFFFE70  }
0x720: {  	[tilespmem:s10], [sflag:$0x2] =	stream.linear.gather [hbm4b:s1+s3], $0x190, $0x38;
	[tilespmem:$0xCC00] =	vst v63  }
0x721: {  	_ =	swait.ge [sflag:s5], $0x190  }
0x722: {  	[sflag:s5] =	ssyncset.done $0x0  }
0x723: {  	[sflag:s5] =	ssyncadd.s32 $0xFFFFFE70  }
0x724: {  	[tilespmem:s9], [sflag:$0x1] =	stream.indirect.gather [hbm4b:s2+s12], $0x80, s3, s12, $0xb8;
	[tilespmem:$0xCC00] =	vst v63  }
0x725: {  	_ =	swait.ge [sflag:s11], $0xC800  }
0x726: {  	s1 =	sld [smem:$0x7F2]  }
0x727: {  	[sflag:s11] =	ssyncset.done $0x0  }
0x728: {  	[sflag:s11] =	ssyncadd.s32 $0xFFFF3800  }
0x729: {  	[hbm4b:s1+s3] =	stream.linear.scatter [tilespmem:s9], [sflag:$0x2], $0xC800, $0x38;
	[tilespmem:$0xCC00] =	vst v63  }
0x72a: {  	_ =	swait.ge [sflag:s5], $0xC800  }
0x72b: {  	[sflag:s5] =	ssyncset.done $0x0  }
0x72c: {  	[sflag:s5] =	ssyncadd.s32 $0xFFFF3800  }
0x72d: {  	[tilespmem:s9], [sflag:$0x1] =	stream.indirect.gather [hbm4b:s2+s12], $0x80, s10, s12, $0xb8;
	[tilespmem:$0xCC00] =	vst v63  }
0x72e: {  	_ =	swait.ge [sflag:s11], $0xC800  }
0x72f: {  	s1 =	sld [smem:$0x7F3]  }
0x730: {  	[sflag:s11] =	ssyncset.done $0x0  }
0x731: {  	[sflag:s11] =	ssyncadd.s32 $0xFFFF3800  }
0x732: {  	[hbm4b:s1+s3] =	stream.linear.scatter [tilespmem:s9], [sflag:$0x2], $0xC800, $0x38;
	[tilespmem:$0xCC00] =	vst v63  }
0x733: {  	_ =	swait.ge [sflag:s5], $0xC800  }
0x734: {  	s1 =	sld [smem:$0x7F4]  }
0x735: {  	[sflag:s5] =	ssyncset.done $0x0  }
0x736: {  	[sflag:s5] =	ssyncadd.s32 $0xFFFF3800  }
0x737: {  	[tilespmem:s3], [sflag:$0x2] =	stream.linear.gather [hbm4b:s1+s3], $0x190, $0x38;
	[tilespmem:$0xCC00] =	vst v63  }
0x738: {  	_ =	swait.ge [sflag:s5], $0x190  }
0x739: {  	s1 =	sld [smem:$0x7F5]  }
0x73a: {  	[sflag:s5] =	ssyncset.done $0x0  }
0x73b: {  	[sflag:s5] =	ssyncadd.s32 $0xFFFFFE70  }
0x73c: {  	[tilespmem:s10], [sflag:$0x2] =	stream.linear.gather [hbm4b:s1+s3], $0x190, $0x38;
	[tilespmem:$0xCC00] =	vst v63  }
0x73d: {  	_ =	swait.ge [sflag:s5], $0x190  }
0x73e: {  	[sflag:s5] =	ssyncset.done $0x0  }
0x73f: {  	[sflag:s5] =	ssyncadd.s32 $0xFFFFFE70  }
0x740: {  	[tilespmem:s9], [sflag:$0x1] =	stream.indirect.gather [hbm4b:s2+s12], $0x80, s3, s12, $0xb8;
	[tilespmem:$0xCC00] =	vst v63  }
0x741: {  	_ =	swait.ge [sflag:s11], $0xC800  }
0x742: {  	s1 =	sld [smem:$0x7F6]  }
0x743: {  	[sflag:s11] =	ssyncset.done $0x0  }
0x744: {  	[sflag:s11] =	ssyncadd.s32 $0xFFFF3800  }
0x745: {  	[hbm4b:s1+s3] =	stream.linear.scatter [tilespmem:s9], [sflag:$0x2], $0xC800, $0x38;
	[tilespmem:$0xCC00] =	vst v63  }
0x746: {  	_ =	swait.ge [sflag:s5], $0xC800  }
0x747: {  	[sflag:s5] =	ssyncset.done $0x0  }
0x748: {  	[sflag:s5] =	ssyncadd.s32 $0xFFFF3800  }
0x749: {  	[tilespmem:s9], [sflag:$0x1] =	stream.indirect.gather [hbm4b:s2+s12], $0x80, s10, s12, $0xb8;
	[tilespmem:$0xCC00] =	vst v63  }
0x74a: {  	_ =	swait.ge [sflag:s11], $0xC800  }
0x74b: {  	s1 =	sld [smem:$0x7F7]  }
0x74c: {  	[sflag:s11] =	ssyncset.done $0x0  }
0x74d: {  	[sflag:s11] =	ssyncadd.s32 $0xFFFF3800  }
0x74e: {  	[hbm4b:s1+s3] =	stream.linear.scatter [tilespmem:s9], [sflag:$0x2], $0xC800, $0x38;
	[tilespmem:$0xCC00] =	vst v63  }
0x74f: {  	_ =	swait.ge [sflag:s5], $0xC800  }
0x750: {  	s1 =	sld [smem:$0x7F8]  }
0x751: {  	[sflag:s5] =	ssyncset.done $0x0  }
0x752: {  	[sflag:s5] =	ssyncadd.s32 $0xFFFF3800  }
0x753: {  	[tilespmem:s3], [sflag:$0x2] =	stream.linear.gather [hbm4b:s1+s3], $0x190, $0x38;
	[tilespmem:$0xCC00] =	vst v63  }
0x754: {  	_ =	swait.ge [sflag:s5], $0x190  }
0x755: {  	s1 =	sld [smem:$0x7F9]  }
0x756: {  	[sflag:s5] =	ssyncset.done $0x0  }
0x757: {  	[sflag:s5] =	ssyncadd.s32 $0xFFFFFE70  }
0x758: {  	[tilespmem:s10], [sflag:$0x2] =	stream.linear.gather [hbm4b:s1+s3], $0x190, $0x38;
	[tilespmem:$0xCC00] =	vst v63  }
0x759: {  	_ =	swait.ge [sflag:s5], $0x190  }
0x75a: {  	[sflag:s5] =	ssyncset.done $0x0  }
0x75b: {  	[sflag:s5] =	ssyncadd.s32 $0xFFFFFE70  }
0x75c: {  	[tilespmem:s9], [sflag:$0x1] =	stream.indirect.gather [hbm4b:s2+s12], $0x80, s3, s12, $0xb8;
	[tilespmem:$0xCC00] =	vst v63  }
0x75d: {  	_ =	swait.ge [sflag:s11], $0xC800  }
0x75e: {  	s1 =	sld [smem:$0x7FA]  }
0x75f: {  	[sflag:s11] =	ssyncset.done $0x0  }
0x760: {  	[sflag:s11] =	ssyncadd.s32 $0xFFFF3800  }
0x761: {  	[hbm4b:s1+s3] =	stream.linear.scatter [tilespmem:s9], [sflag:$0x2], $0xC800, $0x38;
	[tilespmem:$0xCC00] =	vst v63  }
0x762: {  	_ =	swait.ge [sflag:s5], $0xC800  }
0x763: {  	[sflag:s5] =	ssyncset.done $0x0  }
0x764: {  	[sflag:s5] =	ssyncadd.s32 $0xFFFF3800  }
0x765: {  	[tilespmem:s9], [sflag:$0x1] =	stream.indirect.gather [hbm4b:s2+s12], $0x80, s10, s12, $0xb8;
	[tilespmem:$0xCC00] =	vst v63  }
0x766: {  	_ =	swait.ge [sflag:s11], $0xC800  }
0x767: {  	s1 =	sld [smem:$0x7FB]  }
0x768: {  	[sflag:s11] =	ssyncset.done $0x0  }
0x769: {  	[sflag:s11] =	ssyncadd.s32 $0xFFFF3800  }
0x76a: {  	[hbm4b:s1+s3] =	stream.linear.scatter [tilespmem:s9], [sflag:$0x2], $0xC800, $0x38;
	[tilespmem:$0xCC00] =	vst v63  }
0x76b: {  	_ =	swait.ge [sflag:s5], $0xC800  }
0x76c: {  	s1 =	sld [smem:$0x7FC]  }
0x76d: {  	[sflag:s5] =	ssyncset.done $0x0  }
0x76e: {  	[sflag:s5] =	ssyncadd.s32 $0xFFFF3800  }
0x76f: {  	[tilespmem:s3], [sflag:$0x2] =	stream.linear.gather [hbm4b:s1+s3], $0x190, $0x38;
	[tilespmem:$0xCC00] =	vst v63  }
0x770: {  	_ =	swait.ge [sflag:s5], $0x190  }
0x771: {  	s1 =	sld [smem:$0x7FD]  }
0x772: {  	[sflag:s5] =	ssyncset.done $0x0  }
0x773: {  	[sflag:s5] =	ssyncadd.s32 $0xFFFFFE70  }
0x774: {  	[tilespmem:s10], [sflag:$0x2] =	stream.linear.gather [hbm4b:s1+s3], $0x190, $0x38;
	[tilespmem:$0xCC00] =	vst v63  }
0x775: {  	_ =	swait.ge [sflag:s5], $0x190  }
0x776: {  	[sflag:s5] =	ssyncset.done $0x0  }
0x777: {  	[sflag:s5] =	ssyncadd.s32 $0xFFFFFE70  }
0x778: {  	[tilespmem:s9], [sflag:$0x1] =	stream.indirect.gather [hbm4b:s2+s12], $0x80, s3, s12, $0xb8;
	[tilespmem:$0xCC00] =	vst v63  }
0x779: {  	_ =	swait.ge [sflag:s11], $0xC800  }
0x77a: {  	[sflag:s11] =	ssyncset.done $0x0  }
0x77b: {  	[sflag:s11] =	ssyncadd.s32 $0xFFFF3800  }
0x77c: {  	[hbm4b:s31+s3] =	stream.linear.scatter [tilespmem:s9], [sflag:$0x2], $0xC800, $0x38;
	[tilespmem:$0xCC00] =	vst v63  }
0x77d: {  	_ =	swait.ge [sflag:s5], $0xC800  }
0x77e: {  	[sflag:s5] =	ssyncset.done $0x0  }
0x77f: {  	[sflag:s5] =	ssyncadd.s32 $0xFFFF3800  }
0x780: {  	[tilespmem:s9], [sflag:$0x1] =	stream.indirect.gather [hbm4b:s2+s12], $0x80, s10, s12, $0xb8;
	[tilespmem:$0xCC00] =	vst v63  }
0x781: {  	_ =	swait.ge [sflag:s11], $0xC800  }
0x782: {  	[sflag:s11] =	ssyncset.done $0x0  }
0x783: {  	[sflag:s11] =	ssyncadd.s32 $0xFFFF3800  }
0x784: {  	[hbm4b:s30+s3] =	stream.linear.scatter [tilespmem:s9], [sflag:$0x2], $0xC800, $0x38;
	[tilespmem:$0xCC00] =	vst v63  }
0x785: {  	_ =	swait.ge [sflag:s5], $0xC800  }
0x786: {  	[sflag:s5] =	ssyncset.done $0x0  }
0x787: {  	[sflag:s5] =	ssyncadd.s32 $0xFFFF3800  }
0x788: {  	[tilespmem:s3], [sflag:$0x2] =	stream.linear.gather [hbm4b:s29+s3], $0x190, $0x38;
	[tilespmem:$0xCC00] =	vst v63  }
0x789: {  	_ =	swait.ge [sflag:s5], $0x190  }
0x78a: {  	[sflag:s5] =	ssyncset.done $0x0  }
0x78b: {  	[sflag:s5] =	ssyncadd.s32 $0xFFFFFE70  }
0x78c: {  	[tilespmem:s10], [sflag:$0x2] =	stream.linear.gather [hbm4b:s28+s3], $0x190, $0x38;
	[tilespmem:$0xCC00] =	vst v63  }
0x78d: {  	_ =	swait.ge [sflag:s5], $0x190  }
0x78e: {  	[sflag:s5] =	ssyncset.done $0x0  }
0x78f: {  	[sflag:s5] =	ssyncadd.s32 $0xFFFFFE70  }
0x790: {  	[tilespmem:s9], [sflag:$0x1] =	stream.indirect.gather [hbm4b:s2+s12], $0x80, s3, s12, $0xb8;
	[tilespmem:$0xCC00] =	vst v63  }
0x791: {  	_ =	swait.ge [sflag:s11], $0xC800  }
0x792: {  	[sflag:s11] =	ssyncset.done $0x0  }
0x793: {  	[sflag:s11] =	ssyncadd.s32 $0xFFFF3800  }
0x794: {  	[hbm4b:s26+s3] =	stream.linear.scatter [tilespmem:s9], [sflag:$0x2], $0xC800, $0x38;
	[tilespmem:$0xCC00] =	vst v63  }
0x795: {  	_ =	swait.ge [sflag:s5], $0xC800  }
0x796: {  	[sflag:s5] =	ssyncset.done $0x0  }
0x797: {  	[sflag:s5] =	ssyncadd.s32 $0xFFFF3800  }
0x798: {  	[tilespmem:s9], [sflag:$0x1] =	stream.indirect.gather [hbm4b:s2+s12], $0x80, s10, s12, $0xb8;
	[tilespmem:$0xCC00] =	vst v63  }
0x799: {  	_ =	swait.ge [sflag:s11], $0xC800  }
0x79a: {  	[sflag:s11] =	ssyncset.done $0x0  }
0x79b: {  	[sflag:s11] =	ssyncadd.s32 $0xFFFF3800  }
0x79c: {  	[hbm4b:s24+s3] =	stream.linear.scatter [tilespmem:s9], [sflag:$0x2], $0xC800, $0x38;
	[tilespmem:$0xCC00] =	vst v63  }
0x79d: {  	_ =	swait.ge [sflag:s5], $0xC800  }
0x79e: {  	[sflag:s5] =	ssyncset.done $0x0  }
0x79f: {  	[sflag:s5] =	ssyncadd.s32 $0xFFFF3800  }
0x7a0: {  	[tilespmem:s3], [sflag:$0x2] =	stream.linear.gather [hbm4b:s23+s3], $0x190, $0x38;
	[tilespmem:$0xCC00] =	vst v63  }
0x7a1: {  	_ =	swait.ge [sflag:s5], $0x190  }
0x7a2: {  	[sflag:s5] =	ssyncset.done $0x0  }
0x7a3: {  	[sflag:s5] =	ssyncadd.s32 $0xFFFFFE70  }
0x7a4: {  	[tilespmem:s10], [sflag:$0x2] =	stream.linear.gather [hbm4b:s22+s3], $0x190, $0x38;
	[tilespmem:$0xCC00] =	vst v63  }
0x7a5: {  	_ =	swait.ge [sflag:s5], $0x190  }
0x7a6: {  	[sflag:s5] =	ssyncset.done $0x0  }
0x7a7: {  	[sflag:s5] =	ssyncadd.s32 $0xFFFFFE70  }
0x7a8: {  	[tilespmem:s9], [sflag:$0x1] =	stream.indirect.gather [hbm4b:s2+s12], $0x80, s3, s12, $0xb8;
	[tilespmem:$0xCC00] =	vst v63  }
0x7a9: {  	_ =	swait.ge [sflag:s11], $0xC800  }
0x7aa: {  	[sflag:s11] =	ssyncset.done $0x0  }
0x7ab: {  	[sflag:s11] =	ssyncadd.s32 $0xFFFF3800  }
0x7ac: {  	[hbm4b:s25+s3] =	stream.linear.scatter [tilespmem:s9], [sflag:$0x2], $0xC800, $0x38;
	[tilespmem:$0xCC00] =	vst v63  }
0x7ad: {  	_ =	swait.ge [sflag:s5], $0xC800  }
0x7ae: {  	[sflag:s5] =	ssyncset.done $0x0  }
0x7af: {  	[sflag:s5] =	ssyncadd.s32 $0xFFFF3800  }
0x7b0: {  	[tilespmem:s9], [sflag:$0x1] =	stream.indirect.gather [hbm4b:s2+s12], $0x80, s10, s12, $0xb8;
	[tilespmem:$0xCC00] =	vst v63  }
0x7b1: {  	_ =	swait.ge [sflag:s11], $0xC800  }
0x7b2: {  	[sflag:s11] =	ssyncset.done $0x0  }
0x7b3: {  	[sflag:s11] =	ssyncadd.s32 $0xFFFF3800  }
0x7b4: {  	[hbm4b:s21+s3] =	stream.linear.scatter [tilespmem:s9], [sflag:$0x2], $0xC800, $0x38;
	[tilespmem:$0xCC00] =	vst v63  }
0x7b5: {  	_ =	swait.ge [sflag:s5], $0xC800  }
0x7b6: {  	[sflag:s5] =	ssyncset.done $0x0  }
0x7b7: {  	[sflag:s5] =	ssyncadd.s32 $0xFFFF3800  }
0x7b8: {  	[tilespmem:s3], [sflag:$0x2] =	stream.linear.gather [hbm4b:s19+s3], $0x190, $0x38;
	[tilespmem:$0xCC00] =	vst v63  }
0x7b9: {  	_ =	swait.ge [sflag:s5], $0x190  }
0x7ba: {  	[sflag:s5] =	ssyncset.done $0x0  }
0x7bb: {  	[sflag:s5] =	ssyncadd.s32 $0xFFFFFE70  }
0x7bc: {  	[tilespmem:s10], [sflag:$0x2] =	stream.linear.gather [hbm4b:s18+s3], $0x190, $0x38;
	[tilespmem:$0xCC00] =	vst v63  }
0x7bd: {  	_ =	swait.ge [sflag:s5], $0x190  }
0x7be: {  	[sflag:s5] =	ssyncset.done $0x0  }
0x7bf: {  	[sflag:s5] =	ssyncadd.s32 $0xFFFFFE70  }
0x7c0: {  	[tilespmem:s9], [sflag:$0x1] =	stream.indirect.gather [hbm4b:s2+s12], $0x80, s3, s12, $0xb8;
	[tilespmem:$0xCC00] =	vst v63  }
0x7c1: {  	_ =	swait.ge [sflag:s11], $0xC800  }
0x7c2: {  	[sflag:s11] =	ssyncset.done $0x0  }
0x7c3: {  	[sflag:s11] =	ssyncadd.s32 $0xFFFF3800  }
0x7c4: {  	[hbm4b:s20+s3] =	stream.linear.scatter [tilespmem:s9], [sflag:$0x2], $0xC800, $0x38;
	[tilespmem:$0xCC00] =	vst v63  }
0x7c5: {  	_ =	swait.ge [sflag:s5], $0xC800  }
0x7c6: {  	[sflag:s5] =	ssyncset.done $0x0  }
0x7c7: {  	[sflag:s5] =	ssyncadd.s32 $0xFFFF3800  }
0x7c8: {  	[tilespmem:s9], [sflag:$0x1] =	stream.indirect.gather [hbm4b:s2+s12], $0x80, s10, s12, $0xb8;
	[tilespmem:$0xCC00] =	vst v63  }
0x7c9: {  	_ =	swait.ge [sflag:s11], $0xC800  }
0x7ca: {  	[sflag:s11] =	ssyncset.done $0x0  }
0x7cb: {  	[sflag:s11] =	ssyncadd.s32 $0xFFFF3800  }
0x7cc: {  	[hbm4b:s17+s3] =	stream.linear.scatter [tilespmem:s9], [sflag:$0x2], $0xC800, $0x38;
	[tilespmem:$0xCC00] =	vst v63  }
0x7cd: {  	_ =	swait.ge [sflag:s5], $0xC800  }
0x7ce: {  	[sflag:s5] =	ssyncset.done $0x0  }
0x7cf: {  	[sflag:s5] =	ssyncadd.s32 $0xFFFF3800  }
0x7d0: {  	[tilespmem:s3], [sflag:$0x2] =	stream.linear.gather [hbm4b:s16+s3], $0x190, $0x38;
	[tilespmem:$0xCC00] =	vst v63  }
0x7d1: {  	_ =	swait.ge [sflag:s5], $0x190  }
0x7d2: {  	[sflag:s5] =	ssyncset.done $0x0  }
0x7d3: {  	[sflag:s5] =	ssyncadd.s32 $0xFFFFFE70  }
0x7d4: {  	[tilespmem:s10], [sflag:$0x2] =	stream.linear.gather [hbm4b:s14+s3], $0x190, $0x38;
	[tilespmem:$0xCC00] =	vst v63  }
0x7d5: {  	_ =	swait.ge [sflag:s5], $0x190  }
0x7d6: {  	[sflag:s5] =	ssyncset.done $0x0  }
0x7d7: {  	[sflag:s5] =	ssyncadd.s32 $0xFFFFFE70  }
0x7d8: {  	[tilespmem:s9], [sflag:$0x1] =	stream.indirect.gather [hbm4b:s2+s12], $0x80, s3, s12, $0xb8;
	[tilespmem:$0xCC00] =	vst v63  }
0x7d9: {  	_ =	swait.ge [sflag:s11], $0xC800  }
0x7da: {  	[sflag:s11] =	ssyncset.done $0x0  }
0x7db: {  	[sflag:s11] =	ssyncadd.s32 $0xFFFF3800  }
0x7dc: {  	[hbm4b:s15+s3] =	stream.linear.scatter [tilespmem:s9], [sflag:$0x2], $0xC800, $0x38;
	[tilespmem:$0xCC00] =	vst v63  }
0x7dd: {  	_ =	swait.ge [sflag:s5], $0xC800  }
0x7de: {  	[sflag:s5] =	ssyncset.done $0x0  }
0x7df: {  	[sflag:s5] =	ssyncadd.s32 $0xFFFF3800  }
0x7e0: {  	[tilespmem:s9], [sflag:$0x1] =	stream.indirect.gather [hbm4b:s2+s12], $0x80, s10, s12, $0xb8;
	[tilespmem:$0xCC00] =	vst v63  }
0x7e1: {  	_ =	swait.ge [sflag:s11], $0xC800  }
0x7e2: {  	[sflag:s11] =	ssyncset.done $0x0  }
0x7e3: {  	[sflag:s11] =	ssyncadd.s32 $0xFFFF3800  }
0x7e4: {  	[hbm4b:s13+s3] =	stream.linear.scatter [tilespmem:s9], [sflag:$0x2], $0xC800, $0x38;
	[tilespmem:$0xCC00] =	vst v63  }
0x7e5: {  	_ =	swait.ge [sflag:s5], $0xC800  }
0x7e6: {  	[sflag:s5] =	ssyncset.done $0x0  }
0x7e7: {  	[sflag:s5] =	ssyncadd.s32 $0xFFFF3800  }
0x7e8: {  	[tilespmem:s3], [sflag:$0x2] =	stream.linear.gather [hbm4b:s8+s3], $0x190, $0x38;
	[tilespmem:$0xCC00] =	vst v63  }
0x7e9: {  	_ =	swait.ge [sflag:s5], $0x190  }
0x7ea: {  	[sflag:s5] =	ssyncset.done $0x0  }
0x7eb: {  	[sflag:s5] =	ssyncadd.s32 $0xFFFFFE70  }
0x7ec: {  	[tilespmem:s10], [sflag:$0x2] =	stream.linear.gather [hbm4b:s6+s3], $0x190, $0x38;
	[tilespmem:$0xCC00] =	vst v63  }
0x7ed: {  	_ =	swait.ge [sflag:s5], $0x190  }
0x7ee: {  	[sflag:s5] =	ssyncset.done $0x0  }
0x7ef: {  	[sflag:s5] =	ssyncadd.s32 $0xFFFFFE70  }
0x7f0: {  	[tilespmem:s9], [sflag:$0x1] =	stream.indirect.gather [hbm4b:s2+s12], $0x80, s3, s12, $0xb8;
	[tilespmem:$0xCC00] =	vst v63  }
0x7f1: {  	_ =	swait.ge [sflag:s11], $0xC800  }
0x7f2: {  	[sflag:s11] =	ssyncset.done $0x0  }
0x7f3: {  	[sflag:s11] =	ssyncadd.s32 $0xFFFF3800  }
0x7f4: {  	[hbm4b:s7+s3] =	stream.linear.scatter [tilespmem:s9], [sflag:$0x2], $0xC800, $0x38;
	[tilespmem:$0xCC00] =	vst v63  }
0x7f5: {  	_ =	swait.ge [sflag:s5], $0xC800  }
0x7f6: {  	[sflag:s5] =	ssyncset.done $0x0  }
0x7f7: {  	[sflag:s5] =	ssyncadd.s32 $0xFFFF3800  }
0x7f8: {  	[tilespmem:s9], [sflag:$0x1] =	stream.indirect.gather [hbm4b:s2+s12], $0x80, s10, s12, $0xb8;
	[tilespmem:$0xCC00] =	vst v63  }
0x7f9: {  	_ =	swait.ge [sflag:s11], $0xC800  }
0x7fa: {  	[sflag:s11] =	ssyncset.done $0x0  }
0x7fb: {  	[sflag:s11] =	ssyncadd.s32 $0xFFFF3800  }
0x7fc: {  	[hbm4b:s4+s3] =	stream.linear.scatter [tilespmem:s9], [sflag:$0x2], $0xC800, $0x38;
	[tilespmem:$0xCC00] =	vst v63  }
0x7fd: {  	_ =	swait.ge [sflag:s5], $0xC800  }
0x7fe: {  	[sflag:s5] =	ssyncset.done $0x0  }
0x7ff: {  	[sflag:s5] =	ssyncadd.s32 $0xFFFF3800  }
0x800: {  	_ =	sfence.sel $0x180000  }
0x801: {  	[bflag:$0x0] =	sbarrier.arrive $0xFFFF  }
0x802: {  	_ =	strace $0x90000047  }
0x803: {  	s31 =	stileid.u32;
	[bflag:$0x2] =	sbarrier.arrive $0xFFFF  }
0x804: {  	p0 =	sne.s32 s31, $0x0;
	s0 =	rddreg [dreg:$0x2]  }
0x805: {  	s0 =	sadd.s32 @!p0 $0x100000, s0  }
0x806: {  	[sflag:s0] =	ssyncadd.tile.s32 @!p0 $0x1;
	_ =	shalt  }
.Lfunc_end2:
_tile_overlayer_lowered:
.L_overlay_start_2:
0x807: {  	(tag) =	ssettag $0x2  }
0x808: {  	s0 =	rddreg [dreg:$0x0];
	s2 =	stileid.u32  }
0x809: {  	s1 =	rddreg [dreg:$0x1];
	p0 =	sne.s32 s2, $0x0  }
0x80a: {  	s3 =	rddreg [dreg:$0x2];
	[bflag:$0x3] =	sbarrier.arrive $0xFFFF;
	s2 =	simm.s32 @!p0 $0x1C02  }
0x80b: {  	[timem:s3], [sflag:s2] =	dma.local @!p0 [hbm:s0], s1  }
0x80c: {  	s0 =	simm.s32 @!p0 $0x2  }
0x80d: {  	_ =	swait.ge @!p0 [sflag:s0], s1  }
0x80e: {  	s1 =	ssub.s32 @!p0 $0x0, s1;
	[sflag:s0] =	ssyncset.done @!p0 $0x0  }
0x80f: {  	[sflag:s0] =	ssyncadd.s32 @!p0 s1  }
0x810: {  	[bflag:$0x3] =	sbarrier.arrive $0xFFFF  }
0x811: {  	_ =	shalt  }

</sc_bundles>
